<compile_context>
chip_gen: v7x
topology: tpu7x:2x2x1
jax: 0.10.2.dev20260603
libtpu: 0.0.44.dev20260713+nightly
codegen_flags: <defaults>
</compile_context>

<pallas_src>
import functools

import jax
import jax.numpy as jnp
from jax import lax
from jax.experimental import pallas as pl
from jax.experimental.pallas import tpu as pltpu
from jax.experimental.pallas import tpu_sc as plsc

_D = 64
_NROWS = 4096 * 200
_NW = 32
_ROWS_PER_W = _NROWS // _NW
_CHUNK = 400
_NCHUNK = _ROWS_PER_W // _CHUNK
_GROUPS = _CHUNK // 16

_mesh = plsc.VectorSubcoreMesh(core_axis_name="c", subcore_axis_name="s")


@functools.partial(
    pl.kernel,
    out_type=jax.ShapeDtypeStruct((_NROWS * _D,), jnp.float32),
    mesh=_mesh,
    scratch_types=[
        pltpu.VMEM((1000 * _D,), jnp.float32),
        pltpu.VMEM((51, _D), jnp.float32),
        pltpu.VMEM((20, _D), jnp.float32),
        pltpu.VMEM((2, _CHUNK), jnp.float32),
        pltpu.VMEM((2, _CHUNK * _D), jnp.float32),
        pltpu.SemaphoreType.DMA,
        pltpu.SemaphoreType.DMA,
    ],
    compiler_params=pltpu.CompilerParams(
        use_tc_tiling_on_sc=False, needs_layout_passes=False),
)
def _embed_sc(x_hbm, emb1_hbm, emb2_hbm, out_hbm, tab_v, e1_v, e2_v, x_v,
              rows_v, sem0, sem1):
    wid = lax.axis_index("s") * 2 + lax.axis_index("c")
    w_base = wid * _ROWS_PER_W
    sems = (sem0, sem1)

    pltpu.sync_copy(emb1_hbm, e1_v)
    pltpu.sync_copy(emb2_hbm, e2_v)

    def build_row(i, _):
        e1 = [e1_v[i, pl.ds(16 * k, 16)] for k in range(4)]
        base = i * (20 * _D)
        for j in range(20):
            for k in range(4):
                tab_v[pl.ds(base + j * _D + 16 * k, 16)] = (
                    e1[k] + e2_v[j, pl.ds(16 * k, 16)])
        return 0

    lax.fori_loop(0, 50, build_row, 0)

    lane = lax.iota(jnp.int32, 16)

    def do_chunk(g, slot):
        base = w_base + g * _CHUNK
        pltpu.sync_copy(x_hbm.at[pl.ds(base, _CHUNK)], x_v.at[slot])

        def group(t, _):
            xv = x_v[slot, pl.ds(t * 16, 16)]
            v = xv * 1000.0
            tr = v.astype(jnp.int32)
            frac = v - tr.astype(jnp.float32)
            up = (frac > 0.5) | ((frac == 0.5) & ((tr & 1) == 1))
            idx = jnp.minimum(tr + jnp.where(up, 1, 0), 999)
            addr_in = idx << 6
            row_addr = ((t * 16 + lane) << 6)
            vals0 = plsc.load_gather(tab_v, [addr_in])
            plsc.store_scatter(rows_v.at[slot], [row_addr], vals0)
            for j in range(1, _D):
                vals = plsc.load_gather(tab_v, [addr_in + j])
                plsc.store_scatter(rows_v.at[slot], [row_addr + j], vals)
            return 0

        lax.fori_loop(0, _GROUPS, group, 0)
        pltpu.make_async_copy(
            rows_v.at[slot], out_hbm.at[pl.ds(base * _D, _CHUNK * _D)],
            sems[slot],
        ).start()

    def outer(go, _):
        for b in range(2):
            g = go * 2 + b

            @pl.when(go > 0)
            def _wait_prev():
                pltpu.make_async_copy(
                    rows_v.at[b],
                    out_hbm.at[
                        pl.ds((w_base + (g - 2) * _CHUNK) * _D, _CHUNK * _D)],
                    sems[b],
                ).wait()

            do_chunk(g, b)
        return 0

    lax.fori_loop(0, _NCHUNK // 2, outer, 0)
    for b in range(2):
        pltpu.make_async_copy(
            rows_v.at[b],
            out_hbm.at[
                pl.ds((w_base + (_NCHUNK - 2 + b) * _CHUNK) * _D, _CHUNK * _D)],
            sems[b],
        ).wait()


def kernel(x, emb1, emb2):
    out = _embed_sc(x.reshape(-1), emb1, emb2)
    return out.reshape(4096, 200, _D)

# --- scband reference (transcript-rebuilt; emitter-appended) ---
"""Pipeline reference for scband-discretized-progress-embed-38646115729797 (READ-ONLY COPY).

The authoritative reference and input builder live on the scoring server;
editing this copy changes nothing except your own understanding.
"""

import jax, jax.numpy as jnp
import numpy as np

EMBDIM = 64
EMBEDS = 50
STEPS = 1000

def setup_inputs(seed: int = 0) -> dict:
    key = jax.random.key(seed)
    k_x, k_e1, k_e2 = jax.random.split(key, 3)
    x = jax.random.uniform(k_x, (4096, 200), dtype=jnp.float32)
    emb1 = jax.random.normal(k_e1, (EMBEDS + 1, EMBDIM), dtype=jnp.float32)
    emb2 = jax.random.normal(k_e2, (STEPS // EMBEDS, EMBDIM), dtype=jnp.float32)
    return {"x": x, "emb1": emb1, "emb2": emb2}

def reference(x, emb1, emb2):
    steps = STEPS
    embeds = EMBEDS
    xstep = jnp.minimum(jnp.round(x * steps).astype(jnp.int32), steps - 1)
    x1 = xstep // (steps // embeds)
    x2 = xstep % (steps // embeds)
    e1 = jnp.take(emb1, x1, axis=0)
    e2 = jnp.take(emb2, x2, axis=0)
    return e1 + e2

if __name__ == "__main__":
    import jax
    _d = setup_inputs()
    print(jax.jit(kernel)(*tuple(_d.values())))

</pallas_src>

<mosaic_0001>
#map = affine_map<(d0, d1) -> (0)>
#map1 = affine_map<(d0, d1) -> (0, 0)>
module attributes {stable_mosaic.version = 14 : i64} {
  func.func @_embed_sc(%arg0: i32, %arg1: i32, %arg2: memref<819200xf32, #tpu.memory_space<hbm>>, %arg3: memref<51x64xf32, #tpu.memory_space<hbm>>, %arg4: memref<20x64xf32, #tpu.memory_space<hbm>>, %arg5: memref<52428800xf32, #tpu.memory_space<hbm>>, %arg6: memref<64000xf32, #tpu.memory_space<vmem>>, %arg7: memref<51x64xf32, #tpu.memory_space<vmem>>, %arg8: memref<20x64xf32, #tpu.memory_space<vmem>>, %arg9: memref<2x400xf32, #tpu.memory_space<vmem>>, %arg10: memref<2x25600xf32, #tpu.memory_space<vmem>>, %arg11: memref<!tpu.dma_semaphore, #tpu.memory_space<semaphore_mem>>, %arg12: memref<!tpu.dma_semaphore, #tpu.memory_space<semaphore_mem>>) attributes {dimension_semantics = [#tpu.dimension_semantics<core_parallel>, #tpu.dimension_semantics<subcore_parallel>], iteration_bounds = array<i64: 2, 16>, scalar_prefetch = 0 : i64, scratch_operands = 7 : i64, tpu.core_type = #tpu.core_type<sc_vector_subcore>, window_params = [{transform_indices = #map}, {transform_indices = #map1}, {transform_indices = #map1}, {transform_indices = #map}]} {
    %mul3A = arith.constant 2 : i32
    %mul3A_0 = arith.muli %arg1, %mul3A : i32
    %add3A = arith.addi %mul3A_0, %arg0 : i32
    %mul3A_1 = arith.constant 25600 : i32
    %mul3A_2 = arith.muli %add3A, %mul3A_1 : i32
    "tpu.region"() ({
      %run_scoped3A = tpu.sem_alloc : memref<!tpu.dma_semaphore, #tpu.memory_space<semaphore_mem>>
      tpu.enqueue_dma source(%arg3 : memref<51x64xf32, #tpu.memory_space<hbm>>) target(%arg7 : memref<51x64xf32, #tpu.memory_space<vmem>>) target_semaphore(%run_scoped3A : memref<!tpu.dma_semaphore, #tpu.memory_space<semaphore_mem>>)
      tpu.wait_dma2 semaphore(%run_scoped3A : memref<!tpu.dma_semaphore, #tpu.memory_space<semaphore_mem>>) src(%arg3 : memref<51x64xf32, #tpu.memory_space<hbm>>) dst(%arg7 : memref<51x64xf32, #tpu.memory_space<vmem>>)
      tpu.yield
    }) : () -> ()
    "tpu.region"() ({
      %run_scoped3A = tpu.sem_alloc : memref<!tpu.dma_semaphore, #tpu.memory_space<semaphore_mem>>
      tpu.enqueue_dma source(%arg4 : memref<20x64xf32, #tpu.memory_space<hbm>>) target(%arg8 : memref<20x64xf32, #tpu.memory_space<vmem>>) target_semaphore(%run_scoped3A : memref<!tpu.dma_semaphore, #tpu.memory_space<semaphore_mem>>)
      tpu.wait_dma2 semaphore(%run_scoped3A : memref<!tpu.dma_semaphore, #tpu.memory_space<semaphore_mem>>) src(%arg4 : memref<20x64xf32, #tpu.memory_space<hbm>>) dst(%arg8 : memref<20x64xf32, #tpu.memory_space<vmem>>)
      tpu.yield
    }) : () -> ()
    %scan3A = arith.constant 0 : i32
    %scan3A_3 = arith.constant 0 : i32
    %scan3A_4 = arith.constant 50 : i32
    %scan3A_5 = arith.addi %scan3A_3, %scan3A_4 : i32
    %scan3A_6 = arith.constant 1 : i32
    %scan3A_7 = scf.for %scan3A_41 = %scan3A_3 to %scan3A_5 step %scan3A_6 iter_args(%scan3A_42 = %scan3A) -> (i32)  : i32 {
      %get3A = arith.index_cast %scan3A_41 : i32 to index
      %get3A_43 = arith.constant 0 : index
      %get3A_44 = tpu.vector_load %arg7[%get3A, %get3A_43] {strides = array<i32>} : memref<51x64xf32, #tpu.memory_space<vmem>>, vector<16xf32>,
      %get3A_45 = arith.index_cast %scan3A_41 : i32 to index
      %get3A_46 = arith.constant 16 : index
      %get3A_47 = tpu.vector_load %arg7[%get3A_45, %get3A_46] {strides = array<i32>} : memref<51x64xf32, #tpu.memory_space<vmem>>, vector<16xf32>,
      %get3A_48 = arith.index_cast %scan3A_41 : i32 to index
      %get3A_49 = arith.constant 32 : index
      %get3A_50 = tpu.vector_load %arg7[%get3A_48, %get3A_49] {strides = array<i32>} : memref<51x64xf32, #tpu.memory_space<vmem>>, vector<16xf32>,
      %get3A_51 = arith.index_cast %scan3A_41 : i32 to index
      %get3A_52 = arith.constant 48 : index
      %get3A_53 = tpu.vector_load %arg7[%get3A_51, %get3A_52] {strides = array<i32>} : memref<51x64xf32, #tpu.memory_space<vmem>>, vector<16xf32>,
      %mul3A_54 = arith.constant 1280 : i32
      %mul3A_55 = arith.muli %scan3A_41, %mul3A_54 : i32
      %get3A_56 = arith.constant 0 : i32
      %get3A_57 = arith.index_cast %get3A_56 : i32 to index
      %get3A_58 = arith.constant 0 : index
      %get3A_59 = tpu.vector_load %arg8[%get3A_57, %get3A_58] {strides = array<i32>} : memref<20x64xf32, #tpu.memory_space<vmem>>, vector<16xf32>,
      %add3A_60 = arith.addf %get3A_44, %get3A_59 : vector<16xf32>
      %add3A_61 = arith.constant 0 : i32
      %add3A_62 = arith.addi %mul3A_55, %add3A_61 : i32
      %add3A_63 = arith.constant 0 : i32
      %add3A_64 = arith.addi %add3A_62, %add3A_63 : i32
      %swap3A = arith.index_cast %add3A_64 : i32 to index
      %swap3A_65 = tpu.vector_load %arg6[%swap3A] {strides = array<i32>} : memref<64000xf32, #tpu.memory_space<vmem>>, vector<16xf32>,
      tpu.vector_store %arg6[%swap3A], %add3A_60 {strides = array<i32>} : memref<64000xf32, #tpu.memory_space<vmem>>, vector<16xf32>,
      %get3A_66 = arith.constant 0 : i32
      %get3A_67 = arith.index_cast %get3A_66 : i32 to index
      %get3A_68 = arith.constant 16 : index
      %get3A_69 = tpu.vector_load %arg8[%get3A_67, %get3A_68] {strides = array<i32>} : memref<20x64xf32, #tpu.memory_space<vmem>>, vector<16xf32>,
      %add3A_70 = arith.addf %get3A_47, %get3A_69 : vector<16xf32>
      %add3A_71 = arith.constant 0 : i32
      %add3A_72 = arith.addi %mul3A_55, %add3A_71 : i32
      %add3A_73 = arith.constant 16 : i32
      %add3A_74 = arith.addi %add3A_72, %add3A_73 : i32
      %swap3A_75 = arith.index_cast %add3A_74 : i32 to index
      %swap3A_76 = tpu.vector_load %arg6[%swap3A_75] {strides = array<i32>} : memref<64000xf32, #tpu.memory_space<vmem>>, vector<16xf32>,
      tpu.vector_store %arg6[%swap3A_75], %add3A_70 {strides = array<i32>} : memref<64000xf32, #tpu.memory_space<vmem>>, vector<16xf32>,
      %get3A_77 = arith.constant 0 : i32
      %get3A_78 = arith.index_cast %get3A_77 : i32 to index
      %get3A_79 = arith.constant 32 : index
      %get3A_80 = tpu.vector_load %arg8[%get3A_78, %get3A_79] {strides = array<i32>} : memref<20x64xf32, #tpu.memory_space<vmem>>, vector<16xf32>,
      %add3A_81 = arith.addf %get3A_50, %get3A_80 : vector<16xf32>
      %add3A_82 = arith.constant 0 : i32
      %add3A_83 = arith.addi %mul3A_55, %add3A_82 : i32
      %add3A_84 = arith.constant 32 : i32
      %add3A_85 = arith.addi %add3A_83, %add3A_84 : i32
      %swap3A_86 = arith.index_cast %add3A_85 : i32 to index
      %swap3A_87 = tpu.vector_load %arg6[%swap3A_86] {strides = array<i32>} : memref<64000xf32, #tpu.memory_space<vmem>>, vector<16xf32>,
      tpu.vector_store %arg6[%swap3A_86], %add3A_81 {strides = array<i32>} : memref<64000xf32, #tpu.memory_space<vmem>>, vector<16xf32>,
      %get3A_88 = arith.constant 0 : i32
      %get3A_89 = arith.index_cast %get3A_88 : i32 to index
      %get3A_90 = arith.constant 48 : index
      %get3A_91 = tpu.vector_load %arg8[%get3A_89, %get3A_90] {strides = array<i32>} : memref<20x64xf32, #tpu.memory_space<vmem>>, vector<16xf32>,
      %add3A_92 = arith.addf %get3A_53, %get3A_91 : vector<16xf32>
      %add3A_93 = arith.constant 0 : i32
      %add3A_94 = arith.addi %mul3A_55, %add3A_93 : i32
      %add3A_95 = arith.constant 48 : i32
      %add3A_96 = arith.addi %add3A_94, %add3A_95 : i32
      %swap3A_97 = arith.index_cast %add3A_96 : i32 to index
      %swap3A_98 = tpu.vector_load %arg6[%swap3A_97] {strides = array<i32>} : memref<64000xf32, #tpu.memory_space<vmem>>, vector<16xf32>,
      tpu.vector_store %arg6[%swap3A_97], %add3A_92 {strides = array<i32>} : memref<64000xf32, #tpu.memory_space<vmem>>, vector<16xf32>,
      %get3A_99 = arith.constant 1 : i32
      %get3A_100 = arith.index_cast %get3A_99 : i32 to index
      %get3A_101 = arith.constant 0 : index
      %get3A_102 = tpu.vector_load %arg8[%get3A_100, %get3A_101] {strides = array<i32>} : memref<20x64xf32, #tpu.memory_space<vmem>>, vector<16xf32>,
      %add3A_103 = arith.addf %get3A_44, %get3A_102 : vector<16xf32>
      %add3A_104 = arith.constant 64 : i32
      %add3A_105 = arith.addi %mul3A_55, %add3A_104 : i32
      %add3A_106 = arith.constant 0 : i32
      %add3A_107 = arith.addi %add3A_105, %add3A_106 : i32
      %swap3A_108 = arith.index_cast %add3A_107 : i32 to index
      %swap3A_109 = tpu.vector_load %arg6[%swap3A_108] {strides = array<i32>} : memref<64000xf32, #tpu.memory_space<vmem>>, vector<16xf32>,
      tpu.vector_store %arg6[%swap3A_108], %add3A_103 {strides = array<i32>} : memref<64000xf32, #tpu.memory_space<vmem>>, vector<16xf32>,
      %get3A_110 = arith.constant 1 : i32
      %get3A_111 = arith.index_cast %get3A_110 : i32 to index
      %get3A_112 = arith.constant 16 : index
      %get3A_113 = tpu.vector_load %arg8[%get3A_111, %get3A_112] {strides = array<i32>} : memref<20x64xf32, #tpu.memory_space<vmem>>, vector<16xf32>,
      %add3A_114 = arith.addf %get3A_47, %get3A_113 : vector<16xf32>
      %add3A_115 = arith.constant 64 : i32
      %add3A_116 = arith.addi %mul3A_55, %add3A_115 : i32
      %add3A_117 = arith.constant 16 : i32
      %add3A_118 = arith.addi %add3A_116, %add3A_117 : i32
      %swap3A_119 = arith.index_cast %add3A_118 : i32 to index
      %swap3A_120 = tpu.vector_load %arg6[%swap3A_119] {strides = array<i32>} : memref<64000xf32, #tpu.memory_space<vmem>>, vector<16xf32>,
      tpu.vector_store %arg6[%swap3A_119], %add3A_114 {strides = array<i32>} : memref<64000xf32, #tpu.memory_space<vmem>>, vector<16xf32>,
      %get3A_121 = arith.constant 1 : i32
      %get3A_122 = arith.index_cast %get3A_121 : i32 to index
      %get3A_123 = arith.constant 32 : index
      %get3A_124 = tpu.vector_load %arg8[%get3A_122, %get3A_123] {strides = array<i32>} : memref<20x64xf32, #tpu.memory_space<vmem>>, vector<16xf32>,
      %add3A_125 = arith.addf %get3A_50, %get3A_124 : vector<16xf32>
      %add3A_126 = arith.constant 64 : i32
      %add3A_127 = arith.addi %mul3A_55, %add3A_126 : i32
      %add3A_128 = arith.constant 32 : i32
      %add3A_129 = arith.addi %add3A_127, %add3A_128 : i32
      %swap3A_130 = arith.index_cast %add3A_129 : i32 to index
      %swap3A_131 = tpu.vector_load %arg6[%swap3A_130] {strides = array<i32>} : memref<64000xf32, #tpu.memory_space<vmem>>, vector<16xf32>,
      tpu.vector_store %arg6[%swap3A_130], %add3A_125 {strides = array<i32>} : memref<64000xf32, #tpu.memory_space<vmem>>, vector<16xf32>,
      %get3A_132 = arith.constant 1 : i32
      %get3A_133 = arith.index_cast %get3A_132 : i32 to index
      %get3A_134 = arith.constant 48 : index
      %get3A_135 = tpu.vector_load %arg8[%get3A_133, %get3A_134] {strides = array<i32>} : memref<20x64xf32, #tpu.memory_space<vmem>>, vector<16xf32>,
      %add3A_136 = arith.addf %get3A_53, %get3A_135 : vector<16xf32>
      %add3A_137 = arith.constant 64 : i32
      %add3A_138 = arith.addi %mul3A_55, %add3A_137 : i32
      %add3A_139 = arith.constant 48 : i32
      %add3A_140 = arith.addi %add3A_138, %add3A_139 : i32
      %swap3A_141 = arith.index_cast %add3A_140 : i32 to index
      %swap3A_142 = tpu.vector_load %arg6[%swap3A_141] {strides = array<i32>} : memref<64000xf32, #tpu.memory_space<vmem>>, vector<16xf32>,
      tpu.vector_store %arg6[%swap3A_141], %add3A_136 {strides = array<i32>} : memref<64000xf32, #tpu.memory_space<vmem>>, vector<16xf32>,
      %get3A_143 = arith.constant 2 : i32
      %get3A_144 = arith.index_cast %get3A_143 : i32 to index
      %get3A_145 = arith.constant 0 : index
      %get3A_146 = tpu.vector_load %arg8[%get3A_144, %get3A_145] {strides = array<i32>} : memref<20x64xf32, #tpu.memory_space<vmem>>, vector<16xf32>,
      %add3A_147 = arith.addf %get3A_44, %get3A_146 : vector<16xf32>
      %add3A_148 = arith.constant 128 : i32
      %add3A_149 = arith.addi %mul3A_55, %add3A_148 : i32
      %add3A_150 = arith.constant 0 : i32
      %add3A_151 = arith.addi %add3A_149, %add3A_150 : i32
      %swap3A_152 = arith.index_cast %add3A_151 : i32 to index
      %swap3A_153 = tpu.vector_load %arg6[%swap3A_152] {strides = array<i32>} : memref<64000xf32, #tpu.memory_space<vmem>>, vector<16xf32>,
      tpu.vector_store %arg6[%swap3A_152], %add3A_147 {strides = array<i32>} : memref<64000xf32, #tpu.memory_space<vmem>>, vector<16xf32>,
      %get3A_154 = arith.constant 2 : i32
      %get3A_155 = arith.index_cast %get3A_154 : i32 to index
      %get3A_156 = arith.constant 16 : index
      %get3A_157 = tpu.vector_load %arg8[%get3A_155, %get3A_156] {strides = array<i32>} : memref<20x64xf32, #tpu.memory_space<vmem>>, vector<16xf32>,
      %add3A_158 = arith.addf %get3A_47, %get3A_157 : vector<16xf32>
      %add3A_159 = arith.constant 128 : i32
      %add3A_160 = arith.addi %mul3A_55, %add3A_159 : i32
      %add3A_161 = arith.constant 16 : i32
      %add3A_162 = arith.addi %add3A_160, %add3A_161 : i32
      %swap3A_163 = arith.index_cast %add3A_162 : i32 to index
      %swap3A_164 = tpu.vector_load %arg6[%swap3A_163] {strides = array<i32>} : memref<64000xf32, #tpu.memory_space<vmem>>, vector<16xf32>,
      tpu.vector_store %arg6[%swap3A_163], %add3A_158 {strides = array<i32>} : memref<64000xf32, #tpu.memory_space<vmem>>, vector<16xf32>,
      %get3A_165 = arith.constant 2 : i32
      %get3A_166 = arith.index_cast %get3A_165 : i32 to index
      %get3A_167 = arith.constant 32 : index
      %get3A_168 = tpu.vector_load %arg8[%get3A_166, %get3A_167] {strides = array<i32>} : memref<20x64xf32, #tpu.memory_space<vmem>>, vector<16xf32>,
      %add3A_169 = arith.addf %get3A_50, %get3A_168 : vector<16xf32>
      %add3A_170 = arith.constant 128 : i32
      %add3A_171 = arith.addi %mul3A_55, %add3A_170 : i32
      %add3A_172 = arith.constant 32 : i32
      %add3A_173 = arith.addi %add3A_171, %add3A_172 : i32
      %swap3A_174 = arith.index_cast %add3A_173 : i32 to index
      %swap3A_175 = tpu.vector_load %arg6[%swap3A_174] {strides = array<i32>} : memref<64000xf32, #tpu.memory_space<vmem>>, vector<16xf32>,
      tpu.vector_store %arg6[%swap3A_174], %add3A_169 {strides = array<i32>} : memref<64000xf32, #tpu.memory_space<vmem>>, vector<16xf32>,
      %get3A_176 = arith.constant 2 : i32
      %get3A_177 = arith.index_cast %get3A_176 : i32 to index
      %get3A_178 = arith.constant 48 : index
      %get3A_179 = tpu.vector_load %arg8[%get3A_177, %get3A_178] {strides = array<i32>} : memref<20x64xf32, #tpu.memory_space<vmem>>, vector<16xf32>,
      %add3A_180 = arith.addf %get3A_53, %get3A_179 : vector<16xf32>
      %add3A_181 = arith.constant 128 : i32
      %add3A_182 = arith.addi %mul3A_55, %add3A_181 : i32
      %add3A_183 = arith.constant 48 : i32
      %add3A_184 = arith.addi %add3A_182, %add3A_183 : i32
      %swap3A_185 = arith.index_cast %add3A_184 : i32 to index
      %swap3A_186 = tpu.vector_load %arg6[%swap3A_185] {strides = array<i32>} : memref<64000xf32, #tpu.memory_space<vmem>>, vector<16xf32>,
      tpu.vector_store %arg6[%swap3A_185], %add3A_180 {strides = array<i32>} : memref<64000xf32, #tpu.memory_space<vmem>>, vector<16xf32>,
      %get3A_187 = arith.constant 3 : i32
      %get3A_188 = arith.index_cast %get3A_187 : i32 to index
      %get3A_189 = arith.constant 0 : index
      %get3A_190 = tpu.vector_load %arg8[%get3A_188, %get3A_189] {strides = array<i32>} : memref<20x64xf32, #tpu.memory_space<vmem>>, vector<16xf32>,
      %add3A_191 = arith.addf %get3A_44, %get3A_190 : vector<16xf32>
      %add3A_192 = arith.constant 192 : i32
      %add3A_193 = arith.addi %mul3A_55, %add3A_192 : i32
      %add3A_194 = arith.constant 0 : i32
      %add3A_195 = arith.addi %add3A_193, %add3A_194 : i32
      %swap3A_196 = arith.index_cast %add3A_195 : i32 to index
      %swap3A_197 = tpu.vector_load %arg6[%swap3A_196] {strides = array<i32>} : memref<64000xf32, #tpu.memory_space<vmem>>, vector<16xf32>,
      tpu.vector_store %arg6[%swap3A_196], %add3A_191 {strides = array<i32>} : memref<64000xf32, #tpu.memory_space<vmem>>, vector<16xf32>,
      %get3A_198 = arith.constant 3 : i32
      %get3A_199 = arith.index_cast %get3A_198 : i32 to index
      %get3A_200 = arith.constant 16 : index
      %get3A_201 = tpu.vector_load %arg8[%get3A_199, %get3A_200] {strides = array<i32>} : memref<20x64xf32, #tpu.memory_space<vmem>>, vector<16xf32>,
      %add3A_202 = arith.addf %get3A_47, %get3A_201 : vector<16xf32>
      %add3A_203 = arith.constant 192 : i32
      %add3A_204 = arith.addi %mul3A_55, %add3A_203 : i32
      %add3A_205 = arith.constant 16 : i32
      %add3A_206 = arith.addi %add3A_204, %add3A_205 : i32
      %swap3A_207 = arith.index_cast %add3A_206 : i32 to index
      %swap3A_208 = tpu.vector_load %arg6[%swap3A_207] {strides = array<i32>} : memref<64000xf32, #tpu.memory_space<vmem>>, vector<16xf32>,
      tpu.vector_store %arg6[%swap3A_207], %add3A_202 {strides = array<i32>} : memref<64000xf32, #tpu.memory_space<vmem>>, vector<16xf32>,
      %get3A_209 = arith.constant 3 : i32
      %get3A_210 = arith.index_cast %get3A_209 : i32 to index
      %get3A_211 = arith.constant 32 : index
      %get3A_212 = tpu.vector_load %arg8[%get3A_210, %get3A_211] {strides = array<i32>} : memref<20x64xf32, #tpu.memory_space<vmem>>, vector<16xf32>,
      %add3A_213 = arith.addf %get3A_50, %get3A_212 : vector<16xf32>
      %add3A_214 = arith.constant 192 : i32
      %add3A_215 = arith.addi %mul3A_55, %add3A_214 : i32
      %add3A_216 = arith.constant 32 : i32
      %add3A_217 = arith.addi %add3A_215, %add3A_216 : i32
      %swap3A_218 = arith.index_cast %add3A_217 : i32 to index
      %swap3A_219 = tpu.vector_load %arg6[%swap3A_218] {strides = array<i32>} : memref<64000xf32, #tpu.memory_space<vmem>>, vector<16xf32>,
      tpu.vector_store %arg6[%swap3A_218], %add3A_213 {strides = array<i32>} : memref<64000xf32, #tpu.memory_space<vmem>>, vector<16xf32>,
      %get3A_220 = arith.constant 3 : i32
      %get3A_221 = arith.index_cast %get3A_220 : i32 to index
      %get3A_222 = arith.constant 48 : index
      %get3A_223 = tpu.vector_load %arg8[%get3A_221, %get3A_222] {strides = array<i32>} : memref<20x64xf32, #tpu.memory_space<vmem>>, vector<16xf32>,
      %add3A_224 = arith.addf %get3A_53, %get3A_223 : vector<16xf32>
      %add3A_225 = arith.constant 192 : i32
      %add3A_226 = arith.addi %mul3A_55, %add3A_225 : i32
      %add3A_227 = arith.constant 48 : i32
      %add3A_228 = arith.addi %add3A_226, %add3A_227 : i32
      %swap3A_229 = arith.index_cast %add3A_228 : i32 to index
      %swap3A_230 = tpu.vector_load %arg6[%swap3A_229] {strides = array<i32>} : memref<64000xf32, #tpu.memory_space<vmem>>, vector<16xf32>,
      tpu.vector_store %arg6[%swap3A_229], %add3A_224 {strides = array<i32>} : memref<64000xf32, #tpu.memory_space<vmem>>, vector<16xf32>,
      %get3A_231 = arith.constant 4 : i32
      %get3A_232 = arith.index_cast %get3A_231 : i32 to index
      %get3A_233 = arith.constant 0 : index
      %get3A_234 = tpu.vector_load %arg8[%get3A_232, %get3A_233] {strides = array<i32>} : memref<20x64xf32, #tpu.memory_space<vmem>>, vector<16xf32>,
      %add3A_235 = arith.addf %get3A_44, %get3A_234 : vector<16xf32>
      %add3A_236 = arith.constant 256 : i32
      %add3A_237 = arith.addi %mul3A_55, %add3A_236 : i32
      %add3A_238 = arith.constant 0 : i32
      %add3A_239 = arith.addi %add3A_237, %add3A_238 : i32
      %swap3A_240 = arith.index_cast %add3A_239 : i32 to index
      %swap3A_241 = tpu.vector_load %arg6[%swap3A_240] {strides = array<i32>} : memref<64000xf32, #tpu.memory_space<vmem>>, vector<16xf32>,
      tpu.vector_store %arg6[%swap3A_240], %add3A_235 {strides = array<i32>} : memref<64000xf32, #tpu.memory_space<vmem>>, vector<16xf32>,
      %get3A_242 = arith.constant 4 : i32
      %get3A_243 = arith.index_cast %get3A_242 : i32 to index
      %get3A_244 = arith.constant 16 : index
      %get3A_245 = tpu.vector_load %arg8[%get3A_243, %get3A_244] {strides = array<i32>} : memref<20x64xf32, #tpu.memory_space<vmem>>, vector<16xf32>,
      %add3A_246 = arith.addf %get3A_47, %get3A_245 : vector<16xf32>
      %add3A_247 = arith.constant 256 : i32
      %add3A_248 = arith.addi %mul3A_55, %add3A_247 : i32
      %add3A_249 = arith.constant 16 : i32
      %add3A_250 = arith.addi %add3A_248, %add3A_249 : i32
      %swap3A_251 = arith.index_cast %add3A_250 : i32 to index
      %swap3A_252 = tpu.vector_load %arg6[%swap3A_251] {strides = array<i32>} : memref<64000xf32, #tpu.memory_space<vmem>>, vector<16xf32>,
      tpu.vector_store %arg6[%swap3A_251], %add3A_246 {strides = array<i32>} : memref<64000xf32, #tpu.memory_space<vmem>>, vector<16xf32>,
      %get3A_253 = arith.constant 4 : i32
      %get3A_254 = arith.index_cast %get3A_253 : i32 to index
      %get3A_255 = arith.constant 32 : index
      %get3A_256 = tpu.vector_load %arg8[%get3A_254, %get3A_255] {strides = array<i32>} : memref<20x64xf32, #tpu.memory_space<vmem>>, vector<16xf32>,
      %add3A_257 = arith.addf %get3A_50, %get3A_256 : vector<16xf32>
      %add3A_258 = arith.constant 256 : i32
      %add3A_259 = arith.addi %mul3A_55, %add3A_258 : i32
      %add3A_260 = arith.constant 32 : i32
      %add3A_261 = arith.addi %add3A_259, %add3A_260 : i32
      %swap3A_262 = arith.index_cast %add3A_261 : i32 to index
      %swap3A_263 = tpu.vector_load %arg6[%swap3A_262] {strides = array<i32>} : memref<64000xf32, #tpu.memory_space<vmem>>, vector<16xf32>,
      tpu.vector_store %arg6[%swap3A_262], %add3A_257 {strides = array<i32>} : memref<64000xf32, #tpu.memory_space<vmem>>, vector<16xf32>,
      %get3A_264 = arith.constant 4 : i32
      %get3A_265 = arith.index_cast %get3A_264 : i32 to index
      %get3A_266 = arith.constant 48 : index
      %get3A_267 = tpu.vector_load %arg8[%get3A_265, %get3A_266] {strides = array<i32>} : memref<20x64xf32, #tpu.memory_space<vmem>>, vector<16xf32>,
      %add3A_268 = arith.addf %get3A_53, %get3A_267 : vector<16xf32>
      %add3A_269 = arith.constant 256 : i32
      %add3A_270 = arith.addi %mul3A_55, %add3A_269 : i32
      %add3A_271 = arith.constant 48 : i32
      %add3A_272 = arith.addi %add3A_270, %add3A_271 : i32
      %swap3A_273 = arith.index_cast %add3A_272 : i32 to index
      %swap3A_274 = tpu.vector_load %arg6[%swap3A_273] {strides = array<i32>} : memref<64000xf32, #tpu.memory_space<vmem>>, vector<16xf32>,
      tpu.vector_store %arg6[%swap3A_273], %add3A_268 {strides = array<i32>} : memref<64000xf32, #tpu.memory_space<vmem>>, vector<16xf32>,
      %get3A_275 = arith.constant 5 : i32
      %get3A_276 = arith.index_cast %get3A_275 : i32 to index
      %get3A_277 = arith.constant 0 : index
      %get3A_278 = tpu.vector_load %arg8[%get3A_276, %get3A_277] {strides = array<i32>} : memref<20x64xf32, #tpu.memory_space<vmem>>, vector<16xf32>,
      %add3A_279 = arith.addf %get3A_44, %get3A_278 : vector<16xf32>
      %add3A_280 = arith.constant 320 : i32
      %add3A_281 = arith.addi %mul3A_55, %add3A_280 : i32
      %add3A_282 = arith.constant 0 : i32
      %add3A_283 = arith.addi %add3A_281, %add3A_282 : i32
      %swap3A_284 = arith.index_cast %add3A_283 : i32 to index
      %swap3A_285 = tpu.vector_load %arg6[%swap3A_284] {strides = array<i32>} : memref<64000xf32, #tpu.memory_space<vmem>>, vector<16xf32>,
      tpu.vector_store %arg6[%swap3A_284], %add3A_279 {strides = array<i32>} : memref<64000xf32, #tpu.memory_space<vmem>>, vector<16xf32>,
      %get3A_286 = arith.constant 5 : i32
      %get3A_287 = arith.index_cast %get3A_286 : i32 to index
      %get3A_288 = arith.constant 16 : index
      %get3A_289 = tpu.vector_load %arg8[%get3A_287, %get3A_288] {strides = array<i32>} : memref<20x64xf32, #tpu.memory_space<vmem>>, vector<16xf32>,
      %add3A_290 = arith.addf %get3A_47, %get3A_289 : vector<16xf32>
      %add3A_291 = arith.constant 320 : i32
      %add3A_292 = arith.addi %mul3A_55, %add3A_291 : i32
      %add3A_293 = arith.constant 16 : i32
      %add3A_294 = arith.addi %add3A_292, %add3A_293 : i32
      %swap3A_295 = arith.index_cast %add3A_294 : i32 to index
      %swap3A_296 = tpu.vector_load %arg6[%swap3A_295] {strides = array<i32>} : memref<64000xf32, #tpu.memory_space<vmem>>, vector<16xf32>,
      tpu.vector_store %arg6[%swap3A_295], %add3A_290 {strides = array<i32>} : memref<64000xf32, #tpu.memory_space<vmem>>, vector<16xf32>,
      %get3A_297 = arith.constant 5 : i32
      %get3A_298 = arith.index_cast %get3A_297 : i32 to index
      %get3A_299 = arith.constant 32 : index
      %get3A_300 = tpu.vector_load %arg8[%get3A_298, %get3A_299] {strides = array<i32>} : memref<20x64xf32, #tpu.memory_space<vmem>>, vector<16xf32>,
      %add3A_301 = arith.addf %get3A_50, %get3A_300 : vector<16xf32>
      %add3A_302 = arith.constant 320 : i32
      %add3A_303 = arith.addi %mul3A_55, %add3A_302 : i32
      %add3A_304 = arith.constant 32 : i32
      %add3A_305 = arith.addi %add3A_303, %add3A_304 : i32
      %swap3A_306 = arith.index_cast %add3A_305 : i32 to index
      %swap3A_307 = tpu.vector_load %arg6[%swap3A_306] {strides = array<i32>} : memref<64000xf32, #tpu.memory_space<vmem>>, vector<16xf32>,
      tpu.vector_store %arg6[%swap3A_306], %add3A_301 {strides = array<i32>} : memref<64000xf32, #tpu.memory_space<vmem>>, vector<16xf32>,
      %get3A_308 = arith.constant 5 : i32
      %get3A_309 = arith.index_cast %get3A_308 : i32 to index
      %get3A_310 = arith.constant 48 : index
      %get3A_311 = tpu.vector_load %arg8[%get3A_309, %get3A_310] {strides = array<i32>} : memref<20x64xf32, #tpu.memory_space<vmem>>, vector<16xf32>,
      %add3A_312 = arith.addf %get3A_53, %get3A_311 : vector<16xf32>
      %add3A_313 = arith.constant 320 : i32
      %add3A_314 = arith.addi %mul3A_55, %add3A_313 : i32
      %add3A_315 = arith.constant 48 : i32
      %add3A_316 = arith.addi %add3A_314, %add3A_315 : i32
      %swap3A_317 = arith.index_cast %add3A_316 : i32 to index
      %swap3A_318 = tpu.vector_load %arg6[%swap3A_317] {strides = array<i32>} : memref<64000xf32, #tpu.memory_space<vmem>>, vector<16xf32>,
      tpu.vector_store %arg6[%swap3A_317], %add3A_312 {strides = array<i32>} : memref<64000xf32, #tpu.memory_space<vmem>>, vector<16xf32>,
      %get3A_319 = arith.constant 6 : i32
      %get3A_320 = arith.index_cast %get3A_319 : i32 to index
      %get3A_321 = arith.constant 0 : index
      %get3A_322 = tpu.vector_load %arg8[%get3A_320, %get3A_321] {strides = array<i32>} : memref<20x64xf32, #tpu.memory_space<vmem>>, vector<16xf32>,
      %add3A_323 = arith.addf %get3A_44, %get3A_322 : vector<16xf32>
      %add3A_324 = arith.constant 384 : i32
      %add3A_325 = arith.addi %mul3A_55, %add3A_324 : i32
      %add3A_326 = arith.constant 0 : i32
      %add3A_327 = arith.addi %add3A_325, %add3A_326 : i32
      %swap3A_328 = arith.index_cast %add3A_327 : i32 to index
      %swap3A_329 = tpu.vector_load %arg6[%swap3A_328] {strides = array<i32>} : memref<64000xf32, #tpu.memory_space<vmem>>, vector<16xf32>,
      tpu.vector_store %arg6[%swap3A_328], %add3A_323 {strides = array<i32>} : memref<64000xf32, #tpu.memory_space<vmem>>, vector<16xf32>,
      %get3A_330 = arith.constant 6 : i32
      %get3A_331 = arith.index_cast %get3A_330 : i32 to index
      %get3A_332 = arith.constant 16 : index
      %get3A_333 = tpu.vector_load %arg8[%get3A_331, %get3A_332] {strides = array<i32>} : memref<20x64xf32, #tpu.memory_space<vmem>>, vector<16xf32>,
      %add3A_334 = arith.addf %get3A_47, %get3A_333 : vector<16xf32>
      %add3A_335 = arith.constant 384 : i32
      %add3A_336 = arith.addi %mul3A_55, %add3A_335 : i32
      %add3A_337 = arith.constant 16 : i32
      %add3A_338 = arith.addi %add3A_336, %add3A_337 : i32
      %swap3A_339 = arith.index_cast %add3A_338 : i32 to index
      %swap3A_340 = tpu.vector_load %arg6[%swap3A_339] {strides = array<i32>} : memref<64000xf32, #tpu.memory_space<vmem>>, vector<16xf32>,
      tpu.vector_store %arg6[%swap3A_339], %add3A_334 {strides = array<i32>} : memref<64000xf32, #tpu.memory_space<vmem>>, vector<16xf32>,
      %get3A_341 = arith.constant 6 : i32
      %get3A_342 = arith.index_cast %get3A_341 : i32 to index
      %get3A_343 = arith.constant 32 : index
      %get3A_344 = tpu.vector_load %arg8[%get3A_342, %get3A_343] {strides = array<i32>} : memref<20x64xf32, #tpu.memory_space<vmem>>, vector<16xf32>,
      %add3A_345 = arith.addf %get3A_50, %get3A_344 : vector<16xf32>
      %add3A_346 = arith.constant 384 : i32
      %add3A_347 = arith.addi %mul3A_55, %add3A_346 : i32
      %add3A_348 = arith.constant 32 : i32
      %add3A_349 = arith.addi %add3A_347, %add3A_348 : i32
      %swap3A_350 = arith.index_cast %add3A_349 : i32 to index
      %swap3A_351 = tpu.vector_load %arg6[%swap3A_350] {strides = array<i32>} : memref<64000xf32, #tpu.memory_space<vmem>>, vector<16xf32>,
      tpu.vector_store %arg6[%swap3A_350], %add3A_345 {strides = array<i32>} : memref<64000xf32, #tpu.memory_space<vmem>>, vector<16xf32>,
      %get3A_352 = arith.constant 6 : i32
      %get3A_353 = arith.index_cast %get3A_352 : i32 to index
      %get3A_354 = arith.constant 48 : index
      %get3A_355 = tpu.vector_load %arg8[%get3A_353, %get3A_354] {strides = array<i32>} : memref<20x64xf32, #tpu.memory_space<vmem>>, vector<16xf32>,
      %add3A_356 = arith.addf %get3A_53, %get3A_355 : vector<16xf32>
      %add3A_357 = arith.constant 384 : i32
      %add3A_358 = arith.addi %mul3A_55, %add3A_357 : i32
      %add3A_359 = arith.constant 48 : i32
      %add3A_360 = arith.addi %add3A_358, %add3A_359 : i32
      %swap3A_361 = arith.index_cast %add3A_360 : i32 to index
      %swap3A_362 = tpu.vector_load %arg6[%swap3A_361] {strides = array<i32>} : memref<64000xf32, #tpu.memory_space<vmem>>, vector<16xf32>,
      tpu.vector_store %arg6[%swap3A_361], %add3A_356 {strides = array<i32>} : memref<64000xf32, #tpu.memory_space<vmem>>, vector<16xf32>,
      %get3A_363 = arith.constant 7 : i32
      %get3A_364 = arith.index_cast %get3A_363 : i32 to index
      %get3A_365 = arith.constant 0 : index
      %get3A_366 = tpu.vector_load %arg8[%get3A_364, %get3A_365] {strides = array<i32>} : memref<20x64xf32, #tpu.memory_space<vmem>>, vector<16xf32>,
      %add3A_367 = arith.addf %get3A_44, %get3A_366 : vector<16xf32>
      %add3A_368 = arith.constant 448 : i32
      %add3A_369 = arith.addi %mul3A_55, %add3A_368 : i32
      %add3A_370 = arith.constant 0 : i32
      %add3A_371 = arith.addi %add3A_369, %add3A_370 : i32
      %swap3A_372 = arith.index_cast %add3A_371 : i32 to index
      %swap3A_373 = tpu.vector_load %arg6[%swap3A_372] {strides = array<i32>} : memref<64000xf32, #tpu.memory_space<vmem>>, vector<16xf32>,
      tpu.vector_store %arg6[%swap3A_372], %add3A_367 {strides = array<i32>} : memref<64000xf32, #tpu.memory_space<vmem>>, vector<16xf32>,
      %get3A_374 = arith.constant 7 : i32
      %get3A_375 = arith.index_cast %get3A_374 : i32 to index
      %get3A_376 = arith.constant 16 : index
      %get3A_377 = tpu.vector_load %arg8[%get3A_375, %get3A_376] {strides = array<i32>} : memref<20x64xf32, #tpu.memory_space<vmem>>, vector<16xf32>,
      %add3A_378 = arith.addf %get3A_47, %get3A_377 : vector<16xf32>
      %add3A_379 = arith.constant 448 : i32
      %add3A_380 = arith.addi %mul3A_55, %add3A_379 : i32
      %add3A_381 = arith.constant 16 : i32
      %add3A_382 = arith.addi %add3A_380, %add3A_381 : i32
      %swap3A_383 = arith.index_cast %add3A_382 : i32 to index
      %swap3A_384 = tpu.vector_load %arg6[%swap3A_383] {strides = array<i32>} : memref<64000xf32, #tpu.memory_space<vmem>>, vector<16xf32>,
      tpu.vector_store %arg6[%swap3A_383], %add3A_378 {strides = array<i32>} : memref<64000xf32, #tpu.memory_space<vmem>>, vector<16xf32>,
      %get3A_385 = arith.constant 7 : i32
      %get3A_386 = arith.index_cast %get3A_385 : i32 to index
      %get3A_387 = arith.constant 32 : index
      %get3A_388 = tpu.vector_load %arg8[%get3A_386, %get3A_387] {strides = array<i32>} : memref<20x64xf32, #tpu.memory_space<vmem>>, vector<16xf32>,
      %add3A_389 = arith.addf %get3A_50, %get3A_388 : vector<16xf32>
      %add3A_390 = arith.constant 448 : i32
      %add3A_391 = arith.addi %mul3A_55, %add3A_390 : i32
      %add3A_392 = arith.constant 32 : i32
      %add3A_393 = arith.addi %add3A_391, %add3A_392 : i32
      %swap3A_394 = arith.index_cast %add3A_393 : i32 to index
      %swap3A_395 = tpu.vector_load %arg6[%swap3A_394] {strides = array<i32>} : memref<64000xf32, #tpu.memory_space<vmem>>, vector<16xf32>,
      tpu.vector_store %arg6[%swap3A_394], %add3A_389 {strides = array<i32>} : memref<64000xf32, #tpu.memory_space<vmem>>, vector<16xf32>,
      %get3A_396 = arith.constant 7 : i32
      %get3A_397 = arith.index_cast %get3A_396 : i32 to index
      %get3A_398 = arith.constant 48 : index
      %get3A_399 = tpu.vector_load %arg8[%get3A_397, %get3A_398] {strides = array<i32>} : memref<20x64xf32, #tpu.memory_space<vmem>>, vector<16xf32>,
      %add3A_400 = arith.addf %get3A_53, %get3A_399 : vector<16xf32>
      %add3A_401 = arith.constant 448 : i32
      %add3A_402 = arith.addi %mul3A_55, %add3A_401 : i32
      %add3A_403 = arith.constant 48 : i32
      %add3A_404 = arith.addi %add3A_402, %add3A_403 : i32
      %swap3A_405 = arith.index_cast %add3A_404 : i32 to index
      %swap3A_406 = tpu.vector_load %arg6[%swap3A_405] {strides = array<i32>} : memref<64000xf32, #tpu.memory_space<vmem>>, vector<16xf32>,
      tpu.vector_store %arg6[%swap3A_405], %add3A_400 {strides = array<i32>} : memref<64000xf32, #tpu.memory_space<vmem>>, vector<16xf32>,
      %get3A_407 = arith.constant 8 : i32
      %get3A_408 = arith.index_cast %get3A_407 : i32 to index
      %get3A_409 = arith.constant 0 : index
      %get3A_410 = tpu.vector_load %arg8[%get3A_408, %get3A_409] {strides = array<i32>} : memref<20x64xf32, #tpu.memory_space<vmem>>, vector<16xf32>,
      %add3A_411 = arith.addf %get3A_44, %get3A_410 : vector<16xf32>
      %add3A_412 = arith.constant 512 : i32
      %add3A_413 = arith.addi %mul3A_55, %add3A_412 : i32
      %add3A_414 = arith.constant 0 : i32
      %add3A_415 = arith.addi %add3A_413, %add3A_414 : i32
      %swap3A_416 = arith.index_cast %add3A_415 : i32 to index
      %swap3A_417 = tpu.vector_load %arg6[%swap3A_416] {strides = array<i32>} : memref<64000xf32, #tpu.memory_space<vmem>>, vector<16xf32>,
      tpu.vector_store %arg6[%swap3A_416], %add3A_411 {strides = array<i32>} : memref<64000xf32, #tpu.memory_space<vmem>>, vector<16xf32>,
      %get3A_418 = arith.constant 8 : i32
      %get3A_419 = arith.index_cast %get3A_418 : i32 to index
      %get3A_420 = arith.constant 16 : index
      %get3A_421 = tpu.vector_load %arg8[%get3A_419, %get3A_420] {strides = array<i32>} : memref<20x64xf32, #tpu.memory_space<vmem>>, vector<16xf32>,
      %add3A_422 = arith.addf %get3A_47, %get3A_421 : vector<16xf32>
      %add3A_423 = arith.constant 512 : i32
      %add3A_424 = arith.addi %mul3A_55, %add3A_423 : i32
      %add3A_425 = arith.constant 16 : i32
      %add3A_426 = arith.addi %add3A_424, %add3A_425 : i32
      %swap3A_427 = arith.index_cast %add3A_426 : i32 to index
      %swap3A_428 = tpu.vector_load %arg6[%swap3A_427] {strides = array<i32>} : memref<64000xf32, #tpu.memory_space<vmem>>, vector<16xf32>,
      tpu.vector_store %arg6[%swap3A_427], %add3A_422 {strides = array<i32>} : memref<64000xf32, #tpu.memory_space<vmem>>, vector<16xf32>,
      %get3A_429 = arith.constant 8 : i32
      %get3A_430 = arith.index_cast %get3A_429 : i32 to index
      %get3A_431 = arith.constant 32 : index
      %get3A_432 = tpu.vector_load %arg8[%get3A_430, %get3A_431] {strides = array<i32>} : memref<20x64xf32, #tpu.memory_space<vmem>>, vector<16xf32>,
      %add3A_433 = arith.addf %get3A_50, %get3A_432 : vector<16xf32>
      %add3A_434 = arith.constant 512 : i32
      %add3A_435 = arith.addi %mul3A_55, %add3A_434 : i32
      %add3A_436 = arith.constant 32 : i32
      %add3A_437 = arith.addi %add3A_435, %add3A_436 : i32
      %swap3A_438 = arith.index_cast %add3A_437 : i32 to index
      %swap3A_439 = tpu.vector_load %arg6[%swap3A_438] {strides = array<i32>} : memref<64000xf32, #tpu.memory_space<vmem>>, vector<16xf32>,
      tpu.vector_store %arg6[%swap3A_438], %add3A_433 {strides = array<i32>} : memref<64000xf32, #tpu.memory_space<vmem>>, vector<16xf32>,
      %get3A_440 = arith.constant 8 : i32
      %get3A_441 = arith.index_cast %get3A_440 : i32 to index
      %get3A_442 = arith.constant 48 : index
      %get3A_443 = tpu.vector_load %arg8[%get3A_441, %get3A_442] {strides = array<i32>} : memref<20x64xf32, #tpu.memory_space<vmem>>, vector<16xf32>,
      %add3A_444 = arith.addf %get3A_53, %get3A_443 : vector<16xf32>
      %add3A_445 = arith.constant 512 : i32
      %add3A_446 = arith.addi %mul3A_55, %add3A_445 : i32
      %add3A_447 = arith.constant 48 : i32
      %add3A_448 = arith.addi %add3A_446, %add3A_447 : i32
      %swap3A_449 = arith.index_cast %add3A_448 : i32 to index
      %swap3A_450 = tpu.vector_load %arg6[%swap3A_449] {strides = array<i32>} : memref<64000xf32, #tpu.memory_space<vmem>>, vector<16xf32>,
      tpu.vector_store %arg6[%swap3A_449], %add3A_444 {strides = array<i32>} : memref<64000xf32, #tpu.memory_space<vmem>>, vector<16xf32>,
      %get3A_451 = arith.constant 9 : i32
      %get3A_452 = arith.index_cast %get3A_451 : i32 to index
      %get3A_453 = arith.constant 0 : index
      %get3A_454 = tpu.vector_load %arg8[%get3A_452, %get3A_453] {strides = array<i32>} : memref<20x64xf32, #tpu.memory_space<vmem>>, vector<16xf32>,
      %add3A_455 = arith.addf %get3A_44, %get3A_454 : vector<16xf32>
      %add3A_456 = arith.constant 576 : i32
      %add3A_457 = arith.addi %mul3A_55, %add3A_456 : i32
      %add3A_458 = arith.constant 0 : i32
      %add3A_459 = arith.addi %add3A_457, %add3A_458 : i32
      %swap3A_460 = arith.index_cast %add3A_459 : i32 to index
      %swap3A_461 = tpu.vector_load %arg6[%swap3A_460] {strides = array<i32>} : memref<64000xf32, #tpu.memory_space<vmem>>, vector<16xf32>,
      tpu.vector_store %arg6[%swap3A_460], %add3A_455 {strides = array<i32>} : memref<64000xf32, #tpu.memory_space<vmem>>, vector<16xf32>,
      %get3A_462 = arith.constant 9 : i32
      %get3A_463 = arith.index_cast %get3A_462 : i32 to index
      %get3A_464 = arith.constant 16 : index
      %get3A_465 = tpu.vector_load %arg8[%get3A_463, %get3A_464] {strides = array<i32>} : memref<20x64xf32, #tpu.memory_space<vmem>>, vector<16xf32>,
      %add3A_466 = arith.addf %get3A_47, %get3A_465 : vector<16xf32>
      %add3A_467 = arith.constant 576 : i32
      %add3A_468 = arith.addi %mul3A_55, %add3A_467 : i32
      %add3A_469 = arith.constant 16 : i32
      %add3A_470 = arith.addi %add3A_468, %add3A_469 : i32
      %swap3A_471 = arith.index_cast %add3A_470 : i32 to index
      %swap3A_472 = tpu.vector_load %arg6[%swap3A_471] {strides = array<i32>} : memref<64000xf32, #tpu.memory_space<vmem>>, vector<16xf32>,
      tpu.vector_store %arg6[%swap3A_471], %add3A_466 {strides = array<i32>} : memref<64000xf32, #tpu.memory_space<vmem>>, vector<16xf32>,
      %get3A_473 = arith.constant 9 : i32
      %get3A_474 = arith.index_cast %get3A_473 : i32 to index
      %get3A_475 = arith.constant 32 : index
      %get3A_476 = tpu.vector_load %arg8[%get3A_474, %get3A_475] {strides = array<i32>} : memref<20x64xf32, #tpu.memory_space<vmem>>, vector<16xf32>,
      %add3A_477 = arith.addf %get3A_50, %get3A_476 : vector<16xf32>
      %add3A_478 = arith.constant 576 : i32
      %add3A_479 = arith.addi %mul3A_55, %add3A_478 : i32
      %add3A_480 = arith.constant 32 : i32
      %add3A_481 = arith.addi %add3A_479, %add3A_480 : i32
      %swap3A_482 = arith.index_cast %add3A_481 : i32 to index
      %swap3A_483 = tpu.vector_load %arg6[%swap3A_482] {strides = array<i32>} : memref<64000xf32, #tpu.memory_space<vmem>>, vector<16xf32>,
      tpu.vector_store %arg6[%swap3A_482], %add3A_477 {strides = array<i32>} : memref<64000xf32, #tpu.memory_space<vmem>>, vector<16xf32>,
      %get3A_484 = arith.constant 9 : i32
      %get3A_485 = arith.index_cast %get3A_484 : i32 to index
      %get3A_486 = arith.constant 48 : index
      %get3A_487 = tpu.vector_load %arg8[%get3A_485, %get3A_486] {strides = array<i32>} : memref<20x64xf32, #tpu.memory_space<vmem>>, vector<16xf32>,
      %add3A_488 = arith.addf %get3A_53, %get3A_487 : vector<16xf32>
      %add3A_489 = arith.constant 576 : i32
      %add3A_490 = arith.addi %mul3A_55, %add3A_489 : i32
      %add3A_491 = arith.constant 48 : i32
      %add3A_492 = arith.addi %add3A_490, %add3A_491 : i32
      %swap3A_493 = arith.index_cast %add3A_492 : i32 to index
      %swap3A_494 = tpu.vector_load %arg6[%swap3A_493] {strides = array<i32>} : memref<64000xf32, #tpu.memory_space<vmem>>, vector<16xf32>,
      tpu.vector_store %arg6[%swap3A_493], %add3A_488 {strides = array<i32>} : memref<64000xf32, #tpu.memory_space<vmem>>, vector<16xf32>,
      %get3A_495 = arith.constant 10 : i32
      %get3A_496 = arith.index_cast %get3A_495 : i32 to index
      %get3A_497 = arith.constant 0 : index
      %get3A_498 = tpu.vector_load %arg8[%get3A_496, %get3A_497] {strides = array<i32>} : memref<20x64xf32, #tpu.memory_space<vmem>>, vector<16xf32>,
      %add3A_499 = arith.addf %get3A_44, %get3A_498 : vector<16xf32>
      %add3A_500 = arith.constant 640 : i32
      %add3A_501 = arith.addi %mul3A_55, %add3A_500 : i32
      %add3A_502 = arith.constant 0 : i32
      %add3A_503 = arith.addi %add3A_501, %add3A_502 : i32
      %swap3A_504 = arith.index_cast %add3A_503 : i32 to index
      %swap3A_505 = tpu.vector_load %arg6[%swap3A_504] {strides = array<i32>} : memref<64000xf32, #tpu.memory_space<vmem>>, vector<16xf32>,
      tpu.vector_store %arg6[%swap3A_504], %add3A_499 {strides = array<i32>} : memref<64000xf32, #tpu.memory_space<vmem>>, vector<16xf32>,
      %get3A_506 = arith.constant 10 : i32
      %get3A_507 = arith.index_cast %get3A_506 : i32 to index
      %get3A_508 = arith.constant 16 : index
      %get3A_509 = tpu.vector_load %arg8[%get3A_507, %get3A_508] {strides = array<i32>} : memref<20x64xf32, #tpu.memory_space<vmem>>, vector<16xf32>,
      %add3A_510 = arith.addf %get3A_47, %get3A_509 : vector<16xf32>
      %add3A_511 = arith.constant 640 : i32
      %add3A_512 = arith.addi %mul3A_55, %add3A_511 : i32
      %add3A_513 = arith.constant 16 : i32
      %add3A_514 = arith.addi %add3A_512, %add3A_513 : i32
      %swap3A_515 = arith.index_cast %add3A_514 : i32 to index
      %swap3A_516 = tpu.vector_load %arg6[%swap3A_515] {strides = array<i32>} : memref<64000xf32, #tpu.memory_space<vmem>>, vector<16xf32>,
      tpu.vector_store %arg6[%swap3A_515], %add3A_510 {strides = array<i32>} : memref<64000xf32, #tpu.memory_space<vmem>>, vector<16xf32>,
      %get3A_517 = arith.constant 10 : i32
      %get3A_518 = arith.index_cast %get3A_517 : i32 to index
      %get3A_519 = arith.constant 32 : index
      %get3A_520 = tpu.vector_load %arg8[%get3A_518, %get3A_519] {strides = array<i32>} : memref<20x64xf32, #tpu.memory_space<vmem>>, vector<16xf32>,
      %add3A_521 = arith.addf %get3A_50, %get3A_520 : vector<16xf32>
      %add3A_522 = arith.constant 640 : i32
      %add3A_523 = arith.addi %mul3A_55, %add3A_522 : i32
      %add3A_524 = arith.constant 32 : i32
      %add3A_525 = arith.addi %add3A_523, %add3A_524 : i32
      %swap3A_526 = arith.index_cast %add3A_525 : i32 to index
      %swap3A_527 = tpu.vector_load %arg6[%swap3A_526] {strides = array<i32>} : memref<64000xf32, #tpu.memory_space<vmem>>, vector<16xf32>,
      tpu.vector_store %arg6[%swap3A_526], %add3A_521 {strides = array<i32>} : memref<64000xf32, #tpu.memory_space<vmem>>, vector<16xf32>,
      %get3A_528 = arith.constant 10 : i32
      %get3A_529 = arith.index_cast %get3A_528 : i32 to index
      %get3A_530 = arith.constant 48 : index
      %get3A_531 = tpu.vector_load %arg8[%get3A_529, %get3A_530] {strides = array<i32>} : memref<20x64xf32, #tpu.memory_space<vmem>>, vector<16xf32>,
      %add3A_532 = arith.addf %get3A_53, %get3A_531 : vector<16xf32>
      %add3A_533 = arith.constant 640 : i32
      %add3A_534 = arith.addi %mul3A_55, %add3A_533 : i32
      %add3A_535 = arith.constant 48 : i32
      %add3A_536 = arith.addi %add3A_534, %add3A_535 : i32
      %swap3A_537 = arith.index_cast %add3A_536 : i32 to index
      %swap3A_538 = tpu.vector_load %arg6[%swap3A_537] {strides = array<i32>} : memref<64000xf32, #tpu.memory_space<vmem>>, vector<16xf32>,
      tpu.vector_store %arg6[%swap3A_537], %add3A_532 {strides = array<i32>} : memref<64000xf32, #tpu.memory_space<vmem>>, vector<16xf32>,
      %get3A_539 = arith.constant 11 : i32
      %get3A_540 = arith.index_cast %get3A_539 : i32 to index
      %get3A_541 = arith.constant 0 : index
      %get3A_542 = tpu.vector_load %arg8[%get3A_540, %get3A_541] {strides = array<i32>} : memref<20x64xf32, #tpu.memory_space<vmem>>, vector<16xf32>,
      %add3A_543 = arith.addf %get3A_44, %get3A_542 : vector<16xf32>
      %add3A_544 = arith.constant 704 : i32
      %add3A_545 = arith.addi %mul3A_55, %add3A_544 : i32
      %add3A_546 = arith.constant 0 : i32
      %add3A_547 = arith.addi %add3A_545, %add3A_546 : i32
      %swap3A_548 = arith.index_cast %add3A_547 : i32 to index
      %swap3A_549 = tpu.vector_load %arg6[%swap3A_548] {strides = array<i32>} : memref<64000xf32, #tpu.memory_space<vmem>>, vector<16xf32>,
      tpu.vector_store %arg6[%swap3A_548], %add3A_543 {strides = array<i32>} : memref<64000xf32, #tpu.memory_space<vmem>>, vector<16xf32>,
      %get3A_550 = arith.constant 11 : i32
      %get3A_551 = arith.index_cast %get3A_550 : i32 to index
      %get3A_552 = arith.constant 16 : index
      %get3A_553 = tpu.vector_load %arg8[%get3A_551, %get3A_552] {strides = array<i32>} : memref<20x64xf32, #tpu.memory_space<vmem>>, vector<16xf32>,
      %add3A_554 = arith.addf %get3A_47, %get3A_553 : vector<16xf32>
      %add3A_555 = arith.constant 704 : i32
      %add3A_556 = arith.addi %mul3A_55, %add3A_555 : i32
      %add3A_557 = arith.constant 16 : i32
      %add3A_558 = arith.addi %add3A_556, %add3A_557 : i32
      %swap3A_559 = arith.index_cast %add3A_558 : i32 to index
      %swap3A_560 = tpu.vector_load %arg6[%swap3A_559] {strides = array<i32>} : memref<64000xf32, #tpu.memory_space<vmem>>, vector<16xf32>,
      tpu.vector_store %arg6[%swap3A_559], %add3A_554 {strides = array<i32>} : memref<64000xf32, #tpu.memory_space<vmem>>, vector<16xf32>,
      %get3A_561 = arith.constant 11 : i32
      %get3A_562 = arith.index_cast %get3A_561 : i32 to index
      %get3A_563 = arith.constant 32 : index
      %get3A_564 = tpu.vector_load %arg8[%get3A_562, %get3A_563] {strides = array<i32>} : memref<20x64xf32, #tpu.memory_space<vmem>>, vector<16xf32>,
      %add3A_565 = arith.addf %get3A_50, %get3A_564 : vector<16xf32>
      %add3A_566 = arith.constant 704 : i32
      %add3A_567 = arith.addi %mul3A_55, %add3A_566 : i32
      %add3A_568 = arith.constant 32 : i32
      %add3A_569 = arith.addi %add3A_567, %add3A_568 : i32
      %swap3A_570 = arith.index_cast %add3A_569 : i32 to index
      %swap3A_571 = tpu.vector_load %arg6[%swap3A_570] {strides = array<i32>} : memref<64000xf32, #tpu.memory_space<vmem>>, vector<16xf32>,
      tpu.vector_store %arg6[%swap3A_570], %add3A_565 {strides = array<i32>} : memref<64000xf32, #tpu.memory_space<vmem>>, vector<16xf32>,
      %get3A_572 = arith.constant 11 : i32
      %get3A_573 = arith.index_cast %get3A_572 : i32 to index
      %get3A_574 = arith.constant 48 : index
      %get3A_575 = tpu.vector_load %arg8[%get3A_573, %get3A_574] {strides = array<i32>} : memref<20x64xf32, #tpu.memory_space<vmem>>, vector<16xf32>,
      %add3A_576 = arith.addf %get3A_53, %get3A_575 : vector<16xf32>
      %add3A_577 = arith.constant 704 : i32
      %add3A_578 = arith.addi %mul3A_55, %add3A_577 : i32
      %add3A_579 = arith.constant 48 : i32
      %add3A_580 = arith.addi %add3A_578, %add3A_579 : i32
      %swap3A_581 = arith.index_cast %add3A_580 : i32 to index
      %swap3A_582 = tpu.vector_load %arg6[%swap3A_581] {strides = array<i32>} : memref<64000xf32, #tpu.memory_space<vmem>>, vector<16xf32>,
      tpu.vector_store %arg6[%swap3A_581], %add3A_576 {strides = array<i32>} : memref<64000xf32, #tpu.memory_space<vmem>>, vector<16xf32>,
      %get3A_583 = arith.constant 12 : i32
      %get3A_584 = arith.index_cast %get3A_583 : i32 to index
      %get3A_585 = arith.constant 0 : index
      %get3A_586 = tpu.vector_load %arg8[%get3A_584, %get3A_585] {strides = array<i32>} : memref<20x64xf32, #tpu.memory_space<vmem>>, vector<16xf32>,
      %add3A_587 = arith.addf %get3A_44, %get3A_586 : vector<16xf32>
      %add3A_588 = arith.constant 768 : i32
      %add3A_589 = arith.addi %mul3A_55, %add3A_588 : i32
      %add3A_590 = arith.constant 0 : i32
      %add3A_591 = arith.addi %add3A_589, %add3A_590 : i32
      %swap3A_592 = arith.index_cast %add3A_591 : i32 to index
      %swap3A_593 = tpu.vector_load %arg6[%swap3A_592] {strides = array<i32>} : memref<64000xf32, #tpu.memory_space<vmem>>, vector<16xf32>,
      tpu.vector_store %arg6[%swap3A_592], %add3A_587 {strides = array<i32>} : memref<64000xf32, #tpu.memory_space<vmem>>, vector<16xf32>,
      %get3A_594 = arith.constant 12 : i32
      %get3A_595 = arith.index_cast %get3A_594 : i32 to index
      %get3A_596 = arith.constant 16 : index
      %get3A_597 = tpu.vector_load %arg8[%get3A_595, %get3A_596] {strides = array<i32>} : memref<20x64xf32, #tpu.memory_space<vmem>>, vector<16xf32>,
      %add3A_598 = arith.addf %get3A_47, %get3A_597 : vector<16xf32>
      %add3A_599 = arith.constant 768 : i32
      %add3A_600 = arith.addi %mul3A_55, %add3A_599 : i32
      %add3A_601 = arith.constant 16 : i32
      %add3A_602 = arith.addi %add3A_600, %add3A_601 : i32
      %swap3A_603 = arith.index_cast %add3A_602 : i32 to index
      %swap3A_604 = tpu.vector_load %arg6[%swap3A_603] {strides = array<i32>} : memref<64000xf32, #tpu.memory_space<vmem>>, vector<16xf32>,
      tpu.vector_store %arg6[%swap3A_603], %add3A_598 {strides = array<i32>} : memref<64000xf32, #tpu.memory_space<vmem>>, vector<16xf32>,
      %get3A_605 = arith.constant 12 : i32
      %get3A_606 = arith.index_cast %get3A_605 : i32 to index
      %get3A_607 = arith.constant 32 : index
      %get3A_608 = tpu.vector_load %arg8[%get3A_606, %get3A_607] {strides = array<i32>} : memref<20x64xf32, #tpu.memory_space<vmem>>, vector<16xf32>,
      %add3A_609 = arith.addf %get3A_50, %get3A_608 : vector<16xf32>
      %add3A_610 = arith.constant 768 : i32
      %add3A_611 = arith.addi %mul3A_55, %add3A_610 : i32
      %add3A_612 = arith.constant 32 : i32
      %add3A_613 = arith.addi %add3A_611, %add3A_612 : i32
      %swap3A_614 = arith.index_cast %add3A_613 : i32 to index
      %swap3A_615 = tpu.vector_load %arg6[%swap3A_614] {strides = array<i32>} : memref<64000xf32, #tpu.memory_space<vmem>>, vector<16xf32>,
      tpu.vector_store %arg6[%swap3A_614], %add3A_609 {strides = array<i32>} : memref<64000xf32, #tpu.memory_space<vmem>>, vector<16xf32>,
      %get3A_616 = arith.constant 12 : i32
      %get3A_617 = arith.index_cast %get3A_616 : i32 to index
      %get3A_618 = arith.constant 48 : index
      %get3A_619 = tpu.vector_load %arg8[%get3A_617, %get3A_618] {strides = array<i32>} : memref<20x64xf32, #tpu.memory_space<vmem>>, vector<16xf32>,
      %add3A_620 = arith.addf %get3A_53, %get3A_619 : vector<16xf32>
      %add3A_621 = arith.constant 768 : i32
      %add3A_622 = arith.addi %mul3A_55, %add3A_621 : i32
      %add3A_623 = arith.constant 48 : i32
      %add3A_624 = arith.addi %add3A_622, %add3A_623 : i32
      %swap3A_625 = arith.index_cast %add3A_624 : i32 to index
      %swap3A_626 = tpu.vector_load %arg6[%swap3A_625] {strides = array<i32>} : memref<64000xf32, #tpu.memory_space<vmem>>, vector<16xf32>,
      tpu.vector_store %arg6[%swap3A_625], %add3A_620 {strides = array<i32>} : memref<64000xf32, #tpu.memory_space<vmem>>, vector<16xf32>,
      %get3A_627 = arith.constant 13 : i32
      %get3A_628 = arith.index_cast %get3A_627 : i32 to index
      %get3A_629 = arith.constant 0 : index
      %get3A_630 = tpu.vector_load %arg8[%get3A_628, %get3A_629] {strides = array<i32>} : memref<20x64xf32, #tpu.memory_space<vmem>>, vector<16xf32>,
      %add3A_631 = arith.addf %get3A_44, %get3A_630 : vector<16xf32>
      %add3A_632 = arith.constant 832 : i32
      %add3A_633 = arith.addi %mul3A_55, %add3A_632 : i32
      %add3A_634 = arith.constant 0 : i32
      %add3A_635 = arith.addi %add3A_633, %add3A_634 : i32
      %swap3A_636 = arith.index_cast %add3A_635 : i32 to index
      %swap3A_637 = tpu.vector_load %arg6[%swap3A_636] {strides = array<i32>} : memref<64000xf32, #tpu.memory_space<vmem>>, vector<16xf32>,
      tpu.vector_store %arg6[%swap3A_636], %add3A_631 {strides = array<i32>} : memref<64000xf32, #tpu.memory_space<vmem>>, vector<16xf32>,
      %get3A_638 = arith.constant 13 : i32
      %get3A_639 = arith.index_cast %get3A_638 : i32 to index
      %get3A_640 = arith.constant 16 : index
      %get3A_641 = tpu.vector_load %arg8[%get3A_639, %get3A_640] {strides = array<i32>} : memref<20x64xf32, #tpu.memory_space<vmem>>, vector<16xf32>,
      %add3A_642 = arith.addf %get3A_47, %get3A_641 : vector<16xf32>
      %add3A_643 = arith.constant 832 : i32
      %add3A_644 = arith.addi %mul3A_55, %add3A_643 : i32
      %add3A_645 = arith.constant 16 : i32
      %add3A_646 = arith.addi %add3A_644, %add3A_645 : i32
      %swap3A_647 = arith.index_cast %add3A_646 : i32 to index
      %swap3A_648 = tpu.vector_load %arg6[%swap3A_647] {strides = array<i32>} : memref<64000xf32, #tpu.memory_space<vmem>>, vector<16xf32>,
      tpu.vector_store %arg6[%swap3A_647], %add3A_642 {strides = array<i32>} : memref<64000xf32, #tpu.memory_space<vmem>>, vector<16xf32>,
      %get3A_649 = arith.constant 13 : i32
      %get3A_650 = arith.index_cast %get3A_649 : i32 to index
      %get3A_651 = arith.constant 32 : index
      %get3A_652 = tpu.vector_load %arg8[%get3A_650, %get3A_651] {strides = array<i32>} : memref<20x64xf32, #tpu.memory_space<vmem>>, vector<16xf32>,
      %add3A_653 = arith.addf %get3A_50, %get3A_652 : vector<16xf32>
      %add3A_654 = arith.constant 832 : i32
      %add3A_655 = arith.addi %mul3A_55, %add3A_654 : i32
      %add3A_656 = arith.constant 32 : i32
      %add3A_657 = arith.addi %add3A_655, %add3A_656 : i32
      %swap3A_658 = arith.index_cast %add3A_657 : i32 to index
      %swap3A_659 = tpu.vector_load %arg6[%swap3A_658] {strides = array<i32>} : memref<64000xf32, #tpu.memory_space<vmem>>, vector<16xf32>,
      tpu.vector_store %arg6[%swap3A_658], %add3A_653 {strides = array<i32>} : memref<64000xf32, #tpu.memory_space<vmem>>, vector<16xf32>,
      %get3A_660 = arith.constant 13 : i32
      %get3A_661 = arith.index_cast %get3A_660 : i32 to index
      %get3A_662 = arith.constant 48 : index
      %get3A_663 = tpu.vector_load %arg8[%get3A_661, %get3A_662] {strides = array<i32>} : memref<20x64xf32, #tpu.memory_space<vmem>>, vector<16xf32>,
      %add3A_664 = arith.addf %get3A_53, %get3A_663 : vector<16xf32>
      %add3A_665 = arith.constant 832 : i32
      %add3A_666 = arith.addi %mul3A_55, %add3A_665 : i32
      %add3A_667 = arith.constant 48 : i32
      %add3A_668 = arith.addi %add3A_666, %add3A_667 : i32
      %swap3A_669 = arith.index_cast %add3A_668 : i32 to index
      %swap3A_670 = tpu.vector_load %arg6[%swap3A_669] {strides = array<i32>} : memref<64000xf32, #tpu.memory_space<vmem>>, vector<16xf32>,
      tpu.vector_store %arg6[%swap3A_669], %add3A_664 {strides = array<i32>} : memref<64000xf32, #tpu.memory_space<vmem>>, vector<16xf32>,
      %get3A_671 = arith.constant 14 : i32
      %get3A_672 = arith.index_cast %get3A_671 : i32 to index
      %get3A_673 = arith.constant 0 : index
      %get3A_674 = tpu.vector_load %arg8[%get3A_672, %get3A_673] {strides = array<i32>} : memref<20x64xf32, #tpu.memory_space<vmem>>, vector<16xf32>,
      %add3A_675 = arith.addf %get3A_44, %get3A_674 : vector<16xf32>
      %add3A_676 = arith.constant 896 : i32
      %add3A_677 = arith.addi %mul3A_55, %add3A_676 : i32
      %add3A_678 = arith.constant 0 : i32
      %add3A_679 = arith.addi %add3A_677, %add3A_678 : i32
      %swap3A_680 = arith.index_cast %add3A_679 : i32 to index
      %swap3A_681 = tpu.vector_load %arg6[%swap3A_680] {strides = array<i32>} : memref<64000xf32, #tpu.memory_space<vmem>>, vector<16xf32>,
      tpu.vector_store %arg6[%swap3A_680], %add3A_675 {strides = array<i32>} : memref<64000xf32, #tpu.memory_space<vmem>>, vector<16xf32>,
      %get3A_682 = arith.constant 14 : i32
      %get3A_683 = arith.index_cast %get3A_682 : i32 to index
      %get3A_684 = arith.constant 16 : index
      %get3A_685 = tpu.vector_load %arg8[%get3A_683, %get3A_684] {strides = array<i32>} : memref<20x64xf32, #tpu.memory_space<vmem>>, vector<16xf32>,
      %add3A_686 = arith.addf %get3A_47, %get3A_685 : vector<16xf32>
      %add3A_687 = arith.constant 896 : i32
      %add3A_688 = arith.addi %mul3A_55, %add3A_687 : i32
      %add3A_689 = arith.constant 16 : i32
      %add3A_690 = arith.addi %add3A_688, %add3A_689 : i32
      %swap3A_691 = arith.index_cast %add3A_690 : i32 to index
      %swap3A_692 = tpu.vector_load %arg6[%swap3A_691] {strides = array<i32>} : memref<64000xf32, #tpu.memory_space<vmem>>, vector<16xf32>,
      tpu.vector_store %arg6[%swap3A_691], %add3A_686 {strides = array<i32>} : memref<64000xf32, #tpu.memory_space<vmem>>, vector<16xf32>,
      %get3A_693 = arith.constant 14 : i32
      %get3A_694 = arith.index_cast %get3A_693 : i32 to index
      %get3A_695 = arith.constant 32 : index
      %get3A_696 = tpu.vector_load %arg8[%get3A_694, %get3A_695] {strides = array<i32>} : memref<20x64xf32, #tpu.memory_space<vmem>>, vector<16xf32>,
      %add3A_697 = arith.addf %get3A_50, %get3A_696 : vector<16xf32>
      %add3A_698 = arith.constant 896 : i32
      %add3A_699 = arith.addi %mul3A_55, %add3A_698 : i32
      %add3A_700 = arith.constant 32 : i32
      %add3A_701 = arith.addi %add3A_699, %add3A_700 : i32
      %swap3A_702 = arith.index_cast %add3A_701 : i32 to index
      %swap3A_703 = tpu.vector_load %arg6[%swap3A_702] {strides = array<i32>} : memref<64000xf32, #tpu.memory_space<vmem>>, vector<16xf32>,
      tpu.vector_store %arg6[%swap3A_702], %add3A_697 {strides = array<i32>} : memref<64000xf32, #tpu.memory_space<vmem>>, vector<16xf32>,
      %get3A_704 = arith.constant 14 : i32
      %get3A_705 = arith.index_cast %get3A_704 : i32 to index
      %get3A_706 = arith.constant 48 : index
      %get3A_707 = tpu.vector_load %arg8[%get3A_705, %get3A_706] {strides = array<i32>} : memref<20x64xf32, #tpu.memory_space<vmem>>, vector<16xf32>,
      %add3A_708 = arith.addf %get3A_53, %get3A_707 : vector<16xf32>
      %add3A_709 = arith.constant 896 : i32
      %add3A_710 = arith.addi %mul3A_55, %add3A_709 : i32
      %add3A_711 = arith.constant 48 : i32
      %add3A_712 = arith.addi %add3A_710, %add3A_711 : i32
      %swap3A_713 = arith.index_cast %add3A_712 : i32 to index
      %swap3A_714 = tpu.vector_load %arg6[%swap3A_713] {strides = array<i32>} : memref<64000xf32, #tpu.memory_space<vmem>>, vector<16xf32>,
      tpu.vector_store %arg6[%swap3A_713], %add3A_708 {strides = array<i32>} : memref<64000xf32, #tpu.memory_space<vmem>>, vector<16xf32>,
      %get3A_715 = arith.constant 15 : i32
      %get3A_716 = arith.index_cast %get3A_715 : i32 to index
      %get3A_717 = arith.constant 0 : index
      %get3A_718 = tpu.vector_load %arg8[%get3A_716, %get3A_717] {strides = array<i32>} : memref<20x64xf32, #tpu.memory_space<vmem>>, vector<16xf32>,
      %add3A_719 = arith.addf %get3A_44, %get3A_718 : vector<16xf32>
      %add3A_720 = arith.constant 960 : i32
      %add3A_721 = arith.addi %mul3A_55, %add3A_720 : i32
      %add3A_722 = arith.constant 0 : i32
      %add3A_723 = arith.addi %add3A_721, %add3A_722 : i32
      %swap3A_724 = arith.index_cast %add3A_723 : i32 to index
      %swap3A_725 = tpu.vector_load %arg6[%swap3A_724] {strides = array<i32>} : memref<64000xf32, #tpu.memory_space<vmem>>, vector<16xf32>,
      tpu.vector_store %arg6[%swap3A_724], %add3A_719 {strides = array<i32>} : memref<64000xf32, #tpu.memory_space<vmem>>, vector<16xf32>,
      %get3A_726 = arith.constant 15 : i32
      %get3A_727 = arith.index_cast %get3A_726 : i32 to index
      %get3A_728 = arith.constant 16 : index
      %get3A_729 = tpu.vector_load %arg8[%get3A_727, %get3A_728] {strides = array<i32>} : memref<20x64xf32, #tpu.memory_space<vmem>>, vector<16xf32>,
      %add3A_730 = arith.addf %get3A_47, %get3A_729 : vector<16xf32>
      %add3A_731 = arith.constant 960 : i32
      %add3A_732 = arith.addi %mul3A_55, %add3A_731 : i32
      %add3A_733 = arith.constant 16 : i32
      %add3A_734 = arith.addi %add3A_732, %add3A_733 : i32
      %swap3A_735 = arith.index_cast %add3A_734 : i32 to index
      %swap3A_736 = tpu.vector_load %arg6[%swap3A_735] {strides = array<i32>} : memref<64000xf32, #tpu.memory_space<vmem>>, vector<16xf32>,
      tpu.vector_store %arg6[%swap3A_735], %add3A_730 {strides = array<i32>} : memref<64000xf32, #tpu.memory_space<vmem>>, vector<16xf32>,
      %get3A_737 = arith.constant 15 : i32
      %get3A_738 = arith.index_cast %get3A_737 : i32 to index
      %get3A_739 = arith.constant 32 : index
      %get3A_740 = tpu.vector_load %arg8[%get3A_738, %get3A_739] {strides = array<i32>} : memref<20x64xf32, #tpu.memory_space<vmem>>, vector<16xf32>,
      %add3A_741 = arith.addf %get3A_50, %get3A_740 : vector<16xf32>
      %add3A_742 = arith.constant 960 : i32
      %add3A_743 = arith.addi %mul3A_55, %add3A_742 : i32
      %add3A_744 = arith.constant 32 : i32
      %add3A_745 = arith.addi %add3A_743, %add3A_744 : i32
      %swap3A_746 = arith.index_cast %add3A_745 : i32 to index
      %swap3A_747 = tpu.vector_load %arg6[%swap3A_746] {strides = array<i32>} : memref<64000xf32, #tpu.memory_space<vmem>>, vector<16xf32>,
      tpu.vector_store %arg6[%swap3A_746], %add3A_741 {strides = array<i32>} : memref<64000xf32, #tpu.memory_space<vmem>>, vector<16xf32>,
      %get3A_748 = arith.constant 15 : i32
      %get3A_749 = arith.index_cast %get3A_748 : i32 to index
      %get3A_750 = arith.constant 48 : index
      %get3A_751 = tpu.vector_load %arg8[%get3A_749, %get3A_750] {strides = array<i32>} : memref<20x64xf32, #tpu.memory_space<vmem>>, vector<16xf32>,
      %add3A_752 = arith.addf %get3A_53, %get3A_751 : vector<16xf32>
      %add3A_753 = arith.constant 960 : i32
      %add3A_754 = arith.addi %mul3A_55, %add3A_753 : i32
      %add3A_755 = arith.constant 48 : i32
      %add3A_756 = arith.addi %add3A_754, %add3A_755 : i32
      %swap3A_757 = arith.index_cast %add3A_756 : i32 to index
      %swap3A_758 = tpu.vector_load %arg6[%swap3A_757] {strides = array<i32>} : memref<64000xf32, #tpu.memory_space<vmem>>, vector<16xf32>,
      tpu.vector_store %arg6[%swap3A_757], %add3A_752 {strides = array<i32>} : memref<64000xf32, #tpu.memory_space<vmem>>, vector<16xf32>,
      %get3A_759 = arith.constant 16 : i32
      %get3A_760 = arith.index_cast %get3A_759 : i32 to index
      %get3A_761 = arith.constant 0 : index
      %get3A_762 = tpu.vector_load %arg8[%get3A_760, %get3A_761] {strides = array<i32>} : memref<20x64xf32, #tpu.memory_space<vmem>>, vector<16xf32>,
      %add3A_763 = arith.addf %get3A_44, %get3A_762 : vector<16xf32>
      %add3A_764 = arith.constant 1024 : i32
      %add3A_765 = arith.addi %mul3A_55, %add3A_764 : i32
      %add3A_766 = arith.constant 0 : i32
      %add3A_767 = arith.addi %add3A_765, %add3A_766 : i32
      %swap3A_768 = arith.index_cast %add3A_767 : i32 to index
      %swap3A_769 = tpu.vector_load %arg6[%swap3A_768] {strides = array<i32>} : memref<64000xf32, #tpu.memory_space<vmem>>, vector<16xf32>,
      tpu.vector_store %arg6[%swap3A_768], %add3A_763 {strides = array<i32>} : memref<64000xf32, #tpu.memory_space<vmem>>, vector<16xf32>,
      %get3A_770 = arith.constant 16 : i32
      %get3A_771 = arith.index_cast %get3A_770 : i32 to index
      %get3A_772 = arith.constant 16 : index
      %get3A_773 = tpu.vector_load %arg8[%get3A_771, %get3A_772] {strides = array<i32>} : memref<20x64xf32, #tpu.memory_space<vmem>>, vector<16xf32>,
      %add3A_774 = arith.addf %get3A_47, %get3A_773 : vector<16xf32>
      %add3A_775 = arith.constant 1024 : i32
      %add3A_776 = arith.addi %mul3A_55, %add3A_775 : i32
      %add3A_777 = arith.constant 16 : i32
      %add3A_778 = arith.addi %add3A_776, %add3A_777 : i32
      %swap3A_779 = arith.index_cast %add3A_778 : i32 to index
      %swap3A_780 = tpu.vector_load %arg6[%swap3A_779] {strides = array<i32>} : memref<64000xf32, #tpu.memory_space<vmem>>, vector<16xf32>,
      tpu.vector_store %arg6[%swap3A_779], %add3A_774 {strides = array<i32>} : memref<64000xf32, #tpu.memory_space<vmem>>, vector<16xf32>,
      %get3A_781 = arith.constant 16 : i32
      %get3A_782 = arith.index_cast %get3A_781 : i32 to index
      %get3A_783 = arith.constant 32 : index
      %get3A_784 = tpu.vector_load %arg8[%get3A_782, %get3A_783] {strides = array<i32>} : memref<20x64xf32, #tpu.memory_space<vmem>>, vector<16xf32>,
      %add3A_785 = arith.addf %get3A_50, %get3A_784 : vector<16xf32>
      %add3A_786 = arith.constant 1024 : i32
      %add3A_787 = arith.addi %mul3A_55, %add3A_786 : i32
      %add3A_788 = arith.constant 32 : i32
      %add3A_789 = arith.addi %add3A_787, %add3A_788 : i32
      %swap3A_790 = arith.index_cast %add3A_789 : i32 to index
      %swap3A_791 = tpu.vector_load %arg6[%swap3A_790] {strides = array<i32>} : memref<64000xf32, #tpu.memory_space<vmem>>, vector<16xf32>,
      tpu.vector_store %arg6[%swap3A_790], %add3A_785 {strides = array<i32>} : memref<64000xf32, #tpu.memory_space<vmem>>, vector<16xf32>,
      %get3A_792 = arith.constant 16 : i32
      %get3A_793 = arith.index_cast %get3A_792 : i32 to index
      %get3A_794 = arith.constant 48 : index
      %get3A_795 = tpu.vector_load %arg8[%get3A_793, %get3A_794] {strides = array<i32>} : memref<20x64xf32, #tpu.memory_space<vmem>>, vector<16xf32>,
      %add3A_796 = arith.addf %get3A_53, %get3A_795 : vector<16xf32>
      %add3A_797 = arith.constant 1024 : i32
      %add3A_798 = arith.addi %mul3A_55, %add3A_797 : i32
      %add3A_799 = arith.constant 48 : i32
      %add3A_800 = arith.addi %add3A_798, %add3A_799 : i32
      %swap3A_801 = arith.index_cast %add3A_800 : i32 to index
      %swap3A_802 = tpu.vector_load %arg6[%swap3A_801] {strides = array<i32>} : memref<64000xf32, #tpu.memory_space<vmem>>, vector<16xf32>,
      tpu.vector_store %arg6[%swap3A_801], %add3A_796 {strides = array<i32>} : memref<64000xf32, #tpu.memory_space<vmem>>, vector<16xf32>,
      %get3A_803 = arith.constant 17 : i32
      %get3A_804 = arith.index_cast %get3A_803 : i32 to index
      %get3A_805 = arith.constant 0 : index
      %get3A_806 = tpu.vector_load %arg8[%get3A_804, %get3A_805] {strides = array<i32>} : memref<20x64xf32, #tpu.memory_space<vmem>>, vector<16xf32>,
      %add3A_807 = arith.addf %get3A_44, %get3A_806 : vector<16xf32>
      %add3A_808 = arith.constant 1088 : i32
      %add3A_809 = arith.addi %mul3A_55, %add3A_808 : i32
      %add3A_810 = arith.constant 0 : i32
      %add3A_811 = arith.addi %add3A_809, %add3A_810 : i32
      %swap3A_812 = arith.index_cast %add3A_811 : i32 to index
      %swap3A_813 = tpu.vector_load %arg6[%swap3A_812] {strides = array<i32>} : memref<64000xf32, #tpu.memory_space<vmem>>, vector<16xf32>,
      tpu.vector_store %arg6[%swap3A_812], %add3A_807 {strides = array<i32>} : memref<64000xf32, #tpu.memory_space<vmem>>, vector<16xf32>,
      %get3A_814 = arith.constant 17 : i32
      %get3A_815 = arith.index_cast %get3A_814 : i32 to index
      %get3A_816 = arith.constant 16 : index
      %get3A_817 = tpu.vector_load %arg8[%get3A_815, %get3A_816] {strides = array<i32>} : memref<20x64xf32, #tpu.memory_space<vmem>>, vector<16xf32>,
      %add3A_818 = arith.addf %get3A_47, %get3A_817 : vector<16xf32>
      %add3A_819 = arith.constant 1088 : i32
      %add3A_820 = arith.addi %mul3A_55, %add3A_819 : i32
      %add3A_821 = arith.constant 16 : i32
      %add3A_822 = arith.addi %add3A_820, %add3A_821 : i32
      %swap3A_823 = arith.index_cast %add3A_822 : i32 to index
      %swap3A_824 = tpu.vector_load %arg6[%swap3A_823] {strides = array<i32>} : memref<64000xf32, #tpu.memory_space<vmem>>, vector<16xf32>,
      tpu.vector_store %arg6[%swap3A_823], %add3A_818 {strides = array<i32>} : memref<64000xf32, #tpu.memory_space<vmem>>, vector<16xf32>,
      %get3A_825 = arith.constant 17 : i32
      %get3A_826 = arith.index_cast %get3A_825 : i32 to index
      %get3A_827 = arith.constant 32 : index
      %get3A_828 = tpu.vector_load %arg8[%get3A_826, %get3A_827] {strides = array<i32>} : memref<20x64xf32, #tpu.memory_space<vmem>>, vector<16xf32>,
      %add3A_829 = arith.addf %get3A_50, %get3A_828 : vector<16xf32>
      %add3A_830 = arith.constant 1088 : i32
      %add3A_831 = arith.addi %mul3A_55, %add3A_830 : i32
      %add3A_832 = arith.constant 32 : i32
      %add3A_833 = arith.addi %add3A_831, %add3A_832 : i32
      %swap3A_834 = arith.index_cast %add3A_833 : i32 to index
      %swap3A_835 = tpu.vector_load %arg6[%swap3A_834] {strides = array<i32>} : memref<64000xf32, #tpu.memory_space<vmem>>, vector<16xf32>,
      tpu.vector_store %arg6[%swap3A_834], %add3A_829 {strides = array<i32>} : memref<64000xf32, #tpu.memory_space<vmem>>, vector<16xf32>,
      %get3A_836 = arith.constant 17 : i32
      %get3A_837 = arith.index_cast %get3A_836 : i32 to index
      %get3A_838 = arith.constant 48 : index
      %get3A_839 = tpu.vector_load %arg8[%get3A_837, %get3A_838] {strides = array<i32>} : memref<20x64xf32, #tpu.memory_space<vmem>>, vector<16xf32>,
      %add3A_840 = arith.addf %get3A_53, %get3A_839 : vector<16xf32>
      %add3A_841 = arith.constant 1088 : i32
      %add3A_842 = arith.addi %mul3A_55, %add3A_841 : i32
      %add3A_843 = arith.constant 48 : i32
      %add3A_844 = arith.addi %add3A_842, %add3A_843 : i32
      %swap3A_845 = arith.index_cast %add3A_844 : i32 to index
      %swap3A_846 = tpu.vector_load %arg6[%swap3A_845] {strides = array<i32>} : memref<64000xf32, #tpu.memory_space<vmem>>, vector<16xf32>,
      tpu.vector_store %arg6[%swap3A_845], %add3A_840 {strides = array<i32>} : memref<64000xf32, #tpu.memory_space<vmem>>, vector<16xf32>,
      %get3A_847 = arith.constant 18 : i32
      %get3A_848 = arith.index_cast %get3A_847 : i32 to index
      %get3A_849 = arith.constant 0 : index
      %get3A_850 = tpu.vector_load %arg8[%get3A_848, %get3A_849] {strides = array<i32>} : memref<20x64xf32, #tpu.memory_space<vmem>>, vector<16xf32>,
      %add3A_851 = arith.addf %get3A_44, %get3A_850 : vector<16xf32>
      %add3A_852 = arith.constant 1152 : i32
      %add3A_853 = arith.addi %mul3A_55, %add3A_852 : i32
      %add3A_854 = arith.constant 0 : i32
      %add3A_855 = arith.addi %add3A_853, %add3A_854 : i32
      %swap3A_856 = arith.index_cast %add3A_855 : i32 to index
      %swap3A_857 = tpu.vector_load %arg6[%swap3A_856] {strides = array<i32>} : memref<64000xf32, #tpu.memory_space<vmem>>, vector<16xf32>,
      tpu.vector_store %arg6[%swap3A_856], %add3A_851 {strides = array<i32>} : memref<64000xf32, #tpu.memory_space<vmem>>, vector<16xf32>,
      %get3A_858 = arith.constant 18 : i32
      %get3A_859 = arith.index_cast %get3A_858 : i32 to index
      %get3A_860 = arith.constant 16 : index
      %get3A_861 = tpu.vector_load %arg8[%get3A_859, %get3A_860] {strides = array<i32>} : memref<20x64xf32, #tpu.memory_space<vmem>>, vector<16xf32>,
      %add3A_862 = arith.addf %get3A_47, %get3A_861 : vector<16xf32>
      %add3A_863 = arith.constant 1152 : i32
      %add3A_864 = arith.addi %mul3A_55, %add3A_863 : i32
      %add3A_865 = arith.constant 16 : i32
      %add3A_866 = arith.addi %add3A_864, %add3A_865 : i32
      %swap3A_867 = arith.index_cast %add3A_866 : i32 to index
      %swap3A_868 = tpu.vector_load %arg6[%swap3A_867] {strides = array<i32>} : memref<64000xf32, #tpu.memory_space<vmem>>, vector<16xf32>,
      tpu.vector_store %arg6[%swap3A_867], %add3A_862 {strides = array<i32>} : memref<64000xf32, #tpu.memory_space<vmem>>, vector<16xf32>,
      %get3A_869 = arith.constant 18 : i32
      %get3A_870 = arith.index_cast %get3A_869 : i32 to index
      %get3A_871 = arith.constant 32 : index
      %get3A_872 = tpu.vector_load %arg8[%get3A_870, %get3A_871] {strides = array<i32>} : memref<20x64xf32, #tpu.memory_space<vmem>>, vector<16xf32>,
      %add3A_873 = arith.addf %get3A_50, %get3A_872 : vector<16xf32>
      %add3A_874 = arith.constant 1152 : i32
      %add3A_875 = arith.addi %mul3A_55, %add3A_874 : i32
      %add3A_876 = arith.constant 32 : i32
      %add3A_877 = arith.addi %add3A_875, %add3A_876 : i32
      %swap3A_878 = arith.index_cast %add3A_877 : i32 to index
      %swap3A_879 = tpu.vector_load %arg6[%swap3A_878] {strides = array<i32>} : memref<64000xf32, #tpu.memory_space<vmem>>, vector<16xf32>,
      tpu.vector_store %arg6[%swap3A_878], %add3A_873 {strides = array<i32>} : memref<64000xf32, #tpu.memory_space<vmem>>, vector<16xf32>,
      %get3A_880 = arith.constant 18 : i32
      %get3A_881 = arith.index_cast %get3A_880 : i32 to index
      %get3A_882 = arith.constant 48 : index
      %get3A_883 = tpu.vector_load %arg8[%get3A_881, %get3A_882] {strides = array<i32>} : memref<20x64xf32, #tpu.memory_space<vmem>>, vector<16xf32>,
      %add3A_884 = arith.addf %get3A_53, %get3A_883 : vector<16xf32>
      %add3A_885 = arith.constant 1152 : i32
      %add3A_886 = arith.addi %mul3A_55, %add3A_885 : i32
      %add3A_887 = arith.constant 48 : i32
      %add3A_888 = arith.addi %add3A_886, %add3A_887 : i32
      %swap3A_889 = arith.index_cast %add3A_888 : i32 to index
      %swap3A_890 = tpu.vector_load %arg6[%swap3A_889] {strides = array<i32>} : memref<64000xf32, #tpu.memory_space<vmem>>, vector<16xf32>,
      tpu.vector_store %arg6[%swap3A_889], %add3A_884 {strides = array<i32>} : memref<64000xf32, #tpu.memory_space<vmem>>, vector<16xf32>,
      %get3A_891 = arith.constant 19 : i32
      %get3A_892 = arith.index_cast %get3A_891 : i32 to index
      %get3A_893 = arith.constant 0 : index
      %get3A_894 = tpu.vector_load %arg8[%get3A_892, %get3A_893] {strides = array<i32>} : memref<20x64xf32, #tpu.memory_space<vmem>>, vector<16xf32>,
      %add3A_895 = arith.addf %get3A_44, %get3A_894 : vector<16xf32>
      %add3A_896 = arith.constant 1216 : i32
      %add3A_897 = arith.addi %mul3A_55, %add3A_896 : i32
      %add3A_898 = arith.constant 0 : i32
      %add3A_899 = arith.addi %add3A_897, %add3A_898 : i32
      %swap3A_900 = arith.index_cast %add3A_899 : i32 to index
      %swap3A_901 = tpu.vector_load %arg6[%swap3A_900] {strides = array<i32>} : memref<64000xf32, #tpu.memory_space<vmem>>, vector<16xf32>,
      tpu.vector_store %arg6[%swap3A_900], %add3A_895 {strides = array<i32>} : memref<64000xf32, #tpu.memory_space<vmem>>, vector<16xf32>,
      %get3A_902 = arith.constant 19 : i32
      %get3A_903 = arith.index_cast %get3A_902 : i32 to index
      %get3A_904 = arith.constant 16 : index
      %get3A_905 = tpu.vector_load %arg8[%get3A_903, %get3A_904] {strides = array<i32>} : memref<20x64xf32, #tpu.memory_space<vmem>>, vector<16xf32>,
      %add3A_906 = arith.addf %get3A_47, %get3A_905 : vector<16xf32>
      %add3A_907 = arith.constant 1216 : i32
      %add3A_908 = arith.addi %mul3A_55, %add3A_907 : i32
      %add3A_909 = arith.constant 16 : i32
      %add3A_910 = arith.addi %add3A_908, %add3A_909 : i32
      %swap3A_911 = arith.index_cast %add3A_910 : i32 to index
      %swap3A_912 = tpu.vector_load %arg6[%swap3A_911] {strides = array<i32>} : memref<64000xf32, #tpu.memory_space<vmem>>, vector<16xf32>,
      tpu.vector_store %arg6[%swap3A_911], %add3A_906 {strides = array<i32>} : memref<64000xf32, #tpu.memory_space<vmem>>, vector<16xf32>,
      %get3A_913 = arith.constant 19 : i32
      %get3A_914 = arith.index_cast %get3A_913 : i32 to index
      %get3A_915 = arith.constant 32 : index
      %get3A_916 = tpu.vector_load %arg8[%get3A_914, %get3A_915] {strides = array<i32>} : memref<20x64xf32, #tpu.memory_space<vmem>>, vector<16xf32>,
      %add3A_917 = arith.addf %get3A_50, %get3A_916 : vector<16xf32>
      %add3A_918 = arith.constant 1216 : i32
      %add3A_919 = arith.addi %mul3A_55, %add3A_918 : i32
      %add3A_920 = arith.constant 32 : i32
      %add3A_921 = arith.addi %add3A_919, %add3A_920 : i32
      %swap3A_922 = arith.index_cast %add3A_921 : i32 to index
      %swap3A_923 = tpu.vector_load %arg6[%swap3A_922] {strides = array<i32>} : memref<64000xf32, #tpu.memory_space<vmem>>, vector<16xf32>,
      tpu.vector_store %arg6[%swap3A_922], %add3A_917 {strides = array<i32>} : memref<64000xf32, #tpu.memory_space<vmem>>, vector<16xf32>,
      %get3A_924 = arith.constant 19 : i32
      %get3A_925 = arith.index_cast %get3A_924 : i32 to index
      %get3A_926 = arith.constant 48 : index
      %get3A_927 = tpu.vector_load %arg8[%get3A_925, %get3A_926] {strides = array<i32>} : memref<20x64xf32, #tpu.memory_space<vmem>>, vector<16xf32>,
      %add3A_928 = arith.addf %get3A_53, %get3A_927 : vector<16xf32>
      %add3A_929 = arith.constant 1216 : i32
      %add3A_930 = arith.addi %mul3A_55, %add3A_929 : i32
      %add3A_931 = arith.constant 48 : i32
      %add3A_932 = arith.addi %add3A_930, %add3A_931 : i32
      %swap3A_933 = arith.index_cast %add3A_932 : i32 to index
      %swap3A_934 = tpu.vector_load %arg6[%swap3A_933] {strides = array<i32>} : memref<64000xf32, #tpu.memory_space<vmem>>, vector<16xf32>,
      tpu.vector_store %arg6[%swap3A_933], %add3A_928 {strides = array<i32>} : memref<64000xf32, #tpu.memory_space<vmem>>, vector<16xf32>,
      %scan3A_935 = arith.constant 0 : i32
      scf.yield %scan3A_935 : i32
    }
    %scan3A_8 = arith.constant 50 : i32
    %iota3A = tpu.iota {dimensions = array<i32: 0>} : vector<16xi32>
    %scan3A_9 = arith.constant 0 : i32
    %scan3A_10 = arith.constant 0 : i32
    %scan3A_11 = arith.constant 32 : i32
    %scan3A_12 = arith.addi %scan3A_10, %scan3A_11 : i32
    %scan3A_13 = arith.constant 1 : i32
    %scan3A_14 = scf.for %scan3A_41 = %scan3A_10 to %scan3A_12 step %scan3A_13 iter_args(%scan3A_42 = %scan3A_9) -> (i32)  : i32 {
      %mul3A_43 = arith.constant 2 : i32
      %mul3A_44 = arith.muli %scan3A_41, %mul3A_43 : i32
      %add3A_45 = arith.constant 0 : i32
      %add3A_46 = arith.addi %mul3A_44, %add3A_45 : i32
      %gt3A = arith.constant 0 : i32
      %gt3A_47 = arith.cmpi sgt, %scan3A_41, %gt3A : i32
      %convert_element_type3A = arith.extui %gt3A_47 : i1 to i32
      %cond3A = arith.constant 0 : i32
      %cond3A_48 = arith.cmpi ne, %convert_element_type3A, %cond3A : i32
      scf.if %cond3A_48 {
        %sub3A = arith.constant 2 : i32
        %sub3A_101 = arith.subi %add3A_46, %sub3A : i32
        %mul3A_102 = arith.constant 400 : i32
        %mul3A_103 = arith.muli %sub3A_101, %mul3A_102 : i32
        %add3A_104 = arith.addi %mul3A_2, %mul3A_103 : i32
        %mul3A_105 = arith.constant 64 : i32
        %mul3A_106 = arith.muli %add3A_104, %mul3A_105 : i32
        %dma_wait3A_107 = arith.constant 0 : i32
        %dma_wait3A_108 = arith.constant 0 : i32
        %dma_wait3A_109 = tpu.memref_slice %arg10[%dma_wait3A_107, %dma_wait3A_108] : memref<2x25600xf32, #tpu.memory_space<vmem>> -> memref<1x25600xf32, #tpu.memory_space<vmem>>
        %dma_wait3A_110 = tpu.memref_squeeze %dma_wait3A_109 : memref<1x25600xf32, #tpu.memory_space<vmem>> -> memref<25600xf32, #tpu.memory_space<vmem>>
        %dma_wait3A_111 = tpu.memref_slice %arg5[%mul3A_106] : memref<52428800xf32, #tpu.memory_space<hbm>> -> memref<25600xf32, #tpu.memory_space<hbm>>
        %dma_wait3A_112 = tpu.memref_slice %arg5[%mul3A_106] : memref<52428800xf32, #tpu.memory_space<hbm>> -> memref<25600xf32, #tpu.memory_space<hbm>>
        %dma_wait3A_113 = arith.constant 0 : i32
        %dma_wait3A_114 = tpu.memref_slice %arg10[%dma_wait3A_107, %dma_wait3A_113] : memref<2x25600xf32, #tpu.memory_space<vmem>> -> memref<1x25600xf32, #tpu.memory_space<vmem>>
        %dma_wait3A_115 = tpu.memref_squeeze %dma_wait3A_114 : memref<1x25600xf32, #tpu.memory_space<vmem>> -> memref<25600xf32, #tpu.memory_space<vmem>>
        tpu.wait_dma2 semaphore(%arg11 : memref<!tpu.dma_semaphore, #tpu.memory_space<semaphore_mem>>) src(%dma_wait3A_115 : memref<25600xf32, #tpu.memory_space<vmem>>) dst(%dma_wait3A_112 : memref<25600xf32, #tpu.memory_space<hbm>>)
      } else {
      }
      %mul3A_49 = arith.constant 400 : i32
      %mul3A_50 = arith.muli %add3A_46, %mul3A_49 : i32
      %add3A_51 = arith.addi %mul3A_2, %mul3A_50 : i32
      %run_scoped3A = arith.constant 0 : i32
      "tpu.region"() ({
        %run_scoped3A_101 = tpu.sem_alloc : memref<!tpu.dma_semaphore, #tpu.memory_space<semaphore_mem>>
        %dma_start3A_102 = arith.constant 0 : i32
        %dma_start3A_103 = tpu.memref_slice %arg9[%run_scoped3A, %dma_start3A_102] : memref<2x400xf32, #tpu.memory_space<vmem>> -> memref<1x400xf32, #tpu.memory_space<vmem>>
        %dma_start3A_104 = tpu.memref_squeeze %dma_start3A_103 : memref<1x400xf32, #tpu.memory_space<vmem>> -> memref<400xf32, #tpu.memory_space<vmem>>
        %dma_start3A_105 = tpu.memref_slice %arg2[%add3A_51] : memref<819200xf32, #tpu.memory_space<hbm>> -> memref<400xf32, #tpu.memory_space<hbm>>
        %dma_start3A_106 = arith.constant 0 : i32
        %dma_start3A_107 = tpu.memref_slice %arg9[%run_scoped3A, %dma_start3A_106] : memref<2x400xf32, #tpu.memory_space<vmem>> -> memref<1x400xf32, #tpu.memory_space<vmem>>
        %dma_start3A_108 = tpu.memref_squeeze %dma_start3A_107 : memref<1x400xf32, #tpu.memory_space<vmem>> -> memref<400xf32, #tpu.memory_space<vmem>>
        %dma_start3A_109 = tpu.memref_slice %arg2[%add3A_51] : memref<819200xf32, #tpu.memory_space<hbm>> -> memref<400xf32, #tpu.memory_space<hbm>>
        tpu.enqueue_dma source(%dma_start3A_109 : memref<400xf32, #tpu.memory_space<hbm>>) target(%dma_start3A_108 : memref<400xf32, #tpu.memory_space<vmem>>) target_semaphore(%run_scoped3A_101 : memref<!tpu.dma_semaphore, #tpu.memory_space<semaphore_mem>>)
        %dma_wait3A_110 = arith.constant 0 : i32
        %dma_wait3A_111 = tpu.memref_slice %arg9[%run_scoped3A, %dma_wait3A_110] : memref<2x400xf32, #tpu.memory_space<vmem>> -> memref<1x400xf32, #tpu.memory_space<vmem>>
        %dma_wait3A_112 = tpu.memref_squeeze %dma_wait3A_111 : memref<1x400xf32, #tpu.memory_space<vmem>> -> memref<400xf32, #tpu.memory_space<vmem>>
        %dma_wait3A_113 = tpu.memref_slice %arg2[%add3A_51] : memref<819200xf32, #tpu.memory_space<hbm>> -> memref<400xf32, #tpu.memory_space<hbm>>
        %dma_wait3A_114 = arith.constant 0 : i32
        %dma_wait3A_115 = tpu.memref_slice %arg9[%run_scoped3A, %dma_wait3A_114] : memref<2x400xf32, #tpu.memory_space<vmem>> -> memref<1x400xf32, #tpu.memory_space<vmem>>
        %dma_wait3A_116 = tpu.memref_squeeze %dma_wait3A_115 : memref<1x400xf32, #tpu.memory_space<vmem>> -> memref<400xf32, #tpu.memory_space<vmem>>
        %dma_wait3A_117 = tpu.memref_slice %arg2[%add3A_51] : memref<819200xf32, #tpu.memory_space<hbm>> -> memref<400xf32, #tpu.memory_space<hbm>>
        tpu.wait_dma2 semaphore(%run_scoped3A_101 : memref<!tpu.dma_semaphore, #tpu.memory_space<semaphore_mem>>) src(%dma_wait3A_117 : memref<400xf32, #tpu.memory_space<hbm>>) dst(%dma_wait3A_116 : memref<400xf32, #tpu.memory_space<vmem>>)
        tpu.yield
      }) : () -> ()
      %scan3A_52 = arith.constant 0 : i32
      %scan3A_53 = arith.constant 0 : i32
      %scan3A_54 = arith.constant 25 : i32
      %scan3A_55 = arith.addi %scan3A_53, %scan3A_54 : i32
      %scan3A_56 = arith.constant 1 : i32
      %scan3A_57 = scf.for %scan3A_101 = %scan3A_53 to %scan3A_55 step %scan3A_56 iter_args(%scan3A_102 = %scan3A_52) -> (i32)  : i32 {
        %mul3A_103 = arith.constant 16 : i32
        %mul3A_104 = arith.muli %scan3A_101, %mul3A_103 : i32
        %get3A = arith.constant 0 : i32
        %get3A_105 = arith.index_cast %get3A : i32 to index
        %get3A_106 = arith.index_cast %mul3A_104 : i32 to index
        %get3A_107 = tpu.vector_load %arg9[%get3A_105, %get3A_106] {strides = array<i32>} : memref<2x400xf32, #tpu.memory_space<vmem>>, vector<16xf32>,
        %mul3A_108 = arith.constant 1.000000e+03 : f32
        %mul3A_109 = vector.broadcast %mul3A_108 : f32 to vector<16xf32>
        %mul3A_110 = arith.mulf %get3A_107, %mul3A_109 : vector<16xf32>
        %convert_element_type3A_111 = arith.fptosi %mul3A_110 : vector<16xf32> to vector<16xi32>
        %convert_element_type3A_112 = arith.sitofp %convert_element_type3A_111 : vector<16xi32> to vector<16xf32>
        %sub3A = arith.subf %mul3A_110, %convert_element_type3A_112 : vector<16xf32>
        %gt3A_113 = arith.constant 5.000000e-01 : f32
        %gt3A_114 = vector.broadcast %gt3A_113 : f32 to vector<16xf32>
        %gt3A_115 = arith.cmpf ogt, %sub3A, %gt3A_114 : vector<16xf32>
        %eq3A = arith.constant 5.000000e-01 : f32
        %eq3A_116 = vector.broadcast %eq3A : f32 to vector<16xf32>
        %eq3A_117 = arith.cmpf oeq, %sub3A, %eq3A_116 : vector<16xf32>
        %and3A = arith.constant 1 : i32
        %and3A_118 = vector.broadcast %and3A : i32 to vector<16xi32>
        %and3A_119 = arith.andi %convert_element_type3A_111, %and3A_118 : vector<16xi32>
        %eq3A_120 = arith.constant 1 : i32
        %eq3A_121 = vector.broadcast %eq3A_120 : i32 to vector<16xi32>
        %eq3A_122 = arith.cmpi eq, %and3A_119, %eq3A_121 : vector<16xi32>
        %and3A_123 = arith.andi %eq3A_117, %eq3A_122 : vector<16xi1>
        %or3A = arith.ori %gt3A_115, %and3A_123 : vector<16xi1>
        %jit3A = arith.constant 1 : i32
        %jit3A_124 = arith.constant 0 : i32
        %broadcast_in_dim3A = vector.broadcast %jit3A : i32 to vector<16xi32>
        %broadcast_in_dim3A_125 = vector.broadcast %jit3A_124 : i32 to vector<16xi32>
        %select_n3A = arith.select %or3A, %broadcast_in_dim3A, %broadcast_in_dim3A_125 : vector<16xi1>, vector<16xi32>
        %add3A_126 = arith.addi %convert_element_type3A_111, %select_n3A : vector<16xi32>
        %min3A = arith.constant 999 : i32
        %min3A_127 = vector.broadcast %min3A : i32 to vector<16xi32>
        %min3A_128 = arith.minsi %add3A_126, %min3A_127 : vector<16xi32>
        %shift_left3A = arith.constant 6 : i32
        %shift_left3A_129 = vector.broadcast %shift_left3A : i32 to vector<16xi32>
        %shift_left3A_130 = arith.shli %min3A_128, %shift_left3A_129 : vector<16xi32>
        %mul3A_131 = arith.constant 16 : i32
        %mul3A_132 = arith.muli %scan3A_101, %mul3A_131 : i32
        %add3A_133 = vector.broadcast %mul3A_132 : i32 to vector<16xi32>
        %add3A_134 = arith.addi %add3A_133, %iota3A : vector<16xi32>
        %shift_left3A_135 = arith.constant 6 : i32
        %shift_left3A_136 = vector.broadcast %shift_left3A_135 : i32 to vector<16xi32>
        %shift_left3A_137 = arith.shli %add3A_134, %shift_left3A_136 : vector<16xi32>
        %gather3A = tpu.vector_load_idx %arg6[%shift_left3A_130] : memref<64000xf32, #tpu.memory_space<vmem>>[vector<16xi32>], vector<16xf32>,
        %scatter3A = arith.constant 0 : i32
        %scatter3A_138 = arith.constant 0 : i32
        %scatter3A_139 = tpu.memref_slice %arg10[%scatter3A, %scatter3A_138] : memref<2x25600xf32, #tpu.memory_space<vmem>> -> memref<1x25600xf32, #tpu.memory_space<vmem>>
        %scatter3A_140 = tpu.memref_squeeze %scatter3A_139 : memref<1x25600xf32, #tpu.memory_space<vmem>> -> memref<25600xf32, #tpu.memory_space<vmem>>
        tpu.vector_store_idx %scatter3A_140[%shift_left3A_137], %gather3A : memref<25600xf32, #tpu.memory_space<vmem>>[vector<16xi32>], vector<16xf32>,
        %add3A_141 = arith.constant 1 : i32
        %add3A_142 = vector.broadcast %add3A_141 : i32 to vector<16xi32>
        %add3A_143 = arith.addi %shift_left3A_130, %add3A_142 : vector<16xi32>
        %gather3A_144 = tpu.vector_load_idx %arg6[%add3A_143] : memref<64000xf32, #tpu.memory_space<vmem>>[vector<16xi32>], vector<16xf32>,
        %add3A_145 = arith.constant 1 : i32
        %add3A_146 = vector.broadcast %add3A_145 : i32 to vector<16xi32>
        %add3A_147 = arith.addi %shift_left3A_137, %add3A_146 : vector<16xi32>
        %scatter3A_148 = arith.constant 0 : i32
        %scatter3A_149 = arith.constant 0 : i32
        %scatter3A_150 = tpu.memref_slice %arg10[%scatter3A_148, %scatter3A_149] : memref<2x25600xf32, #tpu.memory_space<vmem>> -> memref<1x25600xf32, #tpu.memory_space<vmem>>
        %scatter3A_151 = tpu.memref_squeeze %scatter3A_150 : memref<1x25600xf32, #tpu.memory_space<vmem>> -> memref<25600xf32, #tpu.memory_space<vmem>>
        tpu.vector_store_idx %scatter3A_151[%add3A_147], %gather3A_144 : memref<25600xf32, #tpu.memory_space<vmem>>[vector<16xi32>], vector<16xf32>,
        %add3A_152 = arith.constant 2 : i32
        %add3A_153 = vector.broadcast %add3A_152 : i32 to vector<16xi32>
        %add3A_154 = arith.addi %shift_left3A_130, %add3A_153 : vector<16xi32>
        %gather3A_155 = tpu.vector_load_idx %arg6[%add3A_154] : memref<64000xf32, #tpu.memory_space<vmem>>[vector<16xi32>], vector<16xf32>,
        %add3A_156 = arith.constant 2 : i32
        %add3A_157 = vector.broadcast %add3A_156 : i32 to vector<16xi32>
        %add3A_158 = arith.addi %shift_left3A_137, %add3A_157 : vector<16xi32>
        %scatter3A_159 = arith.constant 0 : i32
        %scatter3A_160 = arith.constant 0 : i32
        %scatter3A_161 = tpu.memref_slice %arg10[%scatter3A_159, %scatter3A_160] : memref<2x25600xf32, #tpu.memory_space<vmem>> -> memref<1x25600xf32, #tpu.memory_space<vmem>>
        %scatter3A_162 = tpu.memref_squeeze %scatter3A_161 : memref<1x25600xf32, #tpu.memory_space<vmem>> -> memref<25600xf32, #tpu.memory_space<vmem>>
        tpu.vector_store_idx %scatter3A_162[%add3A_158], %gather3A_155 : memref<25600xf32, #tpu.memory_space<vmem>>[vector<16xi32>], vector<16xf32>,
        %add3A_163 = arith.constant 3 : i32
        %add3A_164 = vector.broadcast %add3A_163 : i32 to vector<16xi32>
        %add3A_165 = arith.addi %shift_left3A_130, %add3A_164 : vector<16xi32>
        %gather3A_166 = tpu.vector_load_idx %arg6[%add3A_165] : memref<64000xf32, #tpu.memory_space<vmem>>[vector<16xi32>], vector<16xf32>,
        %add3A_167 = arith.constant 3 : i32
        %add3A_168 = vector.broadcast %add3A_167 : i32 to vector<16xi32>
        %add3A_169 = arith.addi %shift_left3A_137, %add3A_168 : vector<16xi32>
        %scatter3A_170 = arith.constant 0 : i32
        %scatter3A_171 = arith.constant 0 : i32
        %scatter3A_172 = tpu.memref_slice %arg10[%scatter3A_170, %scatter3A_171] : memref<2x25600xf32, #tpu.memory_space<vmem>> -> memref<1x25600xf32, #tpu.memory_space<vmem>>
        %scatter3A_173 = tpu.memref_squeeze %scatter3A_172 : memref<1x25600xf32, #tpu.memory_space<vmem>> -> memref<25600xf32, #tpu.memory_space<vmem>>
        tpu.vector_store_idx %scatter3A_173[%add3A_169], %gather3A_166 : memref<25600xf32, #tpu.memory_space<vmem>>[vector<16xi32>], vector<16xf32>,
        %add3A_174 = arith.constant 4 : i32
        %add3A_175 = vector.broadcast %add3A_174 : i32 to vector<16xi32>
        %add3A_176 = arith.addi %shift_left3A_130, %add3A_175 : vector<16xi32>
        %gather3A_177 = tpu.vector_load_idx %arg6[%add3A_176] : memref<64000xf32, #tpu.memory_space<vmem>>[vector<16xi32>], vector<16xf32>,
        %add3A_178 = arith.constant 4 : i32
        %add3A_179 = vector.broadcast %add3A_178 : i32 to vector<16xi32>
        %add3A_180 = arith.addi %shift_left3A_137, %add3A_179 : vector<16xi32>
        %scatter3A_181 = arith.constant 0 : i32
        %scatter3A_182 = arith.constant 0 : i32
        %scatter3A_183 = tpu.memref_slice %arg10[%scatter3A_181, %scatter3A_182] : memref<2x25600xf32, #tpu.memory_space<vmem>> -> memref<1x25600xf32, #tpu.memory_space<vmem>>
        %scatter3A_184 = tpu.memref_squeeze %scatter3A_183 : memref<1x25600xf32, #tpu.memory_space<vmem>> -> memref<25600xf32, #tpu.memory_space<vmem>>
        tpu.vector_store_idx %scatter3A_184[%add3A_180], %gather3A_177 : memref<25600xf32, #tpu.memory_space<vmem>>[vector<16xi32>], vector<16xf32>,
        %add3A_185 = arith.constant 5 : i32
        %add3A_186 = vector.broadcast %add3A_185 : i32 to vector<16xi32>
        %add3A_187 = arith.addi %shift_left3A_130, %add3A_186 : vector<16xi32>
        %gather3A_188 = tpu.vector_load_idx %arg6[%add3A_187] : memref<64000xf32, #tpu.memory_space<vmem>>[vector<16xi32>], vector<16xf32>,
        %add3A_189 = arith.constant 5 : i32
        %add3A_190 = vector.broadcast %add3A_189 : i32 to vector<16xi32>
        %add3A_191 = arith.addi %shift_left3A_137, %add3A_190 : vector<16xi32>
        %scatter3A_192 = arith.constant 0 : i32
        %scatter3A_193 = arith.constant 0 : i32
        %scatter3A_194 = tpu.memref_slice %arg10[%scatter3A_192, %scatter3A_193] : memref<2x25600xf32, #tpu.memory_space<vmem>> -> memref<1x25600xf32, #tpu.memory_space<vmem>>
        %scatter3A_195 = tpu.memref_squeeze %scatter3A_194 : memref<1x25600xf32, #tpu.memory_space<vmem>> -> memref<25600xf32, #tpu.memory_space<vmem>>
        tpu.vector_store_idx %scatter3A_195[%add3A_191], %gather3A_188 : memref<25600xf32, #tpu.memory_space<vmem>>[vector<16xi32>], vector<16xf32>,
        %add3A_196 = arith.constant 6 : i32
        %add3A_197 = vector.broadcast %add3A_196 : i32 to vector<16xi32>
        %add3A_198 = arith.addi %shift_left3A_130, %add3A_197 : vector<16xi32>
        %gather3A_199 = tpu.vector_load_idx %arg6[%add3A_198] : memref<64000xf32, #tpu.memory_space<vmem>>[vector<16xi32>], vector<16xf32>,
        %add3A_200 = arith.constant 6 : i32
        %add3A_201 = vector.broadcast %add3A_200 : i32 to vector<16xi32>
        %add3A_202 = arith.addi %shift_left3A_137, %add3A_201 : vector<16xi32>
        %scatter3A_203 = arith.constant 0 : i32
        %scatter3A_204 = arith.constant 0 : i32
        %scatter3A_205 = tpu.memref_slice %arg10[%scatter3A_203, %scatter3A_204] : memref<2x25600xf32, #tpu.memory_space<vmem>> -> memref<1x25600xf32, #tpu.memory_space<vmem>>
        %scatter3A_206 = tpu.memref_squeeze %scatter3A_205 : memref<1x25600xf32, #tpu.memory_space<vmem>> -> memref<25600xf32, #tpu.memory_space<vmem>>
        tpu.vector_store_idx %scatter3A_206[%add3A_202], %gather3A_199 : memref<25600xf32, #tpu.memory_space<vmem>>[vector<16xi32>], vector<16xf32>,
        %add3A_207 = arith.constant 7 : i32
        %add3A_208 = vector.broadcast %add3A_207 : i32 to vector<16xi32>
        %add3A_209 = arith.addi %shift_left3A_130, %add3A_208 : vector<16xi32>
        %gather3A_210 = tpu.vector_load_idx %arg6[%add3A_209] : memref<64000xf32, #tpu.memory_space<vmem>>[vector<16xi32>], vector<16xf32>,
        %add3A_211 = arith.constant 7 : i32
        %add3A_212 = vector.broadcast %add3A_211 : i32 to vector<16xi32>
        %add3A_213 = arith.addi %shift_left3A_137, %add3A_212 : vector<16xi32>
        %scatter3A_214 = arith.constant 0 : i32
        %scatter3A_215 = arith.constant 0 : i32
        %scatter3A_216 = tpu.memref_slice %arg10[%scatter3A_214, %scatter3A_215] : memref<2x25600xf32, #tpu.memory_space<vmem>> -> memref<1x25600xf32, #tpu.memory_space<vmem>>
        %scatter3A_217 = tpu.memref_squeeze %scatter3A_216 : memref<1x25600xf32, #tpu.memory_space<vmem>> -> memref<25600xf32, #tpu.memory_space<vmem>>
        tpu.vector_store_idx %scatter3A_217[%add3A_213], %gather3A_210 : memref<25600xf32, #tpu.memory_space<vmem>>[vector<16xi32>], vector<16xf32>,
        %add3A_218 = arith.constant 8 : i32
        %add3A_219 = vector.broadcast %add3A_218 : i32 to vector<16xi32>
        %add3A_220 = arith.addi %shift_left3A_130, %add3A_219 : vector<16xi32>
        %gather3A_221 = tpu.vector_load_idx %arg6[%add3A_220] : memref<64000xf32, #tpu.memory_space<vmem>>[vector<16xi32>], vector<16xf32>,
        %add3A_222 = arith.constant 8 : i32
        %add3A_223 = vector.broadcast %add3A_222 : i32 to vector<16xi32>
        %add3A_224 = arith.addi %shift_left3A_137, %add3A_223 : vector<16xi32>
        %scatter3A_225 = arith.constant 0 : i32
        %scatter3A_226 = arith.constant 0 : i32
        %scatter3A_227 = tpu.memref_slice %arg10[%scatter3A_225, %scatter3A_226] : memref<2x25600xf32, #tpu.memory_space<vmem>> -> memref<1x25600xf32, #tpu.memory_space<vmem>>
        %scatter3A_228 = tpu.memref_squeeze %scatter3A_227 : memref<1x25600xf32, #tpu.memory_space<vmem>> -> memref<25600xf32, #tpu.memory_space<vmem>>
        tpu.vector_store_idx %scatter3A_228[%add3A_224], %gather3A_221 : memref<25600xf32, #tpu.memory_space<vmem>>[vector<16xi32>], vector<16xf32>,
        %add3A_229 = arith.constant 9 : i32
        %add3A_230 = vector.broadcast %add3A_229 : i32 to vector<16xi32>
        %add3A_231 = arith.addi %shift_left3A_130, %add3A_230 : vector<16xi32>
        %gather3A_232 = tpu.vector_load_idx %arg6[%add3A_231] : memref<64000xf32, #tpu.memory_space<vmem>>[vector<16xi32>], vector<16xf32>,
        %add3A_233 = arith.constant 9 : i32
        %add3A_234 = vector.broadcast %add3A_233 : i32 to vector<16xi32>
        %add3A_235 = arith.addi %shift_left3A_137, %add3A_234 : vector<16xi32>
        %scatter3A_236 = arith.constant 0 : i32
        %scatter3A_237 = arith.constant 0 : i32
        %scatter3A_238 = tpu.memref_slice %arg10[%scatter3A_236, %scatter3A_237] : memref<2x25600xf32, #tpu.memory_space<vmem>> -> memref<1x25600xf32, #tpu.memory_space<vmem>>
        %scatter3A_239 = tpu.memref_squeeze %scatter3A_238 : memref<1x25600xf32, #tpu.memory_space<vmem>> -> memref<25600xf32, #tpu.memory_space<vmem>>
        tpu.vector_store_idx %scatter3A_239[%add3A_235], %gather3A_232 : memref<25600xf32, #tpu.memory_space<vmem>>[vector<16xi32>], vector<16xf32>,
        %add3A_240 = arith.constant 10 : i32
        %add3A_241 = vector.broadcast %add3A_240 : i32 to vector<16xi32>
        %add3A_242 = arith.addi %shift_left3A_130, %add3A_241 : vector<16xi32>
        %gather3A_243 = tpu.vector_load_idx %arg6[%add3A_242] : memref<64000xf32, #tpu.memory_space<vmem>>[vector<16xi32>], vector<16xf32>,
        %add3A_244 = arith.constant 10 : i32
        %add3A_245 = vector.broadcast %add3A_244 : i32 to vector<16xi32>
        %add3A_246 = arith.addi %shift_left3A_137, %add3A_245 : vector<16xi32>
        %scatter3A_247 = arith.constant 0 : i32
        %scatter3A_248 = arith.constant 0 : i32
        %scatter3A_249 = tpu.memref_slice %arg10[%scatter3A_247, %scatter3A_248] : memref<2x25600xf32, #tpu.memory_space<vmem>> -> memref<1x25600xf32, #tpu.memory_space<vmem>>
        %scatter3A_250 = tpu.memref_squeeze %scatter3A_249 : memref<1x25600xf32, #tpu.memory_space<vmem>> -> memref<25600xf32, #tpu.memory_space<vmem>>
        tpu.vector_store_idx %scatter3A_250[%add3A_246], %gather3A_243 : memref<25600xf32, #tpu.memory_space<vmem>>[vector<16xi32>], vector<16xf32>,
        %add3A_251 = arith.constant 11 : i32
        %add3A_252 = vector.broadcast %add3A_251 : i32 to vector<16xi32>
        %add3A_253 = arith.addi %shift_left3A_130, %add3A_252 : vector<16xi32>
        %gather3A_254 = tpu.vector_load_idx %arg6[%add3A_253] : memref<64000xf32, #tpu.memory_space<vmem>>[vector<16xi32>], vector<16xf32>,
        %add3A_255 = arith.constant 11 : i32
        %add3A_256 = vector.broadcast %add3A_255 : i32 to vector<16xi32>
        %add3A_257 = arith.addi %shift_left3A_137, %add3A_256 : vector<16xi32>
        %scatter3A_258 = arith.constant 0 : i32
        %scatter3A_259 = arith.constant 0 : i32
        %scatter3A_260 = tpu.memref_slice %arg10[%scatter3A_258, %scatter3A_259] : memref<2x25600xf32, #tpu.memory_space<vmem>> -> memref<1x25600xf32, #tpu.memory_space<vmem>>
        %scatter3A_261 = tpu.memref_squeeze %scatter3A_260 : memref<1x25600xf32, #tpu.memory_space<vmem>> -> memref<25600xf32, #tpu.memory_space<vmem>>
        tpu.vector_store_idx %scatter3A_261[%add3A_257], %gather3A_254 : memref<25600xf32, #tpu.memory_space<vmem>>[vector<16xi32>], vector<16xf32>,
        %add3A_262 = arith.constant 12 : i32
        %add3A_263 = vector.broadcast %add3A_262 : i32 to vector<16xi32>
        %add3A_264 = arith.addi %shift_left3A_130, %add3A_263 : vector<16xi32>
        %gather3A_265 = tpu.vector_load_idx %arg6[%add3A_264] : memref<64000xf32, #tpu.memory_space<vmem>>[vector<16xi32>], vector<16xf32>,
        %add3A_266 = arith.constant 12 : i32
        %add3A_267 = vector.broadcast %add3A_266 : i32 to vector<16xi32>
        %add3A_268 = arith.addi %shift_left3A_137, %add3A_267 : vector<16xi32>
        %scatter3A_269 = arith.constant 0 : i32
        %scatter3A_270 = arith.constant 0 : i32
        %scatter3A_271 = tpu.memref_slice %arg10[%scatter3A_269, %scatter3A_270] : memref<2x25600xf32, #tpu.memory_space<vmem>> -> memref<1x25600xf32, #tpu.memory_space<vmem>>
        %scatter3A_272 = tpu.memref_squeeze %scatter3A_271 : memref<1x25600xf32, #tpu.memory_space<vmem>> -> memref<25600xf32, #tpu.memory_space<vmem>>
        tpu.vector_store_idx %scatter3A_272[%add3A_268], %gather3A_265 : memref<25600xf32, #tpu.memory_space<vmem>>[vector<16xi32>], vector<16xf32>,
        %add3A_273 = arith.constant 13 : i32
        %add3A_274 = vector.broadcast %add3A_273 : i32 to vector<16xi32>
        %add3A_275 = arith.addi %shift_left3A_130, %add3A_274 : vector<16xi32>
        %gather3A_276 = tpu.vector_load_idx %arg6[%add3A_275] : memref<64000xf32, #tpu.memory_space<vmem>>[vector<16xi32>], vector<16xf32>,
        %add3A_277 = arith.constant 13 : i32
        %add3A_278 = vector.broadcast %add3A_277 : i32 to vector<16xi32>
        %add3A_279 = arith.addi %shift_left3A_137, %add3A_278 : vector<16xi32>
        %scatter3A_280 = arith.constant 0 : i32
        %scatter3A_281 = arith.constant 0 : i32
        %scatter3A_282 = tpu.memref_slice %arg10[%scatter3A_280, %scatter3A_281] : memref<2x25600xf32, #tpu.memory_space<vmem>> -> memref<1x25600xf32, #tpu.memory_space<vmem>>
        %scatter3A_283 = tpu.memref_squeeze %scatter3A_282 : memref<1x25600xf32, #tpu.memory_space<vmem>> -> memref<25600xf32, #tpu.memory_space<vmem>>
        tpu.vector_store_idx %scatter3A_283[%add3A_279], %gather3A_276 : memref<25600xf32, #tpu.memory_space<vmem>>[vector<16xi32>], vector<16xf32>,
        %add3A_284 = arith.constant 14 : i32
        %add3A_285 = vector.broadcast %add3A_284 : i32 to vector<16xi32>
        %add3A_286 = arith.addi %shift_left3A_130, %add3A_285 : vector<16xi32>
        %gather3A_287 = tpu.vector_load_idx %arg6[%add3A_286] : memref<64000xf32, #tpu.memory_space<vmem>>[vector<16xi32>], vector<16xf32>,
        %add3A_288 = arith.constant 14 : i32
        %add3A_289 = vector.broadcast %add3A_288 : i32 to vector<16xi32>
        %add3A_290 = arith.addi %shift_left3A_137, %add3A_289 : vector<16xi32>
        %scatter3A_291 = arith.constant 0 : i32
        %scatter3A_292 = arith.constant 0 : i32
        %scatter3A_293 = tpu.memref_slice %arg10[%scatter3A_291, %scatter3A_292] : memref<2x25600xf32, #tpu.memory_space<vmem>> -> memref<1x25600xf32, #tpu.memory_space<vmem>>
        %scatter3A_294 = tpu.memref_squeeze %scatter3A_293 : memref<1x25600xf32, #tpu.memory_space<vmem>> -> memref<25600xf32, #tpu.memory_space<vmem>>
        tpu.vector_store_idx %scatter3A_294[%add3A_290], %gather3A_287 : memref<25600xf32, #tpu.memory_space<vmem>>[vector<16xi32>], vector<16xf32>,
        %add3A_295 = arith.constant 15 : i32
        %add3A_296 = vector.broadcast %add3A_295 : i32 to vector<16xi32>
        %add3A_297 = arith.addi %shift_left3A_130, %add3A_296 : vector<16xi32>
        %gather3A_298 = tpu.vector_load_idx %arg6[%add3A_297] : memref<64000xf32, #tpu.memory_space<vmem>>[vector<16xi32>], vector<16xf32>,
        %add3A_299 = arith.constant 15 : i32
        %add3A_300 = vector.broadcast %add3A_299 : i32 to vector<16xi32>
        %add3A_301 = arith.addi %shift_left3A_137, %add3A_300 : vector<16xi32>
        %scatter3A_302 = arith.constant 0 : i32
        %scatter3A_303 = arith.constant 0 : i32
        %scatter3A_304 = tpu.memref_slice %arg10[%scatter3A_302, %scatter3A_303] : memref<2x25600xf32, #tpu.memory_space<vmem>> -> memref<1x25600xf32, #tpu.memory_space<vmem>>
        %scatter3A_305 = tpu.memref_squeeze %scatter3A_304 : memref<1x25600xf32, #tpu.memory_space<vmem>> -> memref<25600xf32, #tpu.memory_space<vmem>>
        tpu.vector_store_idx %scatter3A_305[%add3A_301], %gather3A_298 : memref<25600xf32, #tpu.memory_space<vmem>>[vector<16xi32>], vector<16xf32>,
        %add3A_306 = arith.constant 16 : i32
        %add3A_307 = vector.broadcast %add3A_306 : i32 to vector<16xi32>
        %add3A_308 = arith.addi %shift_left3A_130, %add3A_307 : vector<16xi32>
        %gather3A_309 = tpu.vector_load_idx %arg6[%add3A_308] : memref<64000xf32, #tpu.memory_space<vmem>>[vector<16xi32>], vector<16xf32>,
        %add3A_310 = arith.constant 16 : i32
        %add3A_311 = vector.broadcast %add3A_310 : i32 to vector<16xi32>
        %add3A_312 = arith.addi %shift_left3A_137, %add3A_311 : vector<16xi32>
        %scatter3A_313 = arith.constant 0 : i32
        %scatter3A_314 = arith.constant 0 : i32
        %scatter3A_315 = tpu.memref_slice %arg10[%scatter3A_313, %scatter3A_314] : memref<2x25600xf32, #tpu.memory_space<vmem>> -> memref<1x25600xf32, #tpu.memory_space<vmem>>
        %scatter3A_316 = tpu.memref_squeeze %scatter3A_315 : memref<1x25600xf32, #tpu.memory_space<vmem>> -> memref<25600xf32, #tpu.memory_space<vmem>>
        tpu.vector_store_idx %scatter3A_316[%add3A_312], %gather3A_309 : memref<25600xf32, #tpu.memory_space<vmem>>[vector<16xi32>], vector<16xf32>,
        %add3A_317 = arith.constant 17 : i32
        %add3A_318 = vector.broadcast %add3A_317 : i32 to vector<16xi32>
        %add3A_319 = arith.addi %shift_left3A_130, %add3A_318 : vector<16xi32>
        %gather3A_320 = tpu.vector_load_idx %arg6[%add3A_319] : memref<64000xf32, #tpu.memory_space<vmem>>[vector<16xi32>], vector<16xf32>,
        %add3A_321 = arith.constant 17 : i32
        %add3A_322 = vector.broadcast %add3A_321 : i32 to vector<16xi32>
        %add3A_323 = arith.addi %shift_left3A_137, %add3A_322 : vector<16xi32>
        %scatter3A_324 = arith.constant 0 : i32
        %scatter3A_325 = arith.constant 0 : i32
        %scatter3A_326 = tpu.memref_slice %arg10[%scatter3A_324, %scatter3A_325] : memref<2x25600xf32, #tpu.memory_space<vmem>> -> memref<1x25600xf32, #tpu.memory_space<vmem>>
        %scatter3A_327 = tpu.memref_squeeze %scatter3A_326 : memref<1x25600xf32, #tpu.memory_space<vmem>> -> memref<25600xf32, #tpu.memory_space<vmem>>
        tpu.vector_store_idx %scatter3A_327[%add3A_323], %gather3A_320 : memref<25600xf32, #tpu.memory_space<vmem>>[vector<16xi32>], vector<16xf32>,
        %add3A_328 = arith.constant 18 : i32
        %add3A_329 = vector.broadcast %add3A_328 : i32 to vector<16xi32>
        %add3A_330 = arith.addi %shift_left3A_130, %add3A_329 : vector<16xi32>
        %gather3A_331 = tpu.vector_load_idx %arg6[%add3A_330] : memref<64000xf32, #tpu.memory_space<vmem>>[vector<16xi32>], vector<16xf32>,
        %add3A_332 = arith.constant 18 : i32
        %add3A_333 = vector.broadcast %add3A_332 : i32 to vector<16xi32>
        %add3A_334 = arith.addi %shift_left3A_137, %add3A_333 : vector<16xi32>
        %scatter3A_335 = arith.constant 0 : i32
        %scatter3A_336 = arith.constant 0 : i32
        %scatter3A_337 = tpu.memref_slice %arg10[%scatter3A_335, %scatter3A_336] : memref<2x25600xf32, #tpu.memory_space<vmem>> -> memref<1x25600xf32, #tpu.memory_space<vmem>>
        %scatter3A_338 = tpu.memref_squeeze %scatter3A_337 : memref<1x25600xf32, #tpu.memory_space<vmem>> -> memref<25600xf32, #tpu.memory_space<vmem>>
        tpu.vector_store_idx %scatter3A_338[%add3A_334], %gather3A_331 : memref<25600xf32, #tpu.memory_space<vmem>>[vector<16xi32>], vector<16xf32>,
        %add3A_339 = arith.constant 19 : i32
        %add3A_340 = vector.broadcast %add3A_339 : i32 to vector<16xi32>
        %add3A_341 = arith.addi %shift_left3A_130, %add3A_340 : vector<16xi32>
        %gather3A_342 = tpu.vector_load_idx %arg6[%add3A_341] : memref<64000xf32, #tpu.memory_space<vmem>>[vector<16xi32>], vector<16xf32>,
        %add3A_343 = arith.constant 19 : i32
        %add3A_344 = vector.broadcast %add3A_343 : i32 to vector<16xi32>
        %add3A_345 = arith.addi %shift_left3A_137, %add3A_344 : vector<16xi32>
        %scatter3A_346 = arith.constant 0 : i32
        %scatter3A_347 = arith.constant 0 : i32
        %scatter3A_348 = tpu.memref_slice %arg10[%scatter3A_346, %scatter3A_347] : memref<2x25600xf32, #tpu.memory_space<vmem>> -> memref<1x25600xf32, #tpu.memory_space<vmem>>
        %scatter3A_349 = tpu.memref_squeeze %scatter3A_348 : memref<1x25600xf32, #tpu.memory_space<vmem>> -> memref<25600xf32, #tpu.memory_space<vmem>>
        tpu.vector_store_idx %scatter3A_349[%add3A_345], %gather3A_342 : memref<25600xf32, #tpu.memory_space<vmem>>[vector<16xi32>], vector<16xf32>,
        %add3A_350 = arith.constant 20 : i32
        %add3A_351 = vector.broadcast %add3A_350 : i32 to vector<16xi32>
        %add3A_352 = arith.addi %shift_left3A_130, %add3A_351 : vector<16xi32>
        %gather3A_353 = tpu.vector_load_idx %arg6[%add3A_352] : memref<64000xf32, #tpu.memory_space<vmem>>[vector<16xi32>], vector<16xf32>,
        %add3A_354 = arith.constant 20 : i32
        %add3A_355 = vector.broadcast %add3A_354 : i32 to vector<16xi32>
        %add3A_356 = arith.addi %shift_left3A_137, %add3A_355 : vector<16xi32>
        %scatter3A_357 = arith.constant 0 : i32
        %scatter3A_358 = arith.constant 0 : i32
        %scatter3A_359 = tpu.memref_slice %arg10[%scatter3A_357, %scatter3A_358] : memref<2x25600xf32, #tpu.memory_space<vmem>> -> memref<1x25600xf32, #tpu.memory_space<vmem>>
        %scatter3A_360 = tpu.memref_squeeze %scatter3A_359 : memref<1x25600xf32, #tpu.memory_space<vmem>> -> memref<25600xf32, #tpu.memory_space<vmem>>
        tpu.vector_store_idx %scatter3A_360[%add3A_356], %gather3A_353 : memref<25600xf32, #tpu.memory_space<vmem>>[vector<16xi32>], vector<16xf32>,
        %add3A_361 = arith.constant 21 : i32
        %add3A_362 = vector.broadcast %add3A_361 : i32 to vector<16xi32>
        %add3A_363 = arith.addi %shift_left3A_130, %add3A_362 : vector<16xi32>
        %gather3A_364 = tpu.vector_load_idx %arg6[%add3A_363] : memref<64000xf32, #tpu.memory_space<vmem>>[vector<16xi32>], vector<16xf32>,
        %add3A_365 = arith.constant 21 : i32
        %add3A_366 = vector.broadcast %add3A_365 : i32 to vector<16xi32>
        %add3A_367 = arith.addi %shift_left3A_137, %add3A_366 : vector<16xi32>
        %scatter3A_368 = arith.constant 0 : i32
        %scatter3A_369 = arith.constant 0 : i32
        %scatter3A_370 = tpu.memref_slice %arg10[%scatter3A_368, %scatter3A_369] : memref<2x25600xf32, #tpu.memory_space<vmem>> -> memref<1x25600xf32, #tpu.memory_space<vmem>>
        %scatter3A_371 = tpu.memref_squeeze %scatter3A_370 : memref<1x25600xf32, #tpu.memory_space<vmem>> -> memref<25600xf32, #tpu.memory_space<vmem>>
        tpu.vector_store_idx %scatter3A_371[%add3A_367], %gather3A_364 : memref<25600xf32, #tpu.memory_space<vmem>>[vector<16xi32>], vector<16xf32>,
        %add3A_372 = arith.constant 22 : i32
        %add3A_373 = vector.broadcast %add3A_372 : i32 to vector<16xi32>
        %add3A_374 = arith.addi %shift_left3A_130, %add3A_373 : vector<16xi32>
        %gather3A_375 = tpu.vector_load_idx %arg6[%add3A_374] : memref<64000xf32, #tpu.memory_space<vmem>>[vector<16xi32>], vector<16xf32>,
        %add3A_376 = arith.constant 22 : i32
        %add3A_377 = vector.broadcast %add3A_376 : i32 to vector<16xi32>
        %add3A_378 = arith.addi %shift_left3A_137, %add3A_377 : vector<16xi32>
        %scatter3A_379 = arith.constant 0 : i32
        %scatter3A_380 = arith.constant 0 : i32
        %scatter3A_381 = tpu.memref_slice %arg10[%scatter3A_379, %scatter3A_380] : memref<2x25600xf32, #tpu.memory_space<vmem>> -> memref<1x25600xf32, #tpu.memory_space<vmem>>
        %scatter3A_382 = tpu.memref_squeeze %scatter3A_381 : memref<1x25600xf32, #tpu.memory_space<vmem>> -> memref<25600xf32, #tpu.memory_space<vmem>>
        tpu.vector_store_idx %scatter3A_382[%add3A_378], %gather3A_375 : memref<25600xf32, #tpu.memory_space<vmem>>[vector<16xi32>], vector<16xf32>,
        %add3A_383 = arith.constant 23 : i32
        %add3A_384 = vector.broadcast %add3A_383 : i32 to vector<16xi32>
        %add3A_385 = arith.addi %shift_left3A_130, %add3A_384 : vector<16xi32>
        %gather3A_386 = tpu.vector_load_idx %arg6[%add3A_385] : memref<64000xf32, #tpu.memory_space<vmem>>[vector<16xi32>], vector<16xf32>,
        %add3A_387 = arith.constant 23 : i32
        %add3A_388 = vector.broadcast %add3A_387 : i32 to vector<16xi32>
        %add3A_389 = arith.addi %shift_left3A_137, %add3A_388 : vector<16xi32>
        %scatter3A_390 = arith.constant 0 : i32
        %scatter3A_391 = arith.constant 0 : i32
        %scatter3A_392 = tpu.memref_slice %arg10[%scatter3A_390, %scatter3A_391] : memref<2x25600xf32, #tpu.memory_space<vmem>> -> memref<1x25600xf32, #tpu.memory_space<vmem>>
        %scatter3A_393 = tpu.memref_squeeze %scatter3A_392 : memref<1x25600xf32, #tpu.memory_space<vmem>> -> memref<25600xf32, #tpu.memory_space<vmem>>
        tpu.vector_store_idx %scatter3A_393[%add3A_389], %gather3A_386 : memref<25600xf32, #tpu.memory_space<vmem>>[vector<16xi32>], vector<16xf32>,
        %add3A_394 = arith.constant 24 : i32
        %add3A_395 = vector.broadcast %add3A_394 : i32 to vector<16xi32>
        %add3A_396 = arith.addi %shift_left3A_130, %add3A_395 : vector<16xi32>
        %gather3A_397 = tpu.vector_load_idx %arg6[%add3A_396] : memref<64000xf32, #tpu.memory_space<vmem>>[vector<16xi32>], vector<16xf32>,
        %add3A_398 = arith.constant 24 : i32
        %add3A_399 = vector.broadcast %add3A_398 : i32 to vector<16xi32>
        %add3A_400 = arith.addi %shift_left3A_137, %add3A_399 : vector<16xi32>
        %scatter3A_401 = arith.constant 0 : i32
        %scatter3A_402 = arith.constant 0 : i32
        %scatter3A_403 = tpu.memref_slice %arg10[%scatter3A_401, %scatter3A_402] : memref<2x25600xf32, #tpu.memory_space<vmem>> -> memref<1x25600xf32, #tpu.memory_space<vmem>>
        %scatter3A_404 = tpu.memref_squeeze %scatter3A_403 : memref<1x25600xf32, #tpu.memory_space<vmem>> -> memref<25600xf32, #tpu.memory_space<vmem>>
        tpu.vector_store_idx %scatter3A_404[%add3A_400], %gather3A_397 : memref<25600xf32, #tpu.memory_space<vmem>>[vector<16xi32>], vector<16xf32>,
        %add3A_405 = arith.constant 25 : i32
        %add3A_406 = vector.broadcast %add3A_405 : i32 to vector<16xi32>
        %add3A_407 = arith.addi %shift_left3A_130, %add3A_406 : vector<16xi32>
        %gather3A_408 = tpu.vector_load_idx %arg6[%add3A_407] : memref<64000xf32, #tpu.memory_space<vmem>>[vector<16xi32>], vector<16xf32>,
        %add3A_409 = arith.constant 25 : i32
        %add3A_410 = vector.broadcast %add3A_409 : i32 to vector<16xi32>
        %add3A_411 = arith.addi %shift_left3A_137, %add3A_410 : vector<16xi32>
        %scatter3A_412 = arith.constant 0 : i32
        %scatter3A_413 = arith.constant 0 : i32
        %scatter3A_414 = tpu.memref_slice %arg10[%scatter3A_412, %scatter3A_413] : memref<2x25600xf32, #tpu.memory_space<vmem>> -> memref<1x25600xf32, #tpu.memory_space<vmem>>
        %scatter3A_415 = tpu.memref_squeeze %scatter3A_414 : memref<1x25600xf32, #tpu.memory_space<vmem>> -> memref<25600xf32, #tpu.memory_space<vmem>>
        tpu.vector_store_idx %scatter3A_415[%add3A_411], %gather3A_408 : memref<25600xf32, #tpu.memory_space<vmem>>[vector<16xi32>], vector<16xf32>,
        %add3A_416 = arith.constant 26 : i32
        %add3A_417 = vector.broadcast %add3A_416 : i32 to vector<16xi32>
        %add3A_418 = arith.addi %shift_left3A_130, %add3A_417 : vector<16xi32>
        %gather3A_419 = tpu.vector_load_idx %arg6[%add3A_418] : memref<64000xf32, #tpu.memory_space<vmem>>[vector<16xi32>], vector<16xf32>,
        %add3A_420 = arith.constant 26 : i32
        %add3A_421 = vector.broadcast %add3A_420 : i32 to vector<16xi32>
        %add3A_422 = arith.addi %shift_left3A_137, %add3A_421 : vector<16xi32>
        %scatter3A_423 = arith.constant 0 : i32
        %scatter3A_424 = arith.constant 0 : i32
        %scatter3A_425 = tpu.memref_slice %arg10[%scatter3A_423, %scatter3A_424] : memref<2x25600xf32, #tpu.memory_space<vmem>> -> memref<1x25600xf32, #tpu.memory_space<vmem>>
        %scatter3A_426 = tpu.memref_squeeze %scatter3A_425 : memref<1x25600xf32, #tpu.memory_space<vmem>> -> memref<25600xf32, #tpu.memory_space<vmem>>
        tpu.vector_store_idx %scatter3A_426[%add3A_422], %gather3A_419 : memref<25600xf32, #tpu.memory_space<vmem>>[vector<16xi32>], vector<16xf32>,
        %add3A_427 = arith.constant 27 : i32
        %add3A_428 = vector.broadcast %add3A_427 : i32 to vector<16xi32>
        %add3A_429 = arith.addi %shift_left3A_130, %add3A_428 : vector<16xi32>
        %gather3A_430 = tpu.vector_load_idx %arg6[%add3A_429] : memref<64000xf32, #tpu.memory_space<vmem>>[vector<16xi32>], vector<16xf32>,
        %add3A_431 = arith.constant 27 : i32
        %add3A_432 = vector.broadcast %add3A_431 : i32 to vector<16xi32>
        %add3A_433 = arith.addi %shift_left3A_137, %add3A_432 : vector<16xi32>
        %scatter3A_434 = arith.constant 0 : i32
        %scatter3A_435 = arith.constant 0 : i32
        %scatter3A_436 = tpu.memref_slice %arg10[%scatter3A_434, %scatter3A_435] : memref<2x25600xf32, #tpu.memory_space<vmem>> -> memref<1x25600xf32, #tpu.memory_space<vmem>>
        %scatter3A_437 = tpu.memref_squeeze %scatter3A_436 : memref<1x25600xf32, #tpu.memory_space<vmem>> -> memref<25600xf32, #tpu.memory_space<vmem>>
        tpu.vector_store_idx %scatter3A_437[%add3A_433], %gather3A_430 : memref<25600xf32, #tpu.memory_space<vmem>>[vector<16xi32>], vector<16xf32>,
        %add3A_438 = arith.constant 28 : i32
        %add3A_439 = vector.broadcast %add3A_438 : i32 to vector<16xi32>
        %add3A_440 = arith.addi %shift_left3A_130, %add3A_439 : vector<16xi32>
        %gather3A_441 = tpu.vector_load_idx %arg6[%add3A_440] : memref<64000xf32, #tpu.memory_space<vmem>>[vector<16xi32>], vector<16xf32>,
        %add3A_442 = arith.constant 28 : i32
        %add3A_443 = vector.broadcast %add3A_442 : i32 to vector<16xi32>
        %add3A_444 = arith.addi %shift_left3A_137, %add3A_443 : vector<16xi32>
        %scatter3A_445 = arith.constant 0 : i32
        %scatter3A_446 = arith.constant 0 : i32
        %scatter3A_447 = tpu.memref_slice %arg10[%scatter3A_445, %scatter3A_446] : memref<2x25600xf32, #tpu.memory_space<vmem>> -> memref<1x25600xf32, #tpu.memory_space<vmem>>
        %scatter3A_448 = tpu.memref_squeeze %scatter3A_447 : memref<1x25600xf32, #tpu.memory_space<vmem>> -> memref<25600xf32, #tpu.memory_space<vmem>>
        tpu.vector_store_idx %scatter3A_448[%add3A_444], %gather3A_441 : memref<25600xf32, #tpu.memory_space<vmem>>[vector<16xi32>], vector<16xf32>,
        %add3A_449 = arith.constant 29 : i32
        %add3A_450 = vector.broadcast %add3A_449 : i32 to vector<16xi32>
        %add3A_451 = arith.addi %shift_left3A_130, %add3A_450 : vector<16xi32>
        %gather3A_452 = tpu.vector_load_idx %arg6[%add3A_451] : memref<64000xf32, #tpu.memory_space<vmem>>[vector<16xi32>], vector<16xf32>,
        %add3A_453 = arith.constant 29 : i32
        %add3A_454 = vector.broadcast %add3A_453 : i32 to vector<16xi32>
        %add3A_455 = arith.addi %shift_left3A_137, %add3A_454 : vector<16xi32>
        %scatter3A_456 = arith.constant 0 : i32
        %scatter3A_457 = arith.constant 0 : i32
        %scatter3A_458 = tpu.memref_slice %arg10[%scatter3A_456, %scatter3A_457] : memref<2x25600xf32, #tpu.memory_space<vmem>> -> memref<1x25600xf32, #tpu.memory_space<vmem>>
        %scatter3A_459 = tpu.memref_squeeze %scatter3A_458 : memref<1x25600xf32, #tpu.memory_space<vmem>> -> memref<25600xf32, #tpu.memory_space<vmem>>
        tpu.vector_store_idx %scatter3A_459[%add3A_455], %gather3A_452 : memref<25600xf32, #tpu.memory_space<vmem>>[vector<16xi32>], vector<16xf32>,
        %add3A_460 = arith.constant 30 : i32
        %add3A_461 = vector.broadcast %add3A_460 : i32 to vector<16xi32>
        %add3A_462 = arith.addi %shift_left3A_130, %add3A_461 : vector<16xi32>
        %gather3A_463 = tpu.vector_load_idx %arg6[%add3A_462] : memref<64000xf32, #tpu.memory_space<vmem>>[vector<16xi32>], vector<16xf32>,
        %add3A_464 = arith.constant 30 : i32
        %add3A_465 = vector.broadcast %add3A_464 : i32 to vector<16xi32>
        %add3A_466 = arith.addi %shift_left3A_137, %add3A_465 : vector<16xi32>
        %scatter3A_467 = arith.constant 0 : i32
        %scatter3A_468 = arith.constant 0 : i32
        %scatter3A_469 = tpu.memref_slice %arg10[%scatter3A_467, %scatter3A_468] : memref<2x25600xf32, #tpu.memory_space<vmem>> -> memref<1x25600xf32, #tpu.memory_space<vmem>>
        %scatter3A_470 = tpu.memref_squeeze %scatter3A_469 : memref<1x25600xf32, #tpu.memory_space<vmem>> -> memref<25600xf32, #tpu.memory_space<vmem>>
        tpu.vector_store_idx %scatter3A_470[%add3A_466], %gather3A_463 : memref<25600xf32, #tpu.memory_space<vmem>>[vector<16xi32>], vector<16xf32>,
        %add3A_471 = arith.constant 31 : i32
        %add3A_472 = vector.broadcast %add3A_471 : i32 to vector<16xi32>
        %add3A_473 = arith.addi %shift_left3A_130, %add3A_472 : vector<16xi32>
        %gather3A_474 = tpu.vector_load_idx %arg6[%add3A_473] : memref<64000xf32, #tpu.memory_space<vmem>>[vector<16xi32>], vector<16xf32>,
        %add3A_475 = arith.constant 31 : i32
        %add3A_476 = vector.broadcast %add3A_475 : i32 to vector<16xi32>
        %add3A_477 = arith.addi %shift_left3A_137, %add3A_476 : vector<16xi32>
        %scatter3A_478 = arith.constant 0 : i32
        %scatter3A_479 = arith.constant 0 : i32
        %scatter3A_480 = tpu.memref_slice %arg10[%scatter3A_478, %scatter3A_479] : memref<2x25600xf32, #tpu.memory_space<vmem>> -> memref<1x25600xf32, #tpu.memory_space<vmem>>
        %scatter3A_481 = tpu.memref_squeeze %scatter3A_480 : memref<1x25600xf32, #tpu.memory_space<vmem>> -> memref<25600xf32, #tpu.memory_space<vmem>>
        tpu.vector_store_idx %scatter3A_481[%add3A_477], %gather3A_474 : memref<25600xf32, #tpu.memory_space<vmem>>[vector<16xi32>], vector<16xf32>,
        %add3A_482 = arith.constant 32 : i32
        %add3A_483 = vector.broadcast %add3A_482 : i32 to vector<16xi32>
        %add3A_484 = arith.addi %shift_left3A_130, %add3A_483 : vector<16xi32>
        %gather3A_485 = tpu.vector_load_idx %arg6[%add3A_484] : memref<64000xf32, #tpu.memory_space<vmem>>[vector<16xi32>], vector<16xf32>,
        %add3A_486 = arith.constant 32 : i32
        %add3A_487 = vector.broadcast %add3A_486 : i32 to vector<16xi32>
        %add3A_488 = arith.addi %shift_left3A_137, %add3A_487 : vector<16xi32>
        %scatter3A_489 = arith.constant 0 : i32
        %scatter3A_490 = arith.constant 0 : i32
        %scatter3A_491 = tpu.memref_slice %arg10[%scatter3A_489, %scatter3A_490] : memref<2x25600xf32, #tpu.memory_space<vmem>> -> memref<1x25600xf32, #tpu.memory_space<vmem>>
        %scatter3A_492 = tpu.memref_squeeze %scatter3A_491 : memref<1x25600xf32, #tpu.memory_space<vmem>> -> memref<25600xf32, #tpu.memory_space<vmem>>
        tpu.vector_store_idx %scatter3A_492[%add3A_488], %gather3A_485 : memref<25600xf32, #tpu.memory_space<vmem>>[vector<16xi32>], vector<16xf32>,
        %add3A_493 = arith.constant 33 : i32
        %add3A_494 = vector.broadcast %add3A_493 : i32 to vector<16xi32>
        %add3A_495 = arith.addi %shift_left3A_130, %add3A_494 : vector<16xi32>
        %gather3A_496 = tpu.vector_load_idx %arg6[%add3A_495] : memref<64000xf32, #tpu.memory_space<vmem>>[vector<16xi32>], vector<16xf32>,
        %add3A_497 = arith.constant 33 : i32
        %add3A_498 = vector.broadcast %add3A_497 : i32 to vector<16xi32>
        %add3A_499 = arith.addi %shift_left3A_137, %add3A_498 : vector<16xi32>
        %scatter3A_500 = arith.constant 0 : i32
        %scatter3A_501 = arith.constant 0 : i32
        %scatter3A_502 = tpu.memref_slice %arg10[%scatter3A_500, %scatter3A_501] : memref<2x25600xf32, #tpu.memory_space<vmem>> -> memref<1x25600xf32, #tpu.memory_space<vmem>>
        %scatter3A_503 = tpu.memref_squeeze %scatter3A_502 : memref<1x25600xf32, #tpu.memory_space<vmem>> -> memref<25600xf32, #tpu.memory_space<vmem>>
        tpu.vector_store_idx %scatter3A_503[%add3A_499], %gather3A_496 : memref<25600xf32, #tpu.memory_space<vmem>>[vector<16xi32>], vector<16xf32>,
        %add3A_504 = arith.constant 34 : i32
        %add3A_505 = vector.broadcast %add3A_504 : i32 to vector<16xi32>
        %add3A_506 = arith.addi %shift_left3A_130, %add3A_505 : vector<16xi32>
        %gather3A_507 = tpu.vector_load_idx %arg6[%add3A_506] : memref<64000xf32, #tpu.memory_space<vmem>>[vector<16xi32>], vector<16xf32>,
        %add3A_508 = arith.constant 34 : i32
        %add3A_509 = vector.broadcast %add3A_508 : i32 to vector<16xi32>
        %add3A_510 = arith.addi %shift_left3A_137, %add3A_509 : vector<16xi32>
        %scatter3A_511 = arith.constant 0 : i32
        %scatter3A_512 = arith.constant 0 : i32
        %scatter3A_513 = tpu.memref_slice %arg10[%scatter3A_511, %scatter3A_512] : memref<2x25600xf32, #tpu.memory_space<vmem>> -> memref<1x25600xf32, #tpu.memory_space<vmem>>
        %scatter3A_514 = tpu.memref_squeeze %scatter3A_513 : memref<1x25600xf32, #tpu.memory_space<vmem>> -> memref<25600xf32, #tpu.memory_space<vmem>>
        tpu.vector_store_idx %scatter3A_514[%add3A_510], %gather3A_507 : memref<25600xf32, #tpu.memory_space<vmem>>[vector<16xi32>], vector<16xf32>,
        %add3A_515 = arith.constant 35 : i32
        %add3A_516 = vector.broadcast %add3A_515 : i32 to vector<16xi32>
        %add3A_517 = arith.addi %shift_left3A_130, %add3A_516 : vector<16xi32>
        %gather3A_518 = tpu.vector_load_idx %arg6[%add3A_517] : memref<64000xf32, #tpu.memory_space<vmem>>[vector<16xi32>], vector<16xf32>,
        %add3A_519 = arith.constant 35 : i32
        %add3A_520 = vector.broadcast %add3A_519 : i32 to vector<16xi32>
        %add3A_521 = arith.addi %shift_left3A_137, %add3A_520 : vector<16xi32>
        %scatter3A_522 = arith.constant 0 : i32
        %scatter3A_523 = arith.constant 0 : i32
        %scatter3A_524 = tpu.memref_slice %arg10[%scatter3A_522, %scatter3A_523] : memref<2x25600xf32, #tpu.memory_space<vmem>> -> memref<1x25600xf32, #tpu.memory_space<vmem>>
        %scatter3A_525 = tpu.memref_squeeze %scatter3A_524 : memref<1x25600xf32, #tpu.memory_space<vmem>> -> memref<25600xf32, #tpu.memory_space<vmem>>
        tpu.vector_store_idx %scatter3A_525[%add3A_521], %gather3A_518 : memref<25600xf32, #tpu.memory_space<vmem>>[vector<16xi32>], vector<16xf32>,
        %add3A_526 = arith.constant 36 : i32
        %add3A_527 = vector.broadcast %add3A_526 : i32 to vector<16xi32>
        %add3A_528 = arith.addi %shift_left3A_130, %add3A_527 : vector<16xi32>
        %gather3A_529 = tpu.vector_load_idx %arg6[%add3A_528] : memref<64000xf32, #tpu.memory_space<vmem>>[vector<16xi32>], vector<16xf32>,
        %add3A_530 = arith.constant 36 : i32
        %add3A_531 = vector.broadcast %add3A_530 : i32 to vector<16xi32>
        %add3A_532 = arith.addi %shift_left3A_137, %add3A_531 : vector<16xi32>
        %scatter3A_533 = arith.constant 0 : i32
        %scatter3A_534 = arith.constant 0 : i32
        %scatter3A_535 = tpu.memref_slice %arg10[%scatter3A_533, %scatter3A_534] : memref<2x25600xf32, #tpu.memory_space<vmem>> -> memref<1x25600xf32, #tpu.memory_space<vmem>>
        %scatter3A_536 = tpu.memref_squeeze %scatter3A_535 : memref<1x25600xf32, #tpu.memory_space<vmem>> -> memref<25600xf32, #tpu.memory_space<vmem>>
        tpu.vector_store_idx %scatter3A_536[%add3A_532], %gather3A_529 : memref<25600xf32, #tpu.memory_space<vmem>>[vector<16xi32>], vector<16xf32>,
        %add3A_537 = arith.constant 37 : i32
        %add3A_538 = vector.broadcast %add3A_537 : i32 to vector<16xi32>
        %add3A_539 = arith.addi %shift_left3A_130, %add3A_538 : vector<16xi32>
        %gather3A_540 = tpu.vector_load_idx %arg6[%add3A_539] : memref<64000xf32, #tpu.memory_space<vmem>>[vector<16xi32>], vector<16xf32>,
        %add3A_541 = arith.constant 37 : i32
        %add3A_542 = vector.broadcast %add3A_541 : i32 to vector<16xi32>
        %add3A_543 = arith.addi %shift_left3A_137, %add3A_542 : vector<16xi32>
        %scatter3A_544 = arith.constant 0 : i32
        %scatter3A_545 = arith.constant 0 : i32
        %scatter3A_546 = tpu.memref_slice %arg10[%scatter3A_544, %scatter3A_545] : memref<2x25600xf32, #tpu.memory_space<vmem>> -> memref<1x25600xf32, #tpu.memory_space<vmem>>
        %scatter3A_547 = tpu.memref_squeeze %scatter3A_546 : memref<1x25600xf32, #tpu.memory_space<vmem>> -> memref<25600xf32, #tpu.memory_space<vmem>>
        tpu.vector_store_idx %scatter3A_547[%add3A_543], %gather3A_540 : memref<25600xf32, #tpu.memory_space<vmem>>[vector<16xi32>], vector<16xf32>,
        %add3A_548 = arith.constant 38 : i32
        %add3A_549 = vector.broadcast %add3A_548 : i32 to vector<16xi32>
        %add3A_550 = arith.addi %shift_left3A_130, %add3A_549 : vector<16xi32>
        %gather3A_551 = tpu.vector_load_idx %arg6[%add3A_550] : memref<64000xf32, #tpu.memory_space<vmem>>[vector<16xi32>], vector<16xf32>,
        %add3A_552 = arith.constant 38 : i32
        %add3A_553 = vector.broadcast %add3A_552 : i32 to vector<16xi32>
        %add3A_554 = arith.addi %shift_left3A_137, %add3A_553 : vector<16xi32>
        %scatter3A_555 = arith.constant 0 : i32
        %scatter3A_556 = arith.constant 0 : i32
        %scatter3A_557 = tpu.memref_slice %arg10[%scatter3A_555, %scatter3A_556] : memref<2x25600xf32, #tpu.memory_space<vmem>> -> memref<1x25600xf32, #tpu.memory_space<vmem>>
        %scatter3A_558 = tpu.memref_squeeze %scatter3A_557 : memref<1x25600xf32, #tpu.memory_space<vmem>> -> memref<25600xf32, #tpu.memory_space<vmem>>
        tpu.vector_store_idx %scatter3A_558[%add3A_554], %gather3A_551 : memref<25600xf32, #tpu.memory_space<vmem>>[vector<16xi32>], vector<16xf32>,
        %add3A_559 = arith.constant 39 : i32
        %add3A_560 = vector.broadcast %add3A_559 : i32 to vector<16xi32>
        %add3A_561 = arith.addi %shift_left3A_130, %add3A_560 : vector<16xi32>
        %gather3A_562 = tpu.vector_load_idx %arg6[%add3A_561] : memref<64000xf32, #tpu.memory_space<vmem>>[vector<16xi32>], vector<16xf32>,
        %add3A_563 = arith.constant 39 : i32
        %add3A_564 = vector.broadcast %add3A_563 : i32 to vector<16xi32>
        %add3A_565 = arith.addi %shift_left3A_137, %add3A_564 : vector<16xi32>
        %scatter3A_566 = arith.constant 0 : i32
        %scatter3A_567 = arith.constant 0 : i32
        %scatter3A_568 = tpu.memref_slice %arg10[%scatter3A_566, %scatter3A_567] : memref<2x25600xf32, #tpu.memory_space<vmem>> -> memref<1x25600xf32, #tpu.memory_space<vmem>>
        %scatter3A_569 = tpu.memref_squeeze %scatter3A_568 : memref<1x25600xf32, #tpu.memory_space<vmem>> -> memref<25600xf32, #tpu.memory_space<vmem>>
        tpu.vector_store_idx %scatter3A_569[%add3A_565], %gather3A_562 : memref<25600xf32, #tpu.memory_space<vmem>>[vector<16xi32>], vector<16xf32>,
        %add3A_570 = arith.constant 40 : i32
        %add3A_571 = vector.broadcast %add3A_570 : i32 to vector<16xi32>
        %add3A_572 = arith.addi %shift_left3A_130, %add3A_571 : vector<16xi32>
        %gather3A_573 = tpu.vector_load_idx %arg6[%add3A_572] : memref<64000xf32, #tpu.memory_space<vmem>>[vector<16xi32>], vector<16xf32>,
        %add3A_574 = arith.constant 40 : i32
        %add3A_575 = vector.broadcast %add3A_574 : i32 to vector<16xi32>
        %add3A_576 = arith.addi %shift_left3A_137, %add3A_575 : vector<16xi32>
        %scatter3A_577 = arith.constant 0 : i32
        %scatter3A_578 = arith.constant 0 : i32
        %scatter3A_579 = tpu.memref_slice %arg10[%scatter3A_577, %scatter3A_578] : memref<2x25600xf32, #tpu.memory_space<vmem>> -> memref<1x25600xf32, #tpu.memory_space<vmem>>
        %scatter3A_580 = tpu.memref_squeeze %scatter3A_579 : memref<1x25600xf32, #tpu.memory_space<vmem>> -> memref<25600xf32, #tpu.memory_space<vmem>>
        tpu.vector_store_idx %scatter3A_580[%add3A_576], %gather3A_573 : memref<25600xf32, #tpu.memory_space<vmem>>[vector<16xi32>], vector<16xf32>,
        %add3A_581 = arith.constant 41 : i32
        %add3A_582 = vector.broadcast %add3A_581 : i32 to vector<16xi32>
        %add3A_583 = arith.addi %shift_left3A_130, %add3A_582 : vector<16xi32>
        %gather3A_584 = tpu.vector_load_idx %arg6[%add3A_583] : memref<64000xf32, #tpu.memory_space<vmem>>[vector<16xi32>], vector<16xf32>,
        %add3A_585 = arith.constant 41 : i32
        %add3A_586 = vector.broadcast %add3A_585 : i32 to vector<16xi32>
        %add3A_587 = arith.addi %shift_left3A_137, %add3A_586 : vector<16xi32>
        %scatter3A_588 = arith.constant 0 : i32
        %scatter3A_589 = arith.constant 0 : i32
        %scatter3A_590 = tpu.memref_slice %arg10[%scatter3A_588, %scatter3A_589] : memref<2x25600xf32, #tpu.memory_space<vmem>> -> memref<1x25600xf32, #tpu.memory_space<vmem>>
        %scatter3A_591 = tpu.memref_squeeze %scatter3A_590 : memref<1x25600xf32, #tpu.memory_space<vmem>> -> memref<25600xf32, #tpu.memory_space<vmem>>
        tpu.vector_store_idx %scatter3A_591[%add3A_587], %gather3A_584 : memref<25600xf32, #tpu.memory_space<vmem>>[vector<16xi32>], vector<16xf32>,
        %add3A_592 = arith.constant 42 : i32
        %add3A_593 = vector.broadcast %add3A_592 : i32 to vector<16xi32>
        %add3A_594 = arith.addi %shift_left3A_130, %add3A_593 : vector<16xi32>
        %gather3A_595 = tpu.vector_load_idx %arg6[%add3A_594] : memref<64000xf32, #tpu.memory_space<vmem>>[vector<16xi32>], vector<16xf32>,
        %add3A_596 = arith.constant 42 : i32
        %add3A_597 = vector.broadcast %add3A_596 : i32 to vector<16xi32>
        %add3A_598 = arith.addi %shift_left3A_137, %add3A_597 : vector<16xi32>
        %scatter3A_599 = arith.constant 0 : i32
        %scatter3A_600 = arith.constant 0 : i32
        %scatter3A_601 = tpu.memref_slice %arg10[%scatter3A_599, %scatter3A_600] : memref<2x25600xf32, #tpu.memory_space<vmem>> -> memref<1x25600xf32, #tpu.memory_space<vmem>>
        %scatter3A_602 = tpu.memref_squeeze %scatter3A_601 : memref<1x25600xf32, #tpu.memory_space<vmem>> -> memref<25600xf32, #tpu.memory_space<vmem>>
        tpu.vector_store_idx %scatter3A_602[%add3A_598], %gather3A_595 : memref<25600xf32, #tpu.memory_space<vmem>>[vector<16xi32>], vector<16xf32>,
        %add3A_603 = arith.constant 43 : i32
        %add3A_604 = vector.broadcast %add3A_603 : i32 to vector<16xi32>
        %add3A_605 = arith.addi %shift_left3A_130, %add3A_604 : vector<16xi32>
        %gather3A_606 = tpu.vector_load_idx %arg6[%add3A_605] : memref<64000xf32, #tpu.memory_space<vmem>>[vector<16xi32>], vector<16xf32>,
        %add3A_607 = arith.constant 43 : i32
        %add3A_608 = vector.broadcast %add3A_607 : i32 to vector<16xi32>
        %add3A_609 = arith.addi %shift_left3A_137, %add3A_608 : vector<16xi32>
        %scatter3A_610 = arith.constant 0 : i32
        %scatter3A_611 = arith.constant 0 : i32
        %scatter3A_612 = tpu.memref_slice %arg10[%scatter3A_610, %scatter3A_611] : memref<2x25600xf32, #tpu.memory_space<vmem>> -> memref<1x25600xf32, #tpu.memory_space<vmem>>
        %scatter3A_613 = tpu.memref_squeeze %scatter3A_612 : memref<1x25600xf32, #tpu.memory_space<vmem>> -> memref<25600xf32, #tpu.memory_space<vmem>>
        tpu.vector_store_idx %scatter3A_613[%add3A_609], %gather3A_606 : memref<25600xf32, #tpu.memory_space<vmem>>[vector<16xi32>], vector<16xf32>,
        %add3A_614 = arith.constant 44 : i32
        %add3A_615 = vector.broadcast %add3A_614 : i32 to vector<16xi32>
        %add3A_616 = arith.addi %shift_left3A_130, %add3A_615 : vector<16xi32>
        %gather3A_617 = tpu.vector_load_idx %arg6[%add3A_616] : memref<64000xf32, #tpu.memory_space<vmem>>[vector<16xi32>], vector<16xf32>,
        %add3A_618 = arith.constant 44 : i32
        %add3A_619 = vector.broadcast %add3A_618 : i32 to vector<16xi32>
        %add3A_620 = arith.addi %shift_left3A_137, %add3A_619 : vector<16xi32>
        %scatter3A_621 = arith.constant 0 : i32
        %scatter3A_622 = arith.constant 0 : i32
        %scatter3A_623 = tpu.memref_slice %arg10[%scatter3A_621, %scatter3A_622] : memref<2x25600xf32, #tpu.memory_space<vmem>> -> memref<1x25600xf32, #tpu.memory_space<vmem>>
        %scatter3A_624 = tpu.memref_squeeze %scatter3A_623 : memref<1x25600xf32, #tpu.memory_space<vmem>> -> memref<25600xf32, #tpu.memory_space<vmem>>
        tpu.vector_store_idx %scatter3A_624[%add3A_620], %gather3A_617 : memref<25600xf32, #tpu.memory_space<vmem>>[vector<16xi32>], vector<16xf32>,
        %add3A_625 = arith.constant 45 : i32
        %add3A_626 = vector.broadcast %add3A_625 : i32 to vector<16xi32>
        %add3A_627 = arith.addi %shift_left3A_130, %add3A_626 : vector<16xi32>
        %gather3A_628 = tpu.vector_load_idx %arg6[%add3A_627] : memref<64000xf32, #tpu.memory_space<vmem>>[vector<16xi32>], vector<16xf32>,
        %add3A_629 = arith.constant 45 : i32
        %add3A_630 = vector.broadcast %add3A_629 : i32 to vector<16xi32>
        %add3A_631 = arith.addi %shift_left3A_137, %add3A_630 : vector<16xi32>
        %scatter3A_632 = arith.constant 0 : i32
        %scatter3A_633 = arith.constant 0 : i32
        %scatter3A_634 = tpu.memref_slice %arg10[%scatter3A_632, %scatter3A_633] : memref<2x25600xf32, #tpu.memory_space<vmem>> -> memref<1x25600xf32, #tpu.memory_space<vmem>>
        %scatter3A_635 = tpu.memref_squeeze %scatter3A_634 : memref<1x25600xf32, #tpu.memory_space<vmem>> -> memref<25600xf32, #tpu.memory_space<vmem>>
        tpu.vector_store_idx %scatter3A_635[%add3A_631], %gather3A_628 : memref<25600xf32, #tpu.memory_space<vmem>>[vector<16xi32>], vector<16xf32>,
        %add3A_636 = arith.constant 46 : i32
        %add3A_637 = vector.broadcast %add3A_636 : i32 to vector<16xi32>
        %add3A_638 = arith.addi %shift_left3A_130, %add3A_637 : vector<16xi32>
        %gather3A_639 = tpu.vector_load_idx %arg6[%add3A_638] : memref<64000xf32, #tpu.memory_space<vmem>>[vector<16xi32>], vector<16xf32>,
        %add3A_640 = arith.constant 46 : i32
        %add3A_641 = vector.broadcast %add3A_640 : i32 to vector<16xi32>
        %add3A_642 = arith.addi %shift_left3A_137, %add3A_641 : vector<16xi32>
        %scatter3A_643 = arith.constant 0 : i32
        %scatter3A_644 = arith.constant 0 : i32
        %scatter3A_645 = tpu.memref_slice %arg10[%scatter3A_643, %scatter3A_644] : memref<2x25600xf32, #tpu.memory_space<vmem>> -> memref<1x25600xf32, #tpu.memory_space<vmem>>
        %scatter3A_646 = tpu.memref_squeeze %scatter3A_645 : memref<1x25600xf32, #tpu.memory_space<vmem>> -> memref<25600xf32, #tpu.memory_space<vmem>>
        tpu.vector_store_idx %scatter3A_646[%add3A_642], %gather3A_639 : memref<25600xf32, #tpu.memory_space<vmem>>[vector<16xi32>], vector<16xf32>,
        %add3A_647 = arith.constant 47 : i32
        %add3A_648 = vector.broadcast %add3A_647 : i32 to vector<16xi32>
        %add3A_649 = arith.addi %shift_left3A_130, %add3A_648 : vector<16xi32>
        %gather3A_650 = tpu.vector_load_idx %arg6[%add3A_649] : memref<64000xf32, #tpu.memory_space<vmem>>[vector<16xi32>], vector<16xf32>,
        %add3A_651 = arith.constant 47 : i32
        %add3A_652 = vector.broadcast %add3A_651 : i32 to vector<16xi32>
        %add3A_653 = arith.addi %shift_left3A_137, %add3A_652 : vector<16xi32>
        %scatter3A_654 = arith.constant 0 : i32
        %scatter3A_655 = arith.constant 0 : i32
        %scatter3A_656 = tpu.memref_slice %arg10[%scatter3A_654, %scatter3A_655] : memref<2x25600xf32, #tpu.memory_space<vmem>> -> memref<1x25600xf32, #tpu.memory_space<vmem>>
        %scatter3A_657 = tpu.memref_squeeze %scatter3A_656 : memref<1x25600xf32, #tpu.memory_space<vmem>> -> memref<25600xf32, #tpu.memory_space<vmem>>
        tpu.vector_store_idx %scatter3A_657[%add3A_653], %gather3A_650 : memref<25600xf32, #tpu.memory_space<vmem>>[vector<16xi32>], vector<16xf32>,
        %add3A_658 = arith.constant 48 : i32
        %add3A_659 = vector.broadcast %add3A_658 : i32 to vector<16xi32>
        %add3A_660 = arith.addi %shift_left3A_130, %add3A_659 : vector<16xi32>
        %gather3A_661 = tpu.vector_load_idx %arg6[%add3A_660] : memref<64000xf32, #tpu.memory_space<vmem>>[vector<16xi32>], vector<16xf32>,
        %add3A_662 = arith.constant 48 : i32
        %add3A_663 = vector.broadcast %add3A_662 : i32 to vector<16xi32>
        %add3A_664 = arith.addi %shift_left3A_137, %add3A_663 : vector<16xi32>
        %scatter3A_665 = arith.constant 0 : i32
        %scatter3A_666 = arith.constant 0 : i32
        %scatter3A_667 = tpu.memref_slice %arg10[%scatter3A_665, %scatter3A_666] : memref<2x25600xf32, #tpu.memory_space<vmem>> -> memref<1x25600xf32, #tpu.memory_space<vmem>>
        %scatter3A_668 = tpu.memref_squeeze %scatter3A_667 : memref<1x25600xf32, #tpu.memory_space<vmem>> -> memref<25600xf32, #tpu.memory_space<vmem>>
        tpu.vector_store_idx %scatter3A_668[%add3A_664], %gather3A_661 : memref<25600xf32, #tpu.memory_space<vmem>>[vector<16xi32>], vector<16xf32>,
        %add3A_669 = arith.constant 49 : i32
        %add3A_670 = vector.broadcast %add3A_669 : i32 to vector<16xi32>
        %add3A_671 = arith.addi %shift_left3A_130, %add3A_670 : vector<16xi32>
        %gather3A_672 = tpu.vector_load_idx %arg6[%add3A_671] : memref<64000xf32, #tpu.memory_space<vmem>>[vector<16xi32>], vector<16xf32>,
        %add3A_673 = arith.constant 49 : i32
        %add3A_674 = vector.broadcast %add3A_673 : i32 to vector<16xi32>
        %add3A_675 = arith.addi %shift_left3A_137, %add3A_674 : vector<16xi32>
        %scatter3A_676 = arith.constant 0 : i32
        %scatter3A_677 = arith.constant 0 : i32
        %scatter3A_678 = tpu.memref_slice %arg10[%scatter3A_676, %scatter3A_677] : memref<2x25600xf32, #tpu.memory_space<vmem>> -> memref<1x25600xf32, #tpu.memory_space<vmem>>
        %scatter3A_679 = tpu.memref_squeeze %scatter3A_678 : memref<1x25600xf32, #tpu.memory_space<vmem>> -> memref<25600xf32, #tpu.memory_space<vmem>>
        tpu.vector_store_idx %scatter3A_679[%add3A_675], %gather3A_672 : memref<25600xf32, #tpu.memory_space<vmem>>[vector<16xi32>], vector<16xf32>,
        %add3A_680 = arith.constant 50 : i32
        %add3A_681 = vector.broadcast %add3A_680 : i32 to vector<16xi32>
        %add3A_682 = arith.addi %shift_left3A_130, %add3A_681 : vector<16xi32>
        %gather3A_683 = tpu.vector_load_idx %arg6[%add3A_682] : memref<64000xf32, #tpu.memory_space<vmem>>[vector<16xi32>], vector<16xf32>,
        %add3A_684 = arith.constant 50 : i32
        %add3A_685 = vector.broadcast %add3A_684 : i32 to vector<16xi32>
        %add3A_686 = arith.addi %shift_left3A_137, %add3A_685 : vector<16xi32>
        %scatter3A_687 = arith.constant 0 : i32
        %scatter3A_688 = arith.constant 0 : i32
        %scatter3A_689 = tpu.memref_slice %arg10[%scatter3A_687, %scatter3A_688] : memref<2x25600xf32, #tpu.memory_space<vmem>> -> memref<1x25600xf32, #tpu.memory_space<vmem>>
        %scatter3A_690 = tpu.memref_squeeze %scatter3A_689 : memref<1x25600xf32, #tpu.memory_space<vmem>> -> memref<25600xf32, #tpu.memory_space<vmem>>
        tpu.vector_store_idx %scatter3A_690[%add3A_686], %gather3A_683 : memref<25600xf32, #tpu.memory_space<vmem>>[vector<16xi32>], vector<16xf32>,
        %add3A_691 = arith.constant 51 : i32
        %add3A_692 = vector.broadcast %add3A_691 : i32 to vector<16xi32>
        %add3A_693 = arith.addi %shift_left3A_130, %add3A_692 : vector<16xi32>
        %gather3A_694 = tpu.vector_load_idx %arg6[%add3A_693] : memref<64000xf32, #tpu.memory_space<vmem>>[vector<16xi32>], vector<16xf32>,
        %add3A_695 = arith.constant 51 : i32
        %add3A_696 = vector.broadcast %add3A_695 : i32 to vector<16xi32>
        %add3A_697 = arith.addi %shift_left3A_137, %add3A_696 : vector<16xi32>
        %scatter3A_698 = arith.constant 0 : i32
        %scatter3A_699 = arith.constant 0 : i32
        %scatter3A_700 = tpu.memref_slice %arg10[%scatter3A_698, %scatter3A_699] : memref<2x25600xf32, #tpu.memory_space<vmem>> -> memref<1x25600xf32, #tpu.memory_space<vmem>>
        %scatter3A_701 = tpu.memref_squeeze %scatter3A_700 : memref<1x25600xf32, #tpu.memory_space<vmem>> -> memref<25600xf32, #tpu.memory_space<vmem>>
        tpu.vector_store_idx %scatter3A_701[%add3A_697], %gather3A_694 : memref<25600xf32, #tpu.memory_space<vmem>>[vector<16xi32>], vector<16xf32>,
        %add3A_702 = arith.constant 52 : i32
        %add3A_703 = vector.broadcast %add3A_702 : i32 to vector<16xi32>
        %add3A_704 = arith.addi %shift_left3A_130, %add3A_703 : vector<16xi32>
        %gather3A_705 = tpu.vector_load_idx %arg6[%add3A_704] : memref<64000xf32, #tpu.memory_space<vmem>>[vector<16xi32>], vector<16xf32>,
        %add3A_706 = arith.constant 52 : i32
        %add3A_707 = vector.broadcast %add3A_706 : i32 to vector<16xi32>
        %add3A_708 = arith.addi %shift_left3A_137, %add3A_707 : vector<16xi32>
        %scatter3A_709 = arith.constant 0 : i32
        %scatter3A_710 = arith.constant 0 : i32
        %scatter3A_711 = tpu.memref_slice %arg10[%scatter3A_709, %scatter3A_710] : memref<2x25600xf32, #tpu.memory_space<vmem>> -> memref<1x25600xf32, #tpu.memory_space<vmem>>
        %scatter3A_712 = tpu.memref_squeeze %scatter3A_711 : memref<1x25600xf32, #tpu.memory_space<vmem>> -> memref<25600xf32, #tpu.memory_space<vmem>>
        tpu.vector_store_idx %scatter3A_712[%add3A_708], %gather3A_705 : memref<25600xf32, #tpu.memory_space<vmem>>[vector<16xi32>], vector<16xf32>,
        %add3A_713 = arith.constant 53 : i32
        %add3A_714 = vector.broadcast %add3A_713 : i32 to vector<16xi32>
        %add3A_715 = arith.addi %shift_left3A_130, %add3A_714 : vector<16xi32>
        %gather3A_716 = tpu.vector_load_idx %arg6[%add3A_715] : memref<64000xf32, #tpu.memory_space<vmem>>[vector<16xi32>], vector<16xf32>,
        %add3A_717 = arith.constant 53 : i32
        %add3A_718 = vector.broadcast %add3A_717 : i32 to vector<16xi32>
        %add3A_719 = arith.addi %shift_left3A_137, %add3A_718 : vector<16xi32>
        %scatter3A_720 = arith.constant 0 : i32
        %scatter3A_721 = arith.constant 0 : i32
        %scatter3A_722 = tpu.memref_slice %arg10[%scatter3A_720, %scatter3A_721] : memref<2x25600xf32, #tpu.memory_space<vmem>> -> memref<1x25600xf32, #tpu.memory_space<vmem>>
        %scatter3A_723 = tpu.memref_squeeze %scatter3A_722 : memref<1x25600xf32, #tpu.memory_space<vmem>> -> memref<25600xf32, #tpu.memory_space<vmem>>
        tpu.vector_store_idx %scatter3A_723[%add3A_719], %gather3A_716 : memref<25600xf32, #tpu.memory_space<vmem>>[vector<16xi32>], vector<16xf32>,
        %add3A_724 = arith.constant 54 : i32
        %add3A_725 = vector.broadcast %add3A_724 : i32 to vector<16xi32>
        %add3A_726 = arith.addi %shift_left3A_130, %add3A_725 : vector<16xi32>
        %gather3A_727 = tpu.vector_load_idx %arg6[%add3A_726] : memref<64000xf32, #tpu.memory_space<vmem>>[vector<16xi32>], vector<16xf32>,
        %add3A_728 = arith.constant 54 : i32
        %add3A_729 = vector.broadcast %add3A_728 : i32 to vector<16xi32>
        %add3A_730 = arith.addi %shift_left3A_137, %add3A_729 : vector<16xi32>
        %scatter3A_731 = arith.constant 0 : i32
        %scatter3A_732 = arith.constant 0 : i32
        %scatter3A_733 = tpu.memref_slice %arg10[%scatter3A_731, %scatter3A_732] : memref<2x25600xf32, #tpu.memory_space<vmem>> -> memref<1x25600xf32, #tpu.memory_space<vmem>>
        %scatter3A_734 = tpu.memref_squeeze %scatter3A_733 : memref<1x25600xf32, #tpu.memory_space<vmem>> -> memref<25600xf32, #tpu.memory_space<vmem>>
        tpu.vector_store_idx %scatter3A_734[%add3A_730], %gather3A_727 : memref<25600xf32, #tpu.memory_space<vmem>>[vector<16xi32>], vector<16xf32>,
        %add3A_735 = arith.constant 55 : i32
        %add3A_736 = vector.broadcast %add3A_735 : i32 to vector<16xi32>
        %add3A_737 = arith.addi %shift_left3A_130, %add3A_736 : vector<16xi32>
        %gather3A_738 = tpu.vector_load_idx %arg6[%add3A_737] : memref<64000xf32, #tpu.memory_space<vmem>>[vector<16xi32>], vector<16xf32>,
        %add3A_739 = arith.constant 55 : i32
        %add3A_740 = vector.broadcast %add3A_739 : i32 to vector<16xi32>
        %add3A_741 = arith.addi %shift_left3A_137, %add3A_740 : vector<16xi32>
        %scatter3A_742 = arith.constant 0 : i32
        %scatter3A_743 = arith.constant 0 : i32
        %scatter3A_744 = tpu.memref_slice %arg10[%scatter3A_742, %scatter3A_743] : memref<2x25600xf32, #tpu.memory_space<vmem>> -> memref<1x25600xf32, #tpu.memory_space<vmem>>
        %scatter3A_745 = tpu.memref_squeeze %scatter3A_744 : memref<1x25600xf32, #tpu.memory_space<vmem>> -> memref<25600xf32, #tpu.memory_space<vmem>>
        tpu.vector_store_idx %scatter3A_745[%add3A_741], %gather3A_738 : memref<25600xf32, #tpu.memory_space<vmem>>[vector<16xi32>], vector<16xf32>,
        %add3A_746 = arith.constant 56 : i32
        %add3A_747 = vector.broadcast %add3A_746 : i32 to vector<16xi32>
        %add3A_748 = arith.addi %shift_left3A_130, %add3A_747 : vector<16xi32>
        %gather3A_749 = tpu.vector_load_idx %arg6[%add3A_748] : memref<64000xf32, #tpu.memory_space<vmem>>[vector<16xi32>], vector<16xf32>,
        %add3A_750 = arith.constant 56 : i32
        %add3A_751 = vector.broadcast %add3A_750 : i32 to vector<16xi32>
        %add3A_752 = arith.addi %shift_left3A_137, %add3A_751 : vector<16xi32>
        %scatter3A_753 = arith.constant 0 : i32
        %scatter3A_754 = arith.constant 0 : i32
        %scatter3A_755 = tpu.memref_slice %arg10[%scatter3A_753, %scatter3A_754] : memref<2x25600xf32, #tpu.memory_space<vmem>> -> memref<1x25600xf32, #tpu.memory_space<vmem>>
        %scatter3A_756 = tpu.memref_squeeze %scatter3A_755 : memref<1x25600xf32, #tpu.memory_space<vmem>> -> memref<25600xf32, #tpu.memory_space<vmem>>
        tpu.vector_store_idx %scatter3A_756[%add3A_752], %gather3A_749 : memref<25600xf32, #tpu.memory_space<vmem>>[vector<16xi32>], vector<16xf32>,
        %add3A_757 = arith.constant 57 : i32
        %add3A_758 = vector.broadcast %add3A_757 : i32 to vector<16xi32>
        %add3A_759 = arith.addi %shift_left3A_130, %add3A_758 : vector<16xi32>
        %gather3A_760 = tpu.vector_load_idx %arg6[%add3A_759] : memref<64000xf32, #tpu.memory_space<vmem>>[vector<16xi32>], vector<16xf32>,
        %add3A_761 = arith.constant 57 : i32
        %add3A_762 = vector.broadcast %add3A_761 : i32 to vector<16xi32>
        %add3A_763 = arith.addi %shift_left3A_137, %add3A_762 : vector<16xi32>
        %scatter3A_764 = arith.constant 0 : i32
        %scatter3A_765 = arith.constant 0 : i32
        %scatter3A_766 = tpu.memref_slice %arg10[%scatter3A_764, %scatter3A_765] : memref<2x25600xf32, #tpu.memory_space<vmem>> -> memref<1x25600xf32, #tpu.memory_space<vmem>>
        %scatter3A_767 = tpu.memref_squeeze %scatter3A_766 : memref<1x25600xf32, #tpu.memory_space<vmem>> -> memref<25600xf32, #tpu.memory_space<vmem>>
        tpu.vector_store_idx %scatter3A_767[%add3A_763], %gather3A_760 : memref<25600xf32, #tpu.memory_space<vmem>>[vector<16xi32>], vector<16xf32>,
        %add3A_768 = arith.constant 58 : i32
        %add3A_769 = vector.broadcast %add3A_768 : i32 to vector<16xi32>
        %add3A_770 = arith.addi %shift_left3A_130, %add3A_769 : vector<16xi32>
        %gather3A_771 = tpu.vector_load_idx %arg6[%add3A_770] : memref<64000xf32, #tpu.memory_space<vmem>>[vector<16xi32>], vector<16xf32>,
        %add3A_772 = arith.constant 58 : i32
        %add3A_773 = vector.broadcast %add3A_772 : i32 to vector<16xi32>
        %add3A_774 = arith.addi %shift_left3A_137, %add3A_773 : vector<16xi32>
        %scatter3A_775 = arith.constant 0 : i32
        %scatter3A_776 = arith.constant 0 : i32
        %scatter3A_777 = tpu.memref_slice %arg10[%scatter3A_775, %scatter3A_776] : memref<2x25600xf32, #tpu.memory_space<vmem>> -> memref<1x25600xf32, #tpu.memory_space<vmem>>
        %scatter3A_778 = tpu.memref_squeeze %scatter3A_777 : memref<1x25600xf32, #tpu.memory_space<vmem>> -> memref<25600xf32, #tpu.memory_space<vmem>>
        tpu.vector_store_idx %scatter3A_778[%add3A_774], %gather3A_771 : memref<25600xf32, #tpu.memory_space<vmem>>[vector<16xi32>], vector<16xf32>,
        %add3A_779 = arith.constant 59 : i32
        %add3A_780 = vector.broadcast %add3A_779 : i32 to vector<16xi32>
        %add3A_781 = arith.addi %shift_left3A_130, %add3A_780 : vector<16xi32>
        %gather3A_782 = tpu.vector_load_idx %arg6[%add3A_781] : memref<64000xf32, #tpu.memory_space<vmem>>[vector<16xi32>], vector<16xf32>,
        %add3A_783 = arith.constant 59 : i32
        %add3A_784 = vector.broadcast %add3A_783 : i32 to vector<16xi32>
        %add3A_785 = arith.addi %shift_left3A_137, %add3A_784 : vector<16xi32>
        %scatter3A_786 = arith.constant 0 : i32
        %scatter3A_787 = arith.constant 0 : i32
        %scatter3A_788 = tpu.memref_slice %arg10[%scatter3A_786, %scatter3A_787] : memref<2x25600xf32, #tpu.memory_space<vmem>> -> memref<1x25600xf32, #tpu.memory_space<vmem>>
        %scatter3A_789 = tpu.memref_squeeze %scatter3A_788 : memref<1x25600xf32, #tpu.memory_space<vmem>> -> memref<25600xf32, #tpu.memory_space<vmem>>
        tpu.vector_store_idx %scatter3A_789[%add3A_785], %gather3A_782 : memref<25600xf32, #tpu.memory_space<vmem>>[vector<16xi32>], vector<16xf32>,
        %add3A_790 = arith.constant 60 : i32
        %add3A_791 = vector.broadcast %add3A_790 : i32 to vector<16xi32>
        %add3A_792 = arith.addi %shift_left3A_130, %add3A_791 : vector<16xi32>
        %gather3A_793 = tpu.vector_load_idx %arg6[%add3A_792] : memref<64000xf32, #tpu.memory_space<vmem>>[vector<16xi32>], vector<16xf32>,
        %add3A_794 = arith.constant 60 : i32
        %add3A_795 = vector.broadcast %add3A_794 : i32 to vector<16xi32>
        %add3A_796 = arith.addi %shift_left3A_137, %add3A_795 : vector<16xi32>
        %scatter3A_797 = arith.constant 0 : i32
        %scatter3A_798 = arith.constant 0 : i32
        %scatter3A_799 = tpu.memref_slice %arg10[%scatter3A_797, %scatter3A_798] : memref<2x25600xf32, #tpu.memory_space<vmem>> -> memref<1x25600xf32, #tpu.memory_space<vmem>>
        %scatter3A_800 = tpu.memref_squeeze %scatter3A_799 : memref<1x25600xf32, #tpu.memory_space<vmem>> -> memref<25600xf32, #tpu.memory_space<vmem>>
        tpu.vector_store_idx %scatter3A_800[%add3A_796], %gather3A_793 : memref<25600xf32, #tpu.memory_space<vmem>>[vector<16xi32>], vector<16xf32>,
        %add3A_801 = arith.constant 61 : i32
        %add3A_802 = vector.broadcast %add3A_801 : i32 to vector<16xi32>
        %add3A_803 = arith.addi %shift_left3A_130, %add3A_802 : vector<16xi32>
        %gather3A_804 = tpu.vector_load_idx %arg6[%add3A_803] : memref<64000xf32, #tpu.memory_space<vmem>>[vector<16xi32>], vector<16xf32>,
        %add3A_805 = arith.constant 61 : i32
        %add3A_806 = vector.broadcast %add3A_805 : i32 to vector<16xi32>
        %add3A_807 = arith.addi %shift_left3A_137, %add3A_806 : vector<16xi32>
        %scatter3A_808 = arith.constant 0 : i32
        %scatter3A_809 = arith.constant 0 : i32
        %scatter3A_810 = tpu.memref_slice %arg10[%scatter3A_808, %scatter3A_809] : memref<2x25600xf32, #tpu.memory_space<vmem>> -> memref<1x25600xf32, #tpu.memory_space<vmem>>
        %scatter3A_811 = tpu.memref_squeeze %scatter3A_810 : memref<1x25600xf32, #tpu.memory_space<vmem>> -> memref<25600xf32, #tpu.memory_space<vmem>>
        tpu.vector_store_idx %scatter3A_811[%add3A_807], %gather3A_804 : memref<25600xf32, #tpu.memory_space<vmem>>[vector<16xi32>], vector<16xf32>,
        %add3A_812 = arith.constant 62 : i32
        %add3A_813 = vector.broadcast %add3A_812 : i32 to vector<16xi32>
        %add3A_814 = arith.addi %shift_left3A_130, %add3A_813 : vector<16xi32>
        %gather3A_815 = tpu.vector_load_idx %arg6[%add3A_814] : memref<64000xf32, #tpu.memory_space<vmem>>[vector<16xi32>], vector<16xf32>,
        %add3A_816 = arith.constant 62 : i32
        %add3A_817 = vector.broadcast %add3A_816 : i32 to vector<16xi32>
        %add3A_818 = arith.addi %shift_left3A_137, %add3A_817 : vector<16xi32>
        %scatter3A_819 = arith.constant 0 : i32
        %scatter3A_820 = arith.constant 0 : i32
        %scatter3A_821 = tpu.memref_slice %arg10[%scatter3A_819, %scatter3A_820] : memref<2x25600xf32, #tpu.memory_space<vmem>> -> memref<1x25600xf32, #tpu.memory_space<vmem>>
        %scatter3A_822 = tpu.memref_squeeze %scatter3A_821 : memref<1x25600xf32, #tpu.memory_space<vmem>> -> memref<25600xf32, #tpu.memory_space<vmem>>
        tpu.vector_store_idx %scatter3A_822[%add3A_818], %gather3A_815 : memref<25600xf32, #tpu.memory_space<vmem>>[vector<16xi32>], vector<16xf32>,
        %add3A_823 = arith.constant 63 : i32
        %add3A_824 = vector.broadcast %add3A_823 : i32 to vector<16xi32>
        %add3A_825 = arith.addi %shift_left3A_130, %add3A_824 : vector<16xi32>
        %gather3A_826 = tpu.vector_load_idx %arg6[%add3A_825] : memref<64000xf32, #tpu.memory_space<vmem>>[vector<16xi32>], vector<16xf32>,
        %add3A_827 = arith.constant 63 : i32
        %add3A_828 = vector.broadcast %add3A_827 : i32 to vector<16xi32>
        %add3A_829 = arith.addi %shift_left3A_137, %add3A_828 : vector<16xi32>
        %scatter3A_830 = arith.constant 0 : i32
        %scatter3A_831 = arith.constant 0 : i32
        %scatter3A_832 = tpu.memref_slice %arg10[%scatter3A_830, %scatter3A_831] : memref<2x25600xf32, #tpu.memory_space<vmem>> -> memref<1x25600xf32, #tpu.memory_space<vmem>>
        %scatter3A_833 = tpu.memref_squeeze %scatter3A_832 : memref<1x25600xf32, #tpu.memory_space<vmem>> -> memref<25600xf32, #tpu.memory_space<vmem>>
        tpu.vector_store_idx %scatter3A_833[%add3A_829], %gather3A_826 : memref<25600xf32, #tpu.memory_space<vmem>>[vector<16xi32>], vector<16xf32>,
        %scan3A_834 = arith.constant 0 : i32
        scf.yield %scan3A_834 : i32
      }
      %scan3A_58 = arith.constant 25 : i32
      %mul3A_59 = arith.constant 64 : i32
      %mul3A_60 = arith.muli %add3A_51, %mul3A_59 : i32
      %dma_start3A = arith.constant 0 : i32
      %dma_start3A_61 = arith.constant 0 : i32
      %dma_start3A_62 = tpu.memref_slice %arg10[%dma_start3A, %dma_start3A_61] : memref<2x25600xf32, #tpu.memory_space<vmem>> -> memref<1x25600xf32, #tpu.memory_space<vmem>>
      %dma_start3A_63 = tpu.memref_squeeze %dma_start3A_62 : memref<1x25600xf32, #tpu.memory_space<vmem>> -> memref<25600xf32, #tpu.memory_space<vmem>>
      %dma_start3A_64 = tpu.memref_slice %arg5[%mul3A_60] : memref<52428800xf32, #tpu.memory_space<hbm>> -> memref<25600xf32, #tpu.memory_space<hbm>>
      %dma_start3A_65 = tpu.memref_slice %arg5[%mul3A_60] : memref<52428800xf32, #tpu.memory_space<hbm>> -> memref<25600xf32, #tpu.memory_space<hbm>>
      %dma_start3A_66 = arith.constant 0 : i32
      %dma_start3A_67 = tpu.memref_slice %arg10[%dma_start3A, %dma_start3A_66] : memref<2x25600xf32, #tpu.memory_space<vmem>> -> memref<1x25600xf32, #tpu.memory_space<vmem>>
      %dma_start3A_68 = tpu.memref_squeeze %dma_start3A_67 : memref<1x25600xf32, #tpu.memory_space<vmem>> -> memref<25600xf32, #tpu.memory_space<vmem>>
      tpu.enqueue_dma source(%dma_start3A_68 : memref<25600xf32, #tpu.memory_space<vmem>>) target(%dma_start3A_65 : memref<25600xf32, #tpu.memory_space<hbm>>) target_semaphore(%arg11 : memref<!tpu.dma_semaphore, #tpu.memory_space<semaphore_mem>>)
      %mul3A_69 = arith.constant 2 : i32
      %mul3A_70 = arith.muli %scan3A_41, %mul3A_69 : i32
      %add3A_71 = arith.constant 1 : i32
      %add3A_72 = arith.addi %mul3A_70, %add3A_71 : i32
      %gt3A_73 = arith.constant 0 : i32
      %gt3A_74 = arith.cmpi sgt, %scan3A_41, %gt3A_73 : i32
      %convert_element_type3A_75 = arith.extui %gt3A_74 : i1 to i32
      %cond3A_76 = arith.constant 0 : i32
      %cond3A_77 = arith.cmpi ne, %convert_element_type3A_75, %cond3A_76 : i32
      scf.if %cond3A_77 {
        %sub3A = arith.constant 2 : i32
        %sub3A_101 = arith.subi %add3A_72, %sub3A : i32
        %mul3A_102 = arith.constant 400 : i32
        %mul3A_103 = arith.muli %sub3A_101, %mul3A_102 : i32
        %add3A_104 = arith.addi %mul3A_2, %mul3A_103 : i32
        %mul3A_105 = arith.constant 64 : i32
        %mul3A_106 = arith.muli %add3A_104, %mul3A_105 : i32
        %dma_wait3A_107 = arith.constant 1 : i32
        %dma_wait3A_108 = arith.constant 0 : i32
        %dma_wait3A_109 = tpu.memref_slice %arg10[%dma_wait3A_107, %dma_wait3A_108] : memref<2x25600xf32, #tpu.memory_space<vmem>> -> memref<1x25600xf32, #tpu.memory_space<vmem>>
        %dma_wait3A_110 = tpu.memref_squeeze %dma_wait3A_109 : memref<1x25600xf32, #tpu.memory_space<vmem>> -> memref<25600xf32, #tpu.memory_space<vmem>>
        %dma_wait3A_111 = tpu.memref_slice %arg5[%mul3A_106] : memref<52428800xf32, #tpu.memory_space<hbm>> -> memref<25600xf32, #tpu.memory_space<hbm>>
        %dma_wait3A_112 = tpu.memref_slice %arg5[%mul3A_106] : memref<52428800xf32, #tpu.memory_space<hbm>> -> memref<25600xf32, #tpu.memory_space<hbm>>
        %dma_wait3A_113 = arith.constant 0 : i32
        %dma_wait3A_114 = tpu.memref_slice %arg10[%dma_wait3A_107, %dma_wait3A_113] : memref<2x25600xf32, #tpu.memory_space<vmem>> -> memref<1x25600xf32, #tpu.memory_space<vmem>>
        %dma_wait3A_115 = tpu.memref_squeeze %dma_wait3A_114 : memref<1x25600xf32, #tpu.memory_space<vmem>> -> memref<25600xf32, #tpu.memory_space<vmem>>
        tpu.wait_dma2 semaphore(%arg12 : memref<!tpu.dma_semaphore, #tpu.memory_space<semaphore_mem>>) src(%dma_wait3A_115 : memref<25600xf32, #tpu.memory_space<vmem>>) dst(%dma_wait3A_112 : memref<25600xf32, #tpu.memory_space<hbm>>)
      } else {
      }
      %mul3A_78 = arith.constant 400 : i32
      %mul3A_79 = arith.muli %add3A_72, %mul3A_78 : i32
      %add3A_80 = arith.addi %mul3A_2, %mul3A_79 : i32
      %run_scoped3A_81 = arith.constant 1 : i32
      "tpu.region"() ({
        %run_scoped3A_101 = tpu.sem_alloc : memref<!tpu.dma_semaphore, #tpu.memory_space<semaphore_mem>>
        %dma_start3A_102 = arith.constant 0 : i32
        %dma_start3A_103 = tpu.memref_slice %arg9[%run_scoped3A_81, %dma_start3A_102] : memref<2x400xf32, #tpu.memory_space<vmem>> -> memref<1x400xf32, #tpu.memory_space<vmem>>
        %dma_start3A_104 = tpu.memref_squeeze %dma_start3A_103 : memref<1x400xf32, #tpu.memory_space<vmem>> -> memref<400xf32, #tpu.memory_space<vmem>>
        %dma_start3A_105 = tpu.memref_slice %arg2[%add3A_80] : memref<819200xf32, #tpu.memory_space<hbm>> -> memref<400xf32, #tpu.memory_space<hbm>>
        %dma_start3A_106 = arith.constant 0 : i32
        %dma_start3A_107 = tpu.memref_slice %arg9[%run_scoped3A_81, %dma_start3A_106] : memref<2x400xf32, #tpu.memory_space<vmem>> -> memref<1x400xf32, #tpu.memory_space<vmem>>
        %dma_start3A_108 = tpu.memref_squeeze %dma_start3A_107 : memref<1x400xf32, #tpu.memory_space<vmem>> -> memref<400xf32, #tpu.memory_space<vmem>>
        %dma_start3A_109 = tpu.memref_slice %arg2[%add3A_80] : memref<819200xf32, #tpu.memory_space<hbm>> -> memref<400xf32, #tpu.memory_space<hbm>>
        tpu.enqueue_dma source(%dma_start3A_109 : memref<400xf32, #tpu.memory_space<hbm>>) target(%dma_start3A_108 : memref<400xf32, #tpu.memory_space<vmem>>) target_semaphore(%run_scoped3A_101 : memref<!tpu.dma_semaphore, #tpu.memory_space<semaphore_mem>>)
        %dma_wait3A_110 = arith.constant 0 : i32
        %dma_wait3A_111 = tpu.memref_slice %arg9[%run_scoped3A_81, %dma_wait3A_110] : memref<2x400xf32, #tpu.memory_space<vmem>> -> memref<1x400xf32, #tpu.memory_space<vmem>>
        %dma_wait3A_112 = tpu.memref_squeeze %dma_wait3A_111 : memref<1x400xf32, #tpu.memory_space<vmem>> -> memref<400xf32, #tpu.memory_space<vmem>>
        %dma_wait3A_113 = tpu.memref_slice %arg2[%add3A_80] : memref<819200xf32, #tpu.memory_space<hbm>> -> memref<400xf32, #tpu.memory_space<hbm>>
        %dma_wait3A_114 = arith.constant 0 : i32
        %dma_wait3A_115 = tpu.memref_slice %arg9[%run_scoped3A_81, %dma_wait3A_114] : memref<2x400xf32, #tpu.memory_space<vmem>> -> memref<1x400xf32, #tpu.memory_space<vmem>>
        %dma_wait3A_116 = tpu.memref_squeeze %dma_wait3A_115 : memref<1x400xf32, #tpu.memory_space<vmem>> -> memref<400xf32, #tpu.memory_space<vmem>>
        %dma_wait3A_117 = tpu.memref_slice %arg2[%add3A_80] : memref<819200xf32, #tpu.memory_space<hbm>> -> memref<400xf32, #tpu.memory_space<hbm>>
        tpu.wait_dma2 semaphore(%run_scoped3A_101 : memref<!tpu.dma_semaphore, #tpu.memory_space<semaphore_mem>>) src(%dma_wait3A_117 : memref<400xf32, #tpu.memory_space<hbm>>) dst(%dma_wait3A_116 : memref<400xf32, #tpu.memory_space<vmem>>)
        tpu.yield
      }) : () -> ()
      %scan3A_82 = arith.constant 0 : i32
      %scan3A_83 = arith.constant 0 : i32
      %scan3A_84 = arith.constant 25 : i32
      %scan3A_85 = arith.addi %scan3A_83, %scan3A_84 : i32
      %scan3A_86 = arith.constant 1 : i32
      %scan3A_87 = scf.for %scan3A_101 = %scan3A_83 to %scan3A_85 step %scan3A_86 iter_args(%scan3A_102 = %scan3A_82) -> (i32)  : i32 {
        %mul3A_103 = arith.constant 16 : i32
        %mul3A_104 = arith.muli %scan3A_101, %mul3A_103 : i32
        %get3A = arith.constant 1 : i32
        %get3A_105 = arith.index_cast %get3A : i32 to index
        %get3A_106 = arith.index_cast %mul3A_104 : i32 to index
        %get3A_107 = tpu.vector_load %arg9[%get3A_105, %get3A_106] {strides = array<i32>} : memref<2x400xf32, #tpu.memory_space<vmem>>, vector<16xf32>,
        %mul3A_108 = arith.constant 1.000000e+03 : f32
        %mul3A_109 = vector.broadcast %mul3A_108 : f32 to vector<16xf32>
        %mul3A_110 = arith.mulf %get3A_107, %mul3A_109 : vector<16xf32>
        %convert_element_type3A_111 = arith.fptosi %mul3A_110 : vector<16xf32> to vector<16xi32>
        %convert_element_type3A_112 = arith.sitofp %convert_element_type3A_111 : vector<16xi32> to vector<16xf32>
        %sub3A = arith.subf %mul3A_110, %convert_element_type3A_112 : vector<16xf32>
        %gt3A_113 = arith.constant 5.000000e-01 : f32
        %gt3A_114 = vector.broadcast %gt3A_113 : f32 to vector<16xf32>
        %gt3A_115 = arith.cmpf ogt, %sub3A, %gt3A_114 : vector<16xf32>
        %eq3A = arith.constant 5.000000e-01 : f32
        %eq3A_116 = vector.broadcast %eq3A : f32 to vector<16xf32>
        %eq3A_117 = arith.cmpf oeq, %sub3A, %eq3A_116 : vector<16xf32>
        %and3A = arith.constant 1 : i32
        %and3A_118 = vector.broadcast %and3A : i32 to vector<16xi32>
        %and3A_119 = arith.andi %convert_element_type3A_111, %and3A_118 : vector<16xi32>
        %eq3A_120 = arith.constant 1 : i32
        %eq3A_121 = vector.broadcast %eq3A_120 : i32 to vector<16xi32>
        %eq3A_122 = arith.cmpi eq, %and3A_119, %eq3A_121 : vector<16xi32>
        %and3A_123 = arith.andi %eq3A_117, %eq3A_122 : vector<16xi1>
        %or3A = arith.ori %gt3A_115, %and3A_123 : vector<16xi1>
        %jit3A = arith.constant 1 : i32
        %jit3A_124 = arith.constant 0 : i32
        %broadcast_in_dim3A = vector.broadcast %jit3A : i32 to vector<16xi32>
        %broadcast_in_dim3A_125 = vector.broadcast %jit3A_124 : i32 to vector<16xi32>
        %select_n3A = arith.select %or3A, %broadcast_in_dim3A, %broadcast_in_dim3A_125 : vector<16xi1>, vector<16xi32>
        %add3A_126 = arith.addi %convert_element_type3A_111, %select_n3A : vector<16xi32>
        %min3A = arith.constant 999 : i32
        %min3A_127 = vector.broadcast %min3A : i32 to vector<16xi32>
        %min3A_128 = arith.minsi %add3A_126, %min3A_127 : vector<16xi32>
        %shift_left3A = arith.constant 6 : i32
        %shift_left3A_129 = vector.broadcast %shift_left3A : i32 to vector<16xi32>
        %shift_left3A_130 = arith.shli %min3A_128, %shift_left3A_129 : vector<16xi32>
        %mul3A_131 = arith.constant 16 : i32
        %mul3A_132 = arith.muli %scan3A_101, %mul3A_131 : i32
        %add3A_133 = vector.broadcast %mul3A_132 : i32 to vector<16xi32>
        %add3A_134 = arith.addi %add3A_133, %iota3A : vector<16xi32>
        %shift_left3A_135 = arith.constant 6 : i32
        %shift_left3A_136 = vector.broadcast %shift_left3A_135 : i32 to vector<16xi32>
        %shift_left3A_137 = arith.shli %add3A_134, %shift_left3A_136 : vector<16xi32>
        %gather3A = tpu.vector_load_idx %arg6[%shift_left3A_130] : memref<64000xf32, #tpu.memory_space<vmem>>[vector<16xi32>], vector<16xf32>,
        %scatter3A = arith.constant 1 : i32
        %scatter3A_138 = arith.constant 0 : i32
        %scatter3A_139 = tpu.memref_slice %arg10[%scatter3A, %scatter3A_138] : memref<2x25600xf32, #tpu.memory_space<vmem>> -> memref<1x25600xf32, #tpu.memory_space<vmem>>
        %scatter3A_140 = tpu.memref_squeeze %scatter3A_139 : memref<1x25600xf32, #tpu.memory_space<vmem>> -> memref<25600xf32, #tpu.memory_space<vmem>>
        tpu.vector_store_idx %scatter3A_140[%shift_left3A_137], %gather3A : memref<25600xf32, #tpu.memory_space<vmem>>[vector<16xi32>], vector<16xf32>,
        %add3A_141 = arith.constant 1 : i32
        %add3A_142 = vector.broadcast %add3A_141 : i32 to vector<16xi32>
        %add3A_143 = arith.addi %shift_left3A_130, %add3A_142 : vector<16xi32>
        %gather3A_144 = tpu.vector_load_idx %arg6[%add3A_143] : memref<64000xf32, #tpu.memory_space<vmem>>[vector<16xi32>], vector<16xf32>,
        %add3A_145 = arith.constant 1 : i32
        %add3A_146 = vector.broadcast %add3A_145 : i32 to vector<16xi32>
        %add3A_147 = arith.addi %shift_left3A_137, %add3A_146 : vector<16xi32>
        %scatter3A_148 = arith.constant 1 : i32
        %scatter3A_149 = arith.constant 0 : i32
        %scatter3A_150 = tpu.memref_slice %arg10[%scatter3A_148, %scatter3A_149] : memref<2x25600xf32, #tpu.memory_space<vmem>> -> memref<1x25600xf32, #tpu.memory_space<vmem>>
        %scatter3A_151 = tpu.memref_squeeze %scatter3A_150 : memref<1x25600xf32, #tpu.memory_space<vmem>> -> memref<25600xf32, #tpu.memory_space<vmem>>
        tpu.vector_store_idx %scatter3A_151[%add3A_147], %gather3A_144 : memref<25600xf32, #tpu.memory_space<vmem>>[vector<16xi32>], vector<16xf32>,
        %add3A_152 = arith.constant 2 : i32
        %add3A_153 = vector.broadcast %add3A_152 : i32 to vector<16xi32>
        %add3A_154 = arith.addi %shift_left3A_130, %add3A_153 : vector<16xi32>
        %gather3A_155 = tpu.vector_load_idx %arg6[%add3A_154] : memref<64000xf32, #tpu.memory_space<vmem>>[vector<16xi32>], vector<16xf32>,
        %add3A_156 = arith.constant 2 : i32
        %add3A_157 = vector.broadcast %add3A_156 : i32 to vector<16xi32>
        %add3A_158 = arith.addi %shift_left3A_137, %add3A_157 : vector<16xi32>
        %scatter3A_159 = arith.constant 1 : i32
        %scatter3A_160 = arith.constant 0 : i32
        %scatter3A_161 = tpu.memref_slice %arg10[%scatter3A_159, %scatter3A_160] : memref<2x25600xf32, #tpu.memory_space<vmem>> -> memref<1x25600xf32, #tpu.memory_space<vmem>>
        %scatter3A_162 = tpu.memref_squeeze %scatter3A_161 : memref<1x25600xf32, #tpu.memory_space<vmem>> -> memref<25600xf32, #tpu.memory_space<vmem>>
        tpu.vector_store_idx %scatter3A_162[%add3A_158], %gather3A_155 : memref<25600xf32, #tpu.memory_space<vmem>>[vector<16xi32>], vector<16xf32>,
        %add3A_163 = arith.constant 3 : i32
        %add3A_164 = vector.broadcast %add3A_163 : i32 to vector<16xi32>
        %add3A_165 = arith.addi %shift_left3A_130, %add3A_164 : vector<16xi32>
        %gather3A_166 = tpu.vector_load_idx %arg6[%add3A_165] : memref<64000xf32, #tpu.memory_space<vmem>>[vector<16xi32>], vector<16xf32>,
        %add3A_167 = arith.constant 3 : i32
        %add3A_168 = vector.broadcast %add3A_167 : i32 to vector<16xi32>
        %add3A_169 = arith.addi %shift_left3A_137, %add3A_168 : vector<16xi32>
        %scatter3A_170 = arith.constant 1 : i32
        %scatter3A_171 = arith.constant 0 : i32
        %scatter3A_172 = tpu.memref_slice %arg10[%scatter3A_170, %scatter3A_171] : memref<2x25600xf32, #tpu.memory_space<vmem>> -> memref<1x25600xf32, #tpu.memory_space<vmem>>
        %scatter3A_173 = tpu.memref_squeeze %scatter3A_172 : memref<1x25600xf32, #tpu.memory_space<vmem>> -> memref<25600xf32, #tpu.memory_space<vmem>>
        tpu.vector_store_idx %scatter3A_173[%add3A_169], %gather3A_166 : memref<25600xf32, #tpu.memory_space<vmem>>[vector<16xi32>], vector<16xf32>,
        %add3A_174 = arith.constant 4 : i32
        %add3A_175 = vector.broadcast %add3A_174 : i32 to vector<16xi32>
        %add3A_176 = arith.addi %shift_left3A_130, %add3A_175 : vector<16xi32>
        %gather3A_177 = tpu.vector_load_idx %arg6[%add3A_176] : memref<64000xf32, #tpu.memory_space<vmem>>[vector<16xi32>], vector<16xf32>,
        %add3A_178 = arith.constant 4 : i32
        %add3A_179 = vector.broadcast %add3A_178 : i32 to vector<16xi32>
        %add3A_180 = arith.addi %shift_left3A_137, %add3A_179 : vector<16xi32>
        %scatter3A_181 = arith.constant 1 : i32
        %scatter3A_182 = arith.constant 0 : i32
        %scatter3A_183 = tpu.memref_slice %arg10[%scatter3A_181, %scatter3A_182] : memref<2x25600xf32, #tpu.memory_space<vmem>> -> memref<1x25600xf32, #tpu.memory_space<vmem>>
        %scatter3A_184 = tpu.memref_squeeze %scatter3A_183 : memref<1x25600xf32, #tpu.memory_space<vmem>> -> memref<25600xf32, #tpu.memory_space<vmem>>
        tpu.vector_store_idx %scatter3A_184[%add3A_180], %gather3A_177 : memref<25600xf32, #tpu.memory_space<vmem>>[vector<16xi32>], vector<16xf32>,
        %add3A_185 = arith.constant 5 : i32
        %add3A_186 = vector.broadcast %add3A_185 : i32 to vector<16xi32>
        %add3A_187 = arith.addi %shift_left3A_130, %add3A_186 : vector<16xi32>
        %gather3A_188 = tpu.vector_load_idx %arg6[%add3A_187] : memref<64000xf32, #tpu.memory_space<vmem>>[vector<16xi32>], vector<16xf32>,
        %add3A_189 = arith.constant 5 : i32
        %add3A_190 = vector.broadcast %add3A_189 : i32 to vector<16xi32>
        %add3A_191 = arith.addi %shift_left3A_137, %add3A_190 : vector<16xi32>
        %scatter3A_192 = arith.constant 1 : i32
        %scatter3A_193 = arith.constant 0 : i32
        %scatter3A_194 = tpu.memref_slice %arg10[%scatter3A_192, %scatter3A_193] : memref<2x25600xf32, #tpu.memory_space<vmem>> -> memref<1x25600xf32, #tpu.memory_space<vmem>>
        %scatter3A_195 = tpu.memref_squeeze %scatter3A_194 : memref<1x25600xf32, #tpu.memory_space<vmem>> -> memref<25600xf32, #tpu.memory_space<vmem>>
        tpu.vector_store_idx %scatter3A_195[%add3A_191], %gather3A_188 : memref<25600xf32, #tpu.memory_space<vmem>>[vector<16xi32>], vector<16xf32>,
        %add3A_196 = arith.constant 6 : i32
        %add3A_197 = vector.broadcast %add3A_196 : i32 to vector<16xi32>
        %add3A_198 = arith.addi %shift_left3A_130, %add3A_197 : vector<16xi32>
        %gather3A_199 = tpu.vector_load_idx %arg6[%add3A_198] : memref<64000xf32, #tpu.memory_space<vmem>>[vector<16xi32>], vector<16xf32>,
        %add3A_200 = arith.constant 6 : i32
        %add3A_201 = vector.broadcast %add3A_200 : i32 to vector<16xi32>
        %add3A_202 = arith.addi %shift_left3A_137, %add3A_201 : vector<16xi32>
        %scatter3A_203 = arith.constant 1 : i32
        %scatter3A_204 = arith.constant 0 : i32
        %scatter3A_205 = tpu.memref_slice %arg10[%scatter3A_203, %scatter3A_204] : memref<2x25600xf32, #tpu.memory_space<vmem>> -> memref<1x25600xf32, #tpu.memory_space<vmem>>
        %scatter3A_206 = tpu.memref_squeeze %scatter3A_205 : memref<1x25600xf32, #tpu.memory_space<vmem>> -> memref<25600xf32, #tpu.memory_space<vmem>>
        tpu.vector_store_idx %scatter3A_206[%add3A_202], %gather3A_199 : memref<25600xf32, #tpu.memory_space<vmem>>[vector<16xi32>], vector<16xf32>,
        %add3A_207 = arith.constant 7 : i32
        %add3A_208 = vector.broadcast %add3A_207 : i32 to vector<16xi32>
        %add3A_209 = arith.addi %shift_left3A_130, %add3A_208 : vector<16xi32>
        %gather3A_210 = tpu.vector_load_idx %arg6[%add3A_209] : memref<64000xf32, #tpu.memory_space<vmem>>[vector<16xi32>], vector<16xf32>,
        %add3A_211 = arith.constant 7 : i32
        %add3A_212 = vector.broadcast %add3A_211 : i32 to vector<16xi32>
        %add3A_213 = arith.addi %shift_left3A_137, %add3A_212 : vector<16xi32>
        %scatter3A_214 = arith.constant 1 : i32
        %scatter3A_215 = arith.constant 0 : i32
        %scatter3A_216 = tpu.memref_slice %arg10[%scatter3A_214, %scatter3A_215] : memref<2x25600xf32, #tpu.memory_space<vmem>> -> memref<1x25600xf32, #tpu.memory_space<vmem>>
        %scatter3A_217 = tpu.memref_squeeze %scatter3A_216 : memref<1x25600xf32, #tpu.memory_space<vmem>> -> memref<25600xf32, #tpu.memory_space<vmem>>
        tpu.vector_store_idx %scatter3A_217[%add3A_213], %gather3A_210 : memref<25600xf32, #tpu.memory_space<vmem>>[vector<16xi32>], vector<16xf32>,
        %add3A_218 = arith.constant 8 : i32
        %add3A_219 = vector.broadcast %add3A_218 : i32 to vector<16xi32>
        %add3A_220 = arith.addi %shift_left3A_130, %add3A_219 : vector<16xi32>
        %gather3A_221 = tpu.vector_load_idx %arg6[%add3A_220] : memref<64000xf32, #tpu.memory_space<vmem>>[vector<16xi32>], vector<16xf32>,
        %add3A_222 = arith.constant 8 : i32
        %add3A_223 = vector.broadcast %add3A_222 : i32 to vector<16xi32>
        %add3A_224 = arith.addi %shift_left3A_137, %add3A_223 : vector<16xi32>
        %scatter3A_225 = arith.constant 1 : i32
        %scatter3A_226 = arith.constant 0 : i32
        %scatter3A_227 = tpu.memref_slice %arg10[%scatter3A_225, %scatter3A_226] : memref<2x25600xf32, #tpu.memory_space<vmem>> -> memref<1x25600xf32, #tpu.memory_space<vmem>>
        %scatter3A_228 = tpu.memref_squeeze %scatter3A_227 : memref<1x25600xf32, #tpu.memory_space<vmem>> -> memref<25600xf32, #tpu.memory_space<vmem>>
        tpu.vector_store_idx %scatter3A_228[%add3A_224], %gather3A_221 : memref<25600xf32, #tpu.memory_space<vmem>>[vector<16xi32>], vector<16xf32>,
        %add3A_229 = arith.constant 9 : i32
        %add3A_230 = vector.broadcast %add3A_229 : i32 to vector<16xi32>
        %add3A_231 = arith.addi %shift_left3A_130, %add3A_230 : vector<16xi32>
        %gather3A_232 = tpu.vector_load_idx %arg6[%add3A_231] : memref<64000xf32, #tpu.memory_space<vmem>>[vector<16xi32>], vector<16xf32>,
        %add3A_233 = arith.constant 9 : i32
        %add3A_234 = vector.broadcast %add3A_233 : i32 to vector<16xi32>
        %add3A_235 = arith.addi %shift_left3A_137, %add3A_234 : vector<16xi32>
        %scatter3A_236 = arith.constant 1 : i32
        %scatter3A_237 = arith.constant 0 : i32
        %scatter3A_238 = tpu.memref_slice %arg10[%scatter3A_236, %scatter3A_237] : memref<2x25600xf32, #tpu.memory_space<vmem>> -> memref<1x25600xf32, #tpu.memory_space<vmem>>
        %scatter3A_239 = tpu.memref_squeeze %scatter3A_238 : memref<1x25600xf32, #tpu.memory_space<vmem>> -> memref<25600xf32, #tpu.memory_space<vmem>>
        tpu.vector_store_idx %scatter3A_239[%add3A_235], %gather3A_232 : memref<25600xf32, #tpu.memory_space<vmem>>[vector<16xi32>], vector<16xf32>,
        %add3A_240 = arith.constant 10 : i32
        %add3A_241 = vector.broadcast %add3A_240 : i32 to vector<16xi32>
        %add3A_242 = arith.addi %shift_left3A_130, %add3A_241 : vector<16xi32>
        %gather3A_243 = tpu.vector_load_idx %arg6[%add3A_242] : memref<64000xf32, #tpu.memory_space<vmem>>[vector<16xi32>], vector<16xf32>,
        %add3A_244 = arith.constant 10 : i32
        %add3A_245 = vector.broadcast %add3A_244 : i32 to vector<16xi32>
        %add3A_246 = arith.addi %shift_left3A_137, %add3A_245 : vector<16xi32>
        %scatter3A_247 = arith.constant 1 : i32
        %scatter3A_248 = arith.constant 0 : i32
        %scatter3A_249 = tpu.memref_slice %arg10[%scatter3A_247, %scatter3A_248] : memref<2x25600xf32, #tpu.memory_space<vmem>> -> memref<1x25600xf32, #tpu.memory_space<vmem>>
        %scatter3A_250 = tpu.memref_squeeze %scatter3A_249 : memref<1x25600xf32, #tpu.memory_space<vmem>> -> memref<25600xf32, #tpu.memory_space<vmem>>
        tpu.vector_store_idx %scatter3A_250[%add3A_246], %gather3A_243 : memref<25600xf32, #tpu.memory_space<vmem>>[vector<16xi32>], vector<16xf32>,
        %add3A_251 = arith.constant 11 : i32
        %add3A_252 = vector.broadcast %add3A_251 : i32 to vector<16xi32>
        %add3A_253 = arith.addi %shift_left3A_130, %add3A_252 : vector<16xi32>
        %gather3A_254 = tpu.vector_load_idx %arg6[%add3A_253] : memref<64000xf32, #tpu.memory_space<vmem>>[vector<16xi32>], vector<16xf32>,
        %add3A_255 = arith.constant 11 : i32
        %add3A_256 = vector.broadcast %add3A_255 : i32 to vector<16xi32>
        %add3A_257 = arith.addi %shift_left3A_137, %add3A_256 : vector<16xi32>
        %scatter3A_258 = arith.constant 1 : i32
        %scatter3A_259 = arith.constant 0 : i32
        %scatter3A_260 = tpu.memref_slice %arg10[%scatter3A_258, %scatter3A_259] : memref<2x25600xf32, #tpu.memory_space<vmem>> -> memref<1x25600xf32, #tpu.memory_space<vmem>>
        %scatter3A_261 = tpu.memref_squeeze %scatter3A_260 : memref<1x25600xf32, #tpu.memory_space<vmem>> -> memref<25600xf32, #tpu.memory_space<vmem>>
        tpu.vector_store_idx %scatter3A_261[%add3A_257], %gather3A_254 : memref<25600xf32, #tpu.memory_space<vmem>>[vector<16xi32>], vector<16xf32>,
        %add3A_262 = arith.constant 12 : i32
        %add3A_263 = vector.broadcast %add3A_262 : i32 to vector<16xi32>
        %add3A_264 = arith.addi %shift_left3A_130, %add3A_263 : vector<16xi32>
        %gather3A_265 = tpu.vector_load_idx %arg6[%add3A_264] : memref<64000xf32, #tpu.memory_space<vmem>>[vector<16xi32>], vector<16xf32>,
        %add3A_266 = arith.constant 12 : i32
        %add3A_267 = vector.broadcast %add3A_266 : i32 to vector<16xi32>
        %add3A_268 = arith.addi %shift_left3A_137, %add3A_267 : vector<16xi32>
        %scatter3A_269 = arith.constant 1 : i32
        %scatter3A_270 = arith.constant 0 : i32
        %scatter3A_271 = tpu.memref_slice %arg10[%scatter3A_269, %scatter3A_270] : memref<2x25600xf32, #tpu.memory_space<vmem>> -> memref<1x25600xf32, #tpu.memory_space<vmem>>
        %scatter3A_272 = tpu.memref_squeeze %scatter3A_271 : memref<1x25600xf32, #tpu.memory_space<vmem>> -> memref<25600xf32, #tpu.memory_space<vmem>>
        tpu.vector_store_idx %scatter3A_272[%add3A_268], %gather3A_265 : memref<25600xf32, #tpu.memory_space<vmem>>[vector<16xi32>], vector<16xf32>,
        %add3A_273 = arith.constant 13 : i32
        %add3A_274 = vector.broadcast %add3A_273 : i32 to vector<16xi32>
        %add3A_275 = arith.addi %shift_left3A_130, %add3A_274 : vector<16xi32>
        %gather3A_276 = tpu.vector_load_idx %arg6[%add3A_275] : memref<64000xf32, #tpu.memory_space<vmem>>[vector<16xi32>], vector<16xf32>,
        %add3A_277 = arith.constant 13 : i32
        %add3A_278 = vector.broadcast %add3A_277 : i32 to vector<16xi32>
        %add3A_279 = arith.addi %shift_left3A_137, %add3A_278 : vector<16xi32>
        %scatter3A_280 = arith.constant 1 : i32
        %scatter3A_281 = arith.constant 0 : i32
        %scatter3A_282 = tpu.memref_slice %arg10[%scatter3A_280, %scatter3A_281] : memref<2x25600xf32, #tpu.memory_space<vmem>> -> memref<1x25600xf32, #tpu.memory_space<vmem>>
        %scatter3A_283 = tpu.memref_squeeze %scatter3A_282 : memref<1x25600xf32, #tpu.memory_space<vmem>> -> memref<25600xf32, #tpu.memory_space<vmem>>
        tpu.vector_store_idx %scatter3A_283[%add3A_279], %gather3A_276 : memref<25600xf32, #tpu.memory_space<vmem>>[vector<16xi32>], vector<16xf32>,
        %add3A_284 = arith.constant 14 : i32
        %add3A_285 = vector.broadcast %add3A_284 : i32 to vector<16xi32>
        %add3A_286 = arith.addi %shift_left3A_130, %add3A_285 : vector<16xi32>
        %gather3A_287 = tpu.vector_load_idx %arg6[%add3A_286] : memref<64000xf32, #tpu.memory_space<vmem>>[vector<16xi32>], vector<16xf32>,
        %add3A_288 = arith.constant 14 : i32
        %add3A_289 = vector.broadcast %add3A_288 : i32 to vector<16xi32>
        %add3A_290 = arith.addi %shift_left3A_137, %add3A_289 : vector<16xi32>
        %scatter3A_291 = arith.constant 1 : i32
        %scatter3A_292 = arith.constant 0 : i32
        %scatter3A_293 = tpu.memref_slice %arg10[%scatter3A_291, %scatter3A_292] : memref<2x25600xf32, #tpu.memory_space<vmem>> -> memref<1x25600xf32, #tpu.memory_space<vmem>>
        %scatter3A_294 = tpu.memref_squeeze %scatter3A_293 : memref<1x25600xf32, #tpu.memory_space<vmem>> -> memref<25600xf32, #tpu.memory_space<vmem>>
        tpu.vector_store_idx %scatter3A_294[%add3A_290], %gather3A_287 : memref<25600xf32, #tpu.memory_space<vmem>>[vector<16xi32>], vector<16xf32>,
        %add3A_295 = arith.constant 15 : i32
        %add3A_296 = vector.broadcast %add3A_295 : i32 to vector<16xi32>
        %add3A_297 = arith.addi %shift_left3A_130, %add3A_296 : vector<16xi32>
        %gather3A_298 = tpu.vector_load_idx %arg6[%add3A_297] : memref<64000xf32, #tpu.memory_space<vmem>>[vector<16xi32>], vector<16xf32>,
        %add3A_299 = arith.constant 15 : i32
        %add3A_300 = vector.broadcast %add3A_299 : i32 to vector<16xi32>
        %add3A_301 = arith.addi %shift_left3A_137, %add3A_300 : vector<16xi32>
        %scatter3A_302 = arith.constant 1 : i32
        %scatter3A_303 = arith.constant 0 : i32
        %scatter3A_304 = tpu.memref_slice %arg10[%scatter3A_302, %scatter3A_303] : memref<2x25600xf32, #tpu.memory_space<vmem>> -> memref<1x25600xf32, #tpu.memory_space<vmem>>
        %scatter3A_305 = tpu.memref_squeeze %scatter3A_304 : memref<1x25600xf32, #tpu.memory_space<vmem>> -> memref<25600xf32, #tpu.memory_space<vmem>>
        tpu.vector_store_idx %scatter3A_305[%add3A_301], %gather3A_298 : memref<25600xf32, #tpu.memory_space<vmem>>[vector<16xi32>], vector<16xf32>,
        %add3A_306 = arith.constant 16 : i32
        %add3A_307 = vector.broadcast %add3A_306 : i32 to vector<16xi32>
        %add3A_308 = arith.addi %shift_left3A_130, %add3A_307 : vector<16xi32>
        %gather3A_309 = tpu.vector_load_idx %arg6[%add3A_308] : memref<64000xf32, #tpu.memory_space<vmem>>[vector<16xi32>], vector<16xf32>,
        %add3A_310 = arith.constant 16 : i32
        %add3A_311 = vector.broadcast %add3A_310 : i32 to vector<16xi32>
        %add3A_312 = arith.addi %shift_left3A_137, %add3A_311 : vector<16xi32>
        %scatter3A_313 = arith.constant 1 : i32
        %scatter3A_314 = arith.constant 0 : i32
        %scatter3A_315 = tpu.memref_slice %arg10[%scatter3A_313, %scatter3A_314] : memref<2x25600xf32, #tpu.memory_space<vmem>> -> memref<1x25600xf32, #tpu.memory_space<vmem>>
        %scatter3A_316 = tpu.memref_squeeze %scatter3A_315 : memref<1x25600xf32, #tpu.memory_space<vmem>> -> memref<25600xf32, #tpu.memory_space<vmem>>
        tpu.vector_store_idx %scatter3A_316[%add3A_312], %gather3A_309 : memref<25600xf32, #tpu.memory_space<vmem>>[vector<16xi32>], vector<16xf32>,
        %add3A_317 = arith.constant 17 : i32
        %add3A_318 = vector.broadcast %add3A_317 : i32 to vector<16xi32>
        %add3A_319 = arith.addi %shift_left3A_130, %add3A_318 : vector<16xi32>
        %gather3A_320 = tpu.vector_load_idx %arg6[%add3A_319] : memref<64000xf32, #tpu.memory_space<vmem>>[vector<16xi32>], vector<16xf32>,
        %add3A_321 = arith.constant 17 : i32
        %add3A_322 = vector.broadcast %add3A_321 : i32 to vector<16xi32>
        %add3A_323 = arith.addi %shift_left3A_137, %add3A_322 : vector<16xi32>
        %scatter3A_324 = arith.constant 1 : i32
        %scatter3A_325 = arith.constant 0 : i32
        %scatter3A_326 = tpu.memref_slice %arg10[%scatter3A_324, %scatter3A_325] : memref<2x25600xf32, #tpu.memory_space<vmem>> -> memref<1x25600xf32, #tpu.memory_space<vmem>>
        %scatter3A_327 = tpu.memref_squeeze %scatter3A_326 : memref<1x25600xf32, #tpu.memory_space<vmem>> -> memref<25600xf32, #tpu.memory_space<vmem>>
        tpu.vector_store_idx %scatter3A_327[%add3A_323], %gather3A_320 : memref<25600xf32, #tpu.memory_space<vmem>>[vector<16xi32>], vector<16xf32>,
        %add3A_328 = arith.constant 18 : i32
        %add3A_329 = vector.broadcast %add3A_328 : i32 to vector<16xi32>
        %add3A_330 = arith.addi %shift_left3A_130, %add3A_329 : vector<16xi32>
        %gather3A_331 = tpu.vector_load_idx %arg6[%add3A_330] : memref<64000xf32, #tpu.memory_space<vmem>>[vector<16xi32>], vector<16xf32>,
        %add3A_332 = arith.constant 18 : i32
        %add3A_333 = vector.broadcast %add3A_332 : i32 to vector<16xi32>
        %add3A_334 = arith.addi %shift_left3A_137, %add3A_333 : vector<16xi32>
        %scatter3A_335 = arith.constant 1 : i32
        %scatter3A_336 = arith.constant 0 : i32
        %scatter3A_337 = tpu.memref_slice %arg10[%scatter3A_335, %scatter3A_336] : memref<2x25600xf32, #tpu.memory_space<vmem>> -> memref<1x25600xf32, #tpu.memory_space<vmem>>
        %scatter3A_338 = tpu.memref_squeeze %scatter3A_337 : memref<1x25600xf32, #tpu.memory_space<vmem>> -> memref<25600xf32, #tpu.memory_space<vmem>>
        tpu.vector_store_idx %scatter3A_338[%add3A_334], %gather3A_331 : memref<25600xf32, #tpu.memory_space<vmem>>[vector<16xi32>], vector<16xf32>,
        %add3A_339 = arith.constant 19 : i32
        %add3A_340 = vector.broadcast %add3A_339 : i32 to vector<16xi32>
        %add3A_341 = arith.addi %shift_left3A_130, %add3A_340 : vector<16xi32>
        %gather3A_342 = tpu.vector_load_idx %arg6[%add3A_341] : memref<64000xf32, #tpu.memory_space<vmem>>[vector<16xi32>], vector<16xf32>,
        %add3A_343 = arith.constant 19 : i32
        %add3A_344 = vector.broadcast %add3A_343 : i32 to vector<16xi32>
        %add3A_345 = arith.addi %shift_left3A_137, %add3A_344 : vector<16xi32>
        %scatter3A_346 = arith.constant 1 : i32
        %scatter3A_347 = arith.constant 0 : i32
        %scatter3A_348 = tpu.memref_slice %arg10[%scatter3A_346, %scatter3A_347] : memref<2x25600xf32, #tpu.memory_space<vmem>> -> memref<1x25600xf32, #tpu.memory_space<vmem>>
        %scatter3A_349 = tpu.memref_squeeze %scatter3A_348 : memref<1x25600xf32, #tpu.memory_space<vmem>> -> memref<25600xf32, #tpu.memory_space<vmem>>
        tpu.vector_store_idx %scatter3A_349[%add3A_345], %gather3A_342 : memref<25600xf32, #tpu.memory_space<vmem>>[vector<16xi32>], vector<16xf32>,
        %add3A_350 = arith.constant 20 : i32
        %add3A_351 = vector.broadcast %add3A_350 : i32 to vector<16xi32>
        %add3A_352 = arith.addi %shift_left3A_130, %add3A_351 : vector<16xi32>
        %gather3A_353 = tpu.vector_load_idx %arg6[%add3A_352] : memref<64000xf32, #tpu.memory_space<vmem>>[vector<16xi32>], vector<16xf32>,
        %add3A_354 = arith.constant 20 : i32
        %add3A_355 = vector.broadcast %add3A_354 : i32 to vector<16xi32>
        %add3A_356 = arith.addi %shift_left3A_137, %add3A_355 : vector<16xi32>
        %scatter3A_357 = arith.constant 1 : i32
        %scatter3A_358 = arith.constant 0 : i32
        %scatter3A_359 = tpu.memref_slice %arg10[%scatter3A_357, %scatter3A_358] : memref<2x25600xf32, #tpu.memory_space<vmem>> -> memref<1x25600xf32, #tpu.memory_space<vmem>>
        %scatter3A_360 = tpu.memref_squeeze %scatter3A_359 : memref<1x25600xf32, #tpu.memory_space<vmem>> -> memref<25600xf32, #tpu.memory_space<vmem>>
        tpu.vector_store_idx %scatter3A_360[%add3A_356], %gather3A_353 : memref<25600xf32, #tpu.memory_space<vmem>>[vector<16xi32>], vector<16xf32>,
        %add3A_361 = arith.constant 21 : i32
        %add3A_362 = vector.broadcast %add3A_361 : i32 to vector<16xi32>
        %add3A_363 = arith.addi %shift_left3A_130, %add3A_362 : vector<16xi32>
        %gather3A_364 = tpu.vector_load_idx %arg6[%add3A_363] : memref<64000xf32, #tpu.memory_space<vmem>>[vector<16xi32>], vector<16xf32>,
        %add3A_365 = arith.constant 21 : i32
        %add3A_366 = vector.broadcast %add3A_365 : i32 to vector<16xi32>
        %add3A_367 = arith.addi %shift_left3A_137, %add3A_366 : vector<16xi32>
        %scatter3A_368 = arith.constant 1 : i32
        %scatter3A_369 = arith.constant 0 : i32
        %scatter3A_370 = tpu.memref_slice %arg10[%scatter3A_368, %scatter3A_369] : memref<2x25600xf32, #tpu.memory_space<vmem>> -> memref<1x25600xf32, #tpu.memory_space<vmem>>
        %scatter3A_371 = tpu.memref_squeeze %scatter3A_370 : memref<1x25600xf32, #tpu.memory_space<vmem>> -> memref<25600xf32, #tpu.memory_space<vmem>>
        tpu.vector_store_idx %scatter3A_371[%add3A_367], %gather3A_364 : memref<25600xf32, #tpu.memory_space<vmem>>[vector<16xi32>], vector<16xf32>,
        %add3A_372 = arith.constant 22 : i32
        %add3A_373 = vector.broadcast %add3A_372 : i32 to vector<16xi32>
        %add3A_374 = arith.addi %shift_left3A_130, %add3A_373 : vector<16xi32>
        %gather3A_375 = tpu.vector_load_idx %arg6[%add3A_374] : memref<64000xf32, #tpu.memory_space<vmem>>[vector<16xi32>], vector<16xf32>,
        %add3A_376 = arith.constant 22 : i32
        %add3A_377 = vector.broadcast %add3A_376 : i32 to vector<16xi32>
        %add3A_378 = arith.addi %shift_left3A_137, %add3A_377 : vector<16xi32>
        %scatter3A_379 = arith.constant 1 : i32
        %scatter3A_380 = arith.constant 0 : i32
        %scatter3A_381 = tpu.memref_slice %arg10[%scatter3A_379, %scatter3A_380] : memref<2x25600xf32, #tpu.memory_space<vmem>> -> memref<1x25600xf32, #tpu.memory_space<vmem>>
        %scatter3A_382 = tpu.memref_squeeze %scatter3A_381 : memref<1x25600xf32, #tpu.memory_space<vmem>> -> memref<25600xf32, #tpu.memory_space<vmem>>
        tpu.vector_store_idx %scatter3A_382[%add3A_378], %gather3A_375 : memref<25600xf32, #tpu.memory_space<vmem>>[vector<16xi32>], vector<16xf32>,
        %add3A_383 = arith.constant 23 : i32
        %add3A_384 = vector.broadcast %add3A_383 : i32 to vector<16xi32>
        %add3A_385 = arith.addi %shift_left3A_130, %add3A_384 : vector<16xi32>
        %gather3A_386 = tpu.vector_load_idx %arg6[%add3A_385] : memref<64000xf32, #tpu.memory_space<vmem>>[vector<16xi32>], vector<16xf32>,
        %add3A_387 = arith.constant 23 : i32
        %add3A_388 = vector.broadcast %add3A_387 : i32 to vector<16xi32>
        %add3A_389 = arith.addi %shift_left3A_137, %add3A_388 : vector<16xi32>
        %scatter3A_390 = arith.constant 1 : i32
        %scatter3A_391 = arith.constant 0 : i32
        %scatter3A_392 = tpu.memref_slice %arg10[%scatter3A_390, %scatter3A_391] : memref<2x25600xf32, #tpu.memory_space<vmem>> -> memref<1x25600xf32, #tpu.memory_space<vmem>>
        %scatter3A_393 = tpu.memref_squeeze %scatter3A_392 : memref<1x25600xf32, #tpu.memory_space<vmem>> -> memref<25600xf32, #tpu.memory_space<vmem>>
        tpu.vector_store_idx %scatter3A_393[%add3A_389], %gather3A_386 : memref<25600xf32, #tpu.memory_space<vmem>>[vector<16xi32>], vector<16xf32>,
        %add3A_394 = arith.constant 24 : i32
        %add3A_395 = vector.broadcast %add3A_394 : i32 to vector<16xi32>
        %add3A_396 = arith.addi %shift_left3A_130, %add3A_395 : vector<16xi32>
        %gather3A_397 = tpu.vector_load_idx %arg6[%add3A_396] : memref<64000xf32, #tpu.memory_space<vmem>>[vector<16xi32>], vector<16xf32>,
        %add3A_398 = arith.constant 24 : i32
        %add3A_399 = vector.broadcast %add3A_398 : i32 to vector<16xi32>
        %add3A_400 = arith.addi %shift_left3A_137, %add3A_399 : vector<16xi32>
        %scatter3A_401 = arith.constant 1 : i32
        %scatter3A_402 = arith.constant 0 : i32
        %scatter3A_403 = tpu.memref_slice %arg10[%scatter3A_401, %scatter3A_402] : memref<2x25600xf32, #tpu.memory_space<vmem>> -> memref<1x25600xf32, #tpu.memory_space<vmem>>
        %scatter3A_404 = tpu.memref_squeeze %scatter3A_403 : memref<1x25600xf32, #tpu.memory_space<vmem>> -> memref<25600xf32, #tpu.memory_space<vmem>>
        tpu.vector_store_idx %scatter3A_404[%add3A_400], %gather3A_397 : memref<25600xf32, #tpu.memory_space<vmem>>[vector<16xi32>], vector<16xf32>,
        %add3A_405 = arith.constant 25 : i32
        %add3A_406 = vector.broadcast %add3A_405 : i32 to vector<16xi32>
        %add3A_407 = arith.addi %shift_left3A_130, %add3A_406 : vector<16xi32>
        %gather3A_408 = tpu.vector_load_idx %arg6[%add3A_407] : memref<64000xf32, #tpu.memory_space<vmem>>[vector<16xi32>], vector<16xf32>,
        %add3A_409 = arith.constant 25 : i32
        %add3A_410 = vector.broadcast %add3A_409 : i32 to vector<16xi32>
        %add3A_411 = arith.addi %shift_left3A_137, %add3A_410 : vector<16xi32>
        %scatter3A_412 = arith.constant 1 : i32
        %scatter3A_413 = arith.constant 0 : i32
        %scatter3A_414 = tpu.memref_slice %arg10[%scatter3A_412, %scatter3A_413] : memref<2x25600xf32, #tpu.memory_space<vmem>> -> memref<1x25600xf32, #tpu.memory_space<vmem>>
        %scatter3A_415 = tpu.memref_squeeze %scatter3A_414 : memref<1x25600xf32, #tpu.memory_space<vmem>> -> memref<25600xf32, #tpu.memory_space<vmem>>
        tpu.vector_store_idx %scatter3A_415[%add3A_411], %gather3A_408 : memref<25600xf32, #tpu.memory_space<vmem>>[vector<16xi32>], vector<16xf32>,
        %add3A_416 = arith.constant 26 : i32
        %add3A_417 = vector.broadcast %add3A_416 : i32 to vector<16xi32>
        %add3A_418 = arith.addi %shift_left3A_130, %add3A_417 : vector<16xi32>
        %gather3A_419 = tpu.vector_load_idx %arg6[%add3A_418] : memref<64000xf32, #tpu.memory_space<vmem>>[vector<16xi32>], vector<16xf32>,
        %add3A_420 = arith.constant 26 : i32
        %add3A_421 = vector.broadcast %add3A_420 : i32 to vector<16xi32>
        %add3A_422 = arith.addi %shift_left3A_137, %add3A_421 : vector<16xi32>
        %scatter3A_423 = arith.constant 1 : i32
        %scatter3A_424 = arith.constant 0 : i32
        %scatter3A_425 = tpu.memref_slice %arg10[%scatter3A_423, %scatter3A_424] : memref<2x25600xf32, #tpu.memory_space<vmem>> -> memref<1x25600xf32, #tpu.memory_space<vmem>>
        %scatter3A_426 = tpu.memref_squeeze %scatter3A_425 : memref<1x25600xf32, #tpu.memory_space<vmem>> -> memref<25600xf32, #tpu.memory_space<vmem>>
        tpu.vector_store_idx %scatter3A_426[%add3A_422], %gather3A_419 : memref<25600xf32, #tpu.memory_space<vmem>>[vector<16xi32>], vector<16xf32>,
        %add3A_427 = arith.constant 27 : i32
        %add3A_428 = vector.broadcast %add3A_427 : i32 to vector<16xi32>
        %add3A_429 = arith.addi %shift_left3A_130, %add3A_428 : vector<16xi32>
        %gather3A_430 = tpu.vector_load_idx %arg6[%add3A_429] : memref<64000xf32, #tpu.memory_space<vmem>>[vector<16xi32>], vector<16xf32>,
        %add3A_431 = arith.constant 27 : i32
        %add3A_432 = vector.broadcast %add3A_431 : i32 to vector<16xi32>
        %add3A_433 = arith.addi %shift_left3A_137, %add3A_432 : vector<16xi32>
        %scatter3A_434 = arith.constant 1 : i32
        %scatter3A_435 = arith.constant 0 : i32
        %scatter3A_436 = tpu.memref_slice %arg10[%scatter3A_434, %scatter3A_435] : memref<2x25600xf32, #tpu.memory_space<vmem>> -> memref<1x25600xf32, #tpu.memory_space<vmem>>
        %scatter3A_437 = tpu.memref_squeeze %scatter3A_436 : memref<1x25600xf32, #tpu.memory_space<vmem>> -> memref<25600xf32, #tpu.memory_space<vmem>>
        tpu.vector_store_idx %scatter3A_437[%add3A_433], %gather3A_430 : memref<25600xf32, #tpu.memory_space<vmem>>[vector<16xi32>], vector<16xf32>,
        %add3A_438 = arith.constant 28 : i32
        %add3A_439 = vector.broadcast %add3A_438 : i32 to vector<16xi32>
        %add3A_440 = arith.addi %shift_left3A_130, %add3A_439 : vector<16xi32>
        %gather3A_441 = tpu.vector_load_idx %arg6[%add3A_440] : memref<64000xf32, #tpu.memory_space<vmem>>[vector<16xi32>], vector<16xf32>,
        %add3A_442 = arith.constant 28 : i32
        %add3A_443 = vector.broadcast %add3A_442 : i32 to vector<16xi32>
        %add3A_444 = arith.addi %shift_left3A_137, %add3A_443 : vector<16xi32>
        %scatter3A_445 = arith.constant 1 : i32
        %scatter3A_446 = arith.constant 0 : i32
        %scatter3A_447 = tpu.memref_slice %arg10[%scatter3A_445, %scatter3A_446] : memref<2x25600xf32, #tpu.memory_space<vmem>> -> memref<1x25600xf32, #tpu.memory_space<vmem>>
        %scatter3A_448 = tpu.memref_squeeze %scatter3A_447 : memref<1x25600xf32, #tpu.memory_space<vmem>> -> memref<25600xf32, #tpu.memory_space<vmem>>
        tpu.vector_store_idx %scatter3A_448[%add3A_444], %gather3A_441 : memref<25600xf32, #tpu.memory_space<vmem>>[vector<16xi32>], vector<16xf32>,
        %add3A_449 = arith.constant 29 : i32
        %add3A_450 = vector.broadcast %add3A_449 : i32 to vector<16xi32>
        %add3A_451 = arith.addi %shift_left3A_130, %add3A_450 : vector<16xi32>
        %gather3A_452 = tpu.vector_load_idx %arg6[%add3A_451] : memref<64000xf32, #tpu.memory_space<vmem>>[vector<16xi32>], vector<16xf32>,
        %add3A_453 = arith.constant 29 : i32
        %add3A_454 = vector.broadcast %add3A_453 : i32 to vector<16xi32>
        %add3A_455 = arith.addi %shift_left3A_137, %add3A_454 : vector<16xi32>
        %scatter3A_456 = arith.constant 1 : i32
        %scatter3A_457 = arith.constant 0 : i32
        %scatter3A_458 = tpu.memref_slice %arg10[%scatter3A_456, %scatter3A_457] : memref<2x25600xf32, #tpu.memory_space<vmem>> -> memref<1x25600xf32, #tpu.memory_space<vmem>>
        %scatter3A_459 = tpu.memref_squeeze %scatter3A_458 : memref<1x25600xf32, #tpu.memory_space<vmem>> -> memref<25600xf32, #tpu.memory_space<vmem>>
        tpu.vector_store_idx %scatter3A_459[%add3A_455], %gather3A_452 : memref<25600xf32, #tpu.memory_space<vmem>>[vector<16xi32>], vector<16xf32>,
        %add3A_460 = arith.constant 30 : i32
        %add3A_461 = vector.broadcast %add3A_460 : i32 to vector<16xi32>
        %add3A_462 = arith.addi %shift_left3A_130, %add3A_461 : vector<16xi32>
        %gather3A_463 = tpu.vector_load_idx %arg6[%add3A_462] : memref<64000xf32, #tpu.memory_space<vmem>>[vector<16xi32>], vector<16xf32>,
        %add3A_464 = arith.constant 30 : i32
        %add3A_465 = vector.broadcast %add3A_464 : i32 to vector<16xi32>
        %add3A_466 = arith.addi %shift_left3A_137, %add3A_465 : vector<16xi32>
        %scatter3A_467 = arith.constant 1 : i32
        %scatter3A_468 = arith.constant 0 : i32
        %scatter3A_469 = tpu.memref_slice %arg10[%scatter3A_467, %scatter3A_468] : memref<2x25600xf32, #tpu.memory_space<vmem>> -> memref<1x25600xf32, #tpu.memory_space<vmem>>
        %scatter3A_470 = tpu.memref_squeeze %scatter3A_469 : memref<1x25600xf32, #tpu.memory_space<vmem>> -> memref<25600xf32, #tpu.memory_space<vmem>>
        tpu.vector_store_idx %scatter3A_470[%add3A_466], %gather3A_463 : memref<25600xf32, #tpu.memory_space<vmem>>[vector<16xi32>], vector<16xf32>,
        %add3A_471 = arith.constant 31 : i32
        %add3A_472 = vector.broadcast %add3A_471 : i32 to vector<16xi32>
        %add3A_473 = arith.addi %shift_left3A_130, %add3A_472 : vector<16xi32>
        %gather3A_474 = tpu.vector_load_idx %arg6[%add3A_473] : memref<64000xf32, #tpu.memory_space<vmem>>[vector<16xi32>], vector<16xf32>,
        %add3A_475 = arith.constant 31 : i32
        %add3A_476 = vector.broadcast %add3A_475 : i32 to vector<16xi32>
        %add3A_477 = arith.addi %shift_left3A_137, %add3A_476 : vector<16xi32>
        %scatter3A_478 = arith.constant 1 : i32
        %scatter3A_479 = arith.constant 0 : i32
        %scatter3A_480 = tpu.memref_slice %arg10[%scatter3A_478, %scatter3A_479] : memref<2x25600xf32, #tpu.memory_space<vmem>> -> memref<1x25600xf32, #tpu.memory_space<vmem>>
        %scatter3A_481 = tpu.memref_squeeze %scatter3A_480 : memref<1x25600xf32, #tpu.memory_space<vmem>> -> memref<25600xf32, #tpu.memory_space<vmem>>
        tpu.vector_store_idx %scatter3A_481[%add3A_477], %gather3A_474 : memref<25600xf32, #tpu.memory_space<vmem>>[vector<16xi32>], vector<16xf32>,
        %add3A_482 = arith.constant 32 : i32
        %add3A_483 = vector.broadcast %add3A_482 : i32 to vector<16xi32>
        %add3A_484 = arith.addi %shift_left3A_130, %add3A_483 : vector<16xi32>
        %gather3A_485 = tpu.vector_load_idx %arg6[%add3A_484] : memref<64000xf32, #tpu.memory_space<vmem>>[vector<16xi32>], vector<16xf32>,
        %add3A_486 = arith.constant 32 : i32
        %add3A_487 = vector.broadcast %add3A_486 : i32 to vector<16xi32>
        %add3A_488 = arith.addi %shift_left3A_137, %add3A_487 : vector<16xi32>
        %scatter3A_489 = arith.constant 1 : i32
        %scatter3A_490 = arith.constant 0 : i32
        %scatter3A_491 = tpu.memref_slice %arg10[%scatter3A_489, %scatter3A_490] : memref<2x25600xf32, #tpu.memory_space<vmem>> -> memref<1x25600xf32, #tpu.memory_space<vmem>>
        %scatter3A_492 = tpu.memref_squeeze %scatter3A_491 : memref<1x25600xf32, #tpu.memory_space<vmem>> -> memref<25600xf32, #tpu.memory_space<vmem>>
        tpu.vector_store_idx %scatter3A_492[%add3A_488], %gather3A_485 : memref<25600xf32, #tpu.memory_space<vmem>>[vector<16xi32>], vector<16xf32>,
        %add3A_493 = arith.constant 33 : i32
        %add3A_494 = vector.broadcast %add3A_493 : i32 to vector<16xi32>
        %add3A_495 = arith.addi %shift_left3A_130, %add3A_494 : vector<16xi32>
        %gather3A_496 = tpu.vector_load_idx %arg6[%add3A_495] : memref<64000xf32, #tpu.memory_space<vmem>>[vector<16xi32>], vector<16xf32>,
        %add3A_497 = arith.constant 33 : i32
        %add3A_498 = vector.broadcast %add3A_497 : i32 to vector<16xi32>
        %add3A_499 = arith.addi %shift_left3A_137, %add3A_498 : vector<16xi32>
        %scatter3A_500 = arith.constant 1 : i32
        %scatter3A_501 = arith.constant 0 : i32
        %scatter3A_502 = tpu.memref_slice %arg10[%scatter3A_500, %scatter3A_501] : memref<2x25600xf32, #tpu.memory_space<vmem>> -> memref<1x25600xf32, #tpu.memory_space<vmem>>
        %scatter3A_503 = tpu.memref_squeeze %scatter3A_502 : memref<1x25600xf32, #tpu.memory_space<vmem>> -> memref<25600xf32, #tpu.memory_space<vmem>>
        tpu.vector_store_idx %scatter3A_503[%add3A_499], %gather3A_496 : memref<25600xf32, #tpu.memory_space<vmem>>[vector<16xi32>], vector<16xf32>,
        %add3A_504 = arith.constant 34 : i32
        %add3A_505 = vector.broadcast %add3A_504 : i32 to vector<16xi32>
        %add3A_506 = arith.addi %shift_left3A_130, %add3A_505 : vector<16xi32>
        %gather3A_507 = tpu.vector_load_idx %arg6[%add3A_506] : memref<64000xf32, #tpu.memory_space<vmem>>[vector<16xi32>], vector<16xf32>,
        %add3A_508 = arith.constant 34 : i32
        %add3A_509 = vector.broadcast %add3A_508 : i32 to vector<16xi32>
        %add3A_510 = arith.addi %shift_left3A_137, %add3A_509 : vector<16xi32>
        %scatter3A_511 = arith.constant 1 : i32
        %scatter3A_512 = arith.constant 0 : i32
        %scatter3A_513 = tpu.memref_slice %arg10[%scatter3A_511, %scatter3A_512] : memref<2x25600xf32, #tpu.memory_space<vmem>> -> memref<1x25600xf32, #tpu.memory_space<vmem>>
        %scatter3A_514 = tpu.memref_squeeze %scatter3A_513 : memref<1x25600xf32, #tpu.memory_space<vmem>> -> memref<25600xf32, #tpu.memory_space<vmem>>
        tpu.vector_store_idx %scatter3A_514[%add3A_510], %gather3A_507 : memref<25600xf32, #tpu.memory_space<vmem>>[vector<16xi32>], vector<16xf32>,
        %add3A_515 = arith.constant 35 : i32
        %add3A_516 = vector.broadcast %add3A_515 : i32 to vector<16xi32>
        %add3A_517 = arith.addi %shift_left3A_130, %add3A_516 : vector<16xi32>
        %gather3A_518 = tpu.vector_load_idx %arg6[%add3A_517] : memref<64000xf32, #tpu.memory_space<vmem>>[vector<16xi32>], vector<16xf32>,
        %add3A_519 = arith.constant 35 : i32
        %add3A_520 = vector.broadcast %add3A_519 : i32 to vector<16xi32>
        %add3A_521 = arith.addi %shift_left3A_137, %add3A_520 : vector<16xi32>
        %scatter3A_522 = arith.constant 1 : i32
        %scatter3A_523 = arith.constant 0 : i32
        %scatter3A_524 = tpu.memref_slice %arg10[%scatter3A_522, %scatter3A_523] : memref<2x25600xf32, #tpu.memory_space<vmem>> -> memref<1x25600xf32, #tpu.memory_space<vmem>>
        %scatter3A_525 = tpu.memref_squeeze %scatter3A_524 : memref<1x25600xf32, #tpu.memory_space<vmem>> -> memref<25600xf32, #tpu.memory_space<vmem>>
        tpu.vector_store_idx %scatter3A_525[%add3A_521], %gather3A_518 : memref<25600xf32, #tpu.memory_space<vmem>>[vector<16xi32>], vector<16xf32>,
        %add3A_526 = arith.constant 36 : i32
        %add3A_527 = vector.broadcast %add3A_526 : i32 to vector<16xi32>
        %add3A_528 = arith.addi %shift_left3A_130, %add3A_527 : vector<16xi32>
        %gather3A_529 = tpu.vector_load_idx %arg6[%add3A_528] : memref<64000xf32, #tpu.memory_space<vmem>>[vector<16xi32>], vector<16xf32>,
        %add3A_530 = arith.constant 36 : i32
        %add3A_531 = vector.broadcast %add3A_530 : i32 to vector<16xi32>
        %add3A_532 = arith.addi %shift_left3A_137, %add3A_531 : vector<16xi32>
        %scatter3A_533 = arith.constant 1 : i32
        %scatter3A_534 = arith.constant 0 : i32
        %scatter3A_535 = tpu.memref_slice %arg10[%scatter3A_533, %scatter3A_534] : memref<2x25600xf32, #tpu.memory_space<vmem>> -> memref<1x25600xf32, #tpu.memory_space<vmem>>
        %scatter3A_536 = tpu.memref_squeeze %scatter3A_535 : memref<1x25600xf32, #tpu.memory_space<vmem>> -> memref<25600xf32, #tpu.memory_space<vmem>>
        tpu.vector_store_idx %scatter3A_536[%add3A_532], %gather3A_529 : memref<25600xf32, #tpu.memory_space<vmem>>[vector<16xi32>], vector<16xf32>,
        %add3A_537 = arith.constant 37 : i32
        %add3A_538 = vector.broadcast %add3A_537 : i32 to vector<16xi32>
        %add3A_539 = arith.addi %shift_left3A_130, %add3A_538 : vector<16xi32>
        %gather3A_540 = tpu.vector_load_idx %arg6[%add3A_539] : memref<64000xf32, #tpu.memory_space<vmem>>[vector<16xi32>], vector<16xf32>,
        %add3A_541 = arith.constant 37 : i32
        %add3A_542 = vector.broadcast %add3A_541 : i32 to vector<16xi32>
        %add3A_543 = arith.addi %shift_left3A_137, %add3A_542 : vector<16xi32>
        %scatter3A_544 = arith.constant 1 : i32
        %scatter3A_545 = arith.constant 0 : i32
        %scatter3A_546 = tpu.memref_slice %arg10[%scatter3A_544, %scatter3A_545] : memref<2x25600xf32, #tpu.memory_space<vmem>> -> memref<1x25600xf32, #tpu.memory_space<vmem>>
        %scatter3A_547 = tpu.memref_squeeze %scatter3A_546 : memref<1x25600xf32, #tpu.memory_space<vmem>> -> memref<25600xf32, #tpu.memory_space<vmem>>
        tpu.vector_store_idx %scatter3A_547[%add3A_543], %gather3A_540 : memref<25600xf32, #tpu.memory_space<vmem>>[vector<16xi32>], vector<16xf32>,
        %add3A_548 = arith.constant 38 : i32
        %add3A_549 = vector.broadcast %add3A_548 : i32 to vector<16xi32>
        %add3A_550 = arith.addi %shift_left3A_130, %add3A_549 : vector<16xi32>
        %gather3A_551 = tpu.vector_load_idx %arg6[%add3A_550] : memref<64000xf32, #tpu.memory_space<vmem>>[vector<16xi32>], vector<16xf32>,
        %add3A_552 = arith.constant 38 : i32
        %add3A_553 = vector.broadcast %add3A_552 : i32 to vector<16xi32>
        %add3A_554 = arith.addi %shift_left3A_137, %add3A_553 : vector<16xi32>
        %scatter3A_555 = arith.constant 1 : i32
        %scatter3A_556 = arith.constant 0 : i32
        %scatter3A_557 = tpu.memref_slice %arg10[%scatter3A_555, %scatter3A_556] : memref<2x25600xf32, #tpu.memory_space<vmem>> -> memref<1x25600xf32, #tpu.memory_space<vmem>>
        %scatter3A_558 = tpu.memref_squeeze %scatter3A_557 : memref<1x25600xf32, #tpu.memory_space<vmem>> -> memref<25600xf32, #tpu.memory_space<vmem>>
        tpu.vector_store_idx %scatter3A_558[%add3A_554], %gather3A_551 : memref<25600xf32, #tpu.memory_space<vmem>>[vector<16xi32>], vector<16xf32>,
        %add3A_559 = arith.constant 39 : i32
        %add3A_560 = vector.broadcast %add3A_559 : i32 to vector<16xi32>
        %add3A_561 = arith.addi %shift_left3A_130, %add3A_560 : vector<16xi32>
        %gather3A_562 = tpu.vector_load_idx %arg6[%add3A_561] : memref<64000xf32, #tpu.memory_space<vmem>>[vector<16xi32>], vector<16xf32>,
        %add3A_563 = arith.constant 39 : i32
        %add3A_564 = vector.broadcast %add3A_563 : i32 to vector<16xi32>
        %add3A_565 = arith.addi %shift_left3A_137, %add3A_564 : vector<16xi32>
        %scatter3A_566 = arith.constant 1 : i32
        %scatter3A_567 = arith.constant 0 : i32
        %scatter3A_568 = tpu.memref_slice %arg10[%scatter3A_566, %scatter3A_567] : memref<2x25600xf32, #tpu.memory_space<vmem>> -> memref<1x25600xf32, #tpu.memory_space<vmem>>
        %scatter3A_569 = tpu.memref_squeeze %scatter3A_568 : memref<1x25600xf32, #tpu.memory_space<vmem>> -> memref<25600xf32, #tpu.memory_space<vmem>>
        tpu.vector_store_idx %scatter3A_569[%add3A_565], %gather3A_562 : memref<25600xf32, #tpu.memory_space<vmem>>[vector<16xi32>], vector<16xf32>,
        %add3A_570 = arith.constant 40 : i32
        %add3A_571 = vector.broadcast %add3A_570 : i32 to vector<16xi32>
        %add3A_572 = arith.addi %shift_left3A_130, %add3A_571 : vector<16xi32>
        %gather3A_573 = tpu.vector_load_idx %arg6[%add3A_572] : memref<64000xf32, #tpu.memory_space<vmem>>[vector<16xi32>], vector<16xf32>,
        %add3A_574 = arith.constant 40 : i32
        %add3A_575 = vector.broadcast %add3A_574 : i32 to vector<16xi32>
        %add3A_576 = arith.addi %shift_left3A_137, %add3A_575 : vector<16xi32>
        %scatter3A_577 = arith.constant 1 : i32
        %scatter3A_578 = arith.constant 0 : i32
        %scatter3A_579 = tpu.memref_slice %arg10[%scatter3A_577, %scatter3A_578] : memref<2x25600xf32, #tpu.memory_space<vmem>> -> memref<1x25600xf32, #tpu.memory_space<vmem>>
        %scatter3A_580 = tpu.memref_squeeze %scatter3A_579 : memref<1x25600xf32, #tpu.memory_space<vmem>> -> memref<25600xf32, #tpu.memory_space<vmem>>
        tpu.vector_store_idx %scatter3A_580[%add3A_576], %gather3A_573 : memref<25600xf32, #tpu.memory_space<vmem>>[vector<16xi32>], vector<16xf32>,
        %add3A_581 = arith.constant 41 : i32
        %add3A_582 = vector.broadcast %add3A_581 : i32 to vector<16xi32>
        %add3A_583 = arith.addi %shift_left3A_130, %add3A_582 : vector<16xi32>
        %gather3A_584 = tpu.vector_load_idx %arg6[%add3A_583] : memref<64000xf32, #tpu.memory_space<vmem>>[vector<16xi32>], vector<16xf32>,
        %add3A_585 = arith.constant 41 : i32
        %add3A_586 = vector.broadcast %add3A_585 : i32 to vector<16xi32>
        %add3A_587 = arith.addi %shift_left3A_137, %add3A_586 : vector<16xi32>
        %scatter3A_588 = arith.constant 1 : i32
        %scatter3A_589 = arith.constant 0 : i32
        %scatter3A_590 = tpu.memref_slice %arg10[%scatter3A_588, %scatter3A_589] : memref<2x25600xf32, #tpu.memory_space<vmem>> -> memref<1x25600xf32, #tpu.memory_space<vmem>>
        %scatter3A_591 = tpu.memref_squeeze %scatter3A_590 : memref<1x25600xf32, #tpu.memory_space<vmem>> -> memref<25600xf32, #tpu.memory_space<vmem>>
        tpu.vector_store_idx %scatter3A_591[%add3A_587], %gather3A_584 : memref<25600xf32, #tpu.memory_space<vmem>>[vector<16xi32>], vector<16xf32>,
        %add3A_592 = arith.constant 42 : i32
        %add3A_593 = vector.broadcast %add3A_592 : i32 to vector<16xi32>
        %add3A_594 = arith.addi %shift_left3A_130, %add3A_593 : vector<16xi32>
        %gather3A_595 = tpu.vector_load_idx %arg6[%add3A_594] : memref<64000xf32, #tpu.memory_space<vmem>>[vector<16xi32>], vector<16xf32>,
        %add3A_596 = arith.constant 42 : i32
        %add3A_597 = vector.broadcast %add3A_596 : i32 to vector<16xi32>
        %add3A_598 = arith.addi %shift_left3A_137, %add3A_597 : vector<16xi32>
        %scatter3A_599 = arith.constant 1 : i32
        %scatter3A_600 = arith.constant 0 : i32
        %scatter3A_601 = tpu.memref_slice %arg10[%scatter3A_599, %scatter3A_600] : memref<2x25600xf32, #tpu.memory_space<vmem>> -> memref<1x25600xf32, #tpu.memory_space<vmem>>
        %scatter3A_602 = tpu.memref_squeeze %scatter3A_601 : memref<1x25600xf32, #tpu.memory_space<vmem>> -> memref<25600xf32, #tpu.memory_space<vmem>>
        tpu.vector_store_idx %scatter3A_602[%add3A_598], %gather3A_595 : memref<25600xf32, #tpu.memory_space<vmem>>[vector<16xi32>], vector<16xf32>,
        %add3A_603 = arith.constant 43 : i32
        %add3A_604 = vector.broadcast %add3A_603 : i32 to vector<16xi32>
        %add3A_605 = arith.addi %shift_left3A_130, %add3A_604 : vector<16xi32>
        %gather3A_606 = tpu.vector_load_idx %arg6[%add3A_605] : memref<64000xf32, #tpu.memory_space<vmem>>[vector<16xi32>], vector<16xf32>,
        %add3A_607 = arith.constant 43 : i32
        %add3A_608 = vector.broadcast %add3A_607 : i32 to vector<16xi32>
        %add3A_609 = arith.addi %shift_left3A_137, %add3A_608 : vector<16xi32>
        %scatter3A_610 = arith.constant 1 : i32
        %scatter3A_611 = arith.constant 0 : i32
        %scatter3A_612 = tpu.memref_slice %arg10[%scatter3A_610, %scatter3A_611] : memref<2x25600xf32, #tpu.memory_space<vmem>> -> memref<1x25600xf32, #tpu.memory_space<vmem>>
        %scatter3A_613 = tpu.memref_squeeze %scatter3A_612 : memref<1x25600xf32, #tpu.memory_space<vmem>> -> memref<25600xf32, #tpu.memory_space<vmem>>
        tpu.vector_store_idx %scatter3A_613[%add3A_609], %gather3A_606 : memref<25600xf32, #tpu.memory_space<vmem>>[vector<16xi32>], vector<16xf32>,
        %add3A_614 = arith.constant 44 : i32
        %add3A_615 = vector.broadcast %add3A_614 : i32 to vector<16xi32>
        %add3A_616 = arith.addi %shift_left3A_130, %add3A_615 : vector<16xi32>
        %gather3A_617 = tpu.vector_load_idx %arg6[%add3A_616] : memref<64000xf32, #tpu.memory_space<vmem>>[vector<16xi32>], vector<16xf32>,
        %add3A_618 = arith.constant 44 : i32
        %add3A_619 = vector.broadcast %add3A_618 : i32 to vector<16xi32>
        %add3A_620 = arith.addi %shift_left3A_137, %add3A_619 : vector<16xi32>
        %scatter3A_621 = arith.constant 1 : i32
        %scatter3A_622 = arith.constant 0 : i32
        %scatter3A_623 = tpu.memref_slice %arg10[%scatter3A_621, %scatter3A_622] : memref<2x25600xf32, #tpu.memory_space<vmem>> -> memref<1x25600xf32, #tpu.memory_space<vmem>>
        %scatter3A_624 = tpu.memref_squeeze %scatter3A_623 : memref<1x25600xf32, #tpu.memory_space<vmem>> -> memref<25600xf32, #tpu.memory_space<vmem>>
        tpu.vector_store_idx %scatter3A_624[%add3A_620], %gather3A_617 : memref<25600xf32, #tpu.memory_space<vmem>>[vector<16xi32>], vector<16xf32>,
        %add3A_625 = arith.constant 45 : i32
        %add3A_626 = vector.broadcast %add3A_625 : i32 to vector<16xi32>
        %add3A_627 = arith.addi %shift_left3A_130, %add3A_626 : vector<16xi32>
        %gather3A_628 = tpu.vector_load_idx %arg6[%add3A_627] : memref<64000xf32, #tpu.memory_space<vmem>>[vector<16xi32>], vector<16xf32>,
        %add3A_629 = arith.constant 45 : i32
        %add3A_630 = vector.broadcast %add3A_629 : i32 to vector<16xi32>
        %add3A_631 = arith.addi %shift_left3A_137, %add3A_630 : vector<16xi32>
        %scatter3A_632 = arith.constant 1 : i32
        %scatter3A_633 = arith.constant 0 : i32
        %scatter3A_634 = tpu.memref_slice %arg10[%scatter3A_632, %scatter3A_633] : memref<2x25600xf32, #tpu.memory_space<vmem>> -> memref<1x25600xf32, #tpu.memory_space<vmem>>
        %scatter3A_635 = tpu.memref_squeeze %scatter3A_634 : memref<1x25600xf32, #tpu.memory_space<vmem>> -> memref<25600xf32, #tpu.memory_space<vmem>>
        tpu.vector_store_idx %scatter3A_635[%add3A_631], %gather3A_628 : memref<25600xf32, #tpu.memory_space<vmem>>[vector<16xi32>], vector<16xf32>,
        %add3A_636 = arith.constant 46 : i32
        %add3A_637 = vector.broadcast %add3A_636 : i32 to vector<16xi32>
        %add3A_638 = arith.addi %shift_left3A_130, %add3A_637 : vector<16xi32>
        %gather3A_639 = tpu.vector_load_idx %arg6[%add3A_638] : memref<64000xf32, #tpu.memory_space<vmem>>[vector<16xi32>], vector<16xf32>,
        %add3A_640 = arith.constant 46 : i32
        %add3A_641 = vector.broadcast %add3A_640 : i32 to vector<16xi32>
        %add3A_642 = arith.addi %shift_left3A_137, %add3A_641 : vector<16xi32>
        %scatter3A_643 = arith.constant 1 : i32
        %scatter3A_644 = arith.constant 0 : i32
        %scatter3A_645 = tpu.memref_slice %arg10[%scatter3A_643, %scatter3A_644] : memref<2x25600xf32, #tpu.memory_space<vmem>> -> memref<1x25600xf32, #tpu.memory_space<vmem>>
        %scatter3A_646 = tpu.memref_squeeze %scatter3A_645 : memref<1x25600xf32, #tpu.memory_space<vmem>> -> memref<25600xf32, #tpu.memory_space<vmem>>
        tpu.vector_store_idx %scatter3A_646[%add3A_642], %gather3A_639 : memref<25600xf32, #tpu.memory_space<vmem>>[vector<16xi32>], vector<16xf32>,
        %add3A_647 = arith.constant 47 : i32
        %add3A_648 = vector.broadcast %add3A_647 : i32 to vector<16xi32>
        %add3A_649 = arith.addi %shift_left3A_130, %add3A_648 : vector<16xi32>
        %gather3A_650 = tpu.vector_load_idx %arg6[%add3A_649] : memref<64000xf32, #tpu.memory_space<vmem>>[vector<16xi32>], vector<16xf32>,
        %add3A_651 = arith.constant 47 : i32
        %add3A_652 = vector.broadcast %add3A_651 : i32 to vector<16xi32>
        %add3A_653 = arith.addi %shift_left3A_137, %add3A_652 : vector<16xi32>
        %scatter3A_654 = arith.constant 1 : i32
        %scatter3A_655 = arith.constant 0 : i32
        %scatter3A_656 = tpu.memref_slice %arg10[%scatter3A_654, %scatter3A_655] : memref<2x25600xf32, #tpu.memory_space<vmem>> -> memref<1x25600xf32, #tpu.memory_space<vmem>>
        %scatter3A_657 = tpu.memref_squeeze %scatter3A_656 : memref<1x25600xf32, #tpu.memory_space<vmem>> -> memref<25600xf32, #tpu.memory_space<vmem>>
        tpu.vector_store_idx %scatter3A_657[%add3A_653], %gather3A_650 : memref<25600xf32, #tpu.memory_space<vmem>>[vector<16xi32>], vector<16xf32>,
        %add3A_658 = arith.constant 48 : i32
        %add3A_659 = vector.broadcast %add3A_658 : i32 to vector<16xi32>
        %add3A_660 = arith.addi %shift_left3A_130, %add3A_659 : vector<16xi32>
        %gather3A_661 = tpu.vector_load_idx %arg6[%add3A_660] : memref<64000xf32, #tpu.memory_space<vmem>>[vector<16xi32>], vector<16xf32>,
        %add3A_662 = arith.constant 48 : i32
        %add3A_663 = vector.broadcast %add3A_662 : i32 to vector<16xi32>
        %add3A_664 = arith.addi %shift_left3A_137, %add3A_663 : vector<16xi32>
        %scatter3A_665 = arith.constant 1 : i32
        %scatter3A_666 = arith.constant 0 : i32
        %scatter3A_667 = tpu.memref_slice %arg10[%scatter3A_665, %scatter3A_666] : memref<2x25600xf32, #tpu.memory_space<vmem>> -> memref<1x25600xf32, #tpu.memory_space<vmem>>
        %scatter3A_668 = tpu.memref_squeeze %scatter3A_667 : memref<1x25600xf32, #tpu.memory_space<vmem>> -> memref<25600xf32, #tpu.memory_space<vmem>>
        tpu.vector_store_idx %scatter3A_668[%add3A_664], %gather3A_661 : memref<25600xf32, #tpu.memory_space<vmem>>[vector<16xi32>], vector<16xf32>,
        %add3A_669 = arith.constant 49 : i32
        %add3A_670 = vector.broadcast %add3A_669 : i32 to vector<16xi32>
        %add3A_671 = arith.addi %shift_left3A_130, %add3A_670 : vector<16xi32>
        %gather3A_672 = tpu.vector_load_idx %arg6[%add3A_671] : memref<64000xf32, #tpu.memory_space<vmem>>[vector<16xi32>], vector<16xf32>,
        %add3A_673 = arith.constant 49 : i32
        %add3A_674 = vector.broadcast %add3A_673 : i32 to vector<16xi32>
        %add3A_675 = arith.addi %shift_left3A_137, %add3A_674 : vector<16xi32>
        %scatter3A_676 = arith.constant 1 : i32
        %scatter3A_677 = arith.constant 0 : i32
        %scatter3A_678 = tpu.memref_slice %arg10[%scatter3A_676, %scatter3A_677] : memref<2x25600xf32, #tpu.memory_space<vmem>> -> memref<1x25600xf32, #tpu.memory_space<vmem>>
        %scatter3A_679 = tpu.memref_squeeze %scatter3A_678 : memref<1x25600xf32, #tpu.memory_space<vmem>> -> memref<25600xf32, #tpu.memory_space<vmem>>
        tpu.vector_store_idx %scatter3A_679[%add3A_675], %gather3A_672 : memref<25600xf32, #tpu.memory_space<vmem>>[vector<16xi32>], vector<16xf32>,
        %add3A_680 = arith.constant 50 : i32
        %add3A_681 = vector.broadcast %add3A_680 : i32 to vector<16xi32>
        %add3A_682 = arith.addi %shift_left3A_130, %add3A_681 : vector<16xi32>
        %gather3A_683 = tpu.vector_load_idx %arg6[%add3A_682] : memref<64000xf32, #tpu.memory_space<vmem>>[vector<16xi32>], vector<16xf32>,
        %add3A_684 = arith.constant 50 : i32
        %add3A_685 = vector.broadcast %add3A_684 : i32 to vector<16xi32>
        %add3A_686 = arith.addi %shift_left3A_137, %add3A_685 : vector<16xi32>
        %scatter3A_687 = arith.constant 1 : i32
        %scatter3A_688 = arith.constant 0 : i32
        %scatter3A_689 = tpu.memref_slice %arg10[%scatter3A_687, %scatter3A_688] : memref<2x25600xf32, #tpu.memory_space<vmem>> -> memref<1x25600xf32, #tpu.memory_space<vmem>>
        %scatter3A_690 = tpu.memref_squeeze %scatter3A_689 : memref<1x25600xf32, #tpu.memory_space<vmem>> -> memref<25600xf32, #tpu.memory_space<vmem>>
        tpu.vector_store_idx %scatter3A_690[%add3A_686], %gather3A_683 : memref<25600xf32, #tpu.memory_space<vmem>>[vector<16xi32>], vector<16xf32>,
        %add3A_691 = arith.constant 51 : i32
        %add3A_692 = vector.broadcast %add3A_691 : i32 to vector<16xi32>
        %add3A_693 = arith.addi %shift_left3A_130, %add3A_692 : vector<16xi32>
        %gather3A_694 = tpu.vector_load_idx %arg6[%add3A_693] : memref<64000xf32, #tpu.memory_space<vmem>>[vector<16xi32>], vector<16xf32>,
        %add3A_695 = arith.constant 51 : i32
        %add3A_696 = vector.broadcast %add3A_695 : i32 to vector<16xi32>
        %add3A_697 = arith.addi %shift_left3A_137, %add3A_696 : vector<16xi32>
        %scatter3A_698 = arith.constant 1 : i32
        %scatter3A_699 = arith.constant 0 : i32
        %scatter3A_700 = tpu.memref_slice %arg10[%scatter3A_698, %scatter3A_699] : memref<2x25600xf32, #tpu.memory_space<vmem>> -> memref<1x25600xf32, #tpu.memory_space<vmem>>
        %scatter3A_701 = tpu.memref_squeeze %scatter3A_700 : memref<1x25600xf32, #tpu.memory_space<vmem>> -> memref<25600xf32, #tpu.memory_space<vmem>>
        tpu.vector_store_idx %scatter3A_701[%add3A_697], %gather3A_694 : memref<25600xf32, #tpu.memory_space<vmem>>[vector<16xi32>], vector<16xf32>,
        %add3A_702 = arith.constant 52 : i32
        %add3A_703 = vector.broadcast %add3A_702 : i32 to vector<16xi32>
        %add3A_704 = arith.addi %shift_left3A_130, %add3A_703 : vector<16xi32>
        %gather3A_705 = tpu.vector_load_idx %arg6[%add3A_704] : memref<64000xf32, #tpu.memory_space<vmem>>[vector<16xi32>], vector<16xf32>,
        %add3A_706 = arith.constant 52 : i32
        %add3A_707 = vector.broadcast %add3A_706 : i32 to vector<16xi32>
        %add3A_708 = arith.addi %shift_left3A_137, %add3A_707 : vector<16xi32>
        %scatter3A_709 = arith.constant 1 : i32
        %scatter3A_710 = arith.constant 0 : i32
        %scatter3A_711 = tpu.memref_slice %arg10[%scatter3A_709, %scatter3A_710] : memref<2x25600xf32, #tpu.memory_space<vmem>> -> memref<1x25600xf32, #tpu.memory_space<vmem>>
        %scatter3A_712 = tpu.memref_squeeze %scatter3A_711 : memref<1x25600xf32, #tpu.memory_space<vmem>> -> memref<25600xf32, #tpu.memory_space<vmem>>
        tpu.vector_store_idx %scatter3A_712[%add3A_708], %gather3A_705 : memref<25600xf32, #tpu.memory_space<vmem>>[vector<16xi32>], vector<16xf32>,
        %add3A_713 = arith.constant 53 : i32
        %add3A_714 = vector.broadcast %add3A_713 : i32 to vector<16xi32>
        %add3A_715 = arith.addi %shift_left3A_130, %add3A_714 : vector<16xi32>
        %gather3A_716 = tpu.vector_load_idx %arg6[%add3A_715] : memref<64000xf32, #tpu.memory_space<vmem>>[vector<16xi32>], vector<16xf32>,
        %add3A_717 = arith.constant 53 : i32
        %add3A_718 = vector.broadcast %add3A_717 : i32 to vector<16xi32>
        %add3A_719 = arith.addi %shift_left3A_137, %add3A_718 : vector<16xi32>
        %scatter3A_720 = arith.constant 1 : i32
        %scatter3A_721 = arith.constant 0 : i32
        %scatter3A_722 = tpu.memref_slice %arg10[%scatter3A_720, %scatter3A_721] : memref<2x25600xf32, #tpu.memory_space<vmem>> -> memref<1x25600xf32, #tpu.memory_space<vmem>>
        %scatter3A_723 = tpu.memref_squeeze %scatter3A_722 : memref<1x25600xf32, #tpu.memory_space<vmem>> -> memref<25600xf32, #tpu.memory_space<vmem>>
        tpu.vector_store_idx %scatter3A_723[%add3A_719], %gather3A_716 : memref<25600xf32, #tpu.memory_space<vmem>>[vector<16xi32>], vector<16xf32>,
        %add3A_724 = arith.constant 54 : i32
        %add3A_725 = vector.broadcast %add3A_724 : i32 to vector<16xi32>
        %add3A_726 = arith.addi %shift_left3A_130, %add3A_725 : vector<16xi32>
        %gather3A_727 = tpu.vector_load_idx %arg6[%add3A_726] : memref<64000xf32, #tpu.memory_space<vmem>>[vector<16xi32>], vector<16xf32>,
        %add3A_728 = arith.constant 54 : i32
        %add3A_729 = vector.broadcast %add3A_728 : i32 to vector<16xi32>
        %add3A_730 = arith.addi %shift_left3A_137, %add3A_729 : vector<16xi32>
        %scatter3A_731 = arith.constant 1 : i32
        %scatter3A_732 = arith.constant 0 : i32
        %scatter3A_733 = tpu.memref_slice %arg10[%scatter3A_731, %scatter3A_732] : memref<2x25600xf32, #tpu.memory_space<vmem>> -> memref<1x25600xf32, #tpu.memory_space<vmem>>
        %scatter3A_734 = tpu.memref_squeeze %scatter3A_733 : memref<1x25600xf32, #tpu.memory_space<vmem>> -> memref<25600xf32, #tpu.memory_space<vmem>>
        tpu.vector_store_idx %scatter3A_734[%add3A_730], %gather3A_727 : memref<25600xf32, #tpu.memory_space<vmem>>[vector<16xi32>], vector<16xf32>,
        %add3A_735 = arith.constant 55 : i32
        %add3A_736 = vector.broadcast %add3A_735 : i32 to vector<16xi32>
        %add3A_737 = arith.addi %shift_left3A_130, %add3A_736 : vector<16xi32>
        %gather3A_738 = tpu.vector_load_idx %arg6[%add3A_737] : memref<64000xf32, #tpu.memory_space<vmem>>[vector<16xi32>], vector<16xf32>,
        %add3A_739 = arith.constant 55 : i32
        %add3A_740 = vector.broadcast %add3A_739 : i32 to vector<16xi32>
        %add3A_741 = arith.addi %shift_left3A_137, %add3A_740 : vector<16xi32>
        %scatter3A_742 = arith.constant 1 : i32
        %scatter3A_743 = arith.constant 0 : i32
        %scatter3A_744 = tpu.memref_slice %arg10[%scatter3A_742, %scatter3A_743] : memref<2x25600xf32, #tpu.memory_space<vmem>> -> memref<1x25600xf32, #tpu.memory_space<vmem>>
        %scatter3A_745 = tpu.memref_squeeze %scatter3A_744 : memref<1x25600xf32, #tpu.memory_space<vmem>> -> memref<25600xf32, #tpu.memory_space<vmem>>
        tpu.vector_store_idx %scatter3A_745[%add3A_741], %gather3A_738 : memref<25600xf32, #tpu.memory_space<vmem>>[vector<16xi32>], vector<16xf32>,
        %add3A_746 = arith.constant 56 : i32
        %add3A_747 = vector.broadcast %add3A_746 : i32 to vector<16xi32>
        %add3A_748 = arith.addi %shift_left3A_130, %add3A_747 : vector<16xi32>
        %gather3A_749 = tpu.vector_load_idx %arg6[%add3A_748] : memref<64000xf32, #tpu.memory_space<vmem>>[vector<16xi32>], vector<16xf32>,
        %add3A_750 = arith.constant 56 : i32
        %add3A_751 = vector.broadcast %add3A_750 : i32 to vector<16xi32>
        %add3A_752 = arith.addi %shift_left3A_137, %add3A_751 : vector<16xi32>
        %scatter3A_753 = arith.constant 1 : i32
        %scatter3A_754 = arith.constant 0 : i32
        %scatter3A_755 = tpu.memref_slice %arg10[%scatter3A_753, %scatter3A_754] : memref<2x25600xf32, #tpu.memory_space<vmem>> -> memref<1x25600xf32, #tpu.memory_space<vmem>>
        %scatter3A_756 = tpu.memref_squeeze %scatter3A_755 : memref<1x25600xf32, #tpu.memory_space<vmem>> -> memref<25600xf32, #tpu.memory_space<vmem>>
        tpu.vector_store_idx %scatter3A_756[%add3A_752], %gather3A_749 : memref<25600xf32, #tpu.memory_space<vmem>>[vector<16xi32>], vector<16xf32>,
        %add3A_757 = arith.constant 57 : i32
        %add3A_758 = vector.broadcast %add3A_757 : i32 to vector<16xi32>
        %add3A_759 = arith.addi %shift_left3A_130, %add3A_758 : vector<16xi32>
        %gather3A_760 = tpu.vector_load_idx %arg6[%add3A_759] : memref<64000xf32, #tpu.memory_space<vmem>>[vector<16xi32>], vector<16xf32>,
        %add3A_761 = arith.constant 57 : i32
        %add3A_762 = vector.broadcast %add3A_761 : i32 to vector<16xi32>
        %add3A_763 = arith.addi %shift_left3A_137, %add3A_762 : vector<16xi32>
        %scatter3A_764 = arith.constant 1 : i32
        %scatter3A_765 = arith.constant 0 : i32
        %scatter3A_766 = tpu.memref_slice %arg10[%scatter3A_764, %scatter3A_765] : memref<2x25600xf32, #tpu.memory_space<vmem>> -> memref<1x25600xf32, #tpu.memory_space<vmem>>
        %scatter3A_767 = tpu.memref_squeeze %scatter3A_766 : memref<1x25600xf32, #tpu.memory_space<vmem>> -> memref<25600xf32, #tpu.memory_space<vmem>>
        tpu.vector_store_idx %scatter3A_767[%add3A_763], %gather3A_760 : memref<25600xf32, #tpu.memory_space<vmem>>[vector<16xi32>], vector<16xf32>,
        %add3A_768 = arith.constant 58 : i32
        %add3A_769 = vector.broadcast %add3A_768 : i32 to vector<16xi32>
        %add3A_770 = arith.addi %shift_left3A_130, %add3A_769 : vector<16xi32>
        %gather3A_771 = tpu.vector_load_idx %arg6[%add3A_770] : memref<64000xf32, #tpu.memory_space<vmem>>[vector<16xi32>], vector<16xf32>,
        %add3A_772 = arith.constant 58 : i32
        %add3A_773 = vector.broadcast %add3A_772 : i32 to vector<16xi32>
        %add3A_774 = arith.addi %shift_left3A_137, %add3A_773 : vector<16xi32>
        %scatter3A_775 = arith.constant 1 : i32
        %scatter3A_776 = arith.constant 0 : i32
        %scatter3A_777 = tpu.memref_slice %arg10[%scatter3A_775, %scatter3A_776] : memref<2x25600xf32, #tpu.memory_space<vmem>> -> memref<1x25600xf32, #tpu.memory_space<vmem>>
        %scatter3A_778 = tpu.memref_squeeze %scatter3A_777 : memref<1x25600xf32, #tpu.memory_space<vmem>> -> memref<25600xf32, #tpu.memory_space<vmem>>
        tpu.vector_store_idx %scatter3A_778[%add3A_774], %gather3A_771 : memref<25600xf32, #tpu.memory_space<vmem>>[vector<16xi32>], vector<16xf32>,
        %add3A_779 = arith.constant 59 : i32
        %add3A_780 = vector.broadcast %add3A_779 : i32 to vector<16xi32>
        %add3A_781 = arith.addi %shift_left3A_130, %add3A_780 : vector<16xi32>
        %gather3A_782 = tpu.vector_load_idx %arg6[%add3A_781] : memref<64000xf32, #tpu.memory_space<vmem>>[vector<16xi32>], vector<16xf32>,
        %add3A_783 = arith.constant 59 : i32
        %add3A_784 = vector.broadcast %add3A_783 : i32 to vector<16xi32>
        %add3A_785 = arith.addi %shift_left3A_137, %add3A_784 : vector<16xi32>
        %scatter3A_786 = arith.constant 1 : i32
        %scatter3A_787 = arith.constant 0 : i32
        %scatter3A_788 = tpu.memref_slice %arg10[%scatter3A_786, %scatter3A_787] : memref<2x25600xf32, #tpu.memory_space<vmem>> -> memref<1x25600xf32, #tpu.memory_space<vmem>>
        %scatter3A_789 = tpu.memref_squeeze %scatter3A_788 : memref<1x25600xf32, #tpu.memory_space<vmem>> -> memref<25600xf32, #tpu.memory_space<vmem>>
        tpu.vector_store_idx %scatter3A_789[%add3A_785], %gather3A_782 : memref<25600xf32, #tpu.memory_space<vmem>>[vector<16xi32>], vector<16xf32>,
        %add3A_790 = arith.constant 60 : i32
        %add3A_791 = vector.broadcast %add3A_790 : i32 to vector<16xi32>
        %add3A_792 = arith.addi %shift_left3A_130, %add3A_791 : vector<16xi32>
        %gather3A_793 = tpu.vector_load_idx %arg6[%add3A_792] : memref<64000xf32, #tpu.memory_space<vmem>>[vector<16xi32>], vector<16xf32>,
        %add3A_794 = arith.constant 60 : i32
        %add3A_795 = vector.broadcast %add3A_794 : i32 to vector<16xi32>
        %add3A_796 = arith.addi %shift_left3A_137, %add3A_795 : vector<16xi32>
        %scatter3A_797 = arith.constant 1 : i32
        %scatter3A_798 = arith.constant 0 : i32
        %scatter3A_799 = tpu.memref_slice %arg10[%scatter3A_797, %scatter3A_798] : memref<2x25600xf32, #tpu.memory_space<vmem>> -> memref<1x25600xf32, #tpu.memory_space<vmem>>
        %scatter3A_800 = tpu.memref_squeeze %scatter3A_799 : memref<1x25600xf32, #tpu.memory_space<vmem>> -> memref<25600xf32, #tpu.memory_space<vmem>>
        tpu.vector_store_idx %scatter3A_800[%add3A_796], %gather3A_793 : memref<25600xf32, #tpu.memory_space<vmem>>[vector<16xi32>], vector<16xf32>,
        %add3A_801 = arith.constant 61 : i32
        %add3A_802 = vector.broadcast %add3A_801 : i32 to vector<16xi32>
        %add3A_803 = arith.addi %shift_left3A_130, %add3A_802 : vector<16xi32>
        %gather3A_804 = tpu.vector_load_idx %arg6[%add3A_803] : memref<64000xf32, #tpu.memory_space<vmem>>[vector<16xi32>], vector<16xf32>,
        %add3A_805 = arith.constant 61 : i32
        %add3A_806 = vector.broadcast %add3A_805 : i32 to vector<16xi32>
        %add3A_807 = arith.addi %shift_left3A_137, %add3A_806 : vector<16xi32>
        %scatter3A_808 = arith.constant 1 : i32
        %scatter3A_809 = arith.constant 0 : i32
        %scatter3A_810 = tpu.memref_slice %arg10[%scatter3A_808, %scatter3A_809] : memref<2x25600xf32, #tpu.memory_space<vmem>> -> memref<1x25600xf32, #tpu.memory_space<vmem>>
        %scatter3A_811 = tpu.memref_squeeze %scatter3A_810 : memref<1x25600xf32, #tpu.memory_space<vmem>> -> memref<25600xf32, #tpu.memory_space<vmem>>
        tpu.vector_store_idx %scatter3A_811[%add3A_807], %gather3A_804 : memref<25600xf32, #tpu.memory_space<vmem>>[vector<16xi32>], vector<16xf32>,
        %add3A_812 = arith.constant 62 : i32
        %add3A_813 = vector.broadcast %add3A_812 : i32 to vector<16xi32>
        %add3A_814 = arith.addi %shift_left3A_130, %add3A_813 : vector<16xi32>
        %gather3A_815 = tpu.vector_load_idx %arg6[%add3A_814] : memref<64000xf32, #tpu.memory_space<vmem>>[vector<16xi32>], vector<16xf32>,
        %add3A_816 = arith.constant 62 : i32
        %add3A_817 = vector.broadcast %add3A_816 : i32 to vector<16xi32>
        %add3A_818 = arith.addi %shift_left3A_137, %add3A_817 : vector<16xi32>
        %scatter3A_819 = arith.constant 1 : i32
        %scatter3A_820 = arith.constant 0 : i32
        %scatter3A_821 = tpu.memref_slice %arg10[%scatter3A_819, %scatter3A_820] : memref<2x25600xf32, #tpu.memory_space<vmem>> -> memref<1x25600xf32, #tpu.memory_space<vmem>>
        %scatter3A_822 = tpu.memref_squeeze %scatter3A_821 : memref<1x25600xf32, #tpu.memory_space<vmem>> -> memref<25600xf32, #tpu.memory_space<vmem>>
        tpu.vector_store_idx %scatter3A_822[%add3A_818], %gather3A_815 : memref<25600xf32, #tpu.memory_space<vmem>>[vector<16xi32>], vector<16xf32>,
        %add3A_823 = arith.constant 63 : i32
        %add3A_824 = vector.broadcast %add3A_823 : i32 to vector<16xi32>
        %add3A_825 = arith.addi %shift_left3A_130, %add3A_824 : vector<16xi32>
        %gather3A_826 = tpu.vector_load_idx %arg6[%add3A_825] : memref<64000xf32, #tpu.memory_space<vmem>>[vector<16xi32>], vector<16xf32>,
        %add3A_827 = arith.constant 63 : i32
        %add3A_828 = vector.broadcast %add3A_827 : i32 to vector<16xi32>
        %add3A_829 = arith.addi %shift_left3A_137, %add3A_828 : vector<16xi32>
        %scatter3A_830 = arith.constant 1 : i32
        %scatter3A_831 = arith.constant 0 : i32
        %scatter3A_832 = tpu.memref_slice %arg10[%scatter3A_830, %scatter3A_831] : memref<2x25600xf32, #tpu.memory_space<vmem>> -> memref<1x25600xf32, #tpu.memory_space<vmem>>
        %scatter3A_833 = tpu.memref_squeeze %scatter3A_832 : memref<1x25600xf32, #tpu.memory_space<vmem>> -> memref<25600xf32, #tpu.memory_space<vmem>>
        tpu.vector_store_idx %scatter3A_833[%add3A_829], %gather3A_826 : memref<25600xf32, #tpu.memory_space<vmem>>[vector<16xi32>], vector<16xf32>,
        %scan3A_834 = arith.constant 0 : i32
        scf.yield %scan3A_834 : i32
      }
      %scan3A_88 = arith.constant 25 : i32
      %mul3A_89 = arith.constant 64 : i32
      %mul3A_90 = arith.muli %add3A_80, %mul3A_89 : i32
      %dma_start3A_91 = arith.constant 1 : i32
      %dma_start3A_92 = arith.constant 0 : i32
      %dma_start3A_93 = tpu.memref_slice %arg10[%dma_start3A_91, %dma_start3A_92] : memref<2x25600xf32, #tpu.memory_space<vmem>> -> memref<1x25600xf32, #tpu.memory_space<vmem>>
      %dma_start3A_94 = tpu.memref_squeeze %dma_start3A_93 : memref<1x25600xf32, #tpu.memory_space<vmem>> -> memref<25600xf32, #tpu.memory_space<vmem>>
      %dma_start3A_95 = tpu.memref_slice %arg5[%mul3A_90] : memref<52428800xf32, #tpu.memory_space<hbm>> -> memref<25600xf32, #tpu.memory_space<hbm>>
      %dma_start3A_96 = tpu.memref_slice %arg5[%mul3A_90] : memref<52428800xf32, #tpu.memory_space<hbm>> -> memref<25600xf32, #tpu.memory_space<hbm>>
      %dma_start3A_97 = arith.constant 0 : i32
      %dma_start3A_98 = tpu.memref_slice %arg10[%dma_start3A_91, %dma_start3A_97] : memref<2x25600xf32, #tpu.memory_space<vmem>> -> memref<1x25600xf32, #tpu.memory_space<vmem>>
      %dma_start3A_99 = tpu.memref_squeeze %dma_start3A_98 : memref<1x25600xf32, #tpu.memory_space<vmem>> -> memref<25600xf32, #tpu.memory_space<vmem>>
      tpu.enqueue_dma source(%dma_start3A_99 : memref<25600xf32, #tpu.memory_space<vmem>>) target(%dma_start3A_96 : memref<25600xf32, #tpu.memory_space<hbm>>) target_semaphore(%arg12 : memref<!tpu.dma_semaphore, #tpu.memory_space<semaphore_mem>>)
      %scan3A_100 = arith.constant 0 : i32
      scf.yield %scan3A_100 : i32
    }
    %scan3A_15 = arith.constant 32 : i32
    %add3A_16 = arith.constant 24800 : i32
    %add3A_17 = arith.addi %mul3A_2, %add3A_16 : i32
    %mul3A_18 = arith.constant 64 : i32
    %mul3A_19 = arith.muli %add3A_17, %mul3A_18 : i32
    %dma_wait3A = arith.constant 0 : i32
    %dma_wait3A_20 = arith.constant 0 : i32
    %dma_wait3A_21 = tpu.memref_slice %arg10[%dma_wait3A, %dma_wait3A_20] : memref<2x25600xf32, #tpu.memory_space<vmem>> -> memref<1x25600xf32, #tpu.memory_space<vmem>>
    %dma_wait3A_22 = tpu.memref_squeeze %dma_wait3A_21 : memref<1x25600xf32, #tpu.memory_space<vmem>> -> memref<25600xf32, #tpu.memory_space<vmem>>
    %dma_wait3A_23 = tpu.memref_slice %arg5[%mul3A_19] : memref<52428800xf32, #tpu.memory_space<hbm>> -> memref<25600xf32, #tpu.memory_space<hbm>>
    %dma_wait3A_24 = tpu.memref_slice %arg5[%mul3A_19] : memref<52428800xf32, #tpu.memory_space<hbm>> -> memref<25600xf32, #tpu.memory_space<hbm>>
    %dma_wait3A_25 = arith.constant 0 : i32
    %dma_wait3A_26 = tpu.memref_slice %arg10[%dma_wait3A, %dma_wait3A_25] : memref<2x25600xf32, #tpu.memory_space<vmem>> -> memref<1x25600xf32, #tpu.memory_space<vmem>>
    %dma_wait3A_27 = tpu.memref_squeeze %dma_wait3A_26 : memref<1x25600xf32, #tpu.memory_space<vmem>> -> memref<25600xf32, #tpu.memory_space<vmem>>
    tpu.wait_dma2 semaphore(%arg11 : memref<!tpu.dma_semaphore, #tpu.memory_space<semaphore_mem>>) src(%dma_wait3A_27 : memref<25600xf32, #tpu.memory_space<vmem>>) dst(%dma_wait3A_24 : memref<25600xf32, #tpu.memory_space<hbm>>)
    %add3A_28 = arith.constant 25200 : i32
    %add3A_29 = arith.addi %mul3A_2, %add3A_28 : i32
    %mul3A_30 = arith.constant 64 : i32
    %mul3A_31 = arith.muli %add3A_29, %mul3A_30 : i32
    %dma_wait3A_32 = arith.constant 1 : i32
    %dma_wait3A_33 = arith.constant 0 : i32
    %dma_wait3A_34 = tpu.memref_slice %arg10[%dma_wait3A_32, %dma_wait3A_33] : memref<2x25600xf32, #tpu.memory_space<vmem>> -> memref<1x25600xf32, #tpu.memory_space<vmem>>
    %dma_wait3A_35 = tpu.memref_squeeze %dma_wait3A_34 : memref<1x25600xf32, #tpu.memory_space<vmem>> -> memref<25600xf32, #tpu.memory_space<vmem>>
    %dma_wait3A_36 = tpu.memref_slice %arg5[%mul3A_31] : memref<52428800xf32, #tpu.memory_space<hbm>> -> memref<25600xf32, #tpu.memory_space<hbm>>
    %dma_wait3A_37 = tpu.memref_slice %arg5[%mul3A_31] : memref<52428800xf32, #tpu.memory_space<hbm>> -> memref<25600xf32, #tpu.memory_space<hbm>>
    %dma_wait3A_38 = arith.constant 0 : i32
    %dma_wait3A_39 = tpu.memref_slice %arg10[%dma_wait3A_32, %dma_wait3A_38] : memref<2x25600xf32, #tpu.memory_space<vmem>> -> memref<1x25600xf32, #tpu.memory_space<vmem>>
    %dma_wait3A_40 = tpu.memref_squeeze %dma_wait3A_39 : memref<1x25600xf32, #tpu.memory_space<vmem>> -> memref<25600xf32, #tpu.memory_space<vmem>>
    tpu.wait_dma2 semaphore(%arg12 : memref<!tpu.dma_semaphore, #tpu.memory_space<semaphore_mem>>) src(%dma_wait3A_40 : memref<25600xf32, #tpu.memory_space<vmem>>) dst(%dma_wait3A_37 : memref<25600xf32, #tpu.memory_space<hbm>>)
    return
  }
}

</mosaic_0001>

<sc_bundles>
// kernel: kernel.3.cloned.1.call-start
scs
__scs_entry_jumppad:
0x0: {  	(pc) =	sbr.rel $0x88, $3  }
0x1: {  	(tag) =	ssettag $0x0;
	lr =	simm.s32 $0x1  }
0x2: {  	[smem:$0x3F9E] =	sst lr;
	_ =	strace $0xD0000000  }
0x3: {  	_ = 	snop  }
0x4: {  	_ = 	snop  }
0x5: {  	_ = 	snop  }
0x6: {  	_ = 	snop  }
0x7: {  	_ = 	snop  }
__scs_overlays_trampoline_lowered:
0x8: {  	[smem:$0x3FAD] =	sst s0  }
0x9: {  	[smem:$0x3FAE] =	sst s1  }
0xa: {  	[smem:$0x3FAF] =	sst s2  }
0xb: {  	[smem:$0x3FB0] =	sst s3  }
0xc: {  	[smem:$0x3FB1] =	sst s4  }
0xd: {  	[smem:$0x3FB2] =	sst s5  }
0xe: {  	[smem:$0x3FB3] =	sst s6  }
0xf: {  	[smem:$0x3FB4] =	sst s7  }
0x10: {  	[smem:$0x3FB5] =	sst s8  }
0x11: {  	[smem:$0x3FB6] =	sst s9;
	s0 =	simm.s32 @!p0 $0x0  }
0x12: {  	s1 =	sld [smem:$0x3F9C];
	s0 =	simm.s32 @p0 $0x1  }
0x13: {  	[smem:$0x3FB7] =	sst s0;
	s0 =	simm.s32 @!p1 $0x0  }
0x14: {  	s2 =	sld [smem:$0x3F9B];
	s0 =	simm.s32 @p1 $0x1  }
0x15: {  	[smem:$0x3FB8] =	sst s0;
	s0 =	simm.s32 @!p2 $0x0  }
0x16: {  	s3 =	sld [smem:$0x3FDB];
	s0 =	simm.s32 @p2 $0x1  }
0x17: {  	s4 =	simm.s32 $0x1BF5;
	[smem:$0x3FBA] =	sst s0  }
0x18: {  	s0 =	sld [smem:$0x3F9D];
	_ =	swait.ge [sflag:s4], $0x0  }
0x19: {  	s7 =	sld [smem:$0x3F9E]  }
0x1a: {  	s8 =	sadd.s32 $0xFFFFE003, lr  }
0x1b: {  	s9 =	sadd.s32 $0xFFFFFEF7, lr;
	s5 =	simm.s32 $0xFFFFFFFF;
	p2 =	slt.u32 s8, $0xFFFFF086  }
0x1c: {  	p1 =	slt.u32 s9, $0xF7A;
	s5 =	simm.s32 @!p2 $0x0  }
0x1d: {  	s5 =	simm.s32 @p1 $0x1;
	p0 =	seq.s32 s7, s2  }
0x1e: {  	s7 =	smul.u32 @!p0 $0xF7A, s2;
	p2 =	seq.s32 @!p0 s5, $0x0  }
0x1f: {  	s9 =	smul.u32 $0xF7A, s1;
	s8 =	simm.s32 @!p0 $0x1BF5;
	p2 =	por !p2, p0  }
0x20: {  	[sflag:s8] =	ssyncset.s32 @!p0 $0xFFFFF086;
	s6 =	sadd.s32 @!p0 s3, s7;
	s7 =	simm.s32 @!p0 $0x108  }
0x21: {  	s3 =	sadd.s32 s3, s9;
	s6 =	sadd.s32 @!p0 $0x88, s6;
	s7 =	simm.s32 @p2 $0x1082  }
0x22: {  	[simem:s7], [sflag:s8] =	dma.local @!p0 [hbm:s6], $0xF7A  }
0x23: {  	s9 =	sor.u32 $0xD0000000, s2;
	s6 =	simm.s32 $0x108;
	_ =	swait.ge @!p0 [sflag:s8], $0x0  }
0x24: {  	s3 =	sadd.s32 $0x88, s3;
	s6 =	simm.s32 @!p1 $0x1082;
	[sflag:s4] =	ssyncset.s32 $0xFFFFF086  }
0x25: {  	[simem:s6], [sflag:s4] =	dma.local [hbm:s3], $0xF7A  }
0x26: {  	[smem:$0x3F9E] =	sst s1;
	(tag) =	ssettag s2;
	_ =	strace s9  }
0x27: {  	s1 =	sld [smem:$0x3FAE]  }
0x28: {  	s2 =	sld [smem:$0x3FAF]  }
0x29: {  	s4 =	sld [smem:$0x3FB1]  }
0x2a: {  	p0 =	seq.s32 s5, $0x0;
	s5 =	sld [smem:$0x3FB2]  }
0x2b: {  	s6 =	sld [smem:$0x3FB3]  }
0x2c: {  	s7 =	sld [smem:$0x3FB4]  }
0x2d: {  	s3 =	simm.s32 $0x108;
	s8 =	sld [smem:$0x3FB5]  }
0x2e: {  	s3 =	simm.s32 @!p0 $0x1082;
	s9 =	sld [smem:$0x3FB6]  }
0x2f: {  	lr =	sadd.s32 s0, s3;
	s0 =	sld [smem:$0x3FAD]  }
0x30: {  	s3 =	sld [smem:$0x3FB0]  }
0x31: {  	[smem:$0x3FB9] =	sst s10  }
0x32: {  	s10 =	sld [smem:$0x3FB7];
	_ =	sdelay $0x3  }
0x33: {  	p0 =	seq.s32 s10, $0x1;
	s10 =	sld [smem:$0x3FB9];
	_ =	sdelay $0x3  }
0x34: {  	[smem:$0x3FB9] =	sst s10  }
0x35: {  	s10 =	sld [smem:$0x3FB8];
	_ =	sdelay $0x3  }
0x36: {  	p1 =	seq.s32 s10, $0x1;
	s10 =	sld [smem:$0x3FB9];
	_ =	sdelay $0x3  }
0x37: {  	[smem:$0x3FB9] =	sst s10  }
0x38: {  	s10 =	sld [smem:$0x3FBA]  }
0x39: {  	_ = 	snop;
	(pc) =	sbr.ind lr, $3  }
0x3a: {  	_ = 	snop  }
0x3b: {  	_ = 	snop  }
0x3c: {  	p2 =	seq.s32 s10, $0x1;
	s10 =	sld [smem:$0x3FB9]  }
0x3d: {  	_ =	shalt  }
0x3e: {  	_ =	shalt  }
0x3f: {  	_ =	shalt  }
0x40: {  	_ =	shalt  }
0x41: {  	_ =	shalt  }
0x42: {  	_ =	shalt  }
0x43: {  	_ =	shalt  }
0x44: {  	_ =	shalt  }
0x45: {  	_ =	shalt  }
0x46: {  	_ =	shalt  }
0x47: {  	_ =	shalt  }
0x48: {  	_ =	shalt  }
0x49: {  	_ =	shalt  }
0x4a: {  	_ =	shalt  }
0x4b: {  	_ =	shalt  }
0x4c: {  	_ =	shalt  }
0x4d: {  	_ =	shalt  }
0x4e: {  	_ =	shalt  }
0x4f: {  	_ =	shalt  }
0x50: {  	_ =	shalt  }
0x51: {  	_ =	shalt  }
0x52: {  	_ =	shalt  }
0x53: {  	_ =	shalt  }
0x54: {  	_ =	shalt  }
0x55: {  	_ =	shalt  }
0x56: {  	_ =	shalt  }
0x57: {  	_ =	shalt  }
0x58: {  	_ =	shalt  }
0x59: {  	_ =	shalt  }
0x5a: {  	_ =	shalt  }
0x5b: {  	_ =	shalt  }
0x5c: {  	_ =	shalt  }
0x5d: {  	_ =	shalt  }
0x5e: {  	_ =	shalt  }
0x5f: {  	_ =	shalt  }
0x60: {  	_ =	shalt  }
0x61: {  	_ =	shalt  }
0x62: {  	_ =	shalt  }
0x63: {  	_ =	shalt  }
0x64: {  	_ =	shalt  }
0x65: {  	_ =	shalt  }
0x66: {  	_ =	shalt  }
0x67: {  	_ =	shalt  }
0x68: {  	_ =	shalt  }
0x69: {  	_ =	shalt  }
0x6a: {  	_ =	shalt  }
0x6b: {  	_ =	shalt  }
0x6c: {  	_ =	shalt  }
0x6d: {  	_ =	shalt  }
0x6e: {  	_ =	shalt  }
0x6f: {  	_ =	shalt  }
0x70: {  	_ =	shalt  }
0x71: {  	_ =	shalt  }
0x72: {  	_ =	shalt  }
0x73: {  	_ =	shalt  }
0x74: {  	_ =	shalt  }
0x75: {  	_ =	shalt  }
0x76: {  	_ =	shalt  }
0x77: {  	_ =	shalt  }
0x78: {  	_ =	shalt  }
0x79: {  	_ =	shalt  }
0x7a: {  	_ =	shalt  }
0x7b: {  	_ =	shalt  }
0x7c: {  	_ =	shalt  }
0x7d: {  	_ =	shalt  }
0x7e: {  	_ =	shalt  }
0x7f: {  	_ =	shalt  }
0x80: {  	_ =	shalt  }
0x81: {  	_ =	shalt  }
0x82: {  	_ =	shalt  }
0x83: {  	_ =	shalt  }
0x84: {  	_ =	shalt  }
0x85: {  	_ =	shalt  }
0x86: {  	_ =	shalt  }
0x87: {  	_ =	shalt  }
.Lfunc_end0:
.L_simem_size_0:
called_computation.1_lowered:
.L_overlay_start_0:
0x88: {  	s2 =	sld [smem:$0x3FD9]  }
0x89: {  	s3 =	sld [smem:$0x3FFE];
	_ =	sdelay $0x1  }
0x8a: {  	s1 =	srdreg.scid  }
0x8b: {  	s0 =	sand.u32 $0x1, s1  }
0x8c: {  	s17 =	sshll.u32 s0, $0xA;
	s2 =	sadd.s32 s3, s2  }
0x8d: {  	s2 =	sadd.s32 s2, s17  }
0x8e: {  	[smem:$0x3FC5] =	sst s2  }
0x8f: {  	_ = 	snop  }
0x90: {  	s2 =	sld [smem:$0x3FD0];
	(tm) =	ssettm $0x1  }
0x91: {  	s18 =	sld [smem:$0x3FFB];
	_ =	sdelay $0x3  }
0x92: {  	_ =	strace s18  }
0x93: {  	s3 =	sld [smem:$0x3FFC];
	_ =	sdelay $0x3  }
0x94: {  	_ =	strace s3  }
0x95: {  	s3 =	sld [smem:$0x3FFD];
	_ =	sdelay $0x3  }
0x96: {  	_ =	strace s3  }
0x97: {  	_ =	strace $0x8FFFFFFF  }
0x98: {  	s19 =	sld [smem:$0x3FDB];
	_ =	sdelay $0x1  }
0x99: {  	s4 =	simm.s32 $_scs_section_size  }
0x9a: {  	s5 =	simm.s32 $_size__tile_overlayer_lowered;
	s6 =	simm.s32 $_tile_overlayer_lowered  }
0x9b: {  	s22 =	simm.s32 $0x1BFF;
	s21 =	sshll.u32 s6, $0x1;
	s3 =	sadd.s32 s4, s19  }
0x9c: {  	s7 =	simm.s32 $0x0;
	s20 =	sshll.u32 s5, $0x1;
	s5 =	sadd.s32 s21, s3  }
0x9d: {  	[timem:s7], [sflag:s22] =	dma.local [hbm:s5], s20  }
0x9e: {  	_ =	swait.ge [sflag:s22], s20  }
0x9f: {  	s4 =	ssub.s32 $0x0, s20;
	[sflag:s22] =	ssyncset.done $0x0  }
0xa0: {  	[sflag:s22] =	ssyncadd.s32 s4;
	_ =	sdelay $0x1  }
0xa1: {  	s23 =	simm.s32 $0x1B8B  }
0xa2: {  	_ =	swait.ge [sflag:s23], $0x1  }
0xa3: {  	[sflag:s23] =	ssyncset.done $0x0  }
0xa4: {  	s25 =	simm.s32 $0x1B8E;
	s24 =	sld [smem:$0x3FFE];
	[sflag:s23] =	ssyncadd.s32 $0xFFFFFFFF  }
0xa5: {  	s26 =	simm.s32 $execute0_lowered;
	[smem:$0x3FD2] =	sst s25  }
0xa6: {  	s5 =	sshll.u32 s26, $0x1;
	_ =	strace $0x80000046;
	[dreg:$0x1] =	wrdreg $0xFFFFFFFF  }
0xa7: {  	s28 =	simm.s32 $_size_execute0_lowered;
	s3 =	sadd.s32 s3, s5;
	[dreg:$0x0] =	wrdreg $0x0  }
0xa8: {  	s5 =	sshll.u32 s28, $0x1;
	[dreg:$0x2] =	wrdreg s3  }
0xa9: {  	[dreg:$0x3] =	wrdreg s5  }
0xaa: {  	[dreg:$0x4] =	wrdreg $0xC0  }
0xab: {  	_ =	task [dreg:s7], $0x5FFFF  }
0xac: {  	[dreg:$0x1] =	wrdreg $0xFFFFFFFF  }
0xad: {  	[dreg:$0x0] =	wrdreg $0x60  }
0xae: {  	[dreg:$0x2] =	wrdreg s24  }
0xaf: {  	[dreg:$0x3] =	wrdreg s2  }
0xb0: {  	[dreg:$0x4] =	wrdreg $0x9  }
0xb1: {  	_ =	task.clear_ibuf [dreg:s7], $0x5FFFF;
	_ =	strace $0x90000046  }
0xb2: {  	s29 =	simm.s32 $0x9;
	_ =	strace $0x80000048  }
0xb3: {  	_ =	swait.ge [sflag:s29], $0x1  }
0xb4: {  	[sflag:s29] =	ssyncadd.s32 $0xFFFFFFFF  }
0xb5: {  	_ =	strace $0x90000048  }
0xb6: {  	_ =	sfence  }
0xb7: {  	s30 =	sld [smem:$0x0];
	_ =	sdelay $0x2  }
0xb8: {  	s31 =	sshll.u32 s1, $0xD;
	s1 =	sshrl.u32 s1, $0x2  }
0xb9: {  	s3 =	sand.u32 $0x4000, s31;
	s1 =	sadd.s32 s1, s30  }
0xba: {  	s0 =	sor.u32 s3, s0;
	s1 =	sshll.u32 s1, $0x11  }
0xbb: {  	s0 =	sor.u32 s1, s0  }
0xbc: {  	s0 =	sadd.s32 $0x8F2B, s0  }
0xbd: {  	[sflag:s0] =	ssyncadd.remote.s32 $0x1  }
0xbe: {  	_ =	sfence.sel $0xFFFF  }
0xbf: {  	[dreg:$0x0] =	wrdreg $0xFFFFFFFF;
	(pc) =	sbr.abs _section_cstart, $3  }
0xc0: {  	[dreg:$0x1] =	wrdreg $0xFFFFFFFF  }
0xc1: {  	_ =	task.clear_ibuf [dreg:s7], $0x2FFFF;
	_ =	strace $0x9FFFFFFF  }
0xc2: {  	(tm) =	ssettm $0x7FFFFFFF  }
0xc3: {  	_ =	shalt  }
tec
execute0_lowered:
.L_overlay_start_1:
0x0: {  	(tag) =	ssettag $0x1  }
0x1: {  	s7 =	rddreg [dreg:$0x0]  }
0x2: {  	s2 =	rddreg [dreg:$0x1]  }
0x3: {  	s0 =	rddreg [dreg:$0x2];
	s4 =	srdreg.scid  }
0x4: {  	s1 =	stileid.u32;
	s3 =	simm.s32 $0x0;
	s10 =	simm.s32 $0xFA00  }
0x5: {  	s11 =	simm.s32 $0x3;
	s12 =	simm.s32 $0x106C0;
	s13 =	simm.s32 $0x10EE0  }
0x6: {  	s14 =	simm.s32 $0x172E0;
	s15 =	simm.s32 $0x1;
	s16 =	simm.s32 $0x2  }
0x7: {  	s17 =	simm.s32 $0x0;
	s4 =	sand.u32 $0x1, s4;
	s5 =	sshll.u32 s1, $0x1  }
0x8: {  	[smem:$0x7FF] =	sst s3;
	s5 =	sor.u32 s4, s5;
	s8 =	ssub.s32 $0x2, s4  }
0x9: {  	s6 =	sadd.s32 $0xA00, s7;
	s4 =	smul.u32 $0x6400, s5;
	s9 =	sshrl.u32 s8, $0x1  }
0xa: {  	v1 =	vlaneseq.u32;
	_ =	strace $0x80000047;
	s5 =	sadd.s32 $0xC00, s7;
	s9 =	ssub.s32 s8, s9  }
0xb: {  	v0 =	vimm.s32 $0x0;
	v1 =	vmul.u32 $0x40, v1;
	s7 =	sadd.s32 $0x800, s7;
	s8 =	sor.u32 $0x190, s4;
	s9 =	smax.u32 s9, $0x1  }
.LBB2_1:
0xc: {  	[tilespmem:s10], [sflag:$0x3] =	stream.linear.gather [hbm4b:s6+s3], $0xCC0, $0x38;
	[tilespmem:$0x1D6E0] =	vst v63  }
0xd: {  	_ =	swait.ge [sflag:s11], $0xCC0  }
0xe: {  	[sflag:s11] =	ssyncset.done $0x0  }
0xf: {  	[sflag:s11] =	ssyncadd.s32 $0xFFFFF340  }
0x10: {  	[tilespmem:s12], [sflag:$0x3] =	stream.linear.gather [hbm4b:s7+s3], $0x500, $0x38;
	[tilespmem:$0x1D6E0] =	vst v63  }
0x11: {  	_ =	swait.ge [sflag:s11], $0x500  }
0x12: {  	[sflag:s11] =	ssyncset.done $0x0  }
0x13: {  	[sflag:s11] =	ssyncadd.s32 $0xFFFFFB00  }
0x14: {  	s19 =	simm.s32 $0x0;
	v2 =	vld [tilespmem:$0x106C0]  }
0x15: {  	v4 =	vld [tilespmem:s19+$0xFA00];
	_ =	sdelay $0x4  }
0x16: {  	v3 =	vld [tilespmem:s19+$0xFA20];
	v6 =	vadd.f32 v2, v4  }
0x17: {  	s18 =	simm.s32 $0x280;
	v5 =	vld [tilespmem:s19+$0xFA10]  }
0x18: {  	v2 =	vld [tilespmem:s19+$0xFA30];
	[tilespmem:s18+$0xFFFFFD80] =	vst v6  }
0x19: {  	v6 =	vld [tilespmem:$0x106D0];
	_ =	sdelay $0x4  }
0x1a: {  	v6 =	vadd.f32 v6, v5;
	_ =	sdelay $0x1  }
0x1b: {  	[tilespmem:s18+$0xFFFFFD90] =	vst v6  }
0x1c: {  	v6 =	vld [tilespmem:$0x106E0];
	_ =	sdelay $0x4  }
0x1d: {  	v6 =	vadd.f32 v6, v3;
	_ =	sdelay $0x1  }
0x1e: {  	[tilespmem:s18+$0xFFFFFDA0] =	vst v6  }
0x1f: {  	v6 =	vld [tilespmem:$0x106F0];
	_ =	sdelay $0x4  }
0x20: {  	v6 =	vadd.f32 v6, v2;
	_ =	sdelay $0x1  }
0x21: {  	[tilespmem:s18+$0xFFFFFDB0] =	vst v6  }
0x22: {  	v6 =	vld [tilespmem:$0x10700];
	_ =	sdelay $0x4  }
0x23: {  	v6 =	vadd.f32 v6, v4;
	_ =	sdelay $0x1  }
0x24: {  	[tilespmem:s18+$0xFFFFFDC0] =	vst v6  }
0x25: {  	v6 =	vld [tilespmem:$0x10710];
	_ =	sdelay $0x4  }
0x26: {  	v6 =	vadd.f32 v6, v5;
	_ =	sdelay $0x1  }
0x27: {  	[tilespmem:s18+$0xFFFFFDD0] =	vst v6  }
0x28: {  	v6 =	vld [tilespmem:$0x10720];
	_ =	sdelay $0x4  }
0x29: {  	v6 =	vadd.f32 v6, v3;
	_ =	sdelay $0x1  }
0x2a: {  	[tilespmem:s18+$0xFFFFFDE0] =	vst v6  }
0x2b: {  	v6 =	vld [tilespmem:$0x10730];
	_ =	sdelay $0x4  }
0x2c: {  	v6 =	vadd.f32 v6, v2;
	_ =	sdelay $0x1  }
0x2d: {  	[tilespmem:s18+$0xFFFFFDF0] =	vst v6  }
0x2e: {  	v6 =	vld [tilespmem:$0x10740];
	_ =	sdelay $0x4  }
0x2f: {  	v6 =	vadd.f32 v6, v4;
	_ =	sdelay $0x1  }
0x30: {  	[tilespmem:s18+$0xFFFFFE00] =	vst v6  }
0x31: {  	v6 =	vld [tilespmem:$0x10750];
	_ =	sdelay $0x4  }
0x32: {  	v6 =	vadd.f32 v6, v5;
	_ =	sdelay $0x1  }
0x33: {  	[tilespmem:s18+$0xFFFFFE10] =	vst v6  }
0x34: {  	v6 =	vld [tilespmem:$0x10760];
	_ =	sdelay $0x4  }
0x35: {  	v6 =	vadd.f32 v6, v3;
	_ =	sdelay $0x1  }
0x36: {  	[tilespmem:s18+$0xFFFFFE20] =	vst v6  }
0x37: {  	v6 =	vld [tilespmem:$0x10770];
	_ =	sdelay $0x4  }
0x38: {  	v6 =	vadd.f32 v6, v2;
	_ =	sdelay $0x1  }
0x39: {  	[tilespmem:s18+$0xFFFFFE30] =	vst v6  }
0x3a: {  	v6 =	vld [tilespmem:$0x10780];
	_ =	sdelay $0x4  }
0x3b: {  	v6 =	vadd.f32 v6, v4;
	_ =	sdelay $0x1  }
0x3c: {  	[tilespmem:s18+$0xFFFFFE40] =	vst v6  }
0x3d: {  	v6 =	vld [tilespmem:$0x10790];
	_ =	sdelay $0x4  }
0x3e: {  	v6 =	vadd.f32 v6, v5;
	_ =	sdelay $0x1  }
0x3f: {  	[tilespmem:s18+$0xFFFFFE50] =	vst v6  }
0x40: {  	v6 =	vld [tilespmem:$0x107A0];
	_ =	sdelay $0x4  }
0x41: {  	v6 =	vadd.f32 v6, v3;
	_ =	sdelay $0x1  }
0x42: {  	[tilespmem:s18+$0xFFFFFE60] =	vst v6  }
0x43: {  	v6 =	vld [tilespmem:$0x107B0];
	_ =	sdelay $0x4  }
0x44: {  	v6 =	vadd.f32 v6, v2;
	_ =	sdelay $0x1  }
0x45: {  	[tilespmem:s18+$0xFFFFFE70] =	vst v6  }
0x46: {  	v6 =	vld [tilespmem:$0x107C0];
	_ =	sdelay $0x4  }
0x47: {  	v6 =	vadd.f32 v6, v4;
	_ =	sdelay $0x1  }
0x48: {  	[tilespmem:s18+$0xFFFFFE80] =	vst v6  }
0x49: {  	v6 =	vld [tilespmem:$0x107D0];
	_ =	sdelay $0x4  }
0x4a: {  	v6 =	vadd.f32 v6, v5;
	_ =	sdelay $0x1  }
0x4b: {  	[tilespmem:s18+$0xFFFFFE90] =	vst v6  }
0x4c: {  	v6 =	vld [tilespmem:$0x107E0];
	_ =	sdelay $0x4  }
0x4d: {  	v6 =	vadd.f32 v6, v3;
	_ =	sdelay $0x1  }
0x4e: {  	[tilespmem:s18+$0xFFFFFEA0] =	vst v6  }
0x4f: {  	v6 =	vld [tilespmem:$0x107F0];
	_ =	sdelay $0x4  }
0x50: {  	v6 =	vadd.f32 v6, v2;
	_ =	sdelay $0x1  }
0x51: {  	[tilespmem:s18+$0xFFFFFEB0] =	vst v6  }
0x52: {  	v6 =	vld [tilespmem:$0x10800];
	_ =	sdelay $0x4  }
0x53: {  	v6 =	vadd.f32 v6, v4;
	_ =	sdelay $0x1  }
0x54: {  	[tilespmem:s18+$0xFFFFFEC0] =	vst v6  }
0x55: {  	v6 =	vld [tilespmem:$0x10810];
	_ =	sdelay $0x4  }
0x56: {  	v6 =	vadd.f32 v6, v5;
	_ =	sdelay $0x1  }
0x57: {  	[tilespmem:s18+$0xFFFFFED0] =	vst v6  }
0x58: {  	v6 =	vld [tilespmem:$0x10820];
	_ =	sdelay $0x4  }
0x59: {  	v6 =	vadd.f32 v6, v3;
	_ =	sdelay $0x1  }
0x5a: {  	[tilespmem:s18+$0xFFFFFEE0] =	vst v6  }
0x5b: {  	v6 =	vld [tilespmem:$0x10830];
	_ =	sdelay $0x4  }
0x5c: {  	v6 =	vadd.f32 v6, v2;
	_ =	sdelay $0x1  }
0x5d: {  	[tilespmem:s18+$0xFFFFFEF0] =	vst v6  }
0x5e: {  	v6 =	vld [tilespmem:$0x10840];
	_ =	sdelay $0x4  }
0x5f: {  	v6 =	vadd.f32 v6, v4;
	_ =	sdelay $0x1  }
0x60: {  	[tilespmem:s18+$0xFFFFFF00] =	vst v6  }
0x61: {  	v6 =	vld [tilespmem:$0x10850];
	_ =	sdelay $0x4  }
0x62: {  	v6 =	vadd.f32 v6, v5;
	_ =	sdelay $0x1  }
0x63: {  	[tilespmem:s18+$0xFFFFFF10] =	vst v6  }
0x64: {  	v6 =	vld [tilespmem:$0x10860];
	_ =	sdelay $0x4  }
0x65: {  	v6 =	vadd.f32 v6, v3;
	_ =	sdelay $0x1  }
0x66: {  	[tilespmem:s18+$0xFFFFFF20] =	vst v6  }
0x67: {  	v6 =	vld [tilespmem:$0x10870];
	_ =	sdelay $0x4  }
0x68: {  	v6 =	vadd.f32 v6, v2;
	_ =	sdelay $0x1  }
0x69: {  	[tilespmem:s18+$0xFFFFFF30] =	vst v6  }
0x6a: {  	v6 =	vld [tilespmem:$0x10880];
	_ =	sdelay $0x4  }
0x6b: {  	v6 =	vadd.f32 v6, v4;
	_ =	sdelay $0x1  }
0x6c: {  	[tilespmem:s18+$0xFFFFFF40] =	vst v6  }
0x6d: {  	v6 =	vld [tilespmem:$0x10890];
	_ =	sdelay $0x4  }
0x6e: {  	v6 =	vadd.f32 v6, v5;
	_ =	sdelay $0x1  }
0x6f: {  	[tilespmem:s18+$0xFFFFFF50] =	vst v6  }
0x70: {  	v6 =	vld [tilespmem:$0x108A0];
	_ =	sdelay $0x4  }
0x71: {  	v6 =	vadd.f32 v6, v3;
	_ =	sdelay $0x1  }
0x72: {  	[tilespmem:s18+$0xFFFFFF60] =	vst v6  }
0x73: {  	v6 =	vld [tilespmem:$0x108B0];
	_ =	sdelay $0x4  }
0x74: {  	v6 =	vadd.f32 v6, v2;
	_ =	sdelay $0x1  }
0x75: {  	[tilespmem:s18+$0xFFFFFF70] =	vst v6  }
0x76: {  	v6 =	vld [tilespmem:$0x108C0];
	_ =	sdelay $0x4  }
0x77: {  	v6 =	vadd.f32 v6, v4;
	_ =	sdelay $0x1  }
0x78: {  	[tilespmem:s18+$0xFFFFFF80] =	vst v6  }
0x79: {  	v6 =	vld [tilespmem:$0x108D0];
	_ =	sdelay $0x4  }
0x7a: {  	v6 =	vadd.f32 v6, v5;
	_ =	sdelay $0x1  }
0x7b: {  	[tilespmem:s18+$0xFFFFFF90] =	vst v6  }
0x7c: {  	v6 =	vld [tilespmem:$0x108E0];
	_ =	sdelay $0x4  }
0x7d: {  	v6 =	vadd.f32 v6, v3;
	_ =	sdelay $0x1  }
0x7e: {  	[tilespmem:s18+$0xFFFFFFA0] =	vst v6  }
0x7f: {  	v6 =	vld [tilespmem:$0x108F0];
	_ =	sdelay $0x4  }
0x80: {  	v6 =	vadd.f32 v6, v2;
	_ =	sdelay $0x1  }
0x81: {  	[tilespmem:s18+$0xFFFFFFB0] =	vst v6  }
0x82: {  	v6 =	vld [tilespmem:$0x10900];
	_ =	sdelay $0x4  }
0x83: {  	v6 =	vadd.f32 v6, v4;
	_ =	sdelay $0x1  }
0x84: {  	[tilespmem:s18+$0xFFFFFFC0] =	vst v6  }
0x85: {  	v6 =	vld [tilespmem:$0x10910];
	_ =	sdelay $0x4  }
0x86: {  	v6 =	vadd.f32 v6, v5;
	_ =	sdelay $0x1  }
0x87: {  	[tilespmem:s18+$0xFFFFFFD0] =	vst v6  }
0x88: {  	v6 =	vld [tilespmem:$0x10920];
	_ =	sdelay $0x4  }
0x89: {  	v6 =	vadd.f32 v6, v3;
	_ =	sdelay $0x1  }
0x8a: {  	[tilespmem:s18+$0xFFFFFFE0] =	vst v6  }
0x8b: {  	v6 =	vld [tilespmem:$0x10930];
	_ =	sdelay $0x4  }
0x8c: {  	v6 =	vadd.f32 v6, v2;
	_ =	sdelay $0x1  }
0x8d: {  	[tilespmem:s18+$0xFFFFFFF0] =	vst v6  }
0x8e: {  	v6 =	vld [tilespmem:$0x10940];
	_ =	sdelay $0x4  }
0x8f: {  	v6 =	vadd.f32 v6, v4;
	_ =	sdelay $0x1  }
0x90: {  	[tilespmem:s18+$0x0] =	vst v6  }
0x91: {  	v6 =	vld [tilespmem:$0x10950];
	_ =	sdelay $0x4  }
0x92: {  	v6 =	vadd.f32 v6, v5;
	_ =	sdelay $0x1  }
0x93: {  	[tilespmem:s18+$0x10] =	vst v6  }
0x94: {  	v6 =	vld [tilespmem:$0x10960];
	_ =	sdelay $0x4  }
0x95: {  	v6 =	vadd.f32 v6, v3;
	_ =	sdelay $0x1  }
0x96: {  	[tilespmem:s18+$0x20] =	vst v6  }
0x97: {  	v6 =	vld [tilespmem:$0x10970];
	_ =	sdelay $0x4  }
0x98: {  	v6 =	vadd.f32 v6, v2;
	_ =	sdelay $0x1  }
0x99: {  	[tilespmem:s18+$0x30] =	vst v6  }
0x9a: {  	v6 =	vld [tilespmem:$0x10980];
	_ =	sdelay $0x4  }
0x9b: {  	v6 =	vadd.f32 v6, v4;
	_ =	sdelay $0x1  }
0x9c: {  	[tilespmem:s18+$0x40] =	vst v6  }
0x9d: {  	v6 =	vld [tilespmem:$0x10990];
	_ =	sdelay $0x4  }
0x9e: {  	v6 =	vadd.f32 v6, v5;
	_ =	sdelay $0x1  }
0x9f: {  	[tilespmem:s18+$0x50] =	vst v6  }
0xa0: {  	v6 =	vld [tilespmem:$0x109A0];
	_ =	sdelay $0x4  }
0xa1: {  	v6 =	vadd.f32 v6, v3;
	_ =	sdelay $0x1  }
0xa2: {  	[tilespmem:s18+$0x60] =	vst v6  }
0xa3: {  	v6 =	vld [tilespmem:$0x109B0];
	_ =	sdelay $0x4  }
0xa4: {  	v6 =	vadd.f32 v6, v2;
	_ =	sdelay $0x1  }
0xa5: {  	[tilespmem:s18+$0x70] =	vst v6  }
0xa6: {  	v6 =	vld [tilespmem:$0x109C0];
	_ =	sdelay $0x4  }
0xa7: {  	v6 =	vadd.f32 v6, v4;
	_ =	sdelay $0x1  }
0xa8: {  	[tilespmem:s18+$0x80] =	vst v6  }
0xa9: {  	v6 =	vld [tilespmem:$0x109D0];
	_ =	sdelay $0x4  }
0xaa: {  	v6 =	vadd.f32 v6, v5;
	_ =	sdelay $0x1  }
0xab: {  	[tilespmem:s18+$0x90] =	vst v6  }
0xac: {  	v6 =	vld [tilespmem:$0x109E0];
	_ =	sdelay $0x4  }
0xad: {  	v6 =	vadd.f32 v6, v3;
	_ =	sdelay $0x1  }
0xae: {  	[tilespmem:s18+$0xA0] =	vst v6  }
0xaf: {  	v6 =	vld [tilespmem:$0x109F0];
	_ =	sdelay $0x4  }
0xb0: {  	v6 =	vadd.f32 v6, v2;
	_ =	sdelay $0x1  }
0xb1: {  	[tilespmem:s18+$0xB0] =	vst v6  }
0xb2: {  	v6 =	vld [tilespmem:$0x10A00];
	_ =	sdelay $0x4  }
0xb3: {  	v6 =	vadd.f32 v6, v4;
	_ =	sdelay $0x1  }
0xb4: {  	[tilespmem:s18+$0xC0] =	vst v6  }
0xb5: {  	v6 =	vld [tilespmem:$0x10A10];
	_ =	sdelay $0x4  }
0xb6: {  	v6 =	vadd.f32 v6, v5;
	_ =	sdelay $0x1  }
0xb7: {  	[tilespmem:s18+$0xD0] =	vst v6  }
0xb8: {  	v6 =	vld [tilespmem:$0x10A20];
	_ =	sdelay $0x4  }
0xb9: {  	v6 =	vadd.f32 v6, v3;
	_ =	sdelay $0x1  }
0xba: {  	[tilespmem:s18+$0xE0] =	vst v6  }
0xbb: {  	v6 =	vld [tilespmem:$0x10A30];
	_ =	sdelay $0x4  }
0xbc: {  	v6 =	vadd.f32 v6, v2;
	_ =	sdelay $0x1  }
0xbd: {  	[tilespmem:s18+$0xF0] =	vst v6  }
0xbe: {  	v6 =	vld [tilespmem:$0x10A40];
	_ =	sdelay $0x4  }
0xbf: {  	v6 =	vadd.f32 v6, v4;
	_ =	sdelay $0x1  }
0xc0: {  	[tilespmem:s18+$0x100] =	vst v6  }
0xc1: {  	v6 =	vld [tilespmem:$0x10A50];
	_ =	sdelay $0x4  }
0xc2: {  	v6 =	vadd.f32 v6, v5;
	_ =	sdelay $0x1  }
0xc3: {  	[tilespmem:s18+$0x110] =	vst v6  }
0xc4: {  	v6 =	vld [tilespmem:$0x10A60];
	_ =	sdelay $0x4  }
0xc5: {  	v6 =	vadd.f32 v6, v3;
	_ =	sdelay $0x1  }
0xc6: {  	[tilespmem:s18+$0x120] =	vst v6  }
0xc7: {  	v6 =	vld [tilespmem:$0x10A70];
	_ =	sdelay $0x4  }
0xc8: {  	v6 =	vadd.f32 v6, v2;
	_ =	sdelay $0x1  }
0xc9: {  	[tilespmem:s18+$0x130] =	vst v6  }
0xca: {  	v6 =	vld [tilespmem:$0x10A80];
	_ =	sdelay $0x4  }
0xcb: {  	v6 =	vadd.f32 v6, v4;
	_ =	sdelay $0x1  }
0xcc: {  	[tilespmem:s18+$0x140] =	vst v6  }
0xcd: {  	v6 =	vld [tilespmem:$0x10A90];
	_ =	sdelay $0x4  }
0xce: {  	v6 =	vadd.f32 v6, v5;
	_ =	sdelay $0x1  }
0xcf: {  	[tilespmem:s18+$0x150] =	vst v6  }
0xd0: {  	v6 =	vld [tilespmem:$0x10AA0];
	_ =	sdelay $0x4  }
0xd1: {  	v6 =	vadd.f32 v6, v3;
	_ =	sdelay $0x1  }
0xd2: {  	[tilespmem:s18+$0x160] =	vst v6  }
0xd3: {  	v6 =	vld [tilespmem:$0x10AB0];
	_ =	sdelay $0x4  }
0xd4: {  	v6 =	vadd.f32 v6, v2;
	_ =	sdelay $0x1  }
0xd5: {  	[tilespmem:s18+$0x170] =	vst v6  }
0xd6: {  	v6 =	vld [tilespmem:$0x10AC0];
	_ =	sdelay $0x4  }
0xd7: {  	v6 =	vadd.f32 v6, v4;
	_ =	sdelay $0x1  }
0xd8: {  	[tilespmem:s18+$0x180] =	vst v6  }
0xd9: {  	v6 =	vld [tilespmem:$0x10AD0];
	_ =	sdelay $0x4  }
0xda: {  	v6 =	vadd.f32 v6, v5;
	_ =	sdelay $0x1  }
0xdb: {  	[tilespmem:s18+$0x190] =	vst v6  }
0xdc: {  	v6 =	vld [tilespmem:$0x10AE0];
	_ =	sdelay $0x4  }
0xdd: {  	v6 =	vadd.f32 v6, v3;
	_ =	sdelay $0x1  }
0xde: {  	[tilespmem:s18+$0x1A0] =	vst v6  }
0xdf: {  	v6 =	vld [tilespmem:$0x10AF0];
	_ =	sdelay $0x4  }
0xe0: {  	v6 =	vadd.f32 v6, v2;
	_ =	sdelay $0x1  }
0xe1: {  	[tilespmem:s18+$0x1B0] =	vst v6  }
0xe2: {  	v6 =	vld [tilespmem:$0x10B00];
	_ =	sdelay $0x4  }
0xe3: {  	v6 =	vadd.f32 v6, v4;
	_ =	sdelay $0x1  }
0xe4: {  	[tilespmem:s18+$0x1C0] =	vst v6  }
0xe5: {  	v6 =	vld [tilespmem:$0x10B10];
	_ =	sdelay $0x4  }
0xe6: {  	v6 =	vadd.f32 v6, v5;
	_ =	sdelay $0x1  }
0xe7: {  	[tilespmem:s18+$0x1D0] =	vst v6  }
0xe8: {  	v6 =	vld [tilespmem:$0x10B20];
	_ =	sdelay $0x4  }
0xe9: {  	v6 =	vadd.f32 v6, v3;
	_ =	sdelay $0x1  }
0xea: {  	[tilespmem:s18+$0x1E0] =	vst v6  }
0xeb: {  	v6 =	vld [tilespmem:$0x10B30];
	_ =	sdelay $0x4  }
0xec: {  	v6 =	vadd.f32 v6, v2;
	_ =	sdelay $0x1  }
0xed: {  	[tilespmem:s18+$0x1F0] =	vst v6  }
0xee: {  	v6 =	vld [tilespmem:$0x10B40];
	_ =	sdelay $0x4  }
0xef: {  	v6 =	vadd.f32 v6, v4;
	_ =	sdelay $0x1  }
0xf0: {  	[tilespmem:s18+$0x200] =	vst v6  }
0xf1: {  	v6 =	vld [tilespmem:$0x10B50];
	_ =	sdelay $0x4  }
0xf2: {  	v6 =	vadd.f32 v6, v5;
	_ =	sdelay $0x1  }
0xf3: {  	[tilespmem:s18+$0x210] =	vst v6  }
0xf4: {  	v6 =	vld [tilespmem:$0x10B60];
	_ =	sdelay $0x4  }
0xf5: {  	v6 =	vadd.f32 v6, v3;
	_ =	sdelay $0x1  }
0xf6: {  	[tilespmem:s18+$0x220] =	vst v6  }
0xf7: {  	v6 =	vld [tilespmem:$0x10B70];
	_ =	sdelay $0x4  }
0xf8: {  	v6 =	vadd.f32 v6, v2;
	_ =	sdelay $0x1  }
0xf9: {  	[tilespmem:s18+$0x230] =	vst v6  }
0xfa: {  	v6 =	vld [tilespmem:$0x10B80];
	_ =	sdelay $0x4  }
0xfb: {  	v4 =	vadd.f32 v6, v4;
	_ =	sdelay $0x1  }
0xfc: {  	[tilespmem:s18+$0x240] =	vst v4  }
0xfd: {  	v4 =	vld [tilespmem:$0x10B90];
	_ =	sdelay $0x4  }
0xfe: {  	v4 =	vadd.f32 v4, v5;
	_ =	sdelay $0x1  }
0xff: {  	[tilespmem:s18+$0x250] =	vst v4  }
0x100: {  	v4 =	vld [tilespmem:$0x10BA0];
	_ =	sdelay $0x4  }
0x101: {  	v3 =	vadd.f32 v4, v3;
	_ =	sdelay $0x1  }
0x102: {  	[tilespmem:s18+$0x260] =	vst v3  }
0x103: {  	v3 =	vld [tilespmem:$0x10BB0];
	_ =	sdelay $0x4  }
0x104: {  	v2 =	vadd.f32 v3, v2;
	_ =	sdelay $0x1  }
0x105: {  	[tilespmem:s18+$0x270] =	vst v2  }
0x106: {  	s20 =	simm.s32 $0x40;
	s19 =	simm.s32 $0x200;
	v2 =	vld [tilespmem:$0x106C0]  }
.LBB2_2:
0x107: {  	p0 =	sne.s32 s19, $0x3100;
	v4 =	vld [tilespmem:s20+$0xFA00];
	_ =	sdelay $0x4  }
0x108: {  	v3 =	vld [tilespmem:s20+$0xFA20];
	v6 =	vadd.f32 v2, v4  }
0x109: {  	s18 =	sadd.s32 $0x500, s18;
	v2 =	vld [tilespmem:s20+$0xFA30]  }
0x10a: {  	v5 =	vld [tilespmem:s20+$0xFA10];
	[tilespmem:s18+$0xFFFFFD80] =	vst v6  }
0x10b: {  	v6 =	vld [tilespmem:$0x106D0];
	_ =	sdelay $0x4  }
0x10c: {  	v6 =	vadd.f32 v6, v5;
	_ =	sdelay $0x1  }
0x10d: {  	[tilespmem:s18+$0xFFFFFD90] =	vst v6  }
0x10e: {  	v6 =	vld [tilespmem:$0x106E0];
	_ =	sdelay $0x4  }
0x10f: {  	v6 =	vadd.f32 v6, v3;
	_ =	sdelay $0x1  }
0x110: {  	[tilespmem:s18+$0xFFFFFDA0] =	vst v6  }
0x111: {  	v6 =	vld [tilespmem:$0x106F0];
	_ =	sdelay $0x4  }
0x112: {  	v6 =	vadd.f32 v6, v2;
	_ =	sdelay $0x1  }
0x113: {  	[tilespmem:s18+$0xFFFFFDB0] =	vst v6  }
0x114: {  	v6 =	vld [tilespmem:$0x10700];
	_ =	sdelay $0x4  }
0x115: {  	v6 =	vadd.f32 v6, v4;
	_ =	sdelay $0x1  }
0x116: {  	[tilespmem:s18+$0xFFFFFDC0] =	vst v6  }
0x117: {  	v6 =	vld [tilespmem:$0x10710];
	_ =	sdelay $0x4  }
0x118: {  	v6 =	vadd.f32 v6, v5;
	_ =	sdelay $0x1  }
0x119: {  	[tilespmem:s18+$0xFFFFFDD0] =	vst v6  }
0x11a: {  	v6 =	vld [tilespmem:$0x10720];
	_ =	sdelay $0x4  }
0x11b: {  	v6 =	vadd.f32 v6, v3;
	_ =	sdelay $0x1  }
0x11c: {  	[tilespmem:s18+$0xFFFFFDE0] =	vst v6  }
0x11d: {  	v6 =	vld [tilespmem:$0x10730];
	_ =	sdelay $0x4  }
0x11e: {  	v6 =	vadd.f32 v6, v2;
	_ =	sdelay $0x1  }
0x11f: {  	[tilespmem:s18+$0xFFFFFDF0] =	vst v6  }
0x120: {  	v6 =	vld [tilespmem:$0x10740];
	_ =	sdelay $0x4  }
0x121: {  	v6 =	vadd.f32 v6, v4;
	_ =	sdelay $0x1  }
0x122: {  	[tilespmem:s18+$0xFFFFFE00] =	vst v6  }
0x123: {  	v6 =	vld [tilespmem:$0x10750];
	_ =	sdelay $0x4  }
0x124: {  	v6 =	vadd.f32 v6, v5;
	_ =	sdelay $0x1  }
0x125: {  	[tilespmem:s18+$0xFFFFFE10] =	vst v6  }
0x126: {  	v6 =	vld [tilespmem:$0x10760];
	_ =	sdelay $0x4  }
0x127: {  	v6 =	vadd.f32 v6, v3;
	_ =	sdelay $0x1  }
0x128: {  	[tilespmem:s18+$0xFFFFFE20] =	vst v6  }
0x129: {  	v6 =	vld [tilespmem:$0x10770];
	_ =	sdelay $0x4  }
0x12a: {  	v6 =	vadd.f32 v6, v2;
	_ =	sdelay $0x1  }
0x12b: {  	[tilespmem:s18+$0xFFFFFE30] =	vst v6  }
0x12c: {  	v6 =	vld [tilespmem:$0x10780];
	_ =	sdelay $0x4  }
0x12d: {  	v6 =	vadd.f32 v6, v4;
	_ =	sdelay $0x1  }
0x12e: {  	[tilespmem:s18+$0xFFFFFE40] =	vst v6  }
0x12f: {  	v6 =	vld [tilespmem:$0x10790];
	_ =	sdelay $0x4  }
0x130: {  	v6 =	vadd.f32 v6, v5;
	_ =	sdelay $0x1  }
0x131: {  	[tilespmem:s18+$0xFFFFFE50] =	vst v6  }
0x132: {  	v6 =	vld [tilespmem:$0x107A0];
	_ =	sdelay $0x4  }
0x133: {  	v6 =	vadd.f32 v6, v3;
	_ =	sdelay $0x1  }
0x134: {  	[tilespmem:s18+$0xFFFFFE60] =	vst v6  }
0x135: {  	v6 =	vld [tilespmem:$0x107B0];
	_ =	sdelay $0x4  }
0x136: {  	v6 =	vadd.f32 v6, v2;
	_ =	sdelay $0x1  }
0x137: {  	[tilespmem:s18+$0xFFFFFE70] =	vst v6  }
0x138: {  	v6 =	vld [tilespmem:$0x107C0];
	_ =	sdelay $0x4  }
0x139: {  	v6 =	vadd.f32 v6, v4;
	_ =	sdelay $0x1  }
0x13a: {  	[tilespmem:s18+$0xFFFFFE80] =	vst v6  }
0x13b: {  	v6 =	vld [tilespmem:$0x107D0];
	_ =	sdelay $0x4  }
0x13c: {  	v6 =	vadd.f32 v6, v5;
	_ =	sdelay $0x1  }
0x13d: {  	[tilespmem:s18+$0xFFFFFE90] =	vst v6  }
0x13e: {  	v6 =	vld [tilespmem:$0x107E0];
	_ =	sdelay $0x4  }
0x13f: {  	v6 =	vadd.f32 v6, v3;
	_ =	sdelay $0x1  }
0x140: {  	[tilespmem:s18+$0xFFFFFEA0] =	vst v6  }
0x141: {  	v6 =	vld [tilespmem:$0x107F0];
	_ =	sdelay $0x4  }
0x142: {  	v6 =	vadd.f32 v6, v2;
	_ =	sdelay $0x1  }
0x143: {  	[tilespmem:s18+$0xFFFFFEB0] =	vst v6  }
0x144: {  	v6 =	vld [tilespmem:$0x10800];
	_ =	sdelay $0x4  }
0x145: {  	v6 =	vadd.f32 v6, v4;
	_ =	sdelay $0x1  }
0x146: {  	[tilespmem:s18+$0xFFFFFEC0] =	vst v6  }
0x147: {  	v6 =	vld [tilespmem:$0x10810];
	_ =	sdelay $0x4  }
0x148: {  	v6 =	vadd.f32 v6, v5;
	_ =	sdelay $0x1  }
0x149: {  	[tilespmem:s18+$0xFFFFFED0] =	vst v6  }
0x14a: {  	v6 =	vld [tilespmem:$0x10820];
	_ =	sdelay $0x4  }
0x14b: {  	v6 =	vadd.f32 v6, v3;
	_ =	sdelay $0x1  }
0x14c: {  	[tilespmem:s18+$0xFFFFFEE0] =	vst v6  }
0x14d: {  	v6 =	vld [tilespmem:$0x10830];
	_ =	sdelay $0x4  }
0x14e: {  	v6 =	vadd.f32 v6, v2;
	_ =	sdelay $0x1  }
0x14f: {  	[tilespmem:s18+$0xFFFFFEF0] =	vst v6  }
0x150: {  	v6 =	vld [tilespmem:$0x10840];
	_ =	sdelay $0x4  }
0x151: {  	v6 =	vadd.f32 v6, v4;
	_ =	sdelay $0x1  }
0x152: {  	[tilespmem:s18+$0xFFFFFF00] =	vst v6  }
0x153: {  	v6 =	vld [tilespmem:$0x10850];
	_ =	sdelay $0x4  }
0x154: {  	v6 =	vadd.f32 v6, v5;
	_ =	sdelay $0x1  }
0x155: {  	[tilespmem:s18+$0xFFFFFF10] =	vst v6  }
0x156: {  	v6 =	vld [tilespmem:$0x10860];
	_ =	sdelay $0x4  }
0x157: {  	v6 =	vadd.f32 v6, v3;
	_ =	sdelay $0x1  }
0x158: {  	[tilespmem:s18+$0xFFFFFF20] =	vst v6  }
0x159: {  	v6 =	vld [tilespmem:$0x10870];
	_ =	sdelay $0x4  }
0x15a: {  	v6 =	vadd.f32 v6, v2;
	_ =	sdelay $0x1  }
0x15b: {  	[tilespmem:s18+$0xFFFFFF30] =	vst v6  }
0x15c: {  	v6 =	vld [tilespmem:$0x10880];
	_ =	sdelay $0x4  }
0x15d: {  	v6 =	vadd.f32 v6, v4;
	_ =	sdelay $0x1  }
0x15e: {  	[tilespmem:s18+$0xFFFFFF40] =	vst v6  }
0x15f: {  	v6 =	vld [tilespmem:$0x10890];
	_ =	sdelay $0x4  }
0x160: {  	v6 =	vadd.f32 v6, v5;
	_ =	sdelay $0x1  }
0x161: {  	[tilespmem:s18+$0xFFFFFF50] =	vst v6  }
0x162: {  	v6 =	vld [tilespmem:$0x108A0];
	_ =	sdelay $0x4  }
0x163: {  	v6 =	vadd.f32 v6, v3;
	_ =	sdelay $0x1  }
0x164: {  	[tilespmem:s18+$0xFFFFFF60] =	vst v6  }
0x165: {  	v6 =	vld [tilespmem:$0x108B0];
	_ =	sdelay $0x4  }
0x166: {  	v6 =	vadd.f32 v6, v2;
	_ =	sdelay $0x1  }
0x167: {  	[tilespmem:s18+$0xFFFFFF70] =	vst v6  }
0x168: {  	v6 =	vld [tilespmem:$0x108C0];
	_ =	sdelay $0x4  }
0x169: {  	v6 =	vadd.f32 v6, v4;
	_ =	sdelay $0x1  }
0x16a: {  	[tilespmem:s18+$0xFFFFFF80] =	vst v6  }
0x16b: {  	v6 =	vld [tilespmem:$0x108D0];
	_ =	sdelay $0x4  }
0x16c: {  	v6 =	vadd.f32 v6, v5;
	_ =	sdelay $0x1  }
0x16d: {  	[tilespmem:s18+$0xFFFFFF90] =	vst v6  }
0x16e: {  	v6 =	vld [tilespmem:$0x108E0];
	_ =	sdelay $0x4  }
0x16f: {  	v6 =	vadd.f32 v6, v3;
	_ =	sdelay $0x1  }
0x170: {  	[tilespmem:s18+$0xFFFFFFA0] =	vst v6  }
0x171: {  	v6 =	vld [tilespmem:$0x108F0];
	_ =	sdelay $0x4  }
0x172: {  	v6 =	vadd.f32 v6, v2;
	_ =	sdelay $0x1  }
0x173: {  	[tilespmem:s18+$0xFFFFFFB0] =	vst v6  }
0x174: {  	v6 =	vld [tilespmem:$0x10900];
	_ =	sdelay $0x4  }
0x175: {  	v6 =	vadd.f32 v6, v4;
	_ =	sdelay $0x1  }
0x176: {  	[tilespmem:s18+$0xFFFFFFC0] =	vst v6  }
0x177: {  	v6 =	vld [tilespmem:$0x10910];
	_ =	sdelay $0x4  }
0x178: {  	v6 =	vadd.f32 v6, v5;
	_ =	sdelay $0x1  }
0x179: {  	[tilespmem:s18+$0xFFFFFFD0] =	vst v6  }
0x17a: {  	v6 =	vld [tilespmem:$0x10920];
	_ =	sdelay $0x4  }
0x17b: {  	v6 =	vadd.f32 v6, v3;
	_ =	sdelay $0x1  }
0x17c: {  	[tilespmem:s18+$0xFFFFFFE0] =	vst v6  }
0x17d: {  	v6 =	vld [tilespmem:$0x10930];
	_ =	sdelay $0x4  }
0x17e: {  	v6 =	vadd.f32 v6, v2;
	_ =	sdelay $0x1  }
0x17f: {  	[tilespmem:s18+$0xFFFFFFF0] =	vst v6  }
0x180: {  	v6 =	vld [tilespmem:$0x10940];
	_ =	sdelay $0x4  }
0x181: {  	v6 =	vadd.f32 v6, v4;
	_ =	sdelay $0x1  }
0x182: {  	[tilespmem:s18+$0x0] =	vst v6  }
0x183: {  	v6 =	vld [tilespmem:$0x10950];
	_ =	sdelay $0x4  }
0x184: {  	v6 =	vadd.f32 v6, v5;
	_ =	sdelay $0x1  }
0x185: {  	[tilespmem:s18+$0x10] =	vst v6  }
0x186: {  	v6 =	vld [tilespmem:$0x10960];
	_ =	sdelay $0x4  }
0x187: {  	v6 =	vadd.f32 v6, v3;
	_ =	sdelay $0x1  }
0x188: {  	[tilespmem:s18+$0x20] =	vst v6  }
0x189: {  	v6 =	vld [tilespmem:$0x10970];
	_ =	sdelay $0x4  }
0x18a: {  	v6 =	vadd.f32 v6, v2;
	_ =	sdelay $0x1  }
0x18b: {  	[tilespmem:s18+$0x30] =	vst v6  }
0x18c: {  	v6 =	vld [tilespmem:$0x10980];
	_ =	sdelay $0x4  }
0x18d: {  	v6 =	vadd.f32 v6, v4;
	_ =	sdelay $0x1  }
0x18e: {  	[tilespmem:s18+$0x40] =	vst v6  }
0x18f: {  	v6 =	vld [tilespmem:$0x10990];
	_ =	sdelay $0x4  }
0x190: {  	v6 =	vadd.f32 v6, v5;
	_ =	sdelay $0x1  }
0x191: {  	[tilespmem:s18+$0x50] =	vst v6  }
0x192: {  	v6 =	vld [tilespmem:$0x109A0];
	_ =	sdelay $0x4  }
0x193: {  	v6 =	vadd.f32 v6, v3;
	_ =	sdelay $0x1  }
0x194: {  	[tilespmem:s18+$0x60] =	vst v6  }
0x195: {  	v6 =	vld [tilespmem:$0x109B0];
	_ =	sdelay $0x4  }
0x196: {  	v6 =	vadd.f32 v6, v2;
	_ =	sdelay $0x1  }
0x197: {  	[tilespmem:s18+$0x70] =	vst v6  }
0x198: {  	v6 =	vld [tilespmem:$0x109C0];
	_ =	sdelay $0x4  }
0x199: {  	v6 =	vadd.f32 v6, v4;
	_ =	sdelay $0x1  }
0x19a: {  	[tilespmem:s18+$0x80] =	vst v6  }
0x19b: {  	v6 =	vld [tilespmem:$0x109D0];
	_ =	sdelay $0x4  }
0x19c: {  	v6 =	vadd.f32 v6, v5;
	_ =	sdelay $0x1  }
0x19d: {  	[tilespmem:s18+$0x90] =	vst v6  }
0x19e: {  	v6 =	vld [tilespmem:$0x109E0];
	_ =	sdelay $0x4  }
0x19f: {  	v6 =	vadd.f32 v6, v3;
	_ =	sdelay $0x1  }
0x1a0: {  	[tilespmem:s18+$0xA0] =	vst v6  }
0x1a1: {  	v6 =	vld [tilespmem:$0x109F0];
	_ =	sdelay $0x4  }
0x1a2: {  	v6 =	vadd.f32 v6, v2;
	_ =	sdelay $0x1  }
0x1a3: {  	[tilespmem:s18+$0xB0] =	vst v6  }
0x1a4: {  	v6 =	vld [tilespmem:$0x10A00];
	_ =	sdelay $0x4  }
0x1a5: {  	v6 =	vadd.f32 v6, v4;
	_ =	sdelay $0x1  }
0x1a6: {  	[tilespmem:s18+$0xC0] =	vst v6  }
0x1a7: {  	v6 =	vld [tilespmem:$0x10A10];
	_ =	sdelay $0x4  }
0x1a8: {  	v6 =	vadd.f32 v6, v5;
	_ =	sdelay $0x1  }
0x1a9: {  	[tilespmem:s18+$0xD0] =	vst v6  }
0x1aa: {  	v6 =	vld [tilespmem:$0x10A20];
	_ =	sdelay $0x4  }
0x1ab: {  	v6 =	vadd.f32 v6, v3;
	_ =	sdelay $0x1  }
0x1ac: {  	[tilespmem:s18+$0xE0] =	vst v6  }
0x1ad: {  	v6 =	vld [tilespmem:$0x10A30];
	_ =	sdelay $0x4  }
0x1ae: {  	v6 =	vadd.f32 v6, v2;
	_ =	sdelay $0x1  }
0x1af: {  	[tilespmem:s18+$0xF0] =	vst v6  }
0x1b0: {  	v6 =	vld [tilespmem:$0x10A40];
	_ =	sdelay $0x4  }
0x1b1: {  	v6 =	vadd.f32 v6, v4;
	_ =	sdelay $0x1  }
0x1b2: {  	[tilespmem:s18+$0x100] =	vst v6  }
0x1b3: {  	v6 =	vld [tilespmem:$0x10A50];
	_ =	sdelay $0x4  }
0x1b4: {  	v6 =	vadd.f32 v6, v5;
	_ =	sdelay $0x1  }
0x1b5: {  	[tilespmem:s18+$0x110] =	vst v6  }
0x1b6: {  	v6 =	vld [tilespmem:$0x10A60];
	_ =	sdelay $0x4  }
0x1b7: {  	v6 =	vadd.f32 v6, v3;
	_ =	sdelay $0x1  }
0x1b8: {  	[tilespmem:s18+$0x120] =	vst v6  }
0x1b9: {  	v6 =	vld [tilespmem:$0x10A70];
	_ =	sdelay $0x4  }
0x1ba: {  	v6 =	vadd.f32 v6, v2;
	_ =	sdelay $0x1  }
0x1bb: {  	[tilespmem:s18+$0x130] =	vst v6  }
0x1bc: {  	v6 =	vld [tilespmem:$0x10A80];
	_ =	sdelay $0x4  }
0x1bd: {  	v6 =	vadd.f32 v6, v4;
	_ =	sdelay $0x1  }
0x1be: {  	[tilespmem:s18+$0x140] =	vst v6  }
0x1bf: {  	v6 =	vld [tilespmem:$0x10A90];
	_ =	sdelay $0x4  }
0x1c0: {  	v6 =	vadd.f32 v6, v5;
	_ =	sdelay $0x1  }
0x1c1: {  	[tilespmem:s18+$0x150] =	vst v6  }
0x1c2: {  	v6 =	vld [tilespmem:$0x10AA0];
	_ =	sdelay $0x4  }
0x1c3: {  	v6 =	vadd.f32 v6, v3;
	_ =	sdelay $0x1  }
0x1c4: {  	[tilespmem:s18+$0x160] =	vst v6  }
0x1c5: {  	v6 =	vld [tilespmem:$0x10AB0];
	_ =	sdelay $0x4  }
0x1c6: {  	v6 =	vadd.f32 v6, v2;
	_ =	sdelay $0x1  }
0x1c7: {  	[tilespmem:s18+$0x170] =	vst v6  }
0x1c8: {  	v6 =	vld [tilespmem:$0x10AC0];
	_ =	sdelay $0x4  }
0x1c9: {  	v6 =	vadd.f32 v6, v4;
	_ =	sdelay $0x1  }
0x1ca: {  	[tilespmem:s18+$0x180] =	vst v6  }
0x1cb: {  	v6 =	vld [tilespmem:$0x10AD0];
	_ =	sdelay $0x4  }
0x1cc: {  	v6 =	vadd.f32 v6, v5;
	_ =	sdelay $0x1  }
0x1cd: {  	[tilespmem:s18+$0x190] =	vst v6  }
0x1ce: {  	v6 =	vld [tilespmem:$0x10AE0];
	_ =	sdelay $0x4  }
0x1cf: {  	v6 =	vadd.f32 v6, v3;
	_ =	sdelay $0x1  }
0x1d0: {  	[tilespmem:s18+$0x1A0] =	vst v6  }
0x1d1: {  	v6 =	vld [tilespmem:$0x10AF0];
	_ =	sdelay $0x4  }
0x1d2: {  	v6 =	vadd.f32 v6, v2;
	_ =	sdelay $0x1  }
0x1d3: {  	[tilespmem:s18+$0x1B0] =	vst v6  }
0x1d4: {  	v6 =	vld [tilespmem:$0x10B00];
	_ =	sdelay $0x4  }
0x1d5: {  	v6 =	vadd.f32 v6, v4;
	_ =	sdelay $0x1  }
0x1d6: {  	[tilespmem:s18+$0x1C0] =	vst v6  }
0x1d7: {  	v6 =	vld [tilespmem:$0x10B10];
	_ =	sdelay $0x4  }
0x1d8: {  	v6 =	vadd.f32 v6, v5;
	_ =	sdelay $0x1  }
0x1d9: {  	[tilespmem:s18+$0x1D0] =	vst v6  }
0x1da: {  	v6 =	vld [tilespmem:$0x10B20];
	_ =	sdelay $0x4  }
0x1db: {  	v6 =	vadd.f32 v6, v3;
	_ =	sdelay $0x1  }
0x1dc: {  	[tilespmem:s18+$0x1E0] =	vst v6  }
0x1dd: {  	v6 =	vld [tilespmem:$0x10B30];
	_ =	sdelay $0x4  }
0x1de: {  	v6 =	vadd.f32 v6, v2;
	_ =	sdelay $0x1  }
0x1df: {  	[tilespmem:s18+$0x1F0] =	vst v6  }
0x1e0: {  	v6 =	vld [tilespmem:$0x10B40];
	_ =	sdelay $0x4  }
0x1e1: {  	v6 =	vadd.f32 v6, v4;
	_ =	sdelay $0x1  }
0x1e2: {  	[tilespmem:s18+$0x200] =	vst v6  }
0x1e3: {  	v6 =	vld [tilespmem:$0x10B50];
	_ =	sdelay $0x4  }
0x1e4: {  	v6 =	vadd.f32 v6, v5;
	_ =	sdelay $0x1  }
0x1e5: {  	[tilespmem:s18+$0x210] =	vst v6  }
0x1e6: {  	v6 =	vld [tilespmem:$0x10B60];
	_ =	sdelay $0x4  }
0x1e7: {  	v6 =	vadd.f32 v6, v3;
	_ =	sdelay $0x1  }
0x1e8: {  	[tilespmem:s18+$0x220] =	vst v6  }
0x1e9: {  	v6 =	vld [tilespmem:$0x10B70];
	_ =	sdelay $0x4  }
0x1ea: {  	v6 =	vadd.f32 v6, v2;
	_ =	sdelay $0x1  }
0x1eb: {  	[tilespmem:s18+$0x230] =	vst v6  }
0x1ec: {  	v6 =	vld [tilespmem:$0x10B80];
	_ =	sdelay $0x4  }
0x1ed: {  	v4 =	vadd.f32 v6, v4;
	_ =	sdelay $0x1  }
0x1ee: {  	[tilespmem:s18+$0x240] =	vst v4  }
0x1ef: {  	v4 =	vld [tilespmem:$0x10B90];
	_ =	sdelay $0x4  }
0x1f0: {  	v4 =	vadd.f32 v4, v5;
	_ =	sdelay $0x1  }
0x1f1: {  	[tilespmem:s18+$0x250] =	vst v4  }
0x1f2: {  	v4 =	vld [tilespmem:$0x10BA0];
	_ =	sdelay $0x4  }
0x1f3: {  	v3 =	vadd.f32 v4, v3;
	_ =	sdelay $0x1  }
0x1f4: {  	[tilespmem:s18+$0x260] =	vst v3  }
0x1f5: {  	v3 =	vld [tilespmem:$0x10BB0];
	_ =	sdelay $0x3  }
.Ltmp0:
0x1f6: {  	(pc) =	sbr.rel @p0 .LBB2_2-.Ltmp0, $3  }
0x1f7: {  	v2 =	vadd.f32 v3, v2;
	_ =	sdelay $0x1  }
0x1f8: {  	[tilespmem:s18+$0x270] =	vst v2  }
0x1f9: {  	s20 =	sshra.s32 s19, $0x2;
	s19 =	sadd.s32 $0x100, s19;
	v2 =	vld [tilespmem:$0x106C0]  }
0x1fa: {  	v4 =	vld [tilespmem:s20+$0xFA00];
	_ =	sdelay $0x4  }
0x1fb: {  	v3 =	vld [tilespmem:s20+$0xFA20];
	v6 =	vadd.f32 v2, v4  }
0x1fc: {  	s18 =	sadd.s32 $0x500, s18;
	v5 =	vld [tilespmem:s20+$0xFA10]  }
0x1fd: {  	v2 =	vld [tilespmem:s20+$0xFA30];
	[tilespmem:s18+$0xFFFFFD80] =	vst v6  }
0x1fe: {  	v6 =	vld [tilespmem:$0x106D0];
	_ =	sdelay $0x4  }
0x1ff: {  	v6 =	vadd.f32 v6, v5;
	_ =	sdelay $0x1  }
0x200: {  	[tilespmem:s18+$0xFFFFFD90] =	vst v6  }
0x201: {  	v6 =	vld [tilespmem:$0x106E0];
	_ =	sdelay $0x4  }
0x202: {  	v6 =	vadd.f32 v6, v3;
	_ =	sdelay $0x1  }
0x203: {  	[tilespmem:s18+$0xFFFFFDA0] =	vst v6  }
0x204: {  	v6 =	vld [tilespmem:$0x106F0];
	_ =	sdelay $0x4  }
0x205: {  	v6 =	vadd.f32 v6, v2;
	_ =	sdelay $0x1  }
0x206: {  	[tilespmem:s18+$0xFFFFFDB0] =	vst v6  }
0x207: {  	v6 =	vld [tilespmem:$0x10700];
	_ =	sdelay $0x4  }
0x208: {  	v6 =	vadd.f32 v6, v4;
	_ =	sdelay $0x1  }
0x209: {  	[tilespmem:s18+$0xFFFFFDC0] =	vst v6  }
0x20a: {  	v6 =	vld [tilespmem:$0x10710];
	_ =	sdelay $0x4  }
0x20b: {  	v6 =	vadd.f32 v6, v5;
	_ =	sdelay $0x1  }
0x20c: {  	[tilespmem:s18+$0xFFFFFDD0] =	vst v6  }
0x20d: {  	v6 =	vld [tilespmem:$0x10720];
	_ =	sdelay $0x4  }
0x20e: {  	v6 =	vadd.f32 v6, v3;
	_ =	sdelay $0x1  }
0x20f: {  	[tilespmem:s18+$0xFFFFFDE0] =	vst v6  }
0x210: {  	v6 =	vld [tilespmem:$0x10730];
	_ =	sdelay $0x4  }
0x211: {  	v6 =	vadd.f32 v6, v2;
	_ =	sdelay $0x1  }
0x212: {  	[tilespmem:s18+$0xFFFFFDF0] =	vst v6  }
0x213: {  	v6 =	vld [tilespmem:$0x10740];
	_ =	sdelay $0x4  }
0x214: {  	v6 =	vadd.f32 v6, v4;
	_ =	sdelay $0x1  }
0x215: {  	[tilespmem:s18+$0xFFFFFE00] =	vst v6  }
0x216: {  	v6 =	vld [tilespmem:$0x10750];
	_ =	sdelay $0x4  }
0x217: {  	v6 =	vadd.f32 v6, v5;
	_ =	sdelay $0x1  }
0x218: {  	[tilespmem:s18+$0xFFFFFE10] =	vst v6  }
0x219: {  	v6 =	vld [tilespmem:$0x10760];
	_ =	sdelay $0x4  }
0x21a: {  	v6 =	vadd.f32 v6, v3;
	_ =	sdelay $0x1  }
0x21b: {  	[tilespmem:s18+$0xFFFFFE20] =	vst v6  }
0x21c: {  	v6 =	vld [tilespmem:$0x10770];
	_ =	sdelay $0x4  }
0x21d: {  	v6 =	vadd.f32 v6, v2;
	_ =	sdelay $0x1  }
0x21e: {  	[tilespmem:s18+$0xFFFFFE30] =	vst v6  }
0x21f: {  	v6 =	vld [tilespmem:$0x10780];
	_ =	sdelay $0x4  }
0x220: {  	v6 =	vadd.f32 v6, v4;
	_ =	sdelay $0x1  }
0x221: {  	[tilespmem:s18+$0xFFFFFE40] =	vst v6  }
0x222: {  	v6 =	vld [tilespmem:$0x10790];
	_ =	sdelay $0x4  }
0x223: {  	v6 =	vadd.f32 v6, v5;
	_ =	sdelay $0x1  }
0x224: {  	[tilespmem:s18+$0xFFFFFE50] =	vst v6  }
0x225: {  	v6 =	vld [tilespmem:$0x107A0];
	_ =	sdelay $0x4  }
0x226: {  	v6 =	vadd.f32 v6, v3;
	_ =	sdelay $0x1  }
0x227: {  	[tilespmem:s18+$0xFFFFFE60] =	vst v6  }
0x228: {  	v6 =	vld [tilespmem:$0x107B0];
	_ =	sdelay $0x4  }
0x229: {  	v6 =	vadd.f32 v6, v2;
	_ =	sdelay $0x1  }
0x22a: {  	[tilespmem:s18+$0xFFFFFE70] =	vst v6  }
0x22b: {  	v6 =	vld [tilespmem:$0x107C0];
	_ =	sdelay $0x4  }
0x22c: {  	v6 =	vadd.f32 v6, v4;
	_ =	sdelay $0x1  }
0x22d: {  	[tilespmem:s18+$0xFFFFFE80] =	vst v6  }
0x22e: {  	v6 =	vld [tilespmem:$0x107D0];
	_ =	sdelay $0x4  }
0x22f: {  	v6 =	vadd.f32 v6, v5;
	_ =	sdelay $0x1  }
0x230: {  	[tilespmem:s18+$0xFFFFFE90] =	vst v6  }
0x231: {  	v6 =	vld [tilespmem:$0x107E0];
	_ =	sdelay $0x4  }
0x232: {  	v6 =	vadd.f32 v6, v3;
	_ =	sdelay $0x1  }
0x233: {  	[tilespmem:s18+$0xFFFFFEA0] =	vst v6  }
0x234: {  	v6 =	vld [tilespmem:$0x107F0];
	_ =	sdelay $0x4  }
0x235: {  	v6 =	vadd.f32 v6, v2;
	_ =	sdelay $0x1  }
0x236: {  	[tilespmem:s18+$0xFFFFFEB0] =	vst v6  }
0x237: {  	v6 =	vld [tilespmem:$0x10800];
	_ =	sdelay $0x4  }
0x238: {  	v6 =	vadd.f32 v6, v4;
	_ =	sdelay $0x1  }
0x239: {  	[tilespmem:s18+$0xFFFFFEC0] =	vst v6  }
0x23a: {  	v6 =	vld [tilespmem:$0x10810];
	_ =	sdelay $0x4  }
0x23b: {  	v6 =	vadd.f32 v6, v5;
	_ =	sdelay $0x1  }
0x23c: {  	[tilespmem:s18+$0xFFFFFED0] =	vst v6  }
0x23d: {  	v6 =	vld [tilespmem:$0x10820];
	_ =	sdelay $0x4  }
0x23e: {  	v6 =	vadd.f32 v6, v3;
	_ =	sdelay $0x1  }
0x23f: {  	[tilespmem:s18+$0xFFFFFEE0] =	vst v6  }
0x240: {  	v6 =	vld [tilespmem:$0x10830];
	_ =	sdelay $0x4  }
0x241: {  	v6 =	vadd.f32 v6, v2;
	_ =	sdelay $0x1  }
0x242: {  	[tilespmem:s18+$0xFFFFFEF0] =	vst v6  }
0x243: {  	v6 =	vld [tilespmem:$0x10840];
	_ =	sdelay $0x4  }
0x244: {  	v6 =	vadd.f32 v6, v4;
	_ =	sdelay $0x1  }
0x245: {  	[tilespmem:s18+$0xFFFFFF00] =	vst v6  }
0x246: {  	v6 =	vld [tilespmem:$0x10850];
	_ =	sdelay $0x4  }
0x247: {  	v6 =	vadd.f32 v6, v5;
	_ =	sdelay $0x1  }
0x248: {  	[tilespmem:s18+$0xFFFFFF10] =	vst v6  }
0x249: {  	v6 =	vld [tilespmem:$0x10860];
	_ =	sdelay $0x4  }
0x24a: {  	v6 =	vadd.f32 v6, v3;
	_ =	sdelay $0x1  }
0x24b: {  	[tilespmem:s18+$0xFFFFFF20] =	vst v6  }
0x24c: {  	v6 =	vld [tilespmem:$0x10870];
	_ =	sdelay $0x4  }
0x24d: {  	v6 =	vadd.f32 v6, v2;
	_ =	sdelay $0x1  }
0x24e: {  	[tilespmem:s18+$0xFFFFFF30] =	vst v6  }
0x24f: {  	v6 =	vld [tilespmem:$0x10880];
	_ =	sdelay $0x4  }
0x250: {  	v6 =	vadd.f32 v6, v4;
	_ =	sdelay $0x1  }
0x251: {  	[tilespmem:s18+$0xFFFFFF40] =	vst v6  }
0x252: {  	v6 =	vld [tilespmem:$0x10890];
	_ =	sdelay $0x4  }
0x253: {  	v6 =	vadd.f32 v6, v5;
	_ =	sdelay $0x1  }
0x254: {  	[tilespmem:s18+$0xFFFFFF50] =	vst v6  }
0x255: {  	v6 =	vld [tilespmem:$0x108A0];
	_ =	sdelay $0x4  }
0x256: {  	v6 =	vadd.f32 v6, v3;
	_ =	sdelay $0x1  }
0x257: {  	[tilespmem:s18+$0xFFFFFF60] =	vst v6  }
0x258: {  	v6 =	vld [tilespmem:$0x108B0];
	_ =	sdelay $0x4  }
0x259: {  	v6 =	vadd.f32 v6, v2;
	_ =	sdelay $0x1  }
0x25a: {  	[tilespmem:s18+$0xFFFFFF70] =	vst v6  }
0x25b: {  	v6 =	vld [tilespmem:$0x108C0];
	_ =	sdelay $0x4  }
0x25c: {  	v6 =	vadd.f32 v6, v4;
	_ =	sdelay $0x1  }
0x25d: {  	[tilespmem:s18+$0xFFFFFF80] =	vst v6  }
0x25e: {  	v6 =	vld [tilespmem:$0x108D0];
	_ =	sdelay $0x4  }
0x25f: {  	v6 =	vadd.f32 v6, v5;
	_ =	sdelay $0x1  }
0x260: {  	[tilespmem:s18+$0xFFFFFF90] =	vst v6  }
0x261: {  	v6 =	vld [tilespmem:$0x108E0];
	_ =	sdelay $0x4  }
0x262: {  	v6 =	vadd.f32 v6, v3;
	_ =	sdelay $0x1  }
0x263: {  	[tilespmem:s18+$0xFFFFFFA0] =	vst v6  }
0x264: {  	v6 =	vld [tilespmem:$0x108F0];
	_ =	sdelay $0x4  }
0x265: {  	v6 =	vadd.f32 v6, v2;
	_ =	sdelay $0x1  }
0x266: {  	[tilespmem:s18+$0xFFFFFFB0] =	vst v6  }
0x267: {  	v6 =	vld [tilespmem:$0x10900];
	_ =	sdelay $0x4  }
0x268: {  	v6 =	vadd.f32 v6, v4;
	_ =	sdelay $0x1  }
0x269: {  	[tilespmem:s18+$0xFFFFFFC0] =	vst v6  }
0x26a: {  	v6 =	vld [tilespmem:$0x10910];
	_ =	sdelay $0x4  }
0x26b: {  	v6 =	vadd.f32 v6, v5;
	_ =	sdelay $0x1  }
0x26c: {  	[tilespmem:s18+$0xFFFFFFD0] =	vst v6  }
0x26d: {  	v6 =	vld [tilespmem:$0x10920];
	_ =	sdelay $0x4  }
0x26e: {  	v6 =	vadd.f32 v6, v3;
	_ =	sdelay $0x1  }
0x26f: {  	[tilespmem:s18+$0xFFFFFFE0] =	vst v6  }
0x270: {  	v6 =	vld [tilespmem:$0x10930];
	_ =	sdelay $0x4  }
0x271: {  	v6 =	vadd.f32 v6, v2;
	_ =	sdelay $0x1  }
0x272: {  	[tilespmem:s18+$0xFFFFFFF0] =	vst v6  }
0x273: {  	v6 =	vld [tilespmem:$0x10940];
	_ =	sdelay $0x4  }
0x274: {  	v6 =	vadd.f32 v6, v4;
	_ =	sdelay $0x1  }
0x275: {  	[tilespmem:s18+$0x0] =	vst v6  }
0x276: {  	v6 =	vld [tilespmem:$0x10950];
	_ =	sdelay $0x4  }
0x277: {  	v6 =	vadd.f32 v6, v5;
	_ =	sdelay $0x1  }
0x278: {  	[tilespmem:s18+$0x10] =	vst v6  }
0x279: {  	v6 =	vld [tilespmem:$0x10960];
	_ =	sdelay $0x4  }
0x27a: {  	v6 =	vadd.f32 v6, v3;
	_ =	sdelay $0x1  }
0x27b: {  	[tilespmem:s18+$0x20] =	vst v6  }
0x27c: {  	v6 =	vld [tilespmem:$0x10970];
	_ =	sdelay $0x4  }
0x27d: {  	v6 =	vadd.f32 v6, v2;
	_ =	sdelay $0x1  }
0x27e: {  	[tilespmem:s18+$0x30] =	vst v6  }
0x27f: {  	v6 =	vld [tilespmem:$0x10980];
	_ =	sdelay $0x4  }
0x280: {  	v6 =	vadd.f32 v6, v4;
	_ =	sdelay $0x1  }
0x281: {  	[tilespmem:s18+$0x40] =	vst v6  }
0x282: {  	v6 =	vld [tilespmem:$0x10990];
	_ =	sdelay $0x4  }
0x283: {  	v6 =	vadd.f32 v6, v5;
	_ =	sdelay $0x1  }
0x284: {  	[tilespmem:s18+$0x50] =	vst v6  }
0x285: {  	v6 =	vld [tilespmem:$0x109A0];
	_ =	sdelay $0x4  }
0x286: {  	v6 =	vadd.f32 v6, v3;
	_ =	sdelay $0x1  }
0x287: {  	[tilespmem:s18+$0x60] =	vst v6  }
0x288: {  	v6 =	vld [tilespmem:$0x109B0];
	_ =	sdelay $0x4  }
0x289: {  	v6 =	vadd.f32 v6, v2;
	_ =	sdelay $0x1  }
0x28a: {  	[tilespmem:s18+$0x70] =	vst v6  }
0x28b: {  	v6 =	vld [tilespmem:$0x109C0];
	_ =	sdelay $0x4  }
0x28c: {  	v6 =	vadd.f32 v6, v4;
	_ =	sdelay $0x1  }
0x28d: {  	[tilespmem:s18+$0x80] =	vst v6  }
0x28e: {  	v6 =	vld [tilespmem:$0x109D0];
	_ =	sdelay $0x4  }
0x28f: {  	v6 =	vadd.f32 v6, v5;
	_ =	sdelay $0x1  }
0x290: {  	[tilespmem:s18+$0x90] =	vst v6  }
0x291: {  	v6 =	vld [tilespmem:$0x109E0];
	_ =	sdelay $0x4  }
0x292: {  	v6 =	vadd.f32 v6, v3;
	_ =	sdelay $0x1  }
0x293: {  	[tilespmem:s18+$0xA0] =	vst v6  }
0x294: {  	v6 =	vld [tilespmem:$0x109F0];
	_ =	sdelay $0x4  }
0x295: {  	v6 =	vadd.f32 v6, v2;
	_ =	sdelay $0x1  }
0x296: {  	[tilespmem:s18+$0xB0] =	vst v6  }
0x297: {  	v6 =	vld [tilespmem:$0x10A00];
	_ =	sdelay $0x4  }
0x298: {  	v6 =	vadd.f32 v6, v4;
	_ =	sdelay $0x1  }
0x299: {  	[tilespmem:s18+$0xC0] =	vst v6  }
0x29a: {  	v6 =	vld [tilespmem:$0x10A10];
	_ =	sdelay $0x4  }
0x29b: {  	v6 =	vadd.f32 v6, v5;
	_ =	sdelay $0x1  }
0x29c: {  	[tilespmem:s18+$0xD0] =	vst v6  }
0x29d: {  	v6 =	vld [tilespmem:$0x10A20];
	_ =	sdelay $0x4  }
0x29e: {  	v6 =	vadd.f32 v6, v3;
	_ =	sdelay $0x1  }
0x29f: {  	[tilespmem:s18+$0xE0] =	vst v6  }
0x2a0: {  	v6 =	vld [tilespmem:$0x10A30];
	_ =	sdelay $0x4  }
0x2a1: {  	v6 =	vadd.f32 v6, v2;
	_ =	sdelay $0x1  }
0x2a2: {  	[tilespmem:s18+$0xF0] =	vst v6  }
0x2a3: {  	v6 =	vld [tilespmem:$0x10A40];
	_ =	sdelay $0x4  }
0x2a4: {  	v6 =	vadd.f32 v6, v4;
	_ =	sdelay $0x1  }
0x2a5: {  	[tilespmem:s18+$0x100] =	vst v6  }
0x2a6: {  	v6 =	vld [tilespmem:$0x10A50];
	_ =	sdelay $0x4  }
0x2a7: {  	v6 =	vadd.f32 v6, v5;
	_ =	sdelay $0x1  }
0x2a8: {  	[tilespmem:s18+$0x110] =	vst v6  }
0x2a9: {  	v6 =	vld [tilespmem:$0x10A60];
	_ =	sdelay $0x4  }
0x2aa: {  	v6 =	vadd.f32 v6, v3;
	_ =	sdelay $0x1  }
0x2ab: {  	[tilespmem:s18+$0x120] =	vst v6  }
0x2ac: {  	v6 =	vld [tilespmem:$0x10A70];
	_ =	sdelay $0x4  }
0x2ad: {  	v6 =	vadd.f32 v6, v2;
	_ =	sdelay $0x1  }
0x2ae: {  	[tilespmem:s18+$0x130] =	vst v6  }
0x2af: {  	v6 =	vld [tilespmem:$0x10A80];
	_ =	sdelay $0x4  }
0x2b0: {  	v6 =	vadd.f32 v6, v4;
	_ =	sdelay $0x1  }
0x2b1: {  	[tilespmem:s18+$0x140] =	vst v6  }
0x2b2: {  	v6 =	vld [tilespmem:$0x10A90];
	_ =	sdelay $0x4  }
0x2b3: {  	v6 =	vadd.f32 v6, v5;
	_ =	sdelay $0x1  }
0x2b4: {  	[tilespmem:s18+$0x150] =	vst v6  }
0x2b5: {  	v6 =	vld [tilespmem:$0x10AA0];
	_ =	sdelay $0x4  }
0x2b6: {  	v6 =	vadd.f32 v6, v3;
	_ =	sdelay $0x1  }
0x2b7: {  	[tilespmem:s18+$0x160] =	vst v6  }
0x2b8: {  	v6 =	vld [tilespmem:$0x10AB0];
	_ =	sdelay $0x4  }
0x2b9: {  	v6 =	vadd.f32 v6, v2;
	_ =	sdelay $0x1  }
0x2ba: {  	[tilespmem:s18+$0x170] =	vst v6  }
0x2bb: {  	v6 =	vld [tilespmem:$0x10AC0];
	_ =	sdelay $0x4  }
0x2bc: {  	v6 =	vadd.f32 v6, v4;
	_ =	sdelay $0x1  }
0x2bd: {  	[tilespmem:s18+$0x180] =	vst v6  }
0x2be: {  	v6 =	vld [tilespmem:$0x10AD0];
	_ =	sdelay $0x4  }
0x2bf: {  	v6 =	vadd.f32 v6, v5;
	_ =	sdelay $0x1  }
0x2c0: {  	[tilespmem:s18+$0x190] =	vst v6  }
0x2c1: {  	v6 =	vld [tilespmem:$0x10AE0];
	_ =	sdelay $0x4  }
0x2c2: {  	v6 =	vadd.f32 v6, v3;
	_ =	sdelay $0x1  }
0x2c3: {  	[tilespmem:s18+$0x1A0] =	vst v6  }
0x2c4: {  	v6 =	vld [tilespmem:$0x10AF0];
	_ =	sdelay $0x4  }
0x2c5: {  	v6 =	vadd.f32 v6, v2;
	_ =	sdelay $0x1  }
0x2c6: {  	[tilespmem:s18+$0x1B0] =	vst v6  }
0x2c7: {  	v6 =	vld [tilespmem:$0x10B00];
	_ =	sdelay $0x4  }
0x2c8: {  	v6 =	vadd.f32 v6, v4;
	_ =	sdelay $0x1  }
0x2c9: {  	[tilespmem:s18+$0x1C0] =	vst v6  }
0x2ca: {  	v6 =	vld [tilespmem:$0x10B10];
	_ =	sdelay $0x4  }
0x2cb: {  	v6 =	vadd.f32 v6, v5;
	_ =	sdelay $0x1  }
0x2cc: {  	[tilespmem:s18+$0x1D0] =	vst v6  }
0x2cd: {  	v6 =	vld [tilespmem:$0x10B20];
	_ =	sdelay $0x4  }
0x2ce: {  	v6 =	vadd.f32 v6, v3;
	_ =	sdelay $0x1  }
0x2cf: {  	[tilespmem:s18+$0x1E0] =	vst v6  }
0x2d0: {  	v6 =	vld [tilespmem:$0x10B30];
	_ =	sdelay $0x4  }
0x2d1: {  	v6 =	vadd.f32 v6, v2;
	_ =	sdelay $0x1  }
0x2d2: {  	[tilespmem:s18+$0x1F0] =	vst v6  }
0x2d3: {  	v6 =	vld [tilespmem:$0x10B40];
	_ =	sdelay $0x4  }
0x2d4: {  	v6 =	vadd.f32 v6, v4;
	_ =	sdelay $0x1  }
0x2d5: {  	[tilespmem:s18+$0x200] =	vst v6  }
0x2d6: {  	v6 =	vld [tilespmem:$0x10B50];
	_ =	sdelay $0x4  }
0x2d7: {  	v6 =	vadd.f32 v6, v5;
	_ =	sdelay $0x1  }
0x2d8: {  	[tilespmem:s18+$0x210] =	vst v6  }
0x2d9: {  	v6 =	vld [tilespmem:$0x10B60];
	_ =	sdelay $0x4  }
0x2da: {  	v6 =	vadd.f32 v6, v3;
	_ =	sdelay $0x1  }
0x2db: {  	[tilespmem:s18+$0x220] =	vst v6  }
0x2dc: {  	v6 =	vld [tilespmem:$0x10B70];
	_ =	sdelay $0x4  }
0x2dd: {  	v6 =	vadd.f32 v6, v2;
	_ =	sdelay $0x1  }
0x2de: {  	[tilespmem:s18+$0x230] =	vst v6  }
0x2df: {  	v6 =	vld [tilespmem:$0x10B80];
	_ =	sdelay $0x4  }
0x2e0: {  	v4 =	vadd.f32 v6, v4;
	_ =	sdelay $0x1  }
0x2e1: {  	[tilespmem:s18+$0x240] =	vst v4  }
0x2e2: {  	v4 =	vld [tilespmem:$0x10B90];
	_ =	sdelay $0x4  }
0x2e3: {  	v4 =	vadd.f32 v4, v5;
	_ =	sdelay $0x1  }
0x2e4: {  	[tilespmem:s18+$0x250] =	vst v4  }
0x2e5: {  	v4 =	vld [tilespmem:$0x10BA0];
	_ =	sdelay $0x4  }
0x2e6: {  	v3 =	vadd.f32 v4, v3;
	_ =	sdelay $0x1  }
0x2e7: {  	[tilespmem:s18+$0x260] =	vst v3  }
0x2e8: {  	v3 =	vld [tilespmem:$0x10BB0];
	_ =	sdelay $0x4  }
0x2e9: {  	v2 =	vadd.f32 v3, v2;
	_ =	sdelay $0x1  }
0x2ea: {  	s19 =	simm.s32 $0x0;
	[tilespmem:s18+$0x270] =	vst v2;
	s18 =	simm.s32 $0x0  }
.LBB2_4:
0x2eb: {  	p0 =	seq.s32 s19, $0x0;
	s20 =	smul.u32 $0x320, s19  }
0x2ec: {  	s22 =	simm.s32 @!p0 $0x1  }
0x2ed: {  	_ =	swait.ge @!p0 [sflag:s22], $0x6400;
	s21 =	sadd.s32 s4, s20  }
0x2ee: {  	[sflag:s22] =	ssyncset.done @!p0 $0x0;
	s23 =	sshrl.u32 s21, $0x3  }
0x2ef: {  	[sflag:s22] =	ssyncadd.s32 @!p0 $0xFFFF9C00;
	s23 =	sadd.s32 s5, s23;
	s22 =	simm.s32 $0x10BC0  }
0x2f0: {  	[tilespmem:s22], [sflag:$0x3] =	stream.linear.gather [hbm4b:s23+s18], $0x190, $0x38;
	[tilespmem:$0x1D6E0] =	vst v63  }
0x2f1: {  	_ =	swait.ge [sflag:s11], $0x190  }
0x2f2: {  	[sflag:s11] =	ssyncset.done $0x0  }
0x2f3: {  	s23 =	simm.s32 $0x0;
	[sflag:s11] =	ssyncadd.s32 $0xFFFFFE70  }
.LBB2_5:
0x2f4: {  	v2 =	vld [tilespmem:s22+$0x0];
	_ =	sdelay $0x4  }
0x2f5: {  	v2 =	vmul.f32 $1.000000000e+03, v2;
	_ =	sdelay $0x1  }
0x2f6: {  	v3 =	vtrunc.f32 v2  }
0x2f7: {  	v3 =	vcvt.f32.s32 v3;
	_ =	sdelay $0x1  }
0x2f8: {  	v4 =	vcvt.s32.f32 v3;
	_ =	sdelay $0x1  }
0x2f9: {  	v2 =	vsub.f32 v2, v4  }
0x2fa: {  	v50 =	vand.u32 $0x1, v3  }
0x2fb: {  	vm1 =	veq.s32 v50, $0x1;
	vm0 =	veq.f32 v2, $5.000000000e-01  }
0x2fc: {  	vm2 =	vgt.f32 v2, $5.000000000e-01;
	vm0 =	vmand vm0, vm1  }
0x2fd: {  	vm0 =	vmor vm2, vm0  }
0x2fe: {  	v2 =	vsel vm0, $0x1, v0  }
0x2ff: {  	v2 =	vadd.s32 v3, v2  }
0x300: {  	vm15 =	vlt.s32 v2, $0x3E7  }
0x301: {  	v2 =	vnsel vm15, $0x3E7, v2  }
0x302: {  	v2 =	vshll.u32 v2, $0x6;
	_ =	sdelay $0x2  }
0x303: {  	v3 =	vmov s23  }
0x304: {  	v3 =	vshll.u32 v3, $0x6  }
0x305: {  	v3 =	vor.u32 v1, v3;
	v51 =	vld.idx.msk [tilespmem:v2+s3+$0x0], $0xffff  }
0x306: {  	v5 =	vor.u32 $0x1, v2;
	_ =	sdelay $0x3  }
0x307: {  	[tilespmem:v3+s13+$0x0] =	vst.idx.msk $0xffff, v51  }
0x308: {  	v52 =	vor.u32 $0x1, v3;
	v4 =	vld.idx.msk [tilespmem:v5+s3+$0x0], $0xffff  }
0x309: {  	v6 =	vor.u32 $0x2, v2;
	_ =	sdelay $0x3  }
0x30a: {  	[tilespmem:v52+s13+$0x0] =	vst.idx.msk $0xffff, v4  }
0x30b: {  	v53 =	vor.u32 $0x2, v3;
	v4 =	vld.idx.msk [tilespmem:v6+s3+$0x0], $0xffff  }
0x30c: {  	v54 =	vor.u32 $0x3, v2;
	_ =	sdelay $0x3  }
0x30d: {  	[tilespmem:v53+s13+$0x0] =	vst.idx.msk $0xffff, v4  }
0x30e: {  	v55 =	vor.u32 $0x3, v3;
	v4 =	vld.idx.msk [tilespmem:v54+s3+$0x0], $0xffff  }
0x30f: {  	v56 =	vor.u32 $0x4, v2;
	_ =	sdelay $0x3  }
0x310: {  	[tilespmem:v55+s13+$0x0] =	vst.idx.msk $0xffff, v4  }
0x311: {  	v57 =	vor.u32 $0x4, v3;
	v4 =	vld.idx.msk [tilespmem:v56+s3+$0x0], $0xffff  }
0x312: {  	v58 =	vor.u32 $0x5, v2;
	_ =	sdelay $0x3  }
0x313: {  	[tilespmem:v57+s13+$0x0] =	vst.idx.msk $0xffff, v4  }
0x314: {  	v59 =	vor.u32 $0x5, v3;
	v4 =	vld.idx.msk [tilespmem:v58+s3+$0x0], $0xffff  }
0x315: {  	v60 =	vor.u32 $0x6, v2;
	_ =	sdelay $0x3  }
0x316: {  	[tilespmem:v59+s13+$0x0] =	vst.idx.msk $0xffff, v4  }
0x317: {  	v61 =	vor.u32 $0x6, v3;
	v4 =	vld.idx.msk [tilespmem:v60+s3+$0x0], $0xffff  }
0x318: {  	v62 =	vor.u32 $0x7, v2;
	_ =	sdelay $0x3  }
0x319: {  	[tilespmem:v61+s13+$0x0] =	vst.idx.msk $0xffff, v4  }
0x31a: {  	v63 =	vor.u32 $0x7, v3;
	v4 =	vld.idx.msk [tilespmem:v62+s3+$0x0], $0xffff  }
0x31b: {  	v9 =	vor.u32 $0x8, v2;
	_ =	sdelay $0x3  }
0x31c: {  	[tilespmem:v63+s13+$0x0] =	vst.idx.msk $0xffff, v4  }
0x31d: {  	v10 =	vor.u32 $0x8, v3;
	v4 =	vld.idx.msk [tilespmem:v9+s3+$0x0], $0xffff  }
0x31e: {  	v11 =	vor.u32 $0x9, v2;
	_ =	sdelay $0x3  }
0x31f: {  	[tilespmem:v10+s13+$0x0] =	vst.idx.msk $0xffff, v4  }
0x320: {  	v12 =	vor.u32 $0x9, v3;
	v4 =	vld.idx.msk [tilespmem:v11+s3+$0x0], $0xffff  }
0x321: {  	v13 =	vor.u32 $0xA, v2;
	_ =	sdelay $0x3  }
0x322: {  	[tilespmem:v12+s13+$0x0] =	vst.idx.msk $0xffff, v4  }
0x323: {  	v14 =	vor.u32 $0xA, v3;
	v4 =	vld.idx.msk [tilespmem:v13+s3+$0x0], $0xffff  }
0x324: {  	v15 =	vor.u32 $0xB, v2;
	_ =	sdelay $0x3  }
0x325: {  	[tilespmem:v14+s13+$0x0] =	vst.idx.msk $0xffff, v4  }
0x326: {  	v16 =	vor.u32 $0xB, v3;
	v4 =	vld.idx.msk [tilespmem:v15+s3+$0x0], $0xffff  }
0x327: {  	v17 =	vor.u32 $0xC, v2;
	_ =	sdelay $0x3  }
0x328: {  	[tilespmem:v16+s13+$0x0] =	vst.idx.msk $0xffff, v4  }
0x329: {  	v18 =	vor.u32 $0xC, v3;
	v4 =	vld.idx.msk [tilespmem:v17+s3+$0x0], $0xffff  }
0x32a: {  	v19 =	vor.u32 $0xD, v2;
	_ =	sdelay $0x3  }
0x32b: {  	[tilespmem:v18+s13+$0x0] =	vst.idx.msk $0xffff, v4  }
0x32c: {  	v20 =	vor.u32 $0xD, v3;
	v4 =	vld.idx.msk [tilespmem:v19+s3+$0x0], $0xffff  }
0x32d: {  	v21 =	vor.u32 $0xE, v2;
	_ =	sdelay $0x3  }
0x32e: {  	[tilespmem:v20+s13+$0x0] =	vst.idx.msk $0xffff, v4  }
0x32f: {  	v22 =	vor.u32 $0xE, v3;
	v4 =	vld.idx.msk [tilespmem:v21+s3+$0x0], $0xffff  }
0x330: {  	v23 =	vor.u32 $0xF, v2;
	_ =	sdelay $0x3  }
0x331: {  	[tilespmem:v22+s13+$0x0] =	vst.idx.msk $0xffff, v4  }
0x332: {  	v24 =	vor.u32 $0xF, v3;
	v4 =	vld.idx.msk [tilespmem:v23+s3+$0x0], $0xffff  }
0x333: {  	v25 =	vor.u32 $0x10, v2;
	_ =	sdelay $0x3  }
0x334: {  	[tilespmem:v24+s13+$0x0] =	vst.idx.msk $0xffff, v4  }
0x335: {  	v26 =	vor.u32 $0x10, v3;
	v4 =	vld.idx.msk [tilespmem:v25+s3+$0x0], $0xffff  }
0x336: {  	v27 =	vor.u32 $0x11, v2;
	_ =	sdelay $0x3  }
0x337: {  	[tilespmem:v26+s13+$0x0] =	vst.idx.msk $0xffff, v4  }
0x338: {  	v28 =	vor.u32 $0x11, v3;
	v4 =	vld.idx.msk [tilespmem:v27+s3+$0x0], $0xffff  }
0x339: {  	v29 =	vor.u32 $0x12, v2;
	_ =	sdelay $0x3  }
0x33a: {  	[tilespmem:v28+s13+$0x0] =	vst.idx.msk $0xffff, v4  }
0x33b: {  	v30 =	vor.u32 $0x12, v3;
	v4 =	vld.idx.msk [tilespmem:v29+s3+$0x0], $0xffff  }
0x33c: {  	v31 =	vor.u32 $0x13, v2;
	_ =	sdelay $0x3  }
0x33d: {  	[tilespmem:v30+s13+$0x0] =	vst.idx.msk $0xffff, v4  }
0x33e: {  	v32 =	vor.u32 $0x13, v3;
	v4 =	vld.idx.msk [tilespmem:v31+s3+$0x0], $0xffff  }
0x33f: {  	v33 =	vor.u32 $0x14, v2;
	_ =	sdelay $0x3  }
0x340: {  	[tilespmem:v32+s13+$0x0] =	vst.idx.msk $0xffff, v4  }
0x341: {  	v34 =	vor.u32 $0x14, v3;
	v4 =	vld.idx.msk [tilespmem:v33+s3+$0x0], $0xffff  }
0x342: {  	v35 =	vor.u32 $0x15, v2;
	_ =	sdelay $0x3  }
0x343: {  	[tilespmem:v34+s13+$0x0] =	vst.idx.msk $0xffff, v4  }
0x344: {  	v36 =	vor.u32 $0x15, v3;
	v4 =	vld.idx.msk [tilespmem:v35+s3+$0x0], $0xffff  }
0x345: {  	v37 =	vor.u32 $0x16, v2;
	_ =	sdelay $0x3  }
0x346: {  	[tilespmem:v36+s13+$0x0] =	vst.idx.msk $0xffff, v4  }
0x347: {  	v38 =	vor.u32 $0x16, v3;
	v4 =	vld.idx.msk [tilespmem:v37+s3+$0x0], $0xffff  }
0x348: {  	v39 =	vor.u32 $0x17, v2;
	_ =	sdelay $0x3  }
0x349: {  	[tilespmem:v38+s13+$0x0] =	vst.idx.msk $0xffff, v4  }
0x34a: {  	v40 =	vor.u32 $0x17, v3;
	v4 =	vld.idx.msk [tilespmem:v39+s3+$0x0], $0xffff  }
0x34b: {  	v41 =	vor.u32 $0x18, v2;
	_ =	sdelay $0x3  }
0x34c: {  	[tilespmem:v40+s13+$0x0] =	vst.idx.msk $0xffff, v4  }
0x34d: {  	v42 =	vor.u32 $0x18, v3;
	v4 =	vld.idx.msk [tilespmem:v41+s3+$0x0], $0xffff  }
0x34e: {  	v43 =	vor.u32 $0x19, v2;
	_ =	sdelay $0x3  }
0x34f: {  	[tilespmem:v42+s13+$0x0] =	vst.idx.msk $0xffff, v4  }
0x350: {  	v44 =	vor.u32 $0x19, v3;
	v4 =	vld.idx.msk [tilespmem:v43+s3+$0x0], $0xffff  }
0x351: {  	v45 =	vor.u32 $0x1A, v2;
	_ =	sdelay $0x3  }
0x352: {  	[tilespmem:v44+s13+$0x0] =	vst.idx.msk $0xffff, v4  }
0x353: {  	v46 =	vor.u32 $0x1A, v3;
	v4 =	vld.idx.msk [tilespmem:v45+s3+$0x0], $0xffff  }
0x354: {  	v47 =	vor.u32 $0x1B, v2;
	_ =	sdelay $0x3  }
0x355: {  	[tilespmem:v46+s13+$0x0] =	vst.idx.msk $0xffff, v4  }
0x356: {  	v48 =	vor.u32 $0x1B, v3;
	v4 =	vld.idx.msk [tilespmem:v47+s3+$0x0], $0xffff  }
0x357: {  	v49 =	vor.u32 $0x1C, v2;
	_ =	sdelay $0x3  }
0x358: {  	[tilespmem:v48+s13+$0x0] =	vst.idx.msk $0xffff, v4  }
0x359: {  	v50 =	vor.u32 $0x1C, v3;
	v4 =	vld.idx.msk [tilespmem:v49+s3+$0x0], $0xffff  }
0x35a: {  	v51 =	vor.u32 $0x1D, v2;
	_ =	sdelay $0x3  }
0x35b: {  	[tilespmem:v50+s13+$0x0] =	vst.idx.msk $0xffff, v4  }
0x35c: {  	v52 =	vor.u32 $0x1D, v3;
	v4 =	vld.idx.msk [tilespmem:v51+s3+$0x0], $0xffff  }
0x35d: {  	v53 =	vor.u32 $0x1E, v2;
	_ =	sdelay $0x3  }
0x35e: {  	[tilespmem:v52+s13+$0x0] =	vst.idx.msk $0xffff, v4  }
0x35f: {  	v54 =	vor.u32 $0x1E, v3;
	v4 =	vld.idx.msk [tilespmem:v53+s3+$0x0], $0xffff  }
0x360: {  	v55 =	vor.u32 $0x1F, v2;
	_ =	sdelay $0x3  }
0x361: {  	[tilespmem:v54+s13+$0x0] =	vst.idx.msk $0xffff, v4  }
0x362: {  	v56 =	vor.u32 $0x1F, v3;
	v4 =	vld.idx.msk [tilespmem:v55+s3+$0x0], $0xffff  }
0x363: {  	v57 =	vor.u32 $0x20, v2;
	_ =	sdelay $0x3  }
0x364: {  	[tilespmem:v56+s13+$0x0] =	vst.idx.msk $0xffff, v4  }
0x365: {  	v58 =	vor.u32 $0x20, v3;
	v4 =	vld.idx.msk [tilespmem:v57+s3+$0x0], $0xffff  }
0x366: {  	v59 =	vor.u32 $0x21, v2;
	_ =	sdelay $0x3  }
0x367: {  	[tilespmem:v58+s13+$0x0] =	vst.idx.msk $0xffff, v4  }
0x368: {  	v60 =	vor.u32 $0x21, v3;
	v4 =	vld.idx.msk [tilespmem:v59+s3+$0x0], $0xffff  }
0x369: {  	v61 =	vor.u32 $0x22, v2;
	_ =	sdelay $0x3  }
0x36a: {  	[tilespmem:v60+s13+$0x0] =	vst.idx.msk $0xffff, v4  }
0x36b: {  	v62 =	vor.u32 $0x22, v3;
	v4 =	vld.idx.msk [tilespmem:v61+s3+$0x0], $0xffff  }
0x36c: {  	v63 =	vor.u32 $0x23, v2;
	_ =	sdelay $0x3  }
0x36d: {  	[tilespmem:v62+s13+$0x0] =	vst.idx.msk $0xffff, v4  }
0x36e: {  	v9 =	vor.u32 $0x23, v3;
	v4 =	vld.idx.msk [tilespmem:v63+s3+$0x0], $0xffff  }
0x36f: {  	v10 =	vor.u32 $0x24, v2;
	_ =	sdelay $0x3  }
0x370: {  	[tilespmem:v9+s13+$0x0] =	vst.idx.msk $0xffff, v4  }
0x371: {  	v11 =	vor.u32 $0x24, v3;
	v4 =	vld.idx.msk [tilespmem:v10+s3+$0x0], $0xffff  }
0x372: {  	v12 =	vor.u32 $0x25, v2;
	_ =	sdelay $0x3  }
0x373: {  	[tilespmem:v11+s13+$0x0] =	vst.idx.msk $0xffff, v4  }
0x374: {  	v13 =	vor.u32 $0x25, v3;
	v4 =	vld.idx.msk [tilespmem:v12+s3+$0x0], $0xffff  }
0x375: {  	v14 =	vor.u32 $0x26, v2;
	_ =	sdelay $0x3  }
0x376: {  	[tilespmem:v13+s13+$0x0] =	vst.idx.msk $0xffff, v4  }
0x377: {  	v15 =	vor.u32 $0x26, v3;
	v4 =	vld.idx.msk [tilespmem:v14+s3+$0x0], $0xffff  }
0x378: {  	v16 =	vor.u32 $0x27, v2;
	_ =	sdelay $0x3  }
0x379: {  	[tilespmem:v15+s13+$0x0] =	vst.idx.msk $0xffff, v4  }
0x37a: {  	v17 =	vor.u32 $0x27, v3;
	v4 =	vld.idx.msk [tilespmem:v16+s3+$0x0], $0xffff  }
0x37b: {  	v18 =	vor.u32 $0x28, v2;
	_ =	sdelay $0x3  }
0x37c: {  	[tilespmem:v17+s13+$0x0] =	vst.idx.msk $0xffff, v4  }
0x37d: {  	v19 =	vor.u32 $0x28, v3;
	v4 =	vld.idx.msk [tilespmem:v18+s3+$0x0], $0xffff  }
0x37e: {  	v20 =	vor.u32 $0x29, v2;
	_ =	sdelay $0x3  }
0x37f: {  	[tilespmem:v19+s13+$0x0] =	vst.idx.msk $0xffff, v4  }
0x380: {  	v21 =	vor.u32 $0x29, v3;
	v4 =	vld.idx.msk [tilespmem:v20+s3+$0x0], $0xffff  }
0x381: {  	v22 =	vor.u32 $0x2A, v2;
	_ =	sdelay $0x3  }
0x382: {  	[tilespmem:v21+s13+$0x0] =	vst.idx.msk $0xffff, v4  }
0x383: {  	v23 =	vor.u32 $0x2A, v3;
	v4 =	vld.idx.msk [tilespmem:v22+s3+$0x0], $0xffff  }
0x384: {  	v24 =	vor.u32 $0x2B, v2;
	_ =	sdelay $0x3  }
0x385: {  	[tilespmem:v23+s13+$0x0] =	vst.idx.msk $0xffff, v4  }
0x386: {  	v25 =	vor.u32 $0x2B, v3;
	v4 =	vld.idx.msk [tilespmem:v24+s3+$0x0], $0xffff  }
0x387: {  	v26 =	vor.u32 $0x2C, v2;
	_ =	sdelay $0x3  }
0x388: {  	[tilespmem:v25+s13+$0x0] =	vst.idx.msk $0xffff, v4  }
0x389: {  	v27 =	vor.u32 $0x2C, v3;
	v4 =	vld.idx.msk [tilespmem:v26+s3+$0x0], $0xffff  }
0x38a: {  	v28 =	vor.u32 $0x2D, v2;
	_ =	sdelay $0x3  }
0x38b: {  	[tilespmem:v27+s13+$0x0] =	vst.idx.msk $0xffff, v4  }
0x38c: {  	v29 =	vor.u32 $0x2D, v3;
	v4 =	vld.idx.msk [tilespmem:v28+s3+$0x0], $0xffff  }
0x38d: {  	v30 =	vor.u32 $0x2E, v2;
	_ =	sdelay $0x3  }
0x38e: {  	[tilespmem:v29+s13+$0x0] =	vst.idx.msk $0xffff, v4  }
0x38f: {  	v31 =	vor.u32 $0x2E, v3;
	v4 =	vld.idx.msk [tilespmem:v30+s3+$0x0], $0xffff  }
0x390: {  	v32 =	vor.u32 $0x2F, v2;
	_ =	sdelay $0x3  }
0x391: {  	[tilespmem:v31+s13+$0x0] =	vst.idx.msk $0xffff, v4  }
0x392: {  	v33 =	vor.u32 $0x2F, v3;
	v4 =	vld.idx.msk [tilespmem:v32+s3+$0x0], $0xffff  }
0x393: {  	v34 =	vor.u32 $0x30, v2;
	_ =	sdelay $0x3  }
0x394: {  	[tilespmem:v33+s13+$0x0] =	vst.idx.msk $0xffff, v4  }
0x395: {  	v35 =	vor.u32 $0x30, v3;
	v4 =	vld.idx.msk [tilespmem:v34+s3+$0x0], $0xffff  }
0x396: {  	v36 =	vor.u32 $0x31, v2;
	_ =	sdelay $0x3  }
0x397: {  	[tilespmem:v35+s13+$0x0] =	vst.idx.msk $0xffff, v4  }
0x398: {  	v37 =	vor.u32 $0x31, v3;
	v4 =	vld.idx.msk [tilespmem:v36+s3+$0x0], $0xffff  }
0x399: {  	v38 =	vor.u32 $0x32, v2;
	_ =	sdelay $0x3  }
0x39a: {  	[tilespmem:v37+s13+$0x0] =	vst.idx.msk $0xffff, v4  }
0x39b: {  	v39 =	vor.u32 $0x32, v3;
	v4 =	vld.idx.msk [tilespmem:v38+s3+$0x0], $0xffff  }
0x39c: {  	v40 =	vor.u32 $0x33, v2;
	_ =	sdelay $0x3  }
0x39d: {  	[tilespmem:v39+s13+$0x0] =	vst.idx.msk $0xffff, v4  }
0x39e: {  	v41 =	vor.u32 $0x33, v3;
	v4 =	vld.idx.msk [tilespmem:v40+s3+$0x0], $0xffff  }
0x39f: {  	v42 =	vor.u32 $0x34, v2;
	_ =	sdelay $0x3  }
0x3a0: {  	[tilespmem:v41+s13+$0x0] =	vst.idx.msk $0xffff, v4  }
0x3a1: {  	v43 =	vor.u32 $0x34, v3;
	v4 =	vld.idx.msk [tilespmem:v42+s3+$0x0], $0xffff  }
0x3a2: {  	v44 =	vor.u32 $0x35, v2;
	_ =	sdelay $0x3  }
0x3a3: {  	[tilespmem:v43+s13+$0x0] =	vst.idx.msk $0xffff, v4  }
0x3a4: {  	v45 =	vor.u32 $0x35, v3;
	v4 =	vld.idx.msk [tilespmem:v44+s3+$0x0], $0xffff  }
0x3a5: {  	v46 =	vor.u32 $0x36, v2;
	_ =	sdelay $0x3  }
0x3a6: {  	[tilespmem:v45+s13+$0x0] =	vst.idx.msk $0xffff, v4  }
0x3a7: {  	v47 =	vor.u32 $0x36, v3;
	v4 =	vld.idx.msk [tilespmem:v46+s3+$0x0], $0xffff  }
0x3a8: {  	v48 =	vor.u32 $0x37, v2;
	_ =	sdelay $0x3  }
0x3a9: {  	[tilespmem:v47+s13+$0x0] =	vst.idx.msk $0xffff, v4  }
0x3aa: {  	v49 =	vor.u32 $0x37, v3;
	v4 =	vld.idx.msk [tilespmem:v48+s3+$0x0], $0xffff  }
0x3ab: {  	v50 =	vor.u32 $0x38, v2;
	_ =	sdelay $0x3  }
0x3ac: {  	[tilespmem:v49+s13+$0x0] =	vst.idx.msk $0xffff, v4  }
0x3ad: {  	v51 =	vor.u32 $0x38, v3;
	v4 =	vld.idx.msk [tilespmem:v50+s3+$0x0], $0xffff  }
0x3ae: {  	v52 =	vor.u32 $0x39, v2;
	_ =	sdelay $0x3  }
0x3af: {  	[tilespmem:v51+s13+$0x0] =	vst.idx.msk $0xffff, v4  }
0x3b0: {  	v53 =	vor.u32 $0x39, v3;
	v4 =	vld.idx.msk [tilespmem:v52+s3+$0x0], $0xffff  }
0x3b1: {  	v54 =	vor.u32 $0x3A, v2;
	_ =	sdelay $0x3  }
0x3b2: {  	[tilespmem:v53+s13+$0x0] =	vst.idx.msk $0xffff, v4  }
0x3b3: {  	v55 =	vor.u32 $0x3A, v3;
	v4 =	vld.idx.msk [tilespmem:v54+s3+$0x0], $0xffff  }
0x3b4: {  	v56 =	vor.u32 $0x3B, v2;
	_ =	sdelay $0x3  }
0x3b5: {  	[tilespmem:v55+s13+$0x0] =	vst.idx.msk $0xffff, v4  }
0x3b6: {  	v57 =	vor.u32 $0x3B, v3;
	v4 =	vld.idx.msk [tilespmem:v56+s3+$0x0], $0xffff  }
0x3b7: {  	v58 =	vor.u32 $0x3C, v2;
	_ =	sdelay $0x3  }
0x3b8: {  	[tilespmem:v57+s13+$0x0] =	vst.idx.msk $0xffff, v4  }
0x3b9: {  	v59 =	vor.u32 $0x3C, v3;
	v4 =	vld.idx.msk [tilespmem:v58+s3+$0x0], $0xffff  }
0x3ba: {  	v60 =	vor.u32 $0x3D, v2;
	_ =	sdelay $0x3  }
0x3bb: {  	[tilespmem:v59+s13+$0x0] =	vst.idx.msk $0xffff, v4  }
0x3bc: {  	v61 =	vor.u32 $0x3D, v3;
	v4 =	vld.idx.msk [tilespmem:v60+s3+$0x0], $0xffff  }
0x3bd: {  	v62 =	vor.u32 $0x3E, v2;
	_ =	sdelay $0x3  }
0x3be: {  	[tilespmem:v61+s13+$0x0] =	vst.idx.msk $0xffff, v4  }
0x3bf: {  	v63 =	vor.u32 $0x3E, v3;
	v4 =	vld.idx.msk [tilespmem:v62+s3+$0x0], $0xffff  }
0x3c0: {  	v2 =	vor.u32 $0x3F, v2;
	_ =	sdelay $0x3  }
0x3c1: {  	[tilespmem:v63+s13+$0x0] =	vst.idx.msk $0xffff, v4  }
0x3c2: {  	p1 =	sne.s32 s23, $0x180;
	v3 =	vor.u32 $0x3F, v3;
	v2 =	vld.idx.msk [tilespmem:v2+s3+$0x0], $0xffff  }
.Ltmp1:
0x3c3: {  	_ = 	snop;
	(pc) =	sbr.rel @p1 .LBB2_5-.Ltmp1, $2  }
0x3c4: {  	_ =	sdelay $0x2  }
0x3c5: {  	s22 =	sadd.s32 $0x10, s22;
	s23 =	sadd.s32 $0x10, s23;
	[tilespmem:v3+s13+$0x0] =	vst.idx.msk $0xffff, v2  }
0x3c6: {  	s21 =	sshll.u32 s21, $0x3  }
0x3c7: {  	s21 =	sadd.s32 s2, s21  }
0x3c8: {  	[hbm4b:s21+s3] =	stream.linear.scatter [tilespmem:s13], [sflag:$0x1], $0x6400, $0x38;
	[tilespmem:$0x1D6E0] =	vst v63  }
0x3c9: {  	s21 =	simm.s32 @!p0 $0x2  }
0x3ca: {  	s20 =	sadd.s32 s20, s8;
	_ =	swait.ge @!p0 [sflag:s21], $0x6400  }
0x3cb: {  	s22 =	simm.s32 $0x10D50;
	s31 =	sshrl.u32 s20, $0x3;
	[sflag:s21] =	ssyncset.done @!p0 $0x0  }
0x3cc: {  	s23 =	sadd.s32 s5, s31;
	[sflag:s21] =	ssyncadd.s32 @!p0 $0xFFFF9C00;
	s21 =	simm.s32 $0x0  }
0x3cd: {  	[tilespmem:s22], [sflag:$0x3] =	stream.linear.gather [hbm4b:s23+s21], $0x190, $0x38;
	[tilespmem:$0x1D6E0] =	vst v63  }
0x3ce: {  	_ =	swait.ge [sflag:s11], $0x190  }
0x3cf: {  	[sflag:s11] =	ssyncset.done $0x0  }
0x3d0: {  	[sflag:s11] =	ssyncadd.s32 $0xFFFFFE70  }
.LBB2_7:
0x3d1: {  	v2 =	vld [tilespmem:s22+$0x0];
	_ =	sdelay $0x4  }
0x3d2: {  	v2 =	vmul.f32 $1.000000000e+03, v2;
	_ =	sdelay $0x1  }
0x3d3: {  	v3 =	vtrunc.f32 v2  }
0x3d4: {  	v3 =	vcvt.f32.s32 v3;
	_ =	sdelay $0x1  }
0x3d5: {  	v4 =	vcvt.s32.f32 v3;
	_ =	sdelay $0x1  }
0x3d6: {  	v2 =	vsub.f32 v2, v4  }
0x3d7: {  	v50 =	vand.u32 $0x1, v3  }
0x3d8: {  	vm1 =	veq.s32 v50, $0x1;
	vm0 =	veq.f32 v2, $5.000000000e-01  }
0x3d9: {  	vm2 =	vgt.f32 v2, $5.000000000e-01;
	vm0 =	vmand vm0, vm1  }
0x3da: {  	vm0 =	vmor vm2, vm0  }
0x3db: {  	v2 =	vsel vm0, $0x1, v0  }
0x3dc: {  	v2 =	vadd.s32 v3, v2  }
0x3dd: {  	vm15 =	vlt.s32 v2, $0x3E7  }
0x3de: {  	v2 =	vnsel vm15, $0x3E7, v2  }
0x3df: {  	v2 =	vshll.u32 v2, $0x6;
	_ =	sdelay $0x2  }
0x3e0: {  	v3 =	vmov s21  }
0x3e1: {  	v3 =	vshll.u32 v3, $0x6  }
0x3e2: {  	v3 =	vor.u32 v1, v3;
	v51 =	vld.idx.msk [tilespmem:v2+s3+$0x0], $0xffff  }
0x3e3: {  	v5 =	vor.u32 $0x1, v2;
	_ =	sdelay $0x3  }
0x3e4: {  	[tilespmem:v3+s14+$0x0] =	vst.idx.msk $0xffff, v51  }
0x3e5: {  	v52 =	vor.u32 $0x1, v3;
	v4 =	vld.idx.msk [tilespmem:v5+s3+$0x0], $0xffff  }
0x3e6: {  	v6 =	vor.u32 $0x2, v2;
	_ =	sdelay $0x3  }
0x3e7: {  	[tilespmem:v52+s14+$0x0] =	vst.idx.msk $0xffff, v4  }
0x3e8: {  	v53 =	vor.u32 $0x2, v3;
	v4 =	vld.idx.msk [tilespmem:v6+s3+$0x0], $0xffff  }
0x3e9: {  	v54 =	vor.u32 $0x3, v2;
	_ =	sdelay $0x3  }
0x3ea: {  	[tilespmem:v53+s14+$0x0] =	vst.idx.msk $0xffff, v4  }
0x3eb: {  	v55 =	vor.u32 $0x3, v3;
	v4 =	vld.idx.msk [tilespmem:v54+s3+$0x0], $0xffff  }
0x3ec: {  	v56 =	vor.u32 $0x4, v2;
	_ =	sdelay $0x3  }
0x3ed: {  	[tilespmem:v55+s14+$0x0] =	vst.idx.msk $0xffff, v4  }
0x3ee: {  	v57 =	vor.u32 $0x4, v3;
	v4 =	vld.idx.msk [tilespmem:v56+s3+$0x0], $0xffff  }
0x3ef: {  	v58 =	vor.u32 $0x5, v2;
	_ =	sdelay $0x3  }
0x3f0: {  	[tilespmem:v57+s14+$0x0] =	vst.idx.msk $0xffff, v4  }
0x3f1: {  	v59 =	vor.u32 $0x5, v3;
	v4 =	vld.idx.msk [tilespmem:v58+s3+$0x0], $0xffff  }
0x3f2: {  	v60 =	vor.u32 $0x6, v2;
	_ =	sdelay $0x3  }
0x3f3: {  	[tilespmem:v59+s14+$0x0] =	vst.idx.msk $0xffff, v4  }
0x3f4: {  	v61 =	vor.u32 $0x6, v3;
	v4 =	vld.idx.msk [tilespmem:v60+s3+$0x0], $0xffff  }
0x3f5: {  	v62 =	vor.u32 $0x7, v2;
	_ =	sdelay $0x3  }
0x3f6: {  	[tilespmem:v61+s14+$0x0] =	vst.idx.msk $0xffff, v4  }
0x3f7: {  	v63 =	vor.u32 $0x7, v3;
	v4 =	vld.idx.msk [tilespmem:v62+s3+$0x0], $0xffff  }
0x3f8: {  	v9 =	vor.u32 $0x8, v2;
	_ =	sdelay $0x3  }
0x3f9: {  	[tilespmem:v63+s14+$0x0] =	vst.idx.msk $0xffff, v4  }
0x3fa: {  	v10 =	vor.u32 $0x8, v3;
	v4 =	vld.idx.msk [tilespmem:v9+s3+$0x0], $0xffff  }
0x3fb: {  	v11 =	vor.u32 $0x9, v2;
	_ =	sdelay $0x3  }
0x3fc: {  	[tilespmem:v10+s14+$0x0] =	vst.idx.msk $0xffff, v4  }
0x3fd: {  	v12 =	vor.u32 $0x9, v3;
	v4 =	vld.idx.msk [tilespmem:v11+s3+$0x0], $0xffff  }
0x3fe: {  	v13 =	vor.u32 $0xA, v2;
	_ =	sdelay $0x3  }
0x3ff: {  	[tilespmem:v12+s14+$0x0] =	vst.idx.msk $0xffff, v4  }
0x400: {  	v14 =	vor.u32 $0xA, v3;
	v4 =	vld.idx.msk [tilespmem:v13+s3+$0x0], $0xffff  }
0x401: {  	v15 =	vor.u32 $0xB, v2;
	_ =	sdelay $0x3  }
0x402: {  	[tilespmem:v14+s14+$0x0] =	vst.idx.msk $0xffff, v4  }
0x403: {  	v16 =	vor.u32 $0xB, v3;
	v4 =	vld.idx.msk [tilespmem:v15+s3+$0x0], $0xffff  }
0x404: {  	v17 =	vor.u32 $0xC, v2;
	_ =	sdelay $0x3  }
0x405: {  	[tilespmem:v16+s14+$0x0] =	vst.idx.msk $0xffff, v4  }
0x406: {  	v18 =	vor.u32 $0xC, v3;
	v4 =	vld.idx.msk [tilespmem:v17+s3+$0x0], $0xffff  }
0x407: {  	v19 =	vor.u32 $0xD, v2;
	_ =	sdelay $0x3  }
0x408: {  	[tilespmem:v18+s14+$0x0] =	vst.idx.msk $0xffff, v4  }
0x409: {  	v20 =	vor.u32 $0xD, v3;
	v4 =	vld.idx.msk [tilespmem:v19+s3+$0x0], $0xffff  }
0x40a: {  	v21 =	vor.u32 $0xE, v2;
	_ =	sdelay $0x3  }
0x40b: {  	[tilespmem:v20+s14+$0x0] =	vst.idx.msk $0xffff, v4  }
0x40c: {  	v22 =	vor.u32 $0xE, v3;
	v4 =	vld.idx.msk [tilespmem:v21+s3+$0x0], $0xffff  }
0x40d: {  	v23 =	vor.u32 $0xF, v2;
	_ =	sdelay $0x3  }
0x40e: {  	[tilespmem:v22+s14+$0x0] =	vst.idx.msk $0xffff, v4  }
0x40f: {  	v24 =	vor.u32 $0xF, v3;
	v4 =	vld.idx.msk [tilespmem:v23+s3+$0x0], $0xffff  }
0x410: {  	v25 =	vor.u32 $0x10, v2;
	_ =	sdelay $0x3  }
0x411: {  	[tilespmem:v24+s14+$0x0] =	vst.idx.msk $0xffff, v4  }
0x412: {  	v26 =	vor.u32 $0x10, v3;
	v4 =	vld.idx.msk [tilespmem:v25+s3+$0x0], $0xffff  }
0x413: {  	v27 =	vor.u32 $0x11, v2;
	_ =	sdelay $0x3  }
0x414: {  	[tilespmem:v26+s14+$0x0] =	vst.idx.msk $0xffff, v4  }
0x415: {  	v28 =	vor.u32 $0x11, v3;
	v4 =	vld.idx.msk [tilespmem:v27+s3+$0x0], $0xffff  }
0x416: {  	v29 =	vor.u32 $0x12, v2;
	_ =	sdelay $0x3  }
0x417: {  	[tilespmem:v28+s14+$0x0] =	vst.idx.msk $0xffff, v4  }
0x418: {  	v30 =	vor.u32 $0x12, v3;
	v4 =	vld.idx.msk [tilespmem:v29+s3+$0x0], $0xffff  }
0x419: {  	v31 =	vor.u32 $0x13, v2;
	_ =	sdelay $0x3  }
0x41a: {  	[tilespmem:v30+s14+$0x0] =	vst.idx.msk $0xffff, v4  }
0x41b: {  	v32 =	vor.u32 $0x13, v3;
	v4 =	vld.idx.msk [tilespmem:v31+s3+$0x0], $0xffff  }
0x41c: {  	v33 =	vor.u32 $0x14, v2;
	_ =	sdelay $0x3  }
0x41d: {  	[tilespmem:v32+s14+$0x0] =	vst.idx.msk $0xffff, v4  }
0x41e: {  	v34 =	vor.u32 $0x14, v3;
	v4 =	vld.idx.msk [tilespmem:v33+s3+$0x0], $0xffff  }
0x41f: {  	v35 =	vor.u32 $0x15, v2;
	_ =	sdelay $0x3  }
0x420: {  	[tilespmem:v34+s14+$0x0] =	vst.idx.msk $0xffff, v4  }
0x421: {  	v36 =	vor.u32 $0x15, v3;
	v4 =	vld.idx.msk [tilespmem:v35+s3+$0x0], $0xffff  }
0x422: {  	v37 =	vor.u32 $0x16, v2;
	_ =	sdelay $0x3  }
0x423: {  	[tilespmem:v36+s14+$0x0] =	vst.idx.msk $0xffff, v4  }
0x424: {  	v38 =	vor.u32 $0x16, v3;
	v4 =	vld.idx.msk [tilespmem:v37+s3+$0x0], $0xffff  }
0x425: {  	v39 =	vor.u32 $0x17, v2;
	_ =	sdelay $0x3  }
0x426: {  	[tilespmem:v38+s14+$0x0] =	vst.idx.msk $0xffff, v4  }
0x427: {  	v40 =	vor.u32 $0x17, v3;
	v4 =	vld.idx.msk [tilespmem:v39+s3+$0x0], $0xffff  }
0x428: {  	v41 =	vor.u32 $0x18, v2;
	_ =	sdelay $0x3  }
0x429: {  	[tilespmem:v40+s14+$0x0] =	vst.idx.msk $0xffff, v4  }
0x42a: {  	v42 =	vor.u32 $0x18, v3;
	v4 =	vld.idx.msk [tilespmem:v41+s3+$0x0], $0xffff  }
0x42b: {  	v43 =	vor.u32 $0x19, v2;
	_ =	sdelay $0x3  }
0x42c: {  	[tilespmem:v42+s14+$0x0] =	vst.idx.msk $0xffff, v4  }
0x42d: {  	v44 =	vor.u32 $0x19, v3;
	v4 =	vld.idx.msk [tilespmem:v43+s3+$0x0], $0xffff  }
0x42e: {  	v45 =	vor.u32 $0x1A, v2;
	_ =	sdelay $0x3  }
0x42f: {  	[tilespmem:v44+s14+$0x0] =	vst.idx.msk $0xffff, v4  }
0x430: {  	v46 =	vor.u32 $0x1A, v3;
	v4 =	vld.idx.msk [tilespmem:v45+s3+$0x0], $0xffff  }
0x431: {  	v47 =	vor.u32 $0x1B, v2;
	_ =	sdelay $0x3  }
0x432: {  	[tilespmem:v46+s14+$0x0] =	vst.idx.msk $0xffff, v4  }
0x433: {  	v48 =	vor.u32 $0x1B, v3;
	v4 =	vld.idx.msk [tilespmem:v47+s3+$0x0], $0xffff  }
0x434: {  	v49 =	vor.u32 $0x1C, v2;
	_ =	sdelay $0x3  }
0x435: {  	[tilespmem:v48+s14+$0x0] =	vst.idx.msk $0xffff, v4  }
0x436: {  	v50 =	vor.u32 $0x1C, v3;
	v4 =	vld.idx.msk [tilespmem:v49+s3+$0x0], $0xffff  }
0x437: {  	v51 =	vor.u32 $0x1D, v2;
	_ =	sdelay $0x3  }
0x438: {  	[tilespmem:v50+s14+$0x0] =	vst.idx.msk $0xffff, v4  }
0x439: {  	v52 =	vor.u32 $0x1D, v3;
	v4 =	vld.idx.msk [tilespmem:v51+s3+$0x0], $0xffff  }
0x43a: {  	v53 =	vor.u32 $0x1E, v2;
	_ =	sdelay $0x3  }
0x43b: {  	[tilespmem:v52+s14+$0x0] =	vst.idx.msk $0xffff, v4  }
0x43c: {  	v54 =	vor.u32 $0x1E, v3;
	v4 =	vld.idx.msk [tilespmem:v53+s3+$0x0], $0xffff  }
0x43d: {  	v55 =	vor.u32 $0x1F, v2;
	_ =	sdelay $0x3  }
0x43e: {  	[tilespmem:v54+s14+$0x0] =	vst.idx.msk $0xffff, v4  }
0x43f: {  	v56 =	vor.u32 $0x1F, v3;
	v4 =	vld.idx.msk [tilespmem:v55+s3+$0x0], $0xffff  }
0x440: {  	v57 =	vor.u32 $0x20, v2;
	_ =	sdelay $0x3  }
0x441: {  	[tilespmem:v56+s14+$0x0] =	vst.idx.msk $0xffff, v4  }
0x442: {  	v58 =	vor.u32 $0x20, v3;
	v4 =	vld.idx.msk [tilespmem:v57+s3+$0x0], $0xffff  }
0x443: {  	v59 =	vor.u32 $0x21, v2;
	_ =	sdelay $0x3  }
0x444: {  	[tilespmem:v58+s14+$0x0] =	vst.idx.msk $0xffff, v4  }
0x445: {  	v60 =	vor.u32 $0x21, v3;
	v4 =	vld.idx.msk [tilespmem:v59+s3+$0x0], $0xffff  }
0x446: {  	v61 =	vor.u32 $0x22, v2;
	_ =	sdelay $0x3  }
0x447: {  	[tilespmem:v60+s14+$0x0] =	vst.idx.msk $0xffff, v4  }
0x448: {  	v62 =	vor.u32 $0x22, v3;
	v4 =	vld.idx.msk [tilespmem:v61+s3+$0x0], $0xffff  }
0x449: {  	v63 =	vor.u32 $0x23, v2;
	_ =	sdelay $0x3  }
0x44a: {  	[tilespmem:v62+s14+$0x0] =	vst.idx.msk $0xffff, v4  }
0x44b: {  	v9 =	vor.u32 $0x23, v3;
	v4 =	vld.idx.msk [tilespmem:v63+s3+$0x0], $0xffff  }
0x44c: {  	v10 =	vor.u32 $0x24, v2;
	_ =	sdelay $0x3  }
0x44d: {  	[tilespmem:v9+s14+$0x0] =	vst.idx.msk $0xffff, v4  }
0x44e: {  	v11 =	vor.u32 $0x24, v3;
	v4 =	vld.idx.msk [tilespmem:v10+s3+$0x0], $0xffff  }
0x44f: {  	v12 =	vor.u32 $0x25, v2;
	_ =	sdelay $0x3  }
0x450: {  	[tilespmem:v11+s14+$0x0] =	vst.idx.msk $0xffff, v4  }
0x451: {  	v13 =	vor.u32 $0x25, v3;
	v4 =	vld.idx.msk [tilespmem:v12+s3+$0x0], $0xffff  }
0x452: {  	v14 =	vor.u32 $0x26, v2;
	_ =	sdelay $0x3  }
0x453: {  	[tilespmem:v13+s14+$0x0] =	vst.idx.msk $0xffff, v4  }
0x454: {  	v15 =	vor.u32 $0x26, v3;
	v4 =	vld.idx.msk [tilespmem:v14+s3+$0x0], $0xffff  }
0x455: {  	v16 =	vor.u32 $0x27, v2;
	_ =	sdelay $0x3  }
0x456: {  	[tilespmem:v15+s14+$0x0] =	vst.idx.msk $0xffff, v4  }
0x457: {  	v17 =	vor.u32 $0x27, v3;
	v4 =	vld.idx.msk [tilespmem:v16+s3+$0x0], $0xffff  }
0x458: {  	v18 =	vor.u32 $0x28, v2;
	_ =	sdelay $0x3  }
0x459: {  	[tilespmem:v17+s14+$0x0] =	vst.idx.msk $0xffff, v4  }
0x45a: {  	v19 =	vor.u32 $0x28, v3;
	v4 =	vld.idx.msk [tilespmem:v18+s3+$0x0], $0xffff  }
0x45b: {  	v20 =	vor.u32 $0x29, v2;
	_ =	sdelay $0x3  }
0x45c: {  	[tilespmem:v19+s14+$0x0] =	vst.idx.msk $0xffff, v4  }
0x45d: {  	v21 =	vor.u32 $0x29, v3;
	v4 =	vld.idx.msk [tilespmem:v20+s3+$0x0], $0xffff  }
0x45e: {  	v22 =	vor.u32 $0x2A, v2;
	_ =	sdelay $0x3  }
0x45f: {  	[tilespmem:v21+s14+$0x0] =	vst.idx.msk $0xffff, v4  }
0x460: {  	v23 =	vor.u32 $0x2A, v3;
	v4 =	vld.idx.msk [tilespmem:v22+s3+$0x0], $0xffff  }
0x461: {  	v24 =	vor.u32 $0x2B, v2;
	_ =	sdelay $0x3  }
0x462: {  	[tilespmem:v23+s14+$0x0] =	vst.idx.msk $0xffff, v4  }
0x463: {  	v25 =	vor.u32 $0x2B, v3;
	v4 =	vld.idx.msk [tilespmem:v24+s3+$0x0], $0xffff  }
0x464: {  	v26 =	vor.u32 $0x2C, v2;
	_ =	sdelay $0x3  }
0x465: {  	[tilespmem:v25+s14+$0x0] =	vst.idx.msk $0xffff, v4  }
0x466: {  	v27 =	vor.u32 $0x2C, v3;
	v4 =	vld.idx.msk [tilespmem:v26+s3+$0x0], $0xffff  }
0x467: {  	v28 =	vor.u32 $0x2D, v2;
	_ =	sdelay $0x3  }
0x468: {  	[tilespmem:v27+s14+$0x0] =	vst.idx.msk $0xffff, v4  }
0x469: {  	v29 =	vor.u32 $0x2D, v3;
	v4 =	vld.idx.msk [tilespmem:v28+s3+$0x0], $0xffff  }
0x46a: {  	v30 =	vor.u32 $0x2E, v2;
	_ =	sdelay $0x3  }
0x46b: {  	[tilespmem:v29+s14+$0x0] =	vst.idx.msk $0xffff, v4  }
0x46c: {  	v31 =	vor.u32 $0x2E, v3;
	v4 =	vld.idx.msk [tilespmem:v30+s3+$0x0], $0xffff  }
0x46d: {  	v32 =	vor.u32 $0x2F, v2;
	_ =	sdelay $0x3  }
0x46e: {  	[tilespmem:v31+s14+$0x0] =	vst.idx.msk $0xffff, v4  }
0x46f: {  	v33 =	vor.u32 $0x2F, v3;
	v4 =	vld.idx.msk [tilespmem:v32+s3+$0x0], $0xffff  }
0x470: {  	v34 =	vor.u32 $0x30, v2;
	_ =	sdelay $0x3  }
0x471: {  	[tilespmem:v33+s14+$0x0] =	vst.idx.msk $0xffff, v4  }
0x472: {  	v35 =	vor.u32 $0x30, v3;
	v4 =	vld.idx.msk [tilespmem:v34+s3+$0x0], $0xffff  }
0x473: {  	v36 =	vor.u32 $0x31, v2;
	_ =	sdelay $0x3  }
0x474: {  	[tilespmem:v35+s14+$0x0] =	vst.idx.msk $0xffff, v4  }
0x475: {  	v37 =	vor.u32 $0x31, v3;
	v4 =	vld.idx.msk [tilespmem:v36+s3+$0x0], $0xffff  }
0x476: {  	v38 =	vor.u32 $0x32, v2;
	_ =	sdelay $0x3  }
0x477: {  	[tilespmem:v37+s14+$0x0] =	vst.idx.msk $0xffff, v4  }
0x478: {  	v39 =	vor.u32 $0x32, v3;
	v4 =	vld.idx.msk [tilespmem:v38+s3+$0x0], $0xffff  }
0x479: {  	v40 =	vor.u32 $0x33, v2;
	_ =	sdelay $0x3  }
0x47a: {  	[tilespmem:v39+s14+$0x0] =	vst.idx.msk $0xffff, v4  }
0x47b: {  	v41 =	vor.u32 $0x33, v3;
	v4 =	vld.idx.msk [tilespmem:v40+s3+$0x0], $0xffff  }
0x47c: {  	v42 =	vor.u32 $0x34, v2;
	_ =	sdelay $0x3  }
0x47d: {  	[tilespmem:v41+s14+$0x0] =	vst.idx.msk $0xffff, v4  }
0x47e: {  	v43 =	vor.u32 $0x34, v3;
	v4 =	vld.idx.msk [tilespmem:v42+s3+$0x0], $0xffff  }
0x47f: {  	v44 =	vor.u32 $0x35, v2;
	_ =	sdelay $0x3  }
0x480: {  	[tilespmem:v43+s14+$0x0] =	vst.idx.msk $0xffff, v4  }
0x481: {  	v45 =	vor.u32 $0x35, v3;
	v4 =	vld.idx.msk [tilespmem:v44+s3+$0x0], $0xffff  }
0x482: {  	v46 =	vor.u32 $0x36, v2;
	_ =	sdelay $0x3  }
0x483: {  	[tilespmem:v45+s14+$0x0] =	vst.idx.msk $0xffff, v4  }
0x484: {  	v47 =	vor.u32 $0x36, v3;
	v4 =	vld.idx.msk [tilespmem:v46+s3+$0x0], $0xffff  }
0x485: {  	v48 =	vor.u32 $0x37, v2;
	_ =	sdelay $0x3  }
0x486: {  	[tilespmem:v47+s14+$0x0] =	vst.idx.msk $0xffff, v4  }
0x487: {  	v49 =	vor.u32 $0x37, v3;
	v4 =	vld.idx.msk [tilespmem:v48+s3+$0x0], $0xffff  }
0x488: {  	v50 =	vor.u32 $0x38, v2;
	_ =	sdelay $0x3  }
0x489: {  	[tilespmem:v49+s14+$0x0] =	vst.idx.msk $0xffff, v4  }
0x48a: {  	v51 =	vor.u32 $0x38, v3;
	v4 =	vld.idx.msk [tilespmem:v50+s3+$0x0], $0xffff  }
0x48b: {  	v52 =	vor.u32 $0x39, v2;
	_ =	sdelay $0x3  }
0x48c: {  	[tilespmem:v51+s14+$0x0] =	vst.idx.msk $0xffff, v4  }
0x48d: {  	v53 =	vor.u32 $0x39, v3;
	v4 =	vld.idx.msk [tilespmem:v52+s3+$0x0], $0xffff  }
0x48e: {  	v54 =	vor.u32 $0x3A, v2;
	_ =	sdelay $0x3  }
0x48f: {  	[tilespmem:v53+s14+$0x0] =	vst.idx.msk $0xffff, v4  }
0x490: {  	v55 =	vor.u32 $0x3A, v3;
	v4 =	vld.idx.msk [tilespmem:v54+s3+$0x0], $0xffff  }
0x491: {  	v56 =	vor.u32 $0x3B, v2;
	_ =	sdelay $0x3  }
0x492: {  	[tilespmem:v55+s14+$0x0] =	vst.idx.msk $0xffff, v4  }
0x493: {  	v57 =	vor.u32 $0x3B, v3;
	v4 =	vld.idx.msk [tilespmem:v56+s3+$0x0], $0xffff  }
0x494: {  	v58 =	vor.u32 $0x3C, v2;
	_ =	sdelay $0x3  }
0x495: {  	[tilespmem:v57+s14+$0x0] =	vst.idx.msk $0xffff, v4  }
0x496: {  	v59 =	vor.u32 $0x3C, v3;
	v4 =	vld.idx.msk [tilespmem:v58+s3+$0x0], $0xffff  }
0x497: {  	v60 =	vor.u32 $0x3D, v2;
	_ =	sdelay $0x3  }
0x498: {  	[tilespmem:v59+s14+$0x0] =	vst.idx.msk $0xffff, v4  }
0x499: {  	v61 =	vor.u32 $0x3D, v3;
	v4 =	vld.idx.msk [tilespmem:v60+s3+$0x0], $0xffff  }
0x49a: {  	v62 =	vor.u32 $0x3E, v2;
	_ =	sdelay $0x3  }
0x49b: {  	[tilespmem:v61+s14+$0x0] =	vst.idx.msk $0xffff, v4  }
0x49c: {  	v63 =	vor.u32 $0x3E, v3;
	v4 =	vld.idx.msk [tilespmem:v62+s3+$0x0], $0xffff  }
0x49d: {  	v2 =	vor.u32 $0x3F, v2;
	_ =	sdelay $0x3  }
0x49e: {  	[tilespmem:v63+s14+$0x0] =	vst.idx.msk $0xffff, v4  }
0x49f: {  	p0 =	sne.s32 s21, $0x180;
	v3 =	vor.u32 $0x3F, v3;
	v2 =	vld.idx.msk [tilespmem:v2+s3+$0x0], $0xffff  }
.Ltmp2:
0x4a0: {  	_ = 	snop;
	(pc) =	sbr.rel @p0 .LBB2_7-.Ltmp2, $2  }
0x4a1: {  	_ =	sdelay $0x2  }
0x4a2: {  	s22 =	sadd.s32 $0x10, s22;
	s21 =	sadd.s32 $0x10, s21;
	[tilespmem:v3+s14+$0x0] =	vst.idx.msk $0xffff, v2  }
0x4a3: {  	s19 =	sadd.s32 $0x1, s19  }
0x4a4: {  	p0 =	sne.s32 s19, $0x20  }
.Ltmp3:
0x4a5: {  	_ = 	snop;
	(pc) =	sbr.rel @p0 .LBB2_4-.Ltmp3, $4  }
0x4a6: {  	s20 =	sshll.u32 s20, $0x3  }
0x4a7: {  	s20 =	sand.u32 $0x1FFFFF80, s20  }
0x4a8: {  	s20 =	sadd.s32 s2, s20  }
0x4a9: {  	[hbm4b:s20+s3] =	stream.linear.scatter [tilespmem:s14], [sflag:$0x2], $0x6400, $0x38;
	[tilespmem:$0x1D6E0] =	vst v63  }
0x4aa: {  	s17 =	sadd.s32 $0x1, s17  }
0x4ab: {  	_ =	swait.ge [sflag:s15], $0x6400;
	p0 =	sne.s32 s17, s9  }
.Ltmp4:
0x4ac: {  	[sflag:s15] =	ssyncset.done $0x0;
	(pc) =	sbr.rel @p0 .LBB2_1-.Ltmp4, $4  }
0x4ad: {  	[sflag:s15] =	ssyncadd.s32 $0xFFFF9C00  }
0x4ae: {  	_ =	swait.ge [sflag:s16], $0x6400  }
0x4af: {  	[sflag:s16] =	ssyncset.done $0x0  }
0x4b0: {  	[sflag:s16] =	ssyncadd.s32 $0xFFFF9C00  }
0x4b1: {  	_ =	sfence.sel $0x180000  }
0x4b2: {  	[bflag:$0x0] =	sbarrier.arrive $0xFFFF  }
0x4b3: {  	p0 =	sne.s32 s1, $0x0;
	_ =	strace $0x90000047  }
0x4b4: {  	s0 =	sadd.s32 @!p0 $0x100000, s0;
	[bflag:$0x2] =	sbarrier.arrive $0xFFFF  }
0x4b5: {  	[sflag:s0] =	ssyncadd.tile.s32 @!p0 $0x1;
	_ =	shalt  }
.Lfunc_end2:
_tile_overlayer_lowered:
.L_overlay_start_2:
0x4b6: {  	(tag) =	ssettag $0x2  }
0x4b7: {  	s0 =	rddreg [dreg:$0x0];
	s2 =	stileid.u32  }
0x4b8: {  	s1 =	rddreg [dreg:$0x1];
	p0 =	sne.s32 s2, $0x0  }
0x4b9: {  	s3 =	rddreg [dreg:$0x2];
	[bflag:$0x3] =	sbarrier.arrive $0xFFFF;
	s2 =	simm.s32 @!p0 $0x1C03  }
0x4ba: {  	[timem:s3], [sflag:s2] =	dma.local @!p0 [hbm:s0], s1  }
0x4bb: {  	s0 =	simm.s32 @!p0 $0x3  }
0x4bc: {  	_ =	swait.ge @!p0 [sflag:s0], s1  }
0x4bd: {  	s1 =	ssub.s32 @!p0 $0x0, s1;
	[sflag:s0] =	ssyncset.done @!p0 $0x0  }
0x4be: {  	[sflag:s0] =	ssyncadd.s32 @!p0 s1  }
0x4bf: {  	[bflag:$0x3] =	sbarrier.arrive $0xFFFF  }
0x4c0: {  	_ =	shalt  }

// kernel: sparse-core-data-format-call.cloned.1.call-start
scs
called_computation_lowered:
.L_overlay_start_0:
0x0: {  	s2 =	sld [smem:$0x3FD9]  }
0x1: {  	s3 =	sld [smem:$0x3FFE];
	_ =	sdelay $0x1  }
0x2: {  	s1 =	srdreg.scid  }
0x3: {  	s0 =	sand.u32 $0x1, s1  }
0x4: {  	s18 =	sshll.u32 s0, $0xA;
	s2 =	sadd.s32 s3, s2  }
0x5: {  	s2 =	sadd.s32 s2, s18  }
0x6: {  	[smem:$0x3FC5] =	sst s2  }
0x7: {  	_ = 	snop  }
0x8: {  	s2 =	sld [smem:$0x3FD0];
	(tm) =	ssettm $0x1  }
0x9: {  	s19 =	sld [smem:$0x3FFB];
	_ =	sdelay $0x3  }
0xa: {  	_ =	strace s19  }
0xb: {  	s3 =	sld [smem:$0x3FFC];
	_ =	sdelay $0x3  }
0xc: {  	_ =	strace s3  }
0xd: {  	s3 =	sld [smem:$0x3FFD];
	_ =	sdelay $0x3  }
0xe: {  	_ =	strace s3  }
0xf: {  	_ =	strace $0x8FFFFFFF  }
0x10: {  	s20 =	sld [smem:$0x3FDB];
	_ =	sdelay $0x1  }
0x11: {  	s4 =	simm.s32 $_scs_section_size  }
0x12: {  	s5 =	simm.s32 $_size__tile_overlayer_lowered;
	s6 =	simm.s32 $_tile_overlayer_lowered  }
0x13: {  	s23 =	simm.s32 $0x1BFF;
	s22 =	sshll.u32 s6, $0x1;
	s3 =	sadd.s32 s4, s20  }
0x14: {  	s7 =	simm.s32 $0x0;
	s21 =	sshll.u32 s5, $0x1;
	s5 =	sadd.s32 s22, s3  }
0x15: {  	[timem:s7], [sflag:s23] =	dma.local [hbm:s5], s21  }
0x16: {  	_ =	swait.ge [sflag:s23], s21  }
0x17: {  	s4 =	ssub.s32 $0x0, s21;
	[sflag:s23] =	ssyncset.done $0x0  }
0x18: {  	[sflag:s23] =	ssyncadd.s32 s4;
	_ =	sdelay $0x1  }
0x19: {  	s24 =	simm.s32 $0x1B8B  }
0x1a: {  	_ =	swait.ge [sflag:s24], $0x1  }
0x1b: {  	[sflag:s24] =	ssyncset.done $0x0  }
0x1c: {  	s26 =	simm.s32 $0x1B8E;
	s25 =	sld [smem:$0x3FFE];
	[sflag:s24] =	ssyncadd.s32 $0xFFFFFFFF  }
0x1d: {  	s27 =	simm.s32 $execute0_lowered;
	[smem:$0x3FD2] =	sst s26  }
0x1e: {  	s5 =	sshll.u32 s27, $0x1;
	_ =	strace $0x80000049;
	[dreg:$0x1] =	wrdreg $0xFFFFFFFF  }
0x1f: {  	s28 =	simm.s32 $_size_execute0_lowered;
	s3 =	sadd.s32 s3, s5;
	[dreg:$0x0] =	wrdreg $0x0  }
0x20: {  	s5 =	sshll.u32 s28, $0x1;
	[dreg:$0x2] =	wrdreg s3  }
0x21: {  	[dreg:$0x3] =	wrdreg s5  }
0x22: {  	[dreg:$0x4] =	wrdreg $0xC0  }
0x23: {  	_ =	task [dreg:s7], $0x5FFFF  }
0x24: {  	[dreg:$0x1] =	wrdreg $0xFFFFFFFF  }
0x25: {  	[dreg:$0x0] =	wrdreg $0x60  }
0x26: {  	[dreg:$0x2] =	wrdreg s25  }
0x27: {  	[dreg:$0x3] =	wrdreg s2  }
0x28: {  	[dreg:$0x4] =	wrdreg $0x9  }
0x29: {  	_ =	task.clear_ibuf [dreg:s7], $0x5FFFF;
	_ =	strace $0x90000049  }
0x2a: {  	s29 =	simm.s32 $0x9;
	_ =	strace $0x8000004B  }
0x2b: {  	_ =	swait.ge [sflag:s29], $0x1  }
0x2c: {  	[sflag:s29] =	ssyncadd.s32 $0xFFFFFFFF  }
0x2d: {  	_ =	strace $0x9000004B  }
0x2e: {  	_ =	sfence  }
0x2f: {  	s30 =	sld [smem:$0x0];
	_ =	sdelay $0x2  }
0x30: {  	s31 =	sshll.u32 s1, $0xD;
	s1 =	sshrl.u32 s1, $0x2  }
0x31: {  	s3 =	sand.u32 $0x4000, s31;
	s1 =	sadd.s32 s1, s30  }
0x32: {  	s0 =	sor.u32 s3, s0;
	s1 =	sshll.u32 s1, $0x11  }
0x33: {  	s0 =	sor.u32 s1, s0  }
0x34: {  	s0 =	sadd.s32 $0x8F2B, s0  }
0x35: {  	[sflag:s0] =	ssyncadd.remote.s32 $0x1  }
0x36: {  	_ =	sfence.sel $0xFFFF  }
0x37: {  	[dreg:$0x0] =	wrdreg $0xFFFFFFFF;
	(pc) =	sbr.abs _section_cstart, $3  }
0x38: {  	[dreg:$0x1] =	wrdreg $0xFFFFFFFF  }
0x39: {  	_ =	task.clear_ibuf [dreg:s7], $0x2FFFF;
	_ =	strace $0x9FFFFFFF  }
0x3a: {  	(tm) =	ssettm $0x7FFFFFFF  }
0x3b: {  	_ =	shalt  }
tec
execute0_lowered:
.L_overlay_start_1:
0x0: {  	(tag) =	ssettag $0x1  }
0x1: {  	s0 =	srdreg.scid  }
0x2: {  	s1 =	sshll.u32 s0, $0x4  }
0x3: {  	s0 =	stileid.u32;
	s1 =	sand.u32 $0x10, s1  }
0x4: {  	s1 =	sor.u32 s0, s1  }
0x5: {  	s6 =	rddreg [dreg:$0x0];
	s4 =	simm.s32 $0x1;
	s2 =	sshll.u32 s1, $0x7  }
0x6: {  	s7 =	simm.s32 $0x2;
	s12 =	simm.s32 $0x0;
	s1 =	ssub.s32 $0x1000, s2  }
0x7: {  	s8 =	simm.s32 $0x8000;
	s13 =	simm.s32 $0x0;
	s3 =	sand.u32 $0xF80, s1  }
0x8: {  	s9 =	simm.s32 $0x0;
	s5 =	sshrl.u32 s1, $0xC;
	p0 =	sne.s32 s3, $0x0  }
.Ltmp0:
0x9: {  	s1 =	rddreg [dreg:$0x2];
	s4 =	simm.s32 @!p0 $0x0;
	(pc) =	sbr.rel .LBB1_1-.Ltmp0, $4  }
0xa: {  	s11 =	simm.s32 $0x0;
	s3 =	rddreg [dreg:$0x1];
	s5 =	sadd.s32 s4, s5  }
0xb: {  	_ =	strace $0x8000004A;
	s4 =	simm.s32 $0x1;
	s5 =	smul.u32 $0xC8, s5  }
0xc: {  	s6 =	sadd.s32 $0x800, s6;
	s10 =	smov.u32 s2;
	[sflag:s4] =	ssyncpa.u1 $0x0  }
0xd: {  	p0 =	por $0x0, $0x0;
	[sflag:s7] =	ssyncpa.u1 $0x0;
	s7 =	sor.u32 $0x1, s5  }
.LBB1_4:
0xe: {  	s16 =	sshll.u32 s13, $0x3;
	s17 =	sand.u32 $0x78, s13  }
0xf: {  	s30 =	sand.u32 $0x7E00, s13;
	s12 =	sshll.u32 s12, $0xF;
	s16 =	sand.u32 $0xC00, s16  }
0x10: {  	[tilespmem:s15+$0x810 ss:$0x81] =	vst.msk $0xffff, v2;
	s31 =	sand.u32 $0x7, s13;
	s16 =	sor.u32 s17, s16;
	s17 =	sadd.s32 s3, s30  }
0x11: {  	[tilespmem:s15+$0x1020 ss:$0x81] =	vst.msk $0xffff, v0;
	s13 =	sshll.u32 s31, $0x12;
	s12 =	sadd.s32 s12, s17;
	s16 =	sshrl.u32 s16, $0x3  }
0x12: {  	[tilespmem:s15+$0x0 ss:$0x81] =	vst.msk $0xffff, v1;
	s13 =	sor.u32 $0x400, s13;
	s12 =	sadd.s32 s16, s12  }
0x13: {  	[hbm4b:s12+s13] =	stream.strided.scatter [tilespmem:s14], [sflag:$0x2], $0x2000, s8, s13, $0x20;
	[tilespmem:$0x8080] =	vst v63  }
.LBB1_5:
0x14: {  	s14 =	sadd.s32 $0x1, s9  }
0x15: {  	s12 =	sadd.s32 $0x1000, s10;
	s16 =	smov.u32 s10;
	p2 =	sgt.s32 s14, $0xC7  }
0x16: {  	s16 =	smov.u32 @p2 s12  }
0x17: {  	s14 =	simm.s32 @p2 $0x0;
	p2 =	sgt.s32 s16, $0xFFF  }
0x18: {  	s16 =	smov.u32 @p2 s2;
	p2 =	sne.s32 s11, s7  }
.Ltmp1:
0x19: {  	p1 =	slt.u32 s11, $0x2;
	(pc) =	sbr.rel @!p2 .LBB1_6-.Ltmp1, $4  }
0x1a: {  	s15 =	simm.s32 @!p1 $0x2  }
0x1b: {  	s13 =	smov.u32 s10;
	p0 =	por !p0, !p0;
	_ =	swait.ge @!p1 [sflag:s15], $0x2000  }
0x1c: {  	s12 =	smov.u32 s9;
	[sflag:s15] =	ssyncset.done @!p1 $0x0;
	s9 =	smov.u32 s14  }
0x1d: {  	s11 =	sadd.s32 $0x1, s11;
	[sflag:s15] =	ssyncadd.s32 @!p1 $0xFFFFE000;
	s10 =	smov.u32 s16  }
.LBB1_1:
0x1e: {  	p1 =	sge.u32 s11, s5  }
0x1f: {  	s14 =	sand.u32 @!p1 $0x1FFFFFF, s9  }
0x20: {  	s15 =	smulhi.u32 @!p1 $0x147AE15, s14;
	_ =	sdelay $0x1  }
0x21: {  	s15 =	smul.u32 @!p1 $0xC8, s15  }
0x22: {  	s16 =	sxor.u32 @!p1 $0xFFFFFFFF, s11;
	s17 =	smul.u32 @!p1 $0xC80, s10  }
0x23: {  	s31 =	sadd.s32 $0xFFFFFFFF, s11;
	s16 =	sshll.u32 @!p1 s16, $0xD;
	s14 =	ssub.s32 @!p1 s14, s15  }
0x24: {  	s15 =	sand.u32 @!p1 $0x2000, s16;
	s16 =	sadd.s32 @!p1 s6, s17;
	s14 =	sshll.u32 @!p1 s14, $0x4  }
0x25: {  	s17 =	simm.s32 @!p1 $0x6400;
	s14 =	sadd.s32 @!p1 s14, s16;
	s16 =	simm.s32 @!p1 $0x40  }
0x26: {  	[tilespmem:s15], [sflag:$0x1] =	stream.strided.gather @!p1 [hbm4b:s14+s16], $0x2000, s17, s16, $0x38;
	[tilespmem:$0x8080] =	vst v63  }
0x27: {  	p1 =	sge.u32 s31, s5  }
.Ltmp2:
0x28: {  	_ = 	snop;
	(pc) =	sbr.rel @p1 .LBB1_5-.Ltmp2, $1  }
0x29: {  	_ =	sdelay $0x3  }
0x2a: {  	s14 =	simm.s32 $0x1  }
0x2b: {  	_ =	swait.ge [sflag:s4], $0x2000;
	s14 =	simm.s32 @!p0 $0x0  }
0x2c: {  	[sflag:s4] =	ssyncset.done $0x0;
	s15 =	sshll.u32 s14, $0xD  }
0x2d: {  	[sflag:s4] =	ssyncadd.s32 $0xFFFFE000;
	s18 =	sor.u32 $0x20, s15  }
0x2e: {  	s14 =	smul.u32 $0x8100, s14;
	v3 =	vld [tilespmem:s18+$0x10]  }
0x2f: {  	s30 =	sand.u32 $0x1, s11;
	v2 =	vld [tilespmem:s18+$0xFFFFFFF0]  }
0x30: {  	s15 =	smul.u32 $0x8100, s30;
	s14 =	sshrl.u32 s14, $0x2;
	v0 =	vld [tilespmem:s18+$0x0]  }
0x31: {  	v1 =	vld [tilespmem:s18+$0xFFFFFFE0];
	s16 =	sor.u32 $0x4000, s14  }
0x32: {  	s31 =	sshrl.u32 s15, $0x2;
	s15 =	sadd.s32 $0x0, s16  }
0x33: {  	s17 =	simm.s32 $0x4;
	s18 =	sadd.s32 $0x40, s18;
	s14 =	sor.u32 $0x4000, s31;
	[tilespmem:s15+$0x1830 ss:$0x81] =	vst.msk $0xffff, v3  }
.LBB1_3:
0x34: {  	v3 =	vld [tilespmem:s18+$0x10];
	p1 =	sne.s32 s17, $0x1FC;
	[tilespmem:s15+$0x810 ss:$0x81] =	vst.msk $0xffff, v2;
	s19 =	smov.u32 s17;
	s17 =	sadd.s32 $0x4, s17  }
.Ltmp3:
0x35: {  	v2 =	vld [tilespmem:s18+$0xFFFFFFF0];
	[tilespmem:s15+$0x1020 ss:$0x81] =	vst.msk $0xffff, v0;
	(pc) =	sbr.rel @p1 .LBB1_3-.Ltmp3, $4  }
0x36: {  	v0 =	vld [tilespmem:s18+$0x0];
	[tilespmem:s15+$0x0 ss:$0x81] =	vst.msk $0xffff, v1  }
0x37: {  	s15 =	sshra.s32 s19, $0x2;
	v1 =	vld [tilespmem:s18+$0xFFFFFFE0]  }
0x38: {  	s15 =	sadd.s32 s15, s16  }
0x39: {  	s18 =	sadd.s32 $0x40, s18;
	[tilespmem:s15+$0x1830 ss:$0x81] =	vst.msk $0xffff, v3  }
.Ltmp4:
0x3a: {  	_ = 	snop;
	(pc) =	sbr.rel .LBB1_4-.Ltmp4, $1  }
0x3b: {  	_ =	sdelay $0x3  }
.LBB1_6:
0x3c: {  	_ =	sfence.sel $0x180000  }
0x3d: {  	s2 =	simm.s32 $0x1;
	[bflag:$0x0] =	sbarrier.arrive $0xFFFF  }
0x3e: {  	s31 =	simm.s32 $0x2;
	[sflag:s2] =	ssyncpa.u1 $0x1  }
0x3f: {  	[sflag:s31] =	ssyncpa.u1 $0x1  }
0x40: {  	p0 =	sne.s32 s0, $0x0;
	_ =	strace $0x9000004A  }
0x41: {  	s0 =	sadd.s32 @!p0 $0x100000, s1;
	[bflag:$0x2] =	sbarrier.arrive $0xFFFF  }
0x42: {  	[sflag:s0] =	ssyncadd.tile.s32 @!p0 $0x1;
	_ =	shalt  }
.Lfunc_end1:
_tile_overlayer_lowered:
.L_overlay_start_2:
0x43: {  	(tag) =	ssettag $0x2  }
0x44: {  	s0 =	rddreg [dreg:$0x0];
	s2 =	stileid.u32  }
0x45: {  	s1 =	rddreg [dreg:$0x1];
	p0 =	sne.s32 s2, $0x0  }
0x46: {  	s3 =	rddreg [dreg:$0x2];
	[bflag:$0x3] =	sbarrier.arrive $0xFFFF;
	s2 =	simm.s32 @!p0 $0x1C01  }
0x47: {  	[timem:s3], [sflag:s2] =	dma.local @!p0 [hbm:s0], s1  }
0x48: {  	s0 =	simm.s32 @!p0 $0x1  }
0x49: {  	_ =	swait.ge @!p0 [sflag:s0], s1  }
0x4a: {  	s1 =	ssub.s32 @!p0 $0x0, s1;
	[sflag:s0] =	ssyncset.done @!p0 $0x0  }
0x4b: {  	[sflag:s0] =	ssyncadd.s32 @!p0 s1  }
0x4c: {  	[bflag:$0x3] =	sbarrier.arrive $0xFFFF  }
0x4d: {  	_ =	shalt  }

</sc_bundles>
